<compile_context>
chip_gen: v7x
topology: tpu7x:2x2x1
jax: 0.10.2.dev20260603
libtpu: 0.0.44.dev20260713+nightly
codegen_flags: <defaults>
</compile_context>

<pallas_src>
import functools

import jax
import jax.numpy as jnp
from jax import lax
from jax.experimental import pallas as pl
from jax.experimental.pallas import tpu as pltpu
from jax.experimental.pallas import tpu_sc as plsc

B = 16384
D = 64
N = 1000001

_info = plsc.get_sparse_core_info()
_NC = _info.num_cores
_NS = _info.num_subcores
_NW = _NC * _NS

CHUNK = 256
NCHUNK = 3906
TAIL_START = NCHUNK * CHUNK
NBUCKET = 124
CAPC = 64
NRING = 5
OUT_ROWS = B + _NW * 16

_mesh = plsc.VectorSubcoreMesh(core_axis_name="c", subcore_axis_name="s")


@functools.partial(
    pl.kernel,
    mesh=_mesh,
    out_type=jax.ShapeDtypeStruct((OUT_ROWS, 128), jnp.float32),
    scratch_types=[
        pltpu.VMEM((B,), jnp.int32),
        pltpu.VMEM((NRING, D, CHUNK), jnp.float32),
        pltpu.VMEM((B + 16,), jnp.int32),
        pltpu.VMEM((NBUCKET * CAPC + 16,), jnp.int32),
        pltpu.VMEM((16, 128), jnp.float32),
        pltpu.VMEM((16,), jnp.int32),
        pltpu.SMEM((NBUCKET,), jnp.int32),
        pltpu.SMEM((4,), jnp.int32),
        pltpu.SemaphoreType.DMA,
        pltpu.SemaphoreType.DMA,
        pltpu.SemaphoreType.DMA,
        pltpu.SemaphoreType.DMA,
        pltpu.SemaphoreType.DMA,
        pltpu.SemaphoreType.DMA,
    ],
    compiler_params=pltpu.CompilerParams(
        use_tc_tiling_on_sc=True, needs_layout_passes=False),
)
def _embed_stream(idx_hbm, table_t_hbm, tail_hbm, out_hbm, idx_v, ring_v, flat_v,
                  buck_v, stage_v, bvec_v, counts_s, misc_s,
                  sem_i, sem0, sem1, sem2, sem3, sem4):
    sems = (sem0, sem1, sem2, sem3, sem4)
    wid = lax.axis_index("s") * _NC + lax.axis_index("c")
    cstart = (wid * NCHUNK) // _NW
    cend = ((wid + 1) * NCHUNK) // _NW
    n = cend - cstart
    l0 = cstart * CHUNK
    l1 = cend * CHUNK
    iota = lax.iota(jnp.int32, 16)
    trash_vec = B + wid * 16 + iota

    idx_cp = pltpu.async_copy(idx_hbm, idx_v, sem_i)
    for r in range(NRING):
        @pl.when(r < n)
        def _(r=r):
            pltpu.async_copy(
                table_t_hbm.at[:, pl.ds((cstart + r) * CHUNK, CHUNK)],
                ring_v.at[r], sems[r])

    idx_cp.wait()

    l1_eff = jnp.where(wid == _NW - 1, jnp.int32(2**30), jnp.int32(l1))

    def scan_body(v, cnt):
        x = idx_v[pl.ds(v * 16, 16)]
        m = (x >= l0) & (x < l1_eff)
        pos = x - l0
        packed = (pos << 14) | (v * 16 + iota)
        key = jnp.where(m, jnp.int32(0), jnp.int32(1))
        _, sv = plsc.sort_key_val(key, packed)
        flat_v[pl.ds(cnt, 16)] = sv
        return cnt + jnp.sum(jnp.where(m, 1, 0))

    nhits = lax.fori_loop(0, B // 16, scan_body, jnp.int32(0))

    def zero_body(i, _):
        counts_s[i] = 0
        return ()

    lax.fori_loop(0, NBUCKET, zero_body, ())

    def bucket_body(h, _):
        p = flat_v[pl.ds(h, 16)][0]
        qr = p >> (14 + 8)
        c = counts_s[qr]

        @pl.when(c < CAPC)
        def _():
            at = qr * CAPC + c
            off = at & ~jnp.int32(15)
            lane = at & 15
            vec = buck_v[pl.ds(off, 16)]
            buck_v[pl.ds(off, 16)] = jnp.where(iota == lane, p, vec)
            counts_s[qr] = c + 1

        return ()

    lax.fori_loop(0, nhits, bucket_body, ())
    misc_s[0] = 0
    bvec_v[...] = trash_vec

    def extract(bufref, qr):
        cnt = counts_s[qr]

        def hit_body(h, _):
            p = buck_v[pl.ds(qr * CAPC + h, 16)][0]
            b = p & jnp.int32(16383)
            l = (p >> 14) - qr * CHUNK
            lvec = jnp.broadcast_to(l, (16,))
            slot = misc_s[0]
            for k in range(4):
                col = plsc.load_gather(bufref, [iota + 16 * k, lvec])
                stage_v[slot, pl.ds(16 * k, 16)] = col
            bvec = bvec_v[...]
            bvec_v[...] = jnp.where(iota == slot, b, bvec)

            @pl.when(slot == 15)
            def _():
                pltpu.sync_copy(stage_v, out_hbm.at[bvec_v[...]])
                bvec_v[...] = trash_vec

            misc_s[0] = jnp.where(slot == 15, 0, slot + 1)
            return ()

        lax.fori_loop(0, cnt, hit_body, ())

    def ring_body(it, _):
        q4 = cstart + NRING * it
        for r in range(NRING):
            q = q4 + r
            pltpu.make_async_copy(
                table_t_hbm.at[:, pl.ds(q * CHUNK, CHUNK)],
                ring_v.at[r], sems[r]).wait()
            extract(ring_v.at[r], q - cstart)

            @pl.when(q + NRING < cend)
            def _(r=r, q=q):
                pltpu.async_copy(
                    table_t_hbm.at[:, pl.ds((q + NRING) * CHUNK, CHUNK)],
                    ring_v.at[r], sems[r])

        return ()

    lax.fori_loop(0, n // NRING, ring_body, ())

    for r in range(NRING - 1):
        q_off = (n // NRING) * NRING + r

        @pl.when(q_off < n)
        def _(r=r, q_off=q_off):
            pltpu.make_async_copy(
                table_t_hbm.at[:, pl.ds((cstart + q_off) * CHUNK, CHUNK)],
                ring_v.at[r], sems[r]).wait()
            extract(ring_v.at[r], q_off)

    @pl.when(wid == _NW - 1)
    def _():
        pltpu.sync_copy(tail_hbm, ring_v.at[0, :, pl.ds(0, 128)])
        extract(ring_v.at[0], n)

    pltpu.sync_copy(stage_v, out_hbm.at[bvec_v[...]])


def kernel(batch, table):
    idx = batch.astype(jnp.int32)
    tt = table.T
    tail_tt = jnp.pad(
        lax.slice(tt, (0, TAIL_START), (D, N)),
        ((0, 0), (0, 128 - (N - TAIL_START))))
    kout = _embed_stream(idx, tt, tail_tt)
    return kout[:B, :D].reshape(B, 1, D)

# --- scband reference (transcript-rebuilt; emitter-appended) ---
"""Pipeline reference for scband-class-embedder-71159018160680 (READ-ONLY COPY).

The authoritative reference and input builder live on the scoring server;
editing this copy changes nothing except your own understanding.
"""

import jax, jax.numpy as jnp
import numpy as np

EMBED_DIM = 64
N_CLASSES = 1000000
BATCH = 16384

def setup_inputs(seed: int = 0) -> dict:
    key = jax.random.key(seed)
    k1, k2 = jax.random.split(key)
    batch = jax.random.randint(k1, (BATCH,), 0, N_CLASSES, dtype=jnp.int64 if jax.config.read('jax_enable_x64') else jnp.int32)
    # embedding table: (n_classes + 1, embed_dim), extra row for unconditional class
    table = jax.random.normal(k2, (N_CLASSES + 1, EMBED_DIM), dtype=jnp.float32)
    return {"batch": batch, "table": table}

def reference(batch, table):
    # c = batch[:, None].int(); embedding(c)
    c = batch[:, None].astype(jnp.int32)
    out = jnp.take(table, c, axis=0)  # [B, 1, embed_dim]
    return out

if __name__ == "__main__":
    import jax
    _d = setup_inputs()
    print(jax.jit(kernel)(*tuple(_d.values())))

</pallas_src>

<mosaic_0001>
#map = affine_map<(d0, d1) -> (0)>
#map1 = affine_map<(d0, d1) -> (0, 0)>
module attributes {stable_mosaic.version = 14 : i64} {
  func.func @_embed_stream(%arg0: i32, %arg1: i32, %arg2: memref<16384xi32, #tpu.memory_space<hbm>>, %arg3: memref<64x1000001xf32, #tpu.memory_space<hbm>>, %arg4: memref<64x128xf32, #tpu.memory_space<hbm>>, %arg5: memref<16896x128xf32, #tpu.memory_space<hbm>>, %arg6: memref<16384xi32, #tpu.memory_space<vmem>>, %arg7: memref<5x64x256xf32, #tpu.memory_space<vmem>>, %arg8: memref<16400xi32, #tpu.memory_space<vmem>>, %arg9: memref<7952xi32, #tpu.memory_space<vmem>>, %arg10: memref<16x128xf32, #tpu.memory_space<vmem>>, %arg11: memref<16xi32, #tpu.memory_space<vmem>>, %arg12: memref<124xi32, #tpu.memory_space<smem>>, %arg13: memref<4xi32, #tpu.memory_space<smem>>, %arg14: memref<!tpu.dma_semaphore, #tpu.memory_space<semaphore_mem>>, %arg15: memref<!tpu.dma_semaphore, #tpu.memory_space<semaphore_mem>>, %arg16: memref<!tpu.dma_semaphore, #tpu.memory_space<semaphore_mem>>, %arg17: memref<!tpu.dma_semaphore, #tpu.memory_space<semaphore_mem>>, %arg18: memref<!tpu.dma_semaphore, #tpu.memory_space<semaphore_mem>>, %arg19: memref<!tpu.dma_semaphore, #tpu.memory_space<semaphore_mem>>) attributes {dimension_semantics = [#tpu.dimension_semantics<core_parallel>, #tpu.dimension_semantics<subcore_parallel>], iteration_bounds = array<i64: 2, 16>, scalar_prefetch = 0 : i64, scratch_operands = 14 : i64, tpu.core_type = #tpu.core_type<sc_vector_subcore>, window_params = [{transform_indices = #map}, {transform_indices = #map1}, {transform_indices = #map1}, {transform_indices = #map1}]} {
    %mul3A = arith.constant 2 : i32
    %mul3A_0 = arith.muli %arg1, %mul3A : i32
    %add3A = arith.addi %mul3A_0, %arg0 : i32
    %mul3A_1 = arith.constant 3906 : i32
    %mul3A_2 = arith.muli %add3A, %mul3A_1 : i32
    %jit3A = arith.constant 32 : i32
    %div3A = arith.divsi %mul3A_2, %jit3A : i32
    %sign3A = arith.constant 0 : i32
    %sign3A_3 = arith.cmpi sgt, %mul3A_2, %sign3A : i32
    %sign3A_4 = arith.extui %sign3A_3 : i1 to i32
    %sign3A_5 = arith.constant 0 : i32
    %sign3A_6 = arith.cmpi slt, %mul3A_2, %sign3A_5 : i32
    %sign3A_7 = arith.extui %sign3A_6 : i1 to i32
    %sign3A_8 = arith.subi %sign3A_4, %sign3A_7 : i32
    %sign3A_9 = arith.constant 0 : i32
    %sign3A_10 = arith.cmpi sgt, %jit3A, %sign3A_9 : i32
    %sign3A_11 = arith.extui %sign3A_10 : i1 to i32
    %sign3A_12 = arith.constant 0 : i32
    %sign3A_13 = arith.cmpi slt, %jit3A, %sign3A_12 : i32
    %sign3A_14 = arith.extui %sign3A_13 : i1 to i32
    %sign3A_15 = arith.subi %sign3A_11, %sign3A_14 : i32
    %ne3A = arith.cmpi ne, %sign3A_8, %sign3A_15 : i32
    %rem3A = arith.remsi %mul3A_2, %jit3A : i32
    %ne3A_16 = arith.constant 0 : i32
    %ne3A_17 = arith.cmpi ne, %rem3A, %ne3A_16 : i32
    %and3A = arith.andi %ne3A, %ne3A_17 : i1
    %sub3A = arith.constant 1 : i32
    %sub3A_18 = arith.subi %div3A, %sub3A : i32
    %select_n3A = arith.select %and3A, %sub3A_18, %div3A : i32
    %add3A_19 = arith.constant 1 : i32
    %add3A_20 = arith.addi %add3A, %add3A_19 : i32
    %mul3A_21 = arith.constant 3906 : i32
    %mul3A_22 = arith.muli %add3A_20, %mul3A_21 : i32
    %jit3A_23 = arith.constant 32 : i32
    %div3A_24 = arith.divsi %mul3A_22, %jit3A_23 : i32
    %sign3A_25 = arith.constant 0 : i32
    %sign3A_26 = arith.cmpi sgt, %mul3A_22, %sign3A_25 : i32
    %sign3A_27 = arith.extui %sign3A_26 : i1 to i32
    %sign3A_28 = arith.constant 0 : i32
    %sign3A_29 = arith.cmpi slt, %mul3A_22, %sign3A_28 : i32
    %sign3A_30 = arith.extui %sign3A_29 : i1 to i32
    %sign3A_31 = arith.subi %sign3A_27, %sign3A_30 : i32
    %sign3A_32 = arith.constant 0 : i32
    %sign3A_33 = arith.cmpi sgt, %jit3A_23, %sign3A_32 : i32
    %sign3A_34 = arith.extui %sign3A_33 : i1 to i32
    %sign3A_35 = arith.constant 0 : i32
    %sign3A_36 = arith.cmpi slt, %jit3A_23, %sign3A_35 : i32
    %sign3A_37 = arith.extui %sign3A_36 : i1 to i32
    %sign3A_38 = arith.subi %sign3A_34, %sign3A_37 : i32
    %ne3A_39 = arith.cmpi ne, %sign3A_31, %sign3A_38 : i32
    %rem3A_40 = arith.remsi %mul3A_22, %jit3A_23 : i32
    %ne3A_41 = arith.constant 0 : i32
    %ne3A_42 = arith.cmpi ne, %rem3A_40, %ne3A_41 : i32
    %and3A_43 = arith.andi %ne3A_39, %ne3A_42 : i1
    %sub3A_44 = arith.constant 1 : i32
    %sub3A_45 = arith.subi %div3A_24, %sub3A_44 : i32
    %select_n3A_46 = arith.select %and3A_43, %sub3A_45, %div3A_24 : i32
    %sub3A_47 = arith.subi %select_n3A_46, %select_n3A : i32
    %mul3A_48 = arith.constant 256 : i32
    %mul3A_49 = arith.muli %select_n3A, %mul3A_48 : i32
    %mul3A_50 = arith.constant 256 : i32
    %mul3A_51 = arith.muli %select_n3A_46, %mul3A_50 : i32
    %iota3A = tpu.iota {dimensions = array<i32: 0>} : vector<16xi32>
    %mul3A_52 = arith.constant 16 : i32
    %mul3A_53 = arith.muli %add3A, %mul3A_52 : i32
    %add3A_54 = arith.constant 16384 : i32
    %add3A_55 = arith.addi %add3A_54, %mul3A_53 : i32
    %add3A_56 = vector.broadcast %add3A_55 : i32 to vector<16xi32>
    %add3A_57 = arith.addi %add3A_56, %iota3A : vector<16xi32>
    tpu.enqueue_dma source(%arg2 : memref<16384xi32, #tpu.memory_space<hbm>>) target(%arg6 : memref<16384xi32, #tpu.memory_space<vmem>>) target_semaphore(%arg14 : memref<!tpu.dma_semaphore, #tpu.memory_space<semaphore_mem>>)
    %gt3A = arith.constant 0 : i32
    %gt3A_58 = arith.cmpi sgt, %sub3A_47, %gt3A : i32
    %convert_element_type3A = arith.extui %gt3A_58 : i1 to i32
    %cond3A = arith.constant 0 : i32
    %cond3A_59 = arith.cmpi ne, %convert_element_type3A, %cond3A : i32
    scf.if %cond3A_59 {
      %add3A_273 = arith.constant 0 : i32
      %add3A_274 = arith.addi %select_n3A, %add3A_273 : i32
      %mul3A_275 = arith.constant 256 : i32
      %mul3A_276 = arith.muli %add3A_274, %mul3A_275 : i32
      %dma_start3A = arith.constant 0 : i32
      %dma_start3A_277 = arith.constant 0 : i32
      %dma_start3A_278 = arith.constant 0 : i32
      %dma_start3A_279 = tpu.memref_slice %arg7[%dma_start3A, %dma_start3A_277, %dma_start3A_278] : memref<5x64x256xf32, #tpu.memory_space<vmem>> -> memref<1x64x256xf32, #tpu.memory_space<vmem>>
      %dma_start3A_280 = tpu.memref_squeeze %dma_start3A_279 : memref<1x64x256xf32, #tpu.memory_space<vmem>> -> memref<64x256xf32, #tpu.memory_space<vmem>>
      %dma_start3A_281 = arith.constant 0 : i32
      %dma_start3A_282 = tpu.memref_slice %arg3[%dma_start3A_281, %mul3A_276] : memref<64x1000001xf32, #tpu.memory_space<hbm>> -> memref<64x256xf32, #tpu.memory_space<hbm>>
      %dma_start3A_283 = arith.constant 0 : i32
      %dma_start3A_284 = arith.constant 0 : i32
      %dma_start3A_285 = tpu.memref_slice %arg7[%dma_start3A, %dma_start3A_283, %dma_start3A_284] : memref<5x64x256xf32, #tpu.memory_space<vmem>> -> memref<1x64x256xf32, #tpu.memory_space<vmem>>
      %dma_start3A_286 = tpu.memref_squeeze %dma_start3A_285 : memref<1x64x256xf32, #tpu.memory_space<vmem>> -> memref<64x256xf32, #tpu.memory_space<vmem>>
      %dma_start3A_287 = arith.constant 0 : i32
      %dma_start3A_288 = tpu.memref_slice %arg3[%dma_start3A_287, %mul3A_276] : memref<64x1000001xf32, #tpu.memory_space<hbm>> -> memref<64x256xf32, #tpu.memory_space<hbm>>
      tpu.enqueue_dma source(%dma_start3A_288 : memref<64x256xf32, #tpu.memory_space<hbm>>) target(%dma_start3A_286 : memref<64x256xf32, #tpu.memory_space<vmem>>) target_semaphore(%arg15 : memref<!tpu.dma_semaphore, #tpu.memory_space<semaphore_mem>>)
    } else {
    }
    %gt3A_60 = arith.constant 1 : i32
    %gt3A_61 = arith.cmpi sgt, %sub3A_47, %gt3A_60 : i32
    %convert_element_type3A_62 = arith.extui %gt3A_61 : i1 to i32
    %cond3A_63 = arith.constant 0 : i32
    %cond3A_64 = arith.cmpi ne, %convert_element_type3A_62, %cond3A_63 : i32
    scf.if %cond3A_64 {
      %add3A_273 = arith.constant 1 : i32
      %add3A_274 = arith.addi %select_n3A, %add3A_273 : i32
      %mul3A_275 = arith.constant 256 : i32
      %mul3A_276 = arith.muli %add3A_274, %mul3A_275 : i32
      %dma_start3A = arith.constant 1 : i32
      %dma_start3A_277 = arith.constant 0 : i32
      %dma_start3A_278 = arith.constant 0 : i32
      %dma_start3A_279 = tpu.memref_slice %arg7[%dma_start3A, %dma_start3A_277, %dma_start3A_278] : memref<5x64x256xf32, #tpu.memory_space<vmem>> -> memref<1x64x256xf32, #tpu.memory_space<vmem>>
      %dma_start3A_280 = tpu.memref_squeeze %dma_start3A_279 : memref<1x64x256xf32, #tpu.memory_space<vmem>> -> memref<64x256xf32, #tpu.memory_space<vmem>>
      %dma_start3A_281 = arith.constant 0 : i32
      %dma_start3A_282 = tpu.memref_slice %arg3[%dma_start3A_281, %mul3A_276] : memref<64x1000001xf32, #tpu.memory_space<hbm>> -> memref<64x256xf32, #tpu.memory_space<hbm>>
      %dma_start3A_283 = arith.constant 0 : i32
      %dma_start3A_284 = arith.constant 0 : i32
      %dma_start3A_285 = tpu.memref_slice %arg7[%dma_start3A, %dma_start3A_283, %dma_start3A_284] : memref<5x64x256xf32, #tpu.memory_space<vmem>> -> memref<1x64x256xf32, #tpu.memory_space<vmem>>
      %dma_start3A_286 = tpu.memref_squeeze %dma_start3A_285 : memref<1x64x256xf32, #tpu.memory_space<vmem>> -> memref<64x256xf32, #tpu.memory_space<vmem>>
      %dma_start3A_287 = arith.constant 0 : i32
      %dma_start3A_288 = tpu.memref_slice %arg3[%dma_start3A_287, %mul3A_276] : memref<64x1000001xf32, #tpu.memory_space<hbm>> -> memref<64x256xf32, #tpu.memory_space<hbm>>
      tpu.enqueue_dma source(%dma_start3A_288 : memref<64x256xf32, #tpu.memory_space<hbm>>) target(%dma_start3A_286 : memref<64x256xf32, #tpu.memory_space<vmem>>) target_semaphore(%arg16 : memref<!tpu.dma_semaphore, #tpu.memory_space<semaphore_mem>>)
    } else {
    }
    %gt3A_65 = arith.constant 2 : i32
    %gt3A_66 = arith.cmpi sgt, %sub3A_47, %gt3A_65 : i32
    %convert_element_type3A_67 = arith.extui %gt3A_66 : i1 to i32
    %cond3A_68 = arith.constant 0 : i32
    %cond3A_69 = arith.cmpi ne, %convert_element_type3A_67, %cond3A_68 : i32
    scf.if %cond3A_69 {
      %add3A_273 = arith.constant 2 : i32
      %add3A_274 = arith.addi %select_n3A, %add3A_273 : i32
      %mul3A_275 = arith.constant 256 : i32
      %mul3A_276 = arith.muli %add3A_274, %mul3A_275 : i32
      %dma_start3A = arith.constant 2 : i32
      %dma_start3A_277 = arith.constant 0 : i32
      %dma_start3A_278 = arith.constant 0 : i32
      %dma_start3A_279 = tpu.memref_slice %arg7[%dma_start3A, %dma_start3A_277, %dma_start3A_278] : memref<5x64x256xf32, #tpu.memory_space<vmem>> -> memref<1x64x256xf32, #tpu.memory_space<vmem>>
      %dma_start3A_280 = tpu.memref_squeeze %dma_start3A_279 : memref<1x64x256xf32, #tpu.memory_space<vmem>> -> memref<64x256xf32, #tpu.memory_space<vmem>>
      %dma_start3A_281 = arith.constant 0 : i32
      %dma_start3A_282 = tpu.memref_slice %arg3[%dma_start3A_281, %mul3A_276] : memref<64x1000001xf32, #tpu.memory_space<hbm>> -> memref<64x256xf32, #tpu.memory_space<hbm>>
      %dma_start3A_283 = arith.constant 0 : i32
      %dma_start3A_284 = arith.constant 0 : i32
      %dma_start3A_285 = tpu.memref_slice %arg7[%dma_start3A, %dma_start3A_283, %dma_start3A_284] : memref<5x64x256xf32, #tpu.memory_space<vmem>> -> memref<1x64x256xf32, #tpu.memory_space<vmem>>
      %dma_start3A_286 = tpu.memref_squeeze %dma_start3A_285 : memref<1x64x256xf32, #tpu.memory_space<vmem>> -> memref<64x256xf32, #tpu.memory_space<vmem>>
      %dma_start3A_287 = arith.constant 0 : i32
      %dma_start3A_288 = tpu.memref_slice %arg3[%dma_start3A_287, %mul3A_276] : memref<64x1000001xf32, #tpu.memory_space<hbm>> -> memref<64x256xf32, #tpu.memory_space<hbm>>
      tpu.enqueue_dma source(%dma_start3A_288 : memref<64x256xf32, #tpu.memory_space<hbm>>) target(%dma_start3A_286 : memref<64x256xf32, #tpu.memory_space<vmem>>) target_semaphore(%arg17 : memref<!tpu.dma_semaphore, #tpu.memory_space<semaphore_mem>>)
    } else {
    }
    %gt3A_70 = arith.constant 3 : i32
    %gt3A_71 = arith.cmpi sgt, %sub3A_47, %gt3A_70 : i32
    %convert_element_type3A_72 = arith.extui %gt3A_71 : i1 to i32
    %cond3A_73 = arith.constant 0 : i32
    %cond3A_74 = arith.cmpi ne, %convert_element_type3A_72, %cond3A_73 : i32
    scf.if %cond3A_74 {
      %add3A_273 = arith.constant 3 : i32
      %add3A_274 = arith.addi %select_n3A, %add3A_273 : i32
      %mul3A_275 = arith.constant 256 : i32
      %mul3A_276 = arith.muli %add3A_274, %mul3A_275 : i32
      %dma_start3A = arith.constant 3 : i32
      %dma_start3A_277 = arith.constant 0 : i32
      %dma_start3A_278 = arith.constant 0 : i32
      %dma_start3A_279 = tpu.memref_slice %arg7[%dma_start3A, %dma_start3A_277, %dma_start3A_278] : memref<5x64x256xf32, #tpu.memory_space<vmem>> -> memref<1x64x256xf32, #tpu.memory_space<vmem>>
      %dma_start3A_280 = tpu.memref_squeeze %dma_start3A_279 : memref<1x64x256xf32, #tpu.memory_space<vmem>> -> memref<64x256xf32, #tpu.memory_space<vmem>>
      %dma_start3A_281 = arith.constant 0 : i32
      %dma_start3A_282 = tpu.memref_slice %arg3[%dma_start3A_281, %mul3A_276] : memref<64x1000001xf32, #tpu.memory_space<hbm>> -> memref<64x256xf32, #tpu.memory_space<hbm>>
      %dma_start3A_283 = arith.constant 0 : i32
      %dma_start3A_284 = arith.constant 0 : i32
      %dma_start3A_285 = tpu.memref_slice %arg7[%dma_start3A, %dma_start3A_283, %dma_start3A_284] : memref<5x64x256xf32, #tpu.memory_space<vmem>> -> memref<1x64x256xf32, #tpu.memory_space<vmem>>
      %dma_start3A_286 = tpu.memref_squeeze %dma_start3A_285 : memref<1x64x256xf32, #tpu.memory_space<vmem>> -> memref<64x256xf32, #tpu.memory_space<vmem>>
      %dma_start3A_287 = arith.constant 0 : i32
      %dma_start3A_288 = tpu.memref_slice %arg3[%dma_start3A_287, %mul3A_276] : memref<64x1000001xf32, #tpu.memory_space<hbm>> -> memref<64x256xf32, #tpu.memory_space<hbm>>
      tpu.enqueue_dma source(%dma_start3A_288 : memref<64x256xf32, #tpu.memory_space<hbm>>) target(%dma_start3A_286 : memref<64x256xf32, #tpu.memory_space<vmem>>) target_semaphore(%arg18 : memref<!tpu.dma_semaphore, #tpu.memory_space<semaphore_mem>>)
    } else {
    }
    %gt3A_75 = arith.constant 4 : i32
    %gt3A_76 = arith.cmpi sgt, %sub3A_47, %gt3A_75 : i32
    %convert_element_type3A_77 = arith.extui %gt3A_76 : i1 to i32
    %cond3A_78 = arith.constant 0 : i32
    %cond3A_79 = arith.cmpi ne, %convert_element_type3A_77, %cond3A_78 : i32
    scf.if %cond3A_79 {
      %add3A_273 = arith.constant 4 : i32
      %add3A_274 = arith.addi %select_n3A, %add3A_273 : i32
      %mul3A_275 = arith.constant 256 : i32
      %mul3A_276 = arith.muli %add3A_274, %mul3A_275 : i32
      %dma_start3A = arith.constant 4 : i32
      %dma_start3A_277 = arith.constant 0 : i32
      %dma_start3A_278 = arith.constant 0 : i32
      %dma_start3A_279 = tpu.memref_slice %arg7[%dma_start3A, %dma_start3A_277, %dma_start3A_278] : memref<5x64x256xf32, #tpu.memory_space<vmem>> -> memref<1x64x256xf32, #tpu.memory_space<vmem>>
      %dma_start3A_280 = tpu.memref_squeeze %dma_start3A_279 : memref<1x64x256xf32, #tpu.memory_space<vmem>> -> memref<64x256xf32, #tpu.memory_space<vmem>>
      %dma_start3A_281 = arith.constant 0 : i32
      %dma_start3A_282 = tpu.memref_slice %arg3[%dma_start3A_281, %mul3A_276] : memref<64x1000001xf32, #tpu.memory_space<hbm>> -> memref<64x256xf32, #tpu.memory_space<hbm>>
      %dma_start3A_283 = arith.constant 0 : i32
      %dma_start3A_284 = arith.constant 0 : i32
      %dma_start3A_285 = tpu.memref_slice %arg7[%dma_start3A, %dma_start3A_283, %dma_start3A_284] : memref<5x64x256xf32, #tpu.memory_space<vmem>> -> memref<1x64x256xf32, #tpu.memory_space<vmem>>
      %dma_start3A_286 = tpu.memref_squeeze %dma_start3A_285 : memref<1x64x256xf32, #tpu.memory_space<vmem>> -> memref<64x256xf32, #tpu.memory_space<vmem>>
      %dma_start3A_287 = arith.constant 0 : i32
      %dma_start3A_288 = tpu.memref_slice %arg3[%dma_start3A_287, %mul3A_276] : memref<64x1000001xf32, #tpu.memory_space<hbm>> -> memref<64x256xf32, #tpu.memory_space<hbm>>
      tpu.enqueue_dma source(%dma_start3A_288 : memref<64x256xf32, #tpu.memory_space<hbm>>) target(%dma_start3A_286 : memref<64x256xf32, #tpu.memory_space<vmem>>) target_semaphore(%arg19 : memref<!tpu.dma_semaphore, #tpu.memory_space<semaphore_mem>>)
    } else {
    }
    tpu.wait_dma2 semaphore(%arg14 : memref<!tpu.dma_semaphore, #tpu.memory_space<semaphore_mem>>) src(%arg2 : memref<16384xi32, #tpu.memory_space<hbm>>) dst(%arg6 : memref<16384xi32, #tpu.memory_space<vmem>>)
    %eq3A = arith.constant 31 : i32
    %eq3A_80 = arith.cmpi eq, %add3A, %eq3A : i32
    %jit3A_81 = arith.constant 1073741824 : i32
    %select_n3A_82 = arith.select %eq3A_80, %jit3A_81, %mul3A_51 : i32
    %scan3A = arith.constant 0 : i32
    %scan3A_83 = arith.constant 0 : i32
    %scan3A_84 = arith.constant 1024 : i32
    %scan3A_85 = arith.addi %scan3A_83, %scan3A_84 : i32
    %scan3A_86 = arith.constant 1 : i32
    %scan3A_87 = scf.for %scan3A_273 = %scan3A_83 to %scan3A_85 step %scan3A_86 iter_args(%scan3A_274 = %scan3A) -> (i32)  : i32 {
      %mul3A_275 = arith.constant 16 : i32
      %mul3A_276 = arith.muli %scan3A_273, %mul3A_275 : i32
      %get3A_277 = arith.index_cast %mul3A_276 : i32 to index
      %get3A_278 = tpu.vector_load %arg6[%get3A_277] {strides = array<i32>} : memref<16384xi32, #tpu.memory_space<vmem>>, vector<16xi32>,
      %ge3A = vector.broadcast %mul3A_49 : i32 to vector<16xi32>
      %ge3A_279 = arith.cmpi sge, %get3A_278, %ge3A : vector<16xi32>
      %lt3A_280 = vector.broadcast %select_n3A_82 : i32 to vector<16xi32>
      %lt3A_281 = arith.cmpi slt, %get3A_278, %lt3A_280 : vector<16xi32>
      %and3A_282 = arith.andi %ge3A_279, %lt3A_281 : vector<16xi1>
      %sub3A_283 = vector.broadcast %mul3A_49 : i32 to vector<16xi32>
      %sub3A_284 = arith.subi %get3A_278, %sub3A_283 : vector<16xi32>
      %shift_left3A = arith.constant 14 : i32
      %shift_left3A_285 = vector.broadcast %shift_left3A : i32 to vector<16xi32>
      %shift_left3A_286 = arith.shli %sub3A_284, %shift_left3A_285 : vector<16xi32>
      %mul3A_287 = arith.constant 16 : i32
      %mul3A_288 = arith.muli %scan3A_273, %mul3A_287 : i32
      %add3A_289 = vector.broadcast %mul3A_288 : i32 to vector<16xi32>
      %add3A_290 = arith.addi %add3A_289, %iota3A : vector<16xi32>
      %or3A = arith.ori %shift_left3A_286, %add3A_290 : vector<16xi32>
      %jit3A_291 = arith.constant 0 : i32
      %jit3A_292 = arith.constant 1 : i32
      %broadcast_in_dim3A = vector.broadcast %jit3A_291 : i32 to vector<16xi32>
      %broadcast_in_dim3A_293 = vector.broadcast %jit3A_292 : i32 to vector<16xi32>
      %select_n3A_294 = arith.select %and3A_282, %broadcast_in_dim3A, %broadcast_in_dim3A_293 : vector<16xi1>, vector<16xi32>
      %masked_sort3A = arith.constant dense<true> : vector<16xi1>
      %masked_sort3A_295 = arith.constant -2147483648 : i32
      %masked_sort3A_296 = vector.broadcast %masked_sort3A_295 : i32 to vector<16xi32>
      %masked_sort3A_297 = arith.xori %select_n3A_294, %masked_sort3A_296 : vector<16xi32>
      %masked_sort3A_298, %masked_sort3A_299, %masked_sort3A_300 = tpu.sort %masked_sort3A_297, %or3A masked %masked_sort3A : (vector<16xi32>, vector<16xi32>, vector<16xi1>) -> (vector<16xi1>, vector<16xi32>, vector<16xi32>)
      %masked_sort3A_301 = arith.xori %masked_sort3A_299, %masked_sort3A_296 : vector<16xi32>
      %swap3A_302 = arith.index_cast %scan3A_274 : i32 to index
      %swap3A_303 = tpu.vector_load %arg8[%swap3A_302] {strides = array<i32>} : memref<16400xi32, #tpu.memory_space<vmem>>, vector<16xi32>,
      tpu.vector_store %arg8[%swap3A_302], %masked_sort3A_300 {strides = array<i32>} : memref<16400xi32, #tpu.memory_space<vmem>>, vector<16xi32>,
      %jit3A_304 = arith.constant 1 : i32
      %jit3A_305 = arith.constant 0 : i32
      %broadcast_in_dim3A_306 = vector.broadcast %jit3A_304 : i32 to vector<16xi32>
      %broadcast_in_dim3A_307 = vector.broadcast %jit3A_305 : i32 to vector<16xi32>
      %select_n3A_308 = arith.select %and3A_282, %broadcast_in_dim3A_306, %broadcast_in_dim3A_307 : vector<16xi1>, vector<16xi32>
      %reduce_sum3A = arith.constant true
      %reduce_sum3A_309 = vector.broadcast %reduce_sum3A : i1 to vector<16xi1>
      %reduce_sum3A_310 = tpu.scan <sum>, %select_n3A_308 masked %reduce_sum3A_309 : vector<16xi32>, vector<16xi1> -> vector<16xi32>
      %reduce_sum3A_311 = vector.extract %reduce_sum3A_310[15] : i32 from vector<16xi32>
      %add3A_312 = arith.addi %scan3A_274, %reduce_sum3A_311 : i32
      scf.yield %add3A_312 : i32
    }
    %scan3A_88 = arith.constant 1024 : i32
    %scan3A_89 = arith.constant 0 : i32
    %scan3A_90 = arith.constant 124 : i32
    %scan3A_91 = arith.addi %scan3A_89, %scan3A_90 : i32
    %scan3A_92 = arith.constant 1 : i32
    scf.for %scan3A_273 = %scan3A_89 to %scan3A_91 step %scan3A_92  : i32 {
      %swap3A_274 = arith.constant 0 : i32
      %swap3A_275 = arith.index_cast %scan3A_273 : i32 to index
      %swap3A_276 = memref.load %arg12[%swap3A_275] : memref<124xi32, #tpu.memory_space<smem>>
      memref.store %swap3A_274, %arg12[%swap3A_275] : memref<124xi32, #tpu.memory_space<smem>>
    }
    %scan3A_93 = arith.constant 124 : i32
    %while3A = arith.constant 0 : i32
    %while3A_94 = arith.subi %scan3A_87, %while3A : i32
    %while3A_95 = arith.addi %while3A, %while3A_94 : i32
    %while3A_96 = arith.constant 1 : i32
    %while3A_97 = arith.divsi %while3A_94, %while3A_96 : i32
    %while3A_98 = arith.muli %while3A_97, %while3A_96 : i32
    %while3A_99 = arith.addi %while3A, %while3A_98 : i32
    %while3A_100 = arith.constant 1 : i32
    scf.for %while3A_273 = %while3A to %while3A_99 step %while3A_100  : i32 {
      %get3A_274 = arith.index_cast %while3A_273 : i32 to index
      %get3A_275 = tpu.vector_load %arg8[%get3A_274] {strides = array<i32>} : memref<16400xi32, #tpu.memory_space<vmem>>, vector<16xi32>,
      %slice3A = vector.extract_strided_slice %get3A_275 {offsets = [0], sizes = [1], strides = [1]} : vector<16xi32> to vector<1xi32>
      %squeeze3A = vector.extract %slice3A[0] : i32 from vector<1xi32>
      %shift_right_arithmetic3A = arith.constant 22 : i32
      %shift_right_arithmetic3A_276 = arith.shrsi %squeeze3A, %shift_right_arithmetic3A : i32
      %get3A_277 = arith.index_cast %shift_right_arithmetic3A_276 : i32 to index
      %get3A_278 = memref.load %arg12[%get3A_277] : memref<124xi32, #tpu.memory_space<smem>>
      %lt3A_279 = arith.constant 64 : i32
      %lt3A_280 = arith.cmpi slt, %get3A_278, %lt3A_279 : i32
      %convert_element_type3A_281 = arith.extui %lt3A_280 : i1 to i32
      %cond3A_282 = arith.constant 0 : i32
      %cond3A_283 = arith.cmpi ne, %convert_element_type3A_281, %cond3A_282 : i32
      scf.if %cond3A_283 {
        %mul3A_284 = arith.constant 64 : i32
        %mul3A_285 = arith.muli %shift_right_arithmetic3A_276, %mul3A_284 : i32
        %add3A_286 = arith.addi %mul3A_285, %get3A_278 : i32
        %not3A = arith.constant 15 : i32
        %not3A_287 = arith.constant -1 : i32
        %not3A_288 = arith.xori %not3A, %not3A_287 : i32
        %and3A_289 = arith.andi %add3A_286, %not3A_288 : i32
        %and3A_290 = arith.constant 15 : i32
        %and3A_291 = arith.andi %add3A_286, %and3A_290 : i32
        %get3A_292 = arith.index_cast %and3A_289 : i32 to index
        %get3A_293 = tpu.vector_load %arg9[%get3A_292] {strides = array<i32>} : memref<7952xi32, #tpu.memory_space<vmem>>, vector<16xi32>,
        %eq3A_294 = vector.broadcast %and3A_291 : i32 to vector<16xi32>
        %eq3A_295 = arith.cmpi eq, %iota3A, %eq3A_294 : vector<16xi32>
        %broadcast_in_dim3A = vector.broadcast %squeeze3A : i32 to vector<16xi32>
        %select_n3A_296 = arith.select %eq3A_295, %broadcast_in_dim3A, %get3A_293 : vector<16xi1>, vector<16xi32>
        %swap3A_297 = arith.index_cast %and3A_289 : i32 to index
        %swap3A_298 = tpu.vector_load %arg9[%swap3A_297] {strides = array<i32>} : memref<7952xi32, #tpu.memory_space<vmem>>, vector<16xi32>,
        tpu.vector_store %arg9[%swap3A_297], %select_n3A_296 {strides = array<i32>} : memref<7952xi32, #tpu.memory_space<vmem>>, vector<16xi32>,
        %add3A_299 = arith.constant 1 : i32
        %add3A_300 = arith.addi %get3A_278, %add3A_299 : i32
        %swap3A_301 = arith.index_cast %shift_right_arithmetic3A_276 : i32 to index
        %swap3A_302 = memref.load %arg12[%swap3A_301] : memref<124xi32, #tpu.memory_space<smem>>
        memref.store %add3A_300, %arg12[%swap3A_301] : memref<124xi32, #tpu.memory_space<smem>>
      } else {
      }
    }
    %while3A_101 = arith.constant 1 : i32
    scf.for %while3A_273 = %while3A_99 to %while3A_95 step %while3A_101  : i32 {
      %get3A_274 = arith.index_cast %while3A_273 : i32 to index
      %get3A_275 = tpu.vector_load %arg8[%get3A_274] {strides = array<i32>} : memref<16400xi32, #tpu.memory_space<vmem>>, vector<16xi32>,
      %slice3A = vector.extract_strided_slice %get3A_275 {offsets = [0], sizes = [1], strides = [1]} : vector<16xi32> to vector<1xi32>
      %squeeze3A = vector.extract %slice3A[0] : i32 from vector<1xi32>
      %shift_right_arithmetic3A = arith.constant 22 : i32
      %shift_right_arithmetic3A_276 = arith.shrsi %squeeze3A, %shift_right_arithmetic3A : i32
      %get3A_277 = arith.index_cast %shift_right_arithmetic3A_276 : i32 to index
      %get3A_278 = memref.load %arg12[%get3A_277] : memref<124xi32, #tpu.memory_space<smem>>
      %lt3A_279 = arith.constant 64 : i32
      %lt3A_280 = arith.cmpi slt, %get3A_278, %lt3A_279 : i32
      %convert_element_type3A_281 = arith.extui %lt3A_280 : i1 to i32
      %cond3A_282 = arith.constant 0 : i32
      %cond3A_283 = arith.cmpi ne, %convert_element_type3A_281, %cond3A_282 : i32
      scf.if %cond3A_283 {
        %mul3A_284 = arith.constant 64 : i32
        %mul3A_285 = arith.muli %shift_right_arithmetic3A_276, %mul3A_284 : i32
        %add3A_286 = arith.addi %mul3A_285, %get3A_278 : i32
        %not3A = arith.constant 15 : i32
        %not3A_287 = arith.constant -1 : i32
        %not3A_288 = arith.xori %not3A, %not3A_287 : i32
        %and3A_289 = arith.andi %add3A_286, %not3A_288 : i32
        %and3A_290 = arith.constant 15 : i32
        %and3A_291 = arith.andi %add3A_286, %and3A_290 : i32
        %get3A_292 = arith.index_cast %and3A_289 : i32 to index
        %get3A_293 = tpu.vector_load %arg9[%get3A_292] {strides = array<i32>} : memref<7952xi32, #tpu.memory_space<vmem>>, vector<16xi32>,
        %eq3A_294 = vector.broadcast %and3A_291 : i32 to vector<16xi32>
        %eq3A_295 = arith.cmpi eq, %iota3A, %eq3A_294 : vector<16xi32>
        %broadcast_in_dim3A = vector.broadcast %squeeze3A : i32 to vector<16xi32>
        %select_n3A_296 = arith.select %eq3A_295, %broadcast_in_dim3A, %get3A_293 : vector<16xi1>, vector<16xi32>
        %swap3A_297 = arith.index_cast %and3A_289 : i32 to index
        %swap3A_298 = tpu.vector_load %arg9[%swap3A_297] {strides = array<i32>} : memref<7952xi32, #tpu.memory_space<vmem>>, vector<16xi32>,
        tpu.vector_store %arg9[%swap3A_297], %select_n3A_296 {strides = array<i32>} : memref<7952xi32, #tpu.memory_space<vmem>>, vector<16xi32>,
        %add3A_299 = arith.constant 1 : i32
        %add3A_300 = arith.addi %get3A_278, %add3A_299 : i32
        %swap3A_301 = arith.index_cast %shift_right_arithmetic3A_276 : i32 to index
        %swap3A_302 = memref.load %arg12[%swap3A_301] : memref<124xi32, #tpu.memory_space<smem>>
        memref.store %add3A_300, %arg12[%swap3A_301] : memref<124xi32, #tpu.memory_space<smem>>
      } else {
      }
    }
    %swap3A = arith.constant 0 : i32
    %swap3A_102 = arith.constant 0 : i32
    %swap3A_103 = arith.index_cast %swap3A_102 : i32 to index
    %swap3A_104 = memref.load %arg13[%swap3A_103] : memref<4xi32, #tpu.memory_space<smem>>
    memref.store %swap3A, %arg13[%swap3A_103] : memref<4xi32, #tpu.memory_space<smem>>
    %swap3A_105 = arith.constant 0 : index
    %swap3A_106 = tpu.vector_load %arg11[%swap3A_105] {strides = array<i32>} : memref<16xi32, #tpu.memory_space<vmem>>, vector<16xi32>,
    tpu.vector_store %arg11[%swap3A_105], %add3A_57 {strides = array<i32>} : memref<16xi32, #tpu.memory_space<vmem>>, vector<16xi32>,
    %jit3A_107 = arith.constant 5 : i32
    %div3A_108 = arith.divsi %sub3A_47, %jit3A_107 : i32
    %sign3A_109 = arith.constant 0 : i32
    %sign3A_110 = arith.cmpi sgt, %sub3A_47, %sign3A_109 : i32
    %sign3A_111 = arith.extui %sign3A_110 : i1 to i32
    %sign3A_112 = arith.constant 0 : i32
    %sign3A_113 = arith.cmpi slt, %sub3A_47, %sign3A_112 : i32
    %sign3A_114 = arith.extui %sign3A_113 : i1 to i32
    %sign3A_115 = arith.subi %sign3A_111, %sign3A_114 : i32
    %sign3A_116 = arith.constant 0 : i32
    %sign3A_117 = arith.cmpi sgt, %jit3A_107, %sign3A_116 : i32
    %sign3A_118 = arith.extui %sign3A_117 : i1 to i32
    %sign3A_119 = arith.constant 0 : i32
    %sign3A_120 = arith.cmpi slt, %jit3A_107, %sign3A_119 : i32
    %sign3A_121 = arith.extui %sign3A_120 : i1 to i32
    %sign3A_122 = arith.subi %sign3A_118, %sign3A_121 : i32
    %ne3A_123 = arith.cmpi ne, %sign3A_115, %sign3A_122 : i32
    %rem3A_124 = arith.remsi %sub3A_47, %jit3A_107 : i32
    %ne3A_125 = arith.constant 0 : i32
    %ne3A_126 = arith.cmpi ne, %rem3A_124, %ne3A_125 : i32
    %and3A_127 = arith.andi %ne3A_123, %ne3A_126 : i1
    %sub3A_128 = arith.constant 1 : i32
    %sub3A_129 = arith.subi %div3A_108, %sub3A_128 : i32
    %select_n3A_130 = arith.select %and3A_127, %sub3A_129, %div3A_108 : i32
    %while3A_131 = arith.constant 0 : i32
    %while3A_132 = arith.subi %select_n3A_130, %while3A_131 : i32
    %while3A_133 = arith.addi %while3A_131, %while3A_132 : i32
    %while3A_134 = arith.constant 1 : i32
    %while3A_135 = arith.divsi %while3A_132, %while3A_134 : i32
    %while3A_136 = arith.muli %while3A_135, %while3A_134 : i32
    %while3A_137 = arith.addi %while3A_131, %while3A_136 : i32
    %while3A_138 = arith.constant 1 : i32
    scf.for %while3A_273 = %while3A_131 to %while3A_137 step %while3A_138  : i32 {
      %mul3A_274 = arith.constant 5 : i32
      %mul3A_275 = arith.muli %mul3A_274, %while3A_273 : i32
      %add3A_276 = arith.addi %select_n3A, %mul3A_275 : i32
      %add3A_277 = arith.constant 0 : i32
      %add3A_278 = arith.addi %add3A_276, %add3A_277 : i32
      %mul3A_279 = arith.constant 256 : i32
      %mul3A_280 = arith.muli %add3A_278, %mul3A_279 : i32
      %dma_wait3A = arith.constant 0 : i32
      %dma_wait3A_281 = arith.constant 0 : i32
      %dma_wait3A_282 = arith.constant 0 : i32
      %dma_wait3A_283 = tpu.memref_slice %arg7[%dma_wait3A, %dma_wait3A_281, %dma_wait3A_282] : memref<5x64x256xf32, #tpu.memory_space<vmem>> -> memref<1x64x256xf32, #tpu.memory_space<vmem>>
      %dma_wait3A_284 = tpu.memref_squeeze %dma_wait3A_283 : memref<1x64x256xf32, #tpu.memory_space<vmem>> -> memref<64x256xf32, #tpu.memory_space<vmem>>
      %dma_wait3A_285 = arith.constant 0 : i32
      %dma_wait3A_286 = tpu.memref_slice %arg3[%dma_wait3A_285, %mul3A_280] : memref<64x1000001xf32, #tpu.memory_space<hbm>> -> memref<64x256xf32, #tpu.memory_space<hbm>>
      %dma_wait3A_287 = arith.constant 0 : i32
      %dma_wait3A_288 = arith.constant 0 : i32
      %dma_wait3A_289 = tpu.memref_slice %arg7[%dma_wait3A, %dma_wait3A_287, %dma_wait3A_288] : memref<5x64x256xf32, #tpu.memory_space<vmem>> -> memref<1x64x256xf32, #tpu.memory_space<vmem>>
      %dma_wait3A_290 = tpu.memref_squeeze %dma_wait3A_289 : memref<1x64x256xf32, #tpu.memory_space<vmem>> -> memref<64x256xf32, #tpu.memory_space<vmem>>
      %dma_wait3A_291 = arith.constant 0 : i32
      %dma_wait3A_292 = tpu.memref_slice %arg3[%dma_wait3A_291, %mul3A_280] : memref<64x1000001xf32, #tpu.memory_space<hbm>> -> memref<64x256xf32, #tpu.memory_space<hbm>>
      tpu.wait_dma2 semaphore(%arg15 : memref<!tpu.dma_semaphore, #tpu.memory_space<semaphore_mem>>) src(%dma_wait3A_292 : memref<64x256xf32, #tpu.memory_space<hbm>>) dst(%dma_wait3A_290 : memref<64x256xf32, #tpu.memory_space<vmem>>)
      %sub3A_293 = arith.subi %add3A_278, %select_n3A : i32
      %get3A_294 = arith.index_cast %sub3A_293 : i32 to index
      %get3A_295 = memref.load %arg12[%get3A_294] : memref<124xi32, #tpu.memory_space<smem>>
      %while3A_296 = arith.constant 0 : i32
      %while3A_297 = arith.constant 0 : i32
      %while3A_298 = arith.subi %get3A_295, %while3A_297 : i32
      %while3A_299 = arith.addi %while3A_297, %while3A_298 : i32
      %while3A_300 = arith.constant 1 : i32
      %while3A_301 = arith.divsi %while3A_298, %while3A_300 : i32
      %while3A_302 = arith.muli %while3A_301, %while3A_300 : i32
      %while3A_303 = arith.addi %while3A_297, %while3A_302 : i32
      %while3A_304 = arith.constant 1 : i32
      scf.for %while3A_456 = %while3A_297 to %while3A_303 step %while3A_304  : i32 {
        %mul3A_457 = arith.constant 64 : i32
        %mul3A_458 = arith.muli %sub3A_293, %mul3A_457 : i32
        %add3A_459 = arith.addi %mul3A_458, %while3A_456 : i32
        %get3A_460 = arith.index_cast %add3A_459 : i32 to index
        %get3A_461 = tpu.vector_load %arg9[%get3A_460] {strides = array<i32>} : memref<7952xi32, #tpu.memory_space<vmem>>, vector<16xi32>,
        %slice3A = vector.extract_strided_slice %get3A_461 {offsets = [0], sizes = [1], strides = [1]} : vector<16xi32> to vector<1xi32>
        %squeeze3A = vector.extract %slice3A[0] : i32 from vector<1xi32>
        %and3A_462 = arith.constant 16383 : i32
        %and3A_463 = arith.andi %squeeze3A, %and3A_462 : i32
        %shift_right_arithmetic3A = arith.constant 14 : i32
        %shift_right_arithmetic3A_464 = arith.shrsi %squeeze3A, %shift_right_arithmetic3A : i32
        %mul3A_465 = arith.constant 256 : i32
        %mul3A_466 = arith.muli %sub3A_293, %mul3A_465 : i32
        %sub3A_467 = arith.subi %shift_right_arithmetic3A_464, %mul3A_466 : i32
        %broadcast_in_dim3A = vector.broadcast %sub3A_467 : i32 to vector<16xi32>
        %get3A_468 = arith.constant 0 : i32
        %get3A_469 = arith.index_cast %get3A_468 : i32 to index
        %get3A_470 = memref.load %arg13[%get3A_469] : memref<4xi32, #tpu.memory_space<smem>>
        %add3A_471 = arith.constant 0 : i32
        %add3A_472 = vector.broadcast %add3A_471 : i32 to vector<16xi32>
        %add3A_473 = arith.addi %iota3A, %add3A_472 : vector<16xi32>
        %gather3A = arith.constant 0 : i32
        %gather3A_474 = arith.constant 0 : i32
        %gather3A_475 = tpu.memref_slice %arg7[%while3A_296, %gather3A, %gather3A_474] : memref<5x64x256xf32, #tpu.memory_space<vmem>> -> memref<1x64x256xf32, #tpu.memory_space<vmem>>
        %gather3A_476 = tpu.memref_squeeze %gather3A_475 : memref<1x64x256xf32, #tpu.memory_space<vmem>> -> memref<64x256xf32, #tpu.memory_space<vmem>>
        %gather3A_477 = tpu.vector_load_idx %gather3A_476[%add3A_473, %broadcast_in_dim3A] : memref<64x256xf32, #tpu.memory_space<vmem>>[vector<16xi32>, vector<16xi32>], vector<16xf32>,
        %swap3A_478 = arith.index_cast %get3A_470 : i32 to index
        %swap3A_479 = arith.constant 0 : index
        %swap3A_480 = tpu.vector_load %arg10[%swap3A_478, %swap3A_479] {strides = array<i32>} : memref<16x128xf32, #tpu.memory_space<vmem>>, vector<16xf32>,
        tpu.vector_store %arg10[%swap3A_478, %swap3A_479], %gather3A_477 {strides = array<i32>} : memref<16x128xf32, #tpu.memory_space<vmem>>, vector<16xf32>,
        %add3A_481 = arith.constant 16 : i32
        %add3A_482 = vector.broadcast %add3A_481 : i32 to vector<16xi32>
        %add3A_483 = arith.addi %iota3A, %add3A_482 : vector<16xi32>
        %gather3A_484 = arith.constant 0 : i32
        %gather3A_485 = arith.constant 0 : i32
        %gather3A_486 = tpu.memref_slice %arg7[%while3A_296, %gather3A_484, %gather3A_485] : memref<5x64x256xf32, #tpu.memory_space<vmem>> -> memref<1x64x256xf32, #tpu.memory_space<vmem>>
        %gather3A_487 = tpu.memref_squeeze %gather3A_486 : memref<1x64x256xf32, #tpu.memory_space<vmem>> -> memref<64x256xf32, #tpu.memory_space<vmem>>
        %gather3A_488 = tpu.vector_load_idx %gather3A_487[%add3A_483, %broadcast_in_dim3A] : memref<64x256xf32, #tpu.memory_space<vmem>>[vector<16xi32>, vector<16xi32>], vector<16xf32>,
        %swap3A_489 = arith.index_cast %get3A_470 : i32 to index
        %swap3A_490 = arith.constant 16 : index
        %swap3A_491 = tpu.vector_load %arg10[%swap3A_489, %swap3A_490] {strides = array<i32>} : memref<16x128xf32, #tpu.memory_space<vmem>>, vector<16xf32>,
        tpu.vector_store %arg10[%swap3A_489, %swap3A_490], %gather3A_488 {strides = array<i32>} : memref<16x128xf32, #tpu.memory_space<vmem>>, vector<16xf32>,
        %add3A_492 = arith.constant 32 : i32
        %add3A_493 = vector.broadcast %add3A_492 : i32 to vector<16xi32>
        %add3A_494 = arith.addi %iota3A, %add3A_493 : vector<16xi32>
        %gather3A_495 = arith.constant 0 : i32
        %gather3A_496 = arith.constant 0 : i32
        %gather3A_497 = tpu.memref_slice %arg7[%while3A_296, %gather3A_495, %gather3A_496] : memref<5x64x256xf32, #tpu.memory_space<vmem>> -> memref<1x64x256xf32, #tpu.memory_space<vmem>>
        %gather3A_498 = tpu.memref_squeeze %gather3A_497 : memref<1x64x256xf32, #tpu.memory_space<vmem>> -> memref<64x256xf32, #tpu.memory_space<vmem>>
        %gather3A_499 = tpu.vector_load_idx %gather3A_498[%add3A_494, %broadcast_in_dim3A] : memref<64x256xf32, #tpu.memory_space<vmem>>[vector<16xi32>, vector<16xi32>], vector<16xf32>,
        %swap3A_500 = arith.index_cast %get3A_470 : i32 to index
        %swap3A_501 = arith.constant 32 : index
        %swap3A_502 = tpu.vector_load %arg10[%swap3A_500, %swap3A_501] {strides = array<i32>} : memref<16x128xf32, #tpu.memory_space<vmem>>, vector<16xf32>,
        tpu.vector_store %arg10[%swap3A_500, %swap3A_501], %gather3A_499 {strides = array<i32>} : memref<16x128xf32, #tpu.memory_space<vmem>>, vector<16xf32>,
        %add3A_503 = arith.constant 48 : i32
        %add3A_504 = vector.broadcast %add3A_503 : i32 to vector<16xi32>
        %add3A_505 = arith.addi %iota3A, %add3A_504 : vector<16xi32>
        %gather3A_506 = arith.constant 0 : i32
        %gather3A_507 = arith.constant 0 : i32
        %gather3A_508 = tpu.memref_slice %arg7[%while3A_296, %gather3A_506, %gather3A_507] : memref<5x64x256xf32, #tpu.memory_space<vmem>> -> memref<1x64x256xf32, #tpu.memory_space<vmem>>
        %gather3A_509 = tpu.memref_squeeze %gather3A_508 : memref<1x64x256xf32, #tpu.memory_space<vmem>> -> memref<64x256xf32, #tpu.memory_space<vmem>>
        %gather3A_510 = tpu.vector_load_idx %gather3A_509[%add3A_505, %broadcast_in_dim3A] : memref<64x256xf32, #tpu.memory_space<vmem>>[vector<16xi32>, vector<16xi32>], vector<16xf32>,
        %swap3A_511 = arith.index_cast %get3A_470 : i32 to index
        %swap3A_512 = arith.constant 48 : index
        %swap3A_513 = tpu.vector_load %arg10[%swap3A_511, %swap3A_512] {strides = array<i32>} : memref<16x128xf32, #tpu.memory_space<vmem>>, vector<16xf32>,
        tpu.vector_store %arg10[%swap3A_511, %swap3A_512], %gather3A_510 {strides = array<i32>} : memref<16x128xf32, #tpu.memory_space<vmem>>, vector<16xf32>,
        %get3A_514 = arith.constant 0 : index
        %get3A_515 = tpu.vector_load %arg11[%get3A_514] {strides = array<i32>} : memref<16xi32, #tpu.memory_space<vmem>>, vector<16xi32>,
        %eq3A_516 = vector.broadcast %get3A_470 : i32 to vector<16xi32>
        %eq3A_517 = arith.cmpi eq, %iota3A, %eq3A_516 : vector<16xi32>
        %broadcast_in_dim3A_518 = vector.broadcast %and3A_463 : i32 to vector<16xi32>
        %select_n3A_519 = arith.select %eq3A_517, %broadcast_in_dim3A_518, %get3A_515 : vector<16xi1>, vector<16xi32>
        %swap3A_520 = arith.constant 0 : index
        %swap3A_521 = tpu.vector_load %arg11[%swap3A_520] {strides = array<i32>} : memref<16xi32, #tpu.memory_space<vmem>>, vector<16xi32>,
        tpu.vector_store %arg11[%swap3A_520], %select_n3A_519 {strides = array<i32>} : memref<16xi32, #tpu.memory_space<vmem>>, vector<16xi32>,
        %eq3A_522 = arith.constant 15 : i32
        %eq3A_523 = arith.cmpi eq, %get3A_470, %eq3A_522 : i32
        %convert_element_type3A_524 = arith.extui %eq3A_523 : i1 to i32
        %cond3A_525 = arith.constant 0 : i32
        %cond3A_526 = arith.cmpi ne, %convert_element_type3A_524, %cond3A_525 : i32
        scf.if %cond3A_526 {
          %get3A_536 = arith.constant 0 : index
          %get3A_537 = tpu.vector_load %arg11[%get3A_536] {strides = array<i32>} : memref<16xi32, #tpu.memory_space<vmem>>, vector<16xi32>,
          "tpu.region"() ({
            %run_scoped3A = tpu.sem_alloc : memref<!tpu.dma_semaphore, #tpu.memory_space<semaphore_mem>>
            %dma_start3A = arith.constant 0 : i32
            %dma_start3A_540 = arith.constant 0 : i32
            %dma_start3A_541 = tpu.memref_slice %arg5[%dma_start3A, %dma_start3A_540] : memref<16896x128xf32, #tpu.memory_space<hbm>> -> memref<16896x128xf32, #tpu.memory_space<hbm>>
            tpu.enqueue_indirect_dma source(%arg10 : memref<16x128xf32, #tpu.memory_space<vmem>>) target(%dma_start3A_541 : memref<16896x128xf32, #tpu.memory_space<hbm>>) offsets(%get3A_537 : vector<16xi32>) semaphore(%run_scoped3A : memref<!tpu.dma_semaphore, #tpu.memory_space<semaphore_mem>>)
            %dma_wait3A_542 = arith.constant 0 : i32
            %dma_wait3A_543 = arith.constant 0 : i32
            %dma_wait3A_544 = tpu.memref_slice %arg5[%dma_wait3A_542, %dma_wait3A_543] : memref<16896x128xf32, #tpu.memory_space<hbm>> -> memref<16896x128xf32, #tpu.memory_space<hbm>>
            tpu.wait_indirect_dma semaphore(%run_scoped3A : memref<!tpu.dma_semaphore, #tpu.memory_space<semaphore_mem>>) src(%arg10 : memref<16x128xf32, #tpu.memory_space<vmem>>) dst(%dma_wait3A_544 : memref<16896x128xf32, #tpu.memory_space<hbm>>)
            tpu.yield
          }) : () -> ()
          %swap3A_538 = arith.constant 0 : index
          %swap3A_539 = tpu.vector_load %arg11[%swap3A_538] {strides = array<i32>} : memref<16xi32, #tpu.memory_space<vmem>>, vector<16xi32>,
          tpu.vector_store %arg11[%swap3A_538], %add3A_57 {strides = array<i32>} : memref<16xi32, #tpu.memory_space<vmem>>, vector<16xi32>,
        } else {
        }
        %eq3A_527 = arith.constant 15 : i32
        %eq3A_528 = arith.cmpi eq, %get3A_470, %eq3A_527 : i32
        %add3A_529 = arith.constant 1 : i32
        %add3A_530 = arith.addi %get3A_470, %add3A_529 : i32
        %jit3A_531 = arith.constant 0 : i32
        %select_n3A_532 = arith.select %eq3A_528, %jit3A_531, %add3A_530 : i32
        %swap3A_533 = arith.constant 0 : i32
        %swap3A_534 = arith.index_cast %swap3A_533 : i32 to index
        %swap3A_535 = memref.load %arg13[%swap3A_534] : memref<4xi32, #tpu.memory_space<smem>>
        memref.store %select_n3A_532, %arg13[%swap3A_534] : memref<4xi32, #tpu.memory_space<smem>>
      }
      %while3A_305 = arith.constant 1 : i32
      scf.for %while3A_456 = %while3A_303 to %while3A_299 step %while3A_305  : i32 {
        %mul3A_457 = arith.constant 64 : i32
        %mul3A_458 = arith.muli %sub3A_293, %mul3A_457 : i32
        %add3A_459 = arith.addi %mul3A_458, %while3A_456 : i32
        %get3A_460 = arith.index_cast %add3A_459 : i32 to index
        %get3A_461 = tpu.vector_load %arg9[%get3A_460] {strides = array<i32>} : memref<7952xi32, #tpu.memory_space<vmem>>, vector<16xi32>,
        %slice3A = vector.extract_strided_slice %get3A_461 {offsets = [0], sizes = [1], strides = [1]} : vector<16xi32> to vector<1xi32>
        %squeeze3A = vector.extract %slice3A[0] : i32 from vector<1xi32>
        %and3A_462 = arith.constant 16383 : i32
        %and3A_463 = arith.andi %squeeze3A, %and3A_462 : i32
        %shift_right_arithmetic3A = arith.constant 14 : i32
        %shift_right_arithmetic3A_464 = arith.shrsi %squeeze3A, %shift_right_arithmetic3A : i32
        %mul3A_465 = arith.constant 256 : i32
        %mul3A_466 = arith.muli %sub3A_293, %mul3A_465 : i32
        %sub3A_467 = arith.subi %shift_right_arithmetic3A_464, %mul3A_466 : i32
        %broadcast_in_dim3A = vector.broadcast %sub3A_467 : i32 to vector<16xi32>
        %get3A_468 = arith.constant 0 : i32
        %get3A_469 = arith.index_cast %get3A_468 : i32 to index
        %get3A_470 = memref.load %arg13[%get3A_469] : memref<4xi32, #tpu.memory_space<smem>>
        %add3A_471 = arith.constant 0 : i32
        %add3A_472 = vector.broadcast %add3A_471 : i32 to vector<16xi32>
        %add3A_473 = arith.addi %iota3A, %add3A_472 : vector<16xi32>
        %gather3A = arith.constant 0 : i32
        %gather3A_474 = arith.constant 0 : i32
        %gather3A_475 = tpu.memref_slice %arg7[%while3A_296, %gather3A, %gather3A_474] : memref<5x64x256xf32, #tpu.memory_space<vmem>> -> memref<1x64x256xf32, #tpu.memory_space<vmem>>
        %gather3A_476 = tpu.memref_squeeze %gather3A_475 : memref<1x64x256xf32, #tpu.memory_space<vmem>> -> memref<64x256xf32, #tpu.memory_space<vmem>>
        %gather3A_477 = tpu.vector_load_idx %gather3A_476[%add3A_473, %broadcast_in_dim3A] : memref<64x256xf32, #tpu.memory_space<vmem>>[vector<16xi32>, vector<16xi32>], vector<16xf32>,
        %swap3A_478 = arith.index_cast %get3A_470 : i32 to index
        %swap3A_479 = arith.constant 0 : index
        %swap3A_480 = tpu.vector_load %arg10[%swap3A_478, %swap3A_479] {strides = array<i32>} : memref<16x128xf32, #tpu.memory_space<vmem>>, vector<16xf32>,
        tpu.vector_store %arg10[%swap3A_478, %swap3A_479], %gather3A_477 {strides = array<i32>} : memref<16x128xf32, #tpu.memory_space<vmem>>, vector<16xf32>,
        %add3A_481 = arith.constant 16 : i32
        %add3A_482 = vector.broadcast %add3A_481 : i32 to vector<16xi32>
        %add3A_483 = arith.addi %iota3A, %add3A_482 : vector<16xi32>
        %gather3A_484 = arith.constant 0 : i32
        %gather3A_485 = arith.constant 0 : i32
        %gather3A_486 = tpu.memref_slice %arg7[%while3A_296, %gather3A_484, %gather3A_485] : memref<5x64x256xf32, #tpu.memory_space<vmem>> -> memref<1x64x256xf32, #tpu.memory_space<vmem>>
        %gather3A_487 = tpu.memref_squeeze %gather3A_486 : memref<1x64x256xf32, #tpu.memory_space<vmem>> -> memref<64x256xf32, #tpu.memory_space<vmem>>
        %gather3A_488 = tpu.vector_load_idx %gather3A_487[%add3A_483, %broadcast_in_dim3A] : memref<64x256xf32, #tpu.memory_space<vmem>>[vector<16xi32>, vector<16xi32>], vector<16xf32>,
        %swap3A_489 = arith.index_cast %get3A_470 : i32 to index
        %swap3A_490 = arith.constant 16 : index
        %swap3A_491 = tpu.vector_load %arg10[%swap3A_489, %swap3A_490] {strides = array<i32>} : memref<16x128xf32, #tpu.memory_space<vmem>>, vector<16xf32>,
        tpu.vector_store %arg10[%swap3A_489, %swap3A_490], %gather3A_488 {strides = array<i32>} : memref<16x128xf32, #tpu.memory_space<vmem>>, vector<16xf32>,
        %add3A_492 = arith.constant 32 : i32
        %add3A_493 = vector.broadcast %add3A_492 : i32 to vector<16xi32>
        %add3A_494 = arith.addi %iota3A, %add3A_493 : vector<16xi32>
        %gather3A_495 = arith.constant 0 : i32
        %gather3A_496 = arith.constant 0 : i32
        %gather3A_497 = tpu.memref_slice %arg7[%while3A_296, %gather3A_495, %gather3A_496] : memref<5x64x256xf32, #tpu.memory_space<vmem>> -> memref<1x64x256xf32, #tpu.memory_space<vmem>>
        %gather3A_498 = tpu.memref_squeeze %gather3A_497 : memref<1x64x256xf32, #tpu.memory_space<vmem>> -> memref<64x256xf32, #tpu.memory_space<vmem>>
        %gather3A_499 = tpu.vector_load_idx %gather3A_498[%add3A_494, %broadcast_in_dim3A] : memref<64x256xf32, #tpu.memory_space<vmem>>[vector<16xi32>, vector<16xi32>], vector<16xf32>,
        %swap3A_500 = arith.index_cast %get3A_470 : i32 to index
        %swap3A_501 = arith.constant 32 : index
        %swap3A_502 = tpu.vector_load %arg10[%swap3A_500, %swap3A_501] {strides = array<i32>} : memref<16x128xf32, #tpu.memory_space<vmem>>, vector<16xf32>,
        tpu.vector_store %arg10[%swap3A_500, %swap3A_501], %gather3A_499 {strides = array<i32>} : memref<16x128xf32, #tpu.memory_space<vmem>>, vector<16xf32>,
        %add3A_503 = arith.constant 48 : i32
        %add3A_504 = vector.broadcast %add3A_503 : i32 to vector<16xi32>
        %add3A_505 = arith.addi %iota3A, %add3A_504 : vector<16xi32>
        %gather3A_506 = arith.constant 0 : i32
        %gather3A_507 = arith.constant 0 : i32
        %gather3A_508 = tpu.memref_slice %arg7[%while3A_296, %gather3A_506, %gather3A_507] : memref<5x64x256xf32, #tpu.memory_space<vmem>> -> memref<1x64x256xf32, #tpu.memory_space<vmem>>
        %gather3A_509 = tpu.memref_squeeze %gather3A_508 : memref<1x64x256xf32, #tpu.memory_space<vmem>> -> memref<64x256xf32, #tpu.memory_space<vmem>>
        %gather3A_510 = tpu.vector_load_idx %gather3A_509[%add3A_505, %broadcast_in_dim3A] : memref<64x256xf32, #tpu.memory_space<vmem>>[vector<16xi32>, vector<16xi32>], vector<16xf32>,
        %swap3A_511 = arith.index_cast %get3A_470 : i32 to index
        %swap3A_512 = arith.constant 48 : index
        %swap3A_513 = tpu.vector_load %arg10[%swap3A_511, %swap3A_512] {strides = array<i32>} : memref<16x128xf32, #tpu.memory_space<vmem>>, vector<16xf32>,
        tpu.vector_store %arg10[%swap3A_511, %swap3A_512], %gather3A_510 {strides = array<i32>} : memref<16x128xf32, #tpu.memory_space<vmem>>, vector<16xf32>,
        %get3A_514 = arith.constant 0 : index
        %get3A_515 = tpu.vector_load %arg11[%get3A_514] {strides = array<i32>} : memref<16xi32, #tpu.memory_space<vmem>>, vector<16xi32>,
        %eq3A_516 = vector.broadcast %get3A_470 : i32 to vector<16xi32>
        %eq3A_517 = arith.cmpi eq, %iota3A, %eq3A_516 : vector<16xi32>
        %broadcast_in_dim3A_518 = vector.broadcast %and3A_463 : i32 to vector<16xi32>
        %select_n3A_519 = arith.select %eq3A_517, %broadcast_in_dim3A_518, %get3A_515 : vector<16xi1>, vector<16xi32>
        %swap3A_520 = arith.constant 0 : index
        %swap3A_521 = tpu.vector_load %arg11[%swap3A_520] {strides = array<i32>} : memref<16xi32, #tpu.memory_space<vmem>>, vector<16xi32>,
        tpu.vector_store %arg11[%swap3A_520], %select_n3A_519 {strides = array<i32>} : memref<16xi32, #tpu.memory_space<vmem>>, vector<16xi32>,
        %eq3A_522 = arith.constant 15 : i32
        %eq3A_523 = arith.cmpi eq, %get3A_470, %eq3A_522 : i32
        %convert_element_type3A_524 = arith.extui %eq3A_523 : i1 to i32
        %cond3A_525 = arith.constant 0 : i32
        %cond3A_526 = arith.cmpi ne, %convert_element_type3A_524, %cond3A_525 : i32
        scf.if %cond3A_526 {
          %get3A_536 = arith.constant 0 : index
          %get3A_537 = tpu.vector_load %arg11[%get3A_536] {strides = array<i32>} : memref<16xi32, #tpu.memory_space<vmem>>, vector<16xi32>,
          "tpu.region"() ({
            %run_scoped3A = tpu.sem_alloc : memref<!tpu.dma_semaphore, #tpu.memory_space<semaphore_mem>>
            %dma_start3A = arith.constant 0 : i32
            %dma_start3A_540 = arith.constant 0 : i32
            %dma_start3A_541 = tpu.memref_slice %arg5[%dma_start3A, %dma_start3A_540] : memref<16896x128xf32, #tpu.memory_space<hbm>> -> memref<16896x128xf32, #tpu.memory_space<hbm>>
            tpu.enqueue_indirect_dma source(%arg10 : memref<16x128xf32, #tpu.memory_space<vmem>>) target(%dma_start3A_541 : memref<16896x128xf32, #tpu.memory_space<hbm>>) offsets(%get3A_537 : vector<16xi32>) semaphore(%run_scoped3A : memref<!tpu.dma_semaphore, #tpu.memory_space<semaphore_mem>>)
            %dma_wait3A_542 = arith.constant 0 : i32
            %dma_wait3A_543 = arith.constant 0 : i32
            %dma_wait3A_544 = tpu.memref_slice %arg5[%dma_wait3A_542, %dma_wait3A_543] : memref<16896x128xf32, #tpu.memory_space<hbm>> -> memref<16896x128xf32, #tpu.memory_space<hbm>>
            tpu.wait_indirect_dma semaphore(%run_scoped3A : memref<!tpu.dma_semaphore, #tpu.memory_space<semaphore_mem>>) src(%arg10 : memref<16x128xf32, #tpu.memory_space<vmem>>) dst(%dma_wait3A_544 : memref<16896x128xf32, #tpu.memory_space<hbm>>)
            tpu.yield
          }) : () -> ()
          %swap3A_538 = arith.constant 0 : index
          %swap3A_539 = tpu.vector_load %arg11[%swap3A_538] {strides = array<i32>} : memref<16xi32, #tpu.memory_space<vmem>>, vector<16xi32>,
          tpu.vector_store %arg11[%swap3A_538], %add3A_57 {strides = array<i32>} : memref<16xi32, #tpu.memory_space<vmem>>, vector<16xi32>,
        } else {
        }
        %eq3A_527 = arith.constant 15 : i32
        %eq3A_528 = arith.cmpi eq, %get3A_470, %eq3A_527 : i32
        %add3A_529 = arith.constant 1 : i32
        %add3A_530 = arith.addi %get3A_470, %add3A_529 : i32
        %jit3A_531 = arith.constant 0 : i32
        %select_n3A_532 = arith.select %eq3A_528, %jit3A_531, %add3A_530 : i32
        %swap3A_533 = arith.constant 0 : i32
        %swap3A_534 = arith.index_cast %swap3A_533 : i32 to index
        %swap3A_535 = memref.load %arg13[%swap3A_534] : memref<4xi32, #tpu.memory_space<smem>>
        memref.store %select_n3A_532, %arg13[%swap3A_534] : memref<4xi32, #tpu.memory_space<smem>>
      }
      %add3A_306 = arith.constant 5 : i32
      %add3A_307 = arith.addi %add3A_278, %add3A_306 : i32
      %lt3A_308 = arith.cmpi slt, %add3A_307, %select_n3A_46 : i32
      %convert_element_type3A_309 = arith.extui %lt3A_308 : i1 to i32
      %cond3A_310 = arith.constant 0 : i32
      %cond3A_311 = arith.cmpi ne, %convert_element_type3A_309, %cond3A_310 : i32
      scf.if %cond3A_311 {
        %add3A_456 = arith.constant 5 : i32
        %add3A_457 = arith.addi %add3A_278, %add3A_456 : i32
        %mul3A_458 = arith.constant 256 : i32
        %mul3A_459 = arith.muli %add3A_457, %mul3A_458 : i32
        %dma_start3A = arith.constant 0 : i32
        %dma_start3A_460 = arith.constant 0 : i32
        %dma_start3A_461 = arith.constant 0 : i32
        %dma_start3A_462 = tpu.memref_slice %arg7[%dma_start3A, %dma_start3A_460, %dma_start3A_461] : memref<5x64x256xf32, #tpu.memory_space<vmem>> -> memref<1x64x256xf32, #tpu.memory_space<vmem>>
        %dma_start3A_463 = tpu.memref_squeeze %dma_start3A_462 : memref<1x64x256xf32, #tpu.memory_space<vmem>> -> memref<64x256xf32, #tpu.memory_space<vmem>>
        %dma_start3A_464 = arith.constant 0 : i32
        %dma_start3A_465 = tpu.memref_slice %arg3[%dma_start3A_464, %mul3A_459] : memref<64x1000001xf32, #tpu.memory_space<hbm>> -> memref<64x256xf32, #tpu.memory_space<hbm>>
        %dma_start3A_466 = arith.constant 0 : i32
        %dma_start3A_467 = arith.constant 0 : i32
        %dma_start3A_468 = tpu.memref_slice %arg7[%dma_start3A, %dma_start3A_466, %dma_start3A_467] : memref<5x64x256xf32, #tpu.memory_space<vmem>> -> memref<1x64x256xf32, #tpu.memory_space<vmem>>
        %dma_start3A_469 = tpu.memref_squeeze %dma_start3A_468 : memref<1x64x256xf32, #tpu.memory_space<vmem>> -> memref<64x256xf32, #tpu.memory_space<vmem>>
        %dma_start3A_470 = arith.constant 0 : i32
        %dma_start3A_471 = tpu.memref_slice %arg3[%dma_start3A_470, %mul3A_459] : memref<64x1000001xf32, #tpu.memory_space<hbm>> -> memref<64x256xf32, #tpu.memory_space<hbm>>
        tpu.enqueue_dma source(%dma_start3A_471 : memref<64x256xf32, #tpu.memory_space<hbm>>) target(%dma_start3A_469 : memref<64x256xf32, #tpu.memory_space<vmem>>) target_semaphore(%arg15 : memref<!tpu.dma_semaphore, #tpu.memory_space<semaphore_mem>>)
      } else {
      }
      %add3A_312 = arith.constant 1 : i32
      %add3A_313 = arith.addi %add3A_276, %add3A_312 : i32
      %mul3A_314 = arith.constant 256 : i32
      %mul3A_315 = arith.muli %add3A_313, %mul3A_314 : i32
      %dma_wait3A_316 = arith.constant 1 : i32
      %dma_wait3A_317 = arith.constant 0 : i32
      %dma_wait3A_318 = arith.constant 0 : i32
      %dma_wait3A_319 = tpu.memref_slice %arg7[%dma_wait3A_316, %dma_wait3A_317, %dma_wait3A_318] : memref<5x64x256xf32, #tpu.memory_space<vmem>> -> memref<1x64x256xf32, #tpu.memory_space<vmem>>
      %dma_wait3A_320 = tpu.memref_squeeze %dma_wait3A_319 : memref<1x64x256xf32, #tpu.memory_space<vmem>> -> memref<64x256xf32, #tpu.memory_space<vmem>>
      %dma_wait3A_321 = arith.constant 0 : i32
      %dma_wait3A_322 = tpu.memref_slice %arg3[%dma_wait3A_321, %mul3A_315] : memref<64x1000001xf32, #tpu.memory_space<hbm>> -> memref<64x256xf32, #tpu.memory_space<hbm>>
      %dma_wait3A_323 = arith.constant 0 : i32
      %dma_wait3A_324 = arith.constant 0 : i32
      %dma_wait3A_325 = tpu.memref_slice %arg7[%dma_wait3A_316, %dma_wait3A_323, %dma_wait3A_324] : memref<5x64x256xf32, #tpu.memory_space<vmem>> -> memref<1x64x256xf32, #tpu.memory_space<vmem>>
      %dma_wait3A_326 = tpu.memref_squeeze %dma_wait3A_325 : memref<1x64x256xf32, #tpu.memory_space<vmem>> -> memref<64x256xf32, #tpu.memory_space<vmem>>
      %dma_wait3A_327 = arith.constant 0 : i32
      %dma_wait3A_328 = tpu.memref_slice %arg3[%dma_wait3A_327, %mul3A_315] : memref<64x1000001xf32, #tpu.memory_space<hbm>> -> memref<64x256xf32, #tpu.memory_space<hbm>>
      tpu.wait_dma2 semaphore(%arg16 : memref<!tpu.dma_semaphore, #tpu.memory_space<semaphore_mem>>) src(%dma_wait3A_328 : memref<64x256xf32, #tpu.memory_space<hbm>>) dst(%dma_wait3A_326 : memref<64x256xf32, #tpu.memory_space<vmem>>)
      %sub3A_329 = arith.subi %add3A_313, %select_n3A : i32
      %get3A_330 = arith.index_cast %sub3A_329 : i32 to index
      %get3A_331 = memref.load %arg12[%get3A_330] : memref<124xi32, #tpu.memory_space<smem>>
      %while3A_332 = arith.constant 1 : i32
      %while3A_333 = arith.constant 0 : i32
      %while3A_334 = arith.subi %get3A_331, %while3A_333 : i32
      %while3A_335 = arith.addi %while3A_333, %while3A_334 : i32
      %while3A_336 = arith.constant 1 : i32
      %while3A_337 = arith.divsi %while3A_334, %while3A_336 : i32
      %while3A_338 = arith.muli %while3A_337, %while3A_336 : i32
      %while3A_339 = arith.addi %while3A_333, %while3A_338 : i32
      %while3A_340 = arith.constant 1 : i32
      scf.for %while3A_456 = %while3A_333 to %while3A_339 step %while3A_340  : i32 {
        %mul3A_457 = arith.constant 64 : i32
        %mul3A_458 = arith.muli %sub3A_329, %mul3A_457 : i32
        %add3A_459 = arith.addi %mul3A_458, %while3A_456 : i32
        %get3A_460 = arith.index_cast %add3A_459 : i32 to index
        %get3A_461 = tpu.vector_load %arg9[%get3A_460] {strides = array<i32>} : memref<7952xi32, #tpu.memory_space<vmem>>, vector<16xi32>,
        %slice3A = vector.extract_strided_slice %get3A_461 {offsets = [0], sizes = [1], strides = [1]} : vector<16xi32> to vector<1xi32>
        %squeeze3A = vector.extract %slice3A[0] : i32 from vector<1xi32>
        %and3A_462 = arith.constant 16383 : i32
        %and3A_463 = arith.andi %squeeze3A, %and3A_462 : i32
        %shift_right_arithmetic3A = arith.constant 14 : i32
        %shift_right_arithmetic3A_464 = arith.shrsi %squeeze3A, %shift_right_arithmetic3A : i32
        %mul3A_465 = arith.constant 256 : i32
        %mul3A_466 = arith.muli %sub3A_329, %mul3A_465 : i32
        %sub3A_467 = arith.subi %shift_right_arithmetic3A_464, %mul3A_466 : i32
        %broadcast_in_dim3A = vector.broadcast %sub3A_467 : i32 to vector<16xi32>
        %get3A_468 = arith.constant 0 : i32
        %get3A_469 = arith.index_cast %get3A_468 : i32 to index
        %get3A_470 = memref.load %arg13[%get3A_469] : memref<4xi32, #tpu.memory_space<smem>>
        %add3A_471 = arith.constant 0 : i32
        %add3A_472 = vector.broadcast %add3A_471 : i32 to vector<16xi32>
        %add3A_473 = arith.addi %iota3A, %add3A_472 : vector<16xi32>
        %gather3A = arith.constant 0 : i32
        %gather3A_474 = arith.constant 0 : i32
        %gather3A_475 = tpu.memref_slice %arg7[%while3A_332, %gather3A, %gather3A_474] : memref<5x64x256xf32, #tpu.memory_space<vmem>> -> memref<1x64x256xf32, #tpu.memory_space<vmem>>
        %gather3A_476 = tpu.memref_squeeze %gather3A_475 : memref<1x64x256xf32, #tpu.memory_space<vmem>> -> memref<64x256xf32, #tpu.memory_space<vmem>>
        %gather3A_477 = tpu.vector_load_idx %gather3A_476[%add3A_473, %broadcast_in_dim3A] : memref<64x256xf32, #tpu.memory_space<vmem>>[vector<16xi32>, vector<16xi32>], vector<16xf32>,
        %swap3A_478 = arith.index_cast %get3A_470 : i32 to index
        %swap3A_479 = arith.constant 0 : index
        %swap3A_480 = tpu.vector_load %arg10[%swap3A_478, %swap3A_479] {strides = array<i32>} : memref<16x128xf32, #tpu.memory_space<vmem>>, vector<16xf32>,
        tpu.vector_store %arg10[%swap3A_478, %swap3A_479], %gather3A_477 {strides = array<i32>} : memref<16x128xf32, #tpu.memory_space<vmem>>, vector<16xf32>,
        %add3A_481 = arith.constant 16 : i32
        %add3A_482 = vector.broadcast %add3A_481 : i32 to vector<16xi32>
        %add3A_483 = arith.addi %iota3A, %add3A_482 : vector<16xi32>
        %gather3A_484 = arith.constant 0 : i32
        %gather3A_485 = arith.constant 0 : i32
        %gather3A_486 = tpu.memref_slice %arg7[%while3A_332, %gather3A_484, %gather3A_485] : memref<5x64x256xf32, #tpu.memory_space<vmem>> -> memref<1x64x256xf32, #tpu.memory_space<vmem>>
        %gather3A_487 = tpu.memref_squeeze %gather3A_486 : memref<1x64x256xf32, #tpu.memory_space<vmem>> -> memref<64x256xf32, #tpu.memory_space<vmem>>
        %gather3A_488 = tpu.vector_load_idx %gather3A_487[%add3A_483, %broadcast_in_dim3A] : memref<64x256xf32, #tpu.memory_space<vmem>>[vector<16xi32>, vector<16xi32>], vector<16xf32>,
        %swap3A_489 = arith.index_cast %get3A_470 : i32 to index
        %swap3A_490 = arith.constant 16 : index
        %swap3A_491 = tpu.vector_load %arg10[%swap3A_489, %swap3A_490] {strides = array<i32>} : memref<16x128xf32, #tpu.memory_space<vmem>>, vector<16xf32>,
        tpu.vector_store %arg10[%swap3A_489, %swap3A_490], %gather3A_488 {strides = array<i32>} : memref<16x128xf32, #tpu.memory_space<vmem>>, vector<16xf32>,
        %add3A_492 = arith.constant 32 : i32
        %add3A_493 = vector.broadcast %add3A_492 : i32 to vector<16xi32>
        %add3A_494 = arith.addi %iota3A, %add3A_493 : vector<16xi32>
        %gather3A_495 = arith.constant 0 : i32
        %gather3A_496 = arith.constant 0 : i32
        %gather3A_497 = tpu.memref_slice %arg7[%while3A_332, %gather3A_495, %gather3A_496] : memref<5x64x256xf32, #tpu.memory_space<vmem>> -> memref<1x64x256xf32, #tpu.memory_space<vmem>>
        %gather3A_498 = tpu.memref_squeeze %gather3A_497 : memref<1x64x256xf32, #tpu.memory_space<vmem>> -> memref<64x256xf32, #tpu.memory_space<vmem>>
        %gather3A_499 = tpu.vector_load_idx %gather3A_498[%add3A_494, %broadcast_in_dim3A] : memref<64x256xf32, #tpu.memory_space<vmem>>[vector<16xi32>, vector<16xi32>], vector<16xf32>,
        %swap3A_500 = arith.index_cast %get3A_470 : i32 to index
        %swap3A_501 = arith.constant 32 : index
        %swap3A_502 = tpu.vector_load %arg10[%swap3A_500, %swap3A_501] {strides = array<i32>} : memref<16x128xf32, #tpu.memory_space<vmem>>, vector<16xf32>,
        tpu.vector_store %arg10[%swap3A_500, %swap3A_501], %gather3A_499 {strides = array<i32>} : memref<16x128xf32, #tpu.memory_space<vmem>>, vector<16xf32>,
        %add3A_503 = arith.constant 48 : i32
        %add3A_504 = vector.broadcast %add3A_503 : i32 to vector<16xi32>
        %add3A_505 = arith.addi %iota3A, %add3A_504 : vector<16xi32>
        %gather3A_506 = arith.constant 0 : i32
        %gather3A_507 = arith.constant 0 : i32
        %gather3A_508 = tpu.memref_slice %arg7[%while3A_332, %gather3A_506, %gather3A_507] : memref<5x64x256xf32, #tpu.memory_space<vmem>> -> memref<1x64x256xf32, #tpu.memory_space<vmem>>
        %gather3A_509 = tpu.memref_squeeze %gather3A_508 : memref<1x64x256xf32, #tpu.memory_space<vmem>> -> memref<64x256xf32, #tpu.memory_space<vmem>>
        %gather3A_510 = tpu.vector_load_idx %gather3A_509[%add3A_505, %broadcast_in_dim3A] : memref<64x256xf32, #tpu.memory_space<vmem>>[vector<16xi32>, vector<16xi32>], vector<16xf32>,
        %swap3A_511 = arith.index_cast %get3A_470 : i32 to index
        %swap3A_512 = arith.constant 48 : index
        %swap3A_513 = tpu.vector_load %arg10[%swap3A_511, %swap3A_512] {strides = array<i32>} : memref<16x128xf32, #tpu.memory_space<vmem>>, vector<16xf32>,
        tpu.vector_store %arg10[%swap3A_511, %swap3A_512], %gather3A_510 {strides = array<i32>} : memref<16x128xf32, #tpu.memory_space<vmem>>, vector<16xf32>,
        %get3A_514 = arith.constant 0 : index
        %get3A_515 = tpu.vector_load %arg11[%get3A_514] {strides = array<i32>} : memref<16xi32, #tpu.memory_space<vmem>>, vector<16xi32>,
        %eq3A_516 = vector.broadcast %get3A_470 : i32 to vector<16xi32>
        %eq3A_517 = arith.cmpi eq, %iota3A, %eq3A_516 : vector<16xi32>
        %broadcast_in_dim3A_518 = vector.broadcast %and3A_463 : i32 to vector<16xi32>
        %select_n3A_519 = arith.select %eq3A_517, %broadcast_in_dim3A_518, %get3A_515 : vector<16xi1>, vector<16xi32>
        %swap3A_520 = arith.constant 0 : index
        %swap3A_521 = tpu.vector_load %arg11[%swap3A_520] {strides = array<i32>} : memref<16xi32, #tpu.memory_space<vmem>>, vector<16xi32>,
        tpu.vector_store %arg11[%swap3A_520], %select_n3A_519 {strides = array<i32>} : memref<16xi32, #tpu.memory_space<vmem>>, vector<16xi32>,
        %eq3A_522 = arith.constant 15 : i32
        %eq3A_523 = arith.cmpi eq, %get3A_470, %eq3A_522 : i32
        %convert_element_type3A_524 = arith.extui %eq3A_523 : i1 to i32
        %cond3A_525 = arith.constant 0 : i32
        %cond3A_526 = arith.cmpi ne, %convert_element_type3A_524, %cond3A_525 : i32
        scf.if %cond3A_526 {
          %get3A_536 = arith.constant 0 : index
          %get3A_537 = tpu.vector_load %arg11[%get3A_536] {strides = array<i32>} : memref<16xi32, #tpu.memory_space<vmem>>, vector<16xi32>,
          "tpu.region"() ({
            %run_scoped3A = tpu.sem_alloc : memref<!tpu.dma_semaphore, #tpu.memory_space<semaphore_mem>>
            %dma_start3A = arith.constant 0 : i32
            %dma_start3A_540 = arith.constant 0 : i32
            %dma_start3A_541 = tpu.memref_slice %arg5[%dma_start3A, %dma_start3A_540] : memref<16896x128xf32, #tpu.memory_space<hbm>> -> memref<16896x128xf32, #tpu.memory_space<hbm>>
            tpu.enqueue_indirect_dma source(%arg10 : memref<16x128xf32, #tpu.memory_space<vmem>>) target(%dma_start3A_541 : memref<16896x128xf32, #tpu.memory_space<hbm>>) offsets(%get3A_537 : vector<16xi32>) semaphore(%run_scoped3A : memref<!tpu.dma_semaphore, #tpu.memory_space<semaphore_mem>>)
            %dma_wait3A_542 = arith.constant 0 : i32
            %dma_wait3A_543 = arith.constant 0 : i32
            %dma_wait3A_544 = tpu.memref_slice %arg5[%dma_wait3A_542, %dma_wait3A_543] : memref<16896x128xf32, #tpu.memory_space<hbm>> -> memref<16896x128xf32, #tpu.memory_space<hbm>>
            tpu.wait_indirect_dma semaphore(%run_scoped3A : memref<!tpu.dma_semaphore, #tpu.memory_space<semaphore_mem>>) src(%arg10 : memref<16x128xf32, #tpu.memory_space<vmem>>) dst(%dma_wait3A_544 : memref<16896x128xf32, #tpu.memory_space<hbm>>)
            tpu.yield
          }) : () -> ()
          %swap3A_538 = arith.constant 0 : index
          %swap3A_539 = tpu.vector_load %arg11[%swap3A_538] {strides = array<i32>} : memref<16xi32, #tpu.memory_space<vmem>>, vector<16xi32>,
          tpu.vector_store %arg11[%swap3A_538], %add3A_57 {strides = array<i32>} : memref<16xi32, #tpu.memory_space<vmem>>, vector<16xi32>,
        } else {
        }
        %eq3A_527 = arith.constant 15 : i32
        %eq3A_528 = arith.cmpi eq, %get3A_470, %eq3A_527 : i32
        %add3A_529 = arith.constant 1 : i32
        %add3A_530 = arith.addi %get3A_470, %add3A_529 : i32
        %jit3A_531 = arith.constant 0 : i32
        %select_n3A_532 = arith.select %eq3A_528, %jit3A_531, %add3A_530 : i32
        %swap3A_533 = arith.constant 0 : i32
        %swap3A_534 = arith.index_cast %swap3A_533 : i32 to index
        %swap3A_535 = memref.load %arg13[%swap3A_534] : memref<4xi32, #tpu.memory_space<smem>>
        memref.store %select_n3A_532, %arg13[%swap3A_534] : memref<4xi32, #tpu.memory_space<smem>>
      }
      %while3A_341 = arith.constant 1 : i32
      scf.for %while3A_456 = %while3A_339 to %while3A_335 step %while3A_341  : i32 {
        %mul3A_457 = arith.constant 64 : i32
        %mul3A_458 = arith.muli %sub3A_329, %mul3A_457 : i32
        %add3A_459 = arith.addi %mul3A_458, %while3A_456 : i32
        %get3A_460 = arith.index_cast %add3A_459 : i32 to index
        %get3A_461 = tpu.vector_load %arg9[%get3A_460] {strides = array<i32>} : memref<7952xi32, #tpu.memory_space<vmem>>, vector<16xi32>,
        %slice3A = vector.extract_strided_slice %get3A_461 {offsets = [0], sizes = [1], strides = [1]} : vector<16xi32> to vector<1xi32>
        %squeeze3A = vector.extract %slice3A[0] : i32 from vector<1xi32>
        %and3A_462 = arith.constant 16383 : i32
        %and3A_463 = arith.andi %squeeze3A, %and3A_462 : i32
        %shift_right_arithmetic3A = arith.constant 14 : i32
        %shift_right_arithmetic3A_464 = arith.shrsi %squeeze3A, %shift_right_arithmetic3A : i32
        %mul3A_465 = arith.constant 256 : i32
        %mul3A_466 = arith.muli %sub3A_329, %mul3A_465 : i32
        %sub3A_467 = arith.subi %shift_right_arithmetic3A_464, %mul3A_466 : i32
        %broadcast_in_dim3A = vector.broadcast %sub3A_467 : i32 to vector<16xi32>
        %get3A_468 = arith.constant 0 : i32
        %get3A_469 = arith.index_cast %get3A_468 : i32 to index
        %get3A_470 = memref.load %arg13[%get3A_469] : memref<4xi32, #tpu.memory_space<smem>>
        %add3A_471 = arith.constant 0 : i32
        %add3A_472 = vector.broadcast %add3A_471 : i32 to vector<16xi32>
        %add3A_473 = arith.addi %iota3A, %add3A_472 : vector<16xi32>
        %gather3A = arith.constant 0 : i32
        %gather3A_474 = arith.constant 0 : i32
        %gather3A_475 = tpu.memref_slice %arg7[%while3A_332, %gather3A, %gather3A_474] : memref<5x64x256xf32, #tpu.memory_space<vmem>> -> memref<1x64x256xf32, #tpu.memory_space<vmem>>
        %gather3A_476 = tpu.memref_squeeze %gather3A_475 : memref<1x64x256xf32, #tpu.memory_space<vmem>> -> memref<64x256xf32, #tpu.memory_space<vmem>>
        %gather3A_477 = tpu.vector_load_idx %gather3A_476[%add3A_473, %broadcast_in_dim3A] : memref<64x256xf32, #tpu.memory_space<vmem>>[vector<16xi32>, vector<16xi32>], vector<16xf32>,
        %swap3A_478 = arith.index_cast %get3A_470 : i32 to index
        %swap3A_479 = arith.constant 0 : index
        %swap3A_480 = tpu.vector_load %arg10[%swap3A_478, %swap3A_479] {strides = array<i32>} : memref<16x128xf32, #tpu.memory_space<vmem>>, vector<16xf32>,
        tpu.vector_store %arg10[%swap3A_478, %swap3A_479], %gather3A_477 {strides = array<i32>} : memref<16x128xf32, #tpu.memory_space<vmem>>, vector<16xf32>,
        %add3A_481 = arith.constant 16 : i32
        %add3A_482 = vector.broadcast %add3A_481 : i32 to vector<16xi32>
        %add3A_483 = arith.addi %iota3A, %add3A_482 : vector<16xi32>
        %gather3A_484 = arith.constant 0 : i32
        %gather3A_485 = arith.constant 0 : i32
        %gather3A_486 = tpu.memref_slice %arg7[%while3A_332, %gather3A_484, %gather3A_485] : memref<5x64x256xf32, #tpu.memory_space<vmem>> -> memref<1x64x256xf32, #tpu.memory_space<vmem>>
        %gather3A_487 = tpu.memref_squeeze %gather3A_486 : memref<1x64x256xf32, #tpu.memory_space<vmem>> -> memref<64x256xf32, #tpu.memory_space<vmem>>
        %gather3A_488 = tpu.vector_load_idx %gather3A_487[%add3A_483, %broadcast_in_dim3A] : memref<64x256xf32, #tpu.memory_space<vmem>>[vector<16xi32>, vector<16xi32>], vector<16xf32>,
        %swap3A_489 = arith.index_cast %get3A_470 : i32 to index
        %swap3A_490 = arith.constant 16 : index
        %swap3A_491 = tpu.vector_load %arg10[%swap3A_489, %swap3A_490] {strides = array<i32>} : memref<16x128xf32, #tpu.memory_space<vmem>>, vector<16xf32>,
        tpu.vector_store %arg10[%swap3A_489, %swap3A_490], %gather3A_488 {strides = array<i32>} : memref<16x128xf32, #tpu.memory_space<vmem>>, vector<16xf32>,
        %add3A_492 = arith.constant 32 : i32
        %add3A_493 = vector.broadcast %add3A_492 : i32 to vector<16xi32>
        %add3A_494 = arith.addi %iota3A, %add3A_493 : vector<16xi32>
        %gather3A_495 = arith.constant 0 : i32
        %gather3A_496 = arith.constant 0 : i32
        %gather3A_497 = tpu.memref_slice %arg7[%while3A_332, %gather3A_495, %gather3A_496] : memref<5x64x256xf32, #tpu.memory_space<vmem>> -> memref<1x64x256xf32, #tpu.memory_space<vmem>>
        %gather3A_498 = tpu.memref_squeeze %gather3A_497 : memref<1x64x256xf32, #tpu.memory_space<vmem>> -> memref<64x256xf32, #tpu.memory_space<vmem>>
        %gather3A_499 = tpu.vector_load_idx %gather3A_498[%add3A_494, %broadcast_in_dim3A] : memref<64x256xf32, #tpu.memory_space<vmem>>[vector<16xi32>, vector<16xi32>], vector<16xf32>,
        %swap3A_500 = arith.index_cast %get3A_470 : i32 to index
        %swap3A_501 = arith.constant 32 : index
        %swap3A_502 = tpu.vector_load %arg10[%swap3A_500, %swap3A_501] {strides = array<i32>} : memref<16x128xf32, #tpu.memory_space<vmem>>, vector<16xf32>,
        tpu.vector_store %arg10[%swap3A_500, %swap3A_501], %gather3A_499 {strides = array<i32>} : memref<16x128xf32, #tpu.memory_space<vmem>>, vector<16xf32>,
        %add3A_503 = arith.constant 48 : i32
        %add3A_504 = vector.broadcast %add3A_503 : i32 to vector<16xi32>
        %add3A_505 = arith.addi %iota3A, %add3A_504 : vector<16xi32>
        %gather3A_506 = arith.constant 0 : i32
        %gather3A_507 = arith.constant 0 : i32
        %gather3A_508 = tpu.memref_slice %arg7[%while3A_332, %gather3A_506, %gather3A_507] : memref<5x64x256xf32, #tpu.memory_space<vmem>> -> memref<1x64x256xf32, #tpu.memory_space<vmem>>
        %gather3A_509 = tpu.memref_squeeze %gather3A_508 : memref<1x64x256xf32, #tpu.memory_space<vmem>> -> memref<64x256xf32, #tpu.memory_space<vmem>>
        %gather3A_510 = tpu.vector_load_idx %gather3A_509[%add3A_505, %broadcast_in_dim3A] : memref<64x256xf32, #tpu.memory_space<vmem>>[vector<16xi32>, vector<16xi32>], vector<16xf32>,
        %swap3A_511 = arith.index_cast %get3A_470 : i32 to index
        %swap3A_512 = arith.constant 48 : index
        %swap3A_513 = tpu.vector_load %arg10[%swap3A_511, %swap3A_512] {strides = array<i32>} : memref<16x128xf32, #tpu.memory_space<vmem>>, vector<16xf32>,
        tpu.vector_store %arg10[%swap3A_511, %swap3A_512], %gather3A_510 {strides = array<i32>} : memref<16x128xf32, #tpu.memory_space<vmem>>, vector<16xf32>,
        %get3A_514 = arith.constant 0 : index
        %get3A_515 = tpu.vector_load %arg11[%get3A_514] {strides = array<i32>} : memref<16xi32, #tpu.memory_space<vmem>>, vector<16xi32>,
        %eq3A_516 = vector.broadcast %get3A_470 : i32 to vector<16xi32>
        %eq3A_517 = arith.cmpi eq, %iota3A, %eq3A_516 : vector<16xi32>
        %broadcast_in_dim3A_518 = vector.broadcast %and3A_463 : i32 to vector<16xi32>
        %select_n3A_519 = arith.select %eq3A_517, %broadcast_in_dim3A_518, %get3A_515 : vector<16xi1>, vector<16xi32>
        %swap3A_520 = arith.constant 0 : index
        %swap3A_521 = tpu.vector_load %arg11[%swap3A_520] {strides = array<i32>} : memref<16xi32, #tpu.memory_space<vmem>>, vector<16xi32>,
        tpu.vector_store %arg11[%swap3A_520], %select_n3A_519 {strides = array<i32>} : memref<16xi32, #tpu.memory_space<vmem>>, vector<16xi32>,
        %eq3A_522 = arith.constant 15 : i32
        %eq3A_523 = arith.cmpi eq, %get3A_470, %eq3A_522 : i32
        %convert_element_type3A_524 = arith.extui %eq3A_523 : i1 to i32
        %cond3A_525 = arith.constant 0 : i32
        %cond3A_526 = arith.cmpi ne, %convert_element_type3A_524, %cond3A_525 : i32
        scf.if %cond3A_526 {
          %get3A_536 = arith.constant 0 : index
          %get3A_537 = tpu.vector_load %arg11[%get3A_536] {strides = array<i32>} : memref<16xi32, #tpu.memory_space<vmem>>, vector<16xi32>,
          "tpu.region"() ({
            %run_scoped3A = tpu.sem_alloc : memref<!tpu.dma_semaphore, #tpu.memory_space<semaphore_mem>>
            %dma_start3A = arith.constant 0 : i32
            %dma_start3A_540 = arith.constant 0 : i32
            %dma_start3A_541 = tpu.memref_slice %arg5[%dma_start3A, %dma_start3A_540] : memref<16896x128xf32, #tpu.memory_space<hbm>> -> memref<16896x128xf32, #tpu.memory_space<hbm>>
            tpu.enqueue_indirect_dma source(%arg10 : memref<16x128xf32, #tpu.memory_space<vmem>>) target(%dma_start3A_541 : memref<16896x128xf32, #tpu.memory_space<hbm>>) offsets(%get3A_537 : vector<16xi32>) semaphore(%run_scoped3A : memref<!tpu.dma_semaphore, #tpu.memory_space<semaphore_mem>>)
            %dma_wait3A_542 = arith.constant 0 : i32
            %dma_wait3A_543 = arith.constant 0 : i32
            %dma_wait3A_544 = tpu.memref_slice %arg5[%dma_wait3A_542, %dma_wait3A_543] : memref<16896x128xf32, #tpu.memory_space<hbm>> -> memref<16896x128xf32, #tpu.memory_space<hbm>>
            tpu.wait_indirect_dma semaphore(%run_scoped3A : memref<!tpu.dma_semaphore, #tpu.memory_space<semaphore_mem>>) src(%arg10 : memref<16x128xf32, #tpu.memory_space<vmem>>) dst(%dma_wait3A_544 : memref<16896x128xf32, #tpu.memory_space<hbm>>)
            tpu.yield
          }) : () -> ()
          %swap3A_538 = arith.constant 0 : index
          %swap3A_539 = tpu.vector_load %arg11[%swap3A_538] {strides = array<i32>} : memref<16xi32, #tpu.memory_space<vmem>>, vector<16xi32>,
          tpu.vector_store %arg11[%swap3A_538], %add3A_57 {strides = array<i32>} : memref<16xi32, #tpu.memory_space<vmem>>, vector<16xi32>,
        } else {
        }
        %eq3A_527 = arith.constant 15 : i32
        %eq3A_528 = arith.cmpi eq, %get3A_470, %eq3A_527 : i32
        %add3A_529 = arith.constant 1 : i32
        %add3A_530 = arith.addi %get3A_470, %add3A_529 : i32
        %jit3A_531 = arith.constant 0 : i32
        %select_n3A_532 = arith.select %eq3A_528, %jit3A_531, %add3A_530 : i32
        %swap3A_533 = arith.constant 0 : i32
        %swap3A_534 = arith.index_cast %swap3A_533 : i32 to index
        %swap3A_535 = memref.load %arg13[%swap3A_534] : memref<4xi32, #tpu.memory_space<smem>>
        memref.store %select_n3A_532, %arg13[%swap3A_534] : memref<4xi32, #tpu.memory_space<smem>>
      }
      %add3A_342 = arith.constant 5 : i32
      %add3A_343 = arith.addi %add3A_313, %add3A_342 : i32
      %lt3A_344 = arith.cmpi slt, %add3A_343, %select_n3A_46 : i32
      %convert_element_type3A_345 = arith.extui %lt3A_344 : i1 to i32
      %cond3A_346 = arith.constant 0 : i32
      %cond3A_347 = arith.cmpi ne, %convert_element_type3A_345, %cond3A_346 : i32
      scf.if %cond3A_347 {
        %add3A_456 = arith.constant 5 : i32
        %add3A_457 = arith.addi %add3A_313, %add3A_456 : i32
        %mul3A_458 = arith.constant 256 : i32
        %mul3A_459 = arith.muli %add3A_457, %mul3A_458 : i32
        %dma_start3A = arith.constant 1 : i32
        %dma_start3A_460 = arith.constant 0 : i32
        %dma_start3A_461 = arith.constant 0 : i32
        %dma_start3A_462 = tpu.memref_slice %arg7[%dma_start3A, %dma_start3A_460, %dma_start3A_461] : memref<5x64x256xf32, #tpu.memory_space<vmem>> -> memref<1x64x256xf32, #tpu.memory_space<vmem>>
        %dma_start3A_463 = tpu.memref_squeeze %dma_start3A_462 : memref<1x64x256xf32, #tpu.memory_space<vmem>> -> memref<64x256xf32, #tpu.memory_space<vmem>>
        %dma_start3A_464 = arith.constant 0 : i32
        %dma_start3A_465 = tpu.memref_slice %arg3[%dma_start3A_464, %mul3A_459] : memref<64x1000001xf32, #tpu.memory_space<hbm>> -> memref<64x256xf32, #tpu.memory_space<hbm>>
        %dma_start3A_466 = arith.constant 0 : i32
        %dma_start3A_467 = arith.constant 0 : i32
        %dma_start3A_468 = tpu.memref_slice %arg7[%dma_start3A, %dma_start3A_466, %dma_start3A_467] : memref<5x64x256xf32, #tpu.memory_space<vmem>> -> memref<1x64x256xf32, #tpu.memory_space<vmem>>
        %dma_start3A_469 = tpu.memref_squeeze %dma_start3A_468 : memref<1x64x256xf32, #tpu.memory_space<vmem>> -> memref<64x256xf32, #tpu.memory_space<vmem>>
        %dma_start3A_470 = arith.constant 0 : i32
        %dma_start3A_471 = tpu.memref_slice %arg3[%dma_start3A_470, %mul3A_459] : memref<64x1000001xf32, #tpu.memory_space<hbm>> -> memref<64x256xf32, #tpu.memory_space<hbm>>
        tpu.enqueue_dma source(%dma_start3A_471 : memref<64x256xf32, #tpu.memory_space<hbm>>) target(%dma_start3A_469 : memref<64x256xf32, #tpu.memory_space<vmem>>) target_semaphore(%arg16 : memref<!tpu.dma_semaphore, #tpu.memory_space<semaphore_mem>>)
      } else {
      }
      %add3A_348 = arith.constant 2 : i32
      %add3A_349 = arith.addi %add3A_276, %add3A_348 : i32
      %mul3A_350 = arith.constant 256 : i32
      %mul3A_351 = arith.muli %add3A_349, %mul3A_350 : i32
      %dma_wait3A_352 = arith.constant 2 : i32
      %dma_wait3A_353 = arith.constant 0 : i32
      %dma_wait3A_354 = arith.constant 0 : i32
      %dma_wait3A_355 = tpu.memref_slice %arg7[%dma_wait3A_352, %dma_wait3A_353, %dma_wait3A_354] : memref<5x64x256xf32, #tpu.memory_space<vmem>> -> memref<1x64x256xf32, #tpu.memory_space<vmem>>
      %dma_wait3A_356 = tpu.memref_squeeze %dma_wait3A_355 : memref<1x64x256xf32, #tpu.memory_space<vmem>> -> memref<64x256xf32, #tpu.memory_space<vmem>>
      %dma_wait3A_357 = arith.constant 0 : i32
      %dma_wait3A_358 = tpu.memref_slice %arg3[%dma_wait3A_357, %mul3A_351] : memref<64x1000001xf32, #tpu.memory_space<hbm>> -> memref<64x256xf32, #tpu.memory_space<hbm>>
      %dma_wait3A_359 = arith.constant 0 : i32
      %dma_wait3A_360 = arith.constant 0 : i32
      %dma_wait3A_361 = tpu.memref_slice %arg7[%dma_wait3A_352, %dma_wait3A_359, %dma_wait3A_360] : memref<5x64x256xf32, #tpu.memory_space<vmem>> -> memref<1x64x256xf32, #tpu.memory_space<vmem>>
      %dma_wait3A_362 = tpu.memref_squeeze %dma_wait3A_361 : memref<1x64x256xf32, #tpu.memory_space<vmem>> -> memref<64x256xf32, #tpu.memory_space<vmem>>
      %dma_wait3A_363 = arith.constant 0 : i32
      %dma_wait3A_364 = tpu.memref_slice %arg3[%dma_wait3A_363, %mul3A_351] : memref<64x1000001xf32, #tpu.memory_space<hbm>> -> memref<64x256xf32, #tpu.memory_space<hbm>>
      tpu.wait_dma2 semaphore(%arg17 : memref<!tpu.dma_semaphore, #tpu.memory_space<semaphore_mem>>) src(%dma_wait3A_364 : memref<64x256xf32, #tpu.memory_space<hbm>>) dst(%dma_wait3A_362 : memref<64x256xf32, #tpu.memory_space<vmem>>)
      %sub3A_365 = arith.subi %add3A_349, %select_n3A : i32
      %get3A_366 = arith.index_cast %sub3A_365 : i32 to index
      %get3A_367 = memref.load %arg12[%get3A_366] : memref<124xi32, #tpu.memory_space<smem>>
      %while3A_368 = arith.constant 2 : i32
      %while3A_369 = arith.constant 0 : i32
      %while3A_370 = arith.subi %get3A_367, %while3A_369 : i32
      %while3A_371 = arith.addi %while3A_369, %while3A_370 : i32
      %while3A_372 = arith.constant 1 : i32
      %while3A_373 = arith.divsi %while3A_370, %while3A_372 : i32
      %while3A_374 = arith.muli %while3A_373, %while3A_372 : i32
      %while3A_375 = arith.addi %while3A_369, %while3A_374 : i32
      %while3A_376 = arith.constant 1 : i32
      scf.for %while3A_456 = %while3A_369 to %while3A_375 step %while3A_376  : i32 {
        %mul3A_457 = arith.constant 64 : i32
        %mul3A_458 = arith.muli %sub3A_365, %mul3A_457 : i32
        %add3A_459 = arith.addi %mul3A_458, %while3A_456 : i32
        %get3A_460 = arith.index_cast %add3A_459 : i32 to index
        %get3A_461 = tpu.vector_load %arg9[%get3A_460] {strides = array<i32>} : memref<7952xi32, #tpu.memory_space<vmem>>, vector<16xi32>,
        %slice3A = vector.extract_strided_slice %get3A_461 {offsets = [0], sizes = [1], strides = [1]} : vector<16xi32> to vector<1xi32>
        %squeeze3A = vector.extract %slice3A[0] : i32 from vector<1xi32>
        %and3A_462 = arith.constant 16383 : i32
        %and3A_463 = arith.andi %squeeze3A, %and3A_462 : i32
        %shift_right_arithmetic3A = arith.constant 14 : i32
        %shift_right_arithmetic3A_464 = arith.shrsi %squeeze3A, %shift_right_arithmetic3A : i32
        %mul3A_465 = arith.constant 256 : i32
        %mul3A_466 = arith.muli %sub3A_365, %mul3A_465 : i32
        %sub3A_467 = arith.subi %shift_right_arithmetic3A_464, %mul3A_466 : i32
        %broadcast_in_dim3A = vector.broadcast %sub3A_467 : i32 to vector<16xi32>
        %get3A_468 = arith.constant 0 : i32
        %get3A_469 = arith.index_cast %get3A_468 : i32 to index
        %get3A_470 = memref.load %arg13[%get3A_469] : memref<4xi32, #tpu.memory_space<smem>>
        %add3A_471 = arith.constant 0 : i32
        %add3A_472 = vector.broadcast %add3A_471 : i32 to vector<16xi32>
        %add3A_473 = arith.addi %iota3A, %add3A_472 : vector<16xi32>
        %gather3A = arith.constant 0 : i32
        %gather3A_474 = arith.constant 0 : i32
        %gather3A_475 = tpu.memref_slice %arg7[%while3A_368, %gather3A, %gather3A_474] : memref<5x64x256xf32, #tpu.memory_space<vmem>> -> memref<1x64x256xf32, #tpu.memory_space<vmem>>
        %gather3A_476 = tpu.memref_squeeze %gather3A_475 : memref<1x64x256xf32, #tpu.memory_space<vmem>> -> memref<64x256xf32, #tpu.memory_space<vmem>>
        %gather3A_477 = tpu.vector_load_idx %gather3A_476[%add3A_473, %broadcast_in_dim3A] : memref<64x256xf32, #tpu.memory_space<vmem>>[vector<16xi32>, vector<16xi32>], vector<16xf32>,
        %swap3A_478 = arith.index_cast %get3A_470 : i32 to index
        %swap3A_479 = arith.constant 0 : index
        %swap3A_480 = tpu.vector_load %arg10[%swap3A_478, %swap3A_479] {strides = array<i32>} : memref<16x128xf32, #tpu.memory_space<vmem>>, vector<16xf32>,
        tpu.vector_store %arg10[%swap3A_478, %swap3A_479], %gather3A_477 {strides = array<i32>} : memref<16x128xf32, #tpu.memory_space<vmem>>, vector<16xf32>,
        %add3A_481 = arith.constant 16 : i32
        %add3A_482 = vector.broadcast %add3A_481 : i32 to vector<16xi32>
        %add3A_483 = arith.addi %iota3A, %add3A_482 : vector<16xi32>
        %gather3A_484 = arith.constant 0 : i32
        %gather3A_485 = arith.constant 0 : i32
        %gather3A_486 = tpu.memref_slice %arg7[%while3A_368, %gather3A_484, %gather3A_485] : memref<5x64x256xf32, #tpu.memory_space<vmem>> -> memref<1x64x256xf32, #tpu.memory_space<vmem>>
        %gather3A_487 = tpu.memref_squeeze %gather3A_486 : memref<1x64x256xf32, #tpu.memory_space<vmem>> -> memref<64x256xf32, #tpu.memory_space<vmem>>
        %gather3A_488 = tpu.vector_load_idx %gather3A_487[%add3A_483, %broadcast_in_dim3A] : memref<64x256xf32, #tpu.memory_space<vmem>>[vector<16xi32>, vector<16xi32>], vector<16xf32>,
        %swap3A_489 = arith.index_cast %get3A_470 : i32 to index
        %swap3A_490 = arith.constant 16 : index
        %swap3A_491 = tpu.vector_load %arg10[%swap3A_489, %swap3A_490] {strides = array<i32>} : memref<16x128xf32, #tpu.memory_space<vmem>>, vector<16xf32>,
        tpu.vector_store %arg10[%swap3A_489, %swap3A_490], %gather3A_488 {strides = array<i32>} : memref<16x128xf32, #tpu.memory_space<vmem>>, vector<16xf32>,
        %add3A_492 = arith.constant 32 : i32
        %add3A_493 = vector.broadcast %add3A_492 : i32 to vector<16xi32>
        %add3A_494 = arith.addi %iota3A, %add3A_493 : vector<16xi32>
        %gather3A_495 = arith.constant 0 : i32
        %gather3A_496 = arith.constant 0 : i32
        %gather3A_497 = tpu.memref_slice %arg7[%while3A_368, %gather3A_495, %gather3A_496] : memref<5x64x256xf32, #tpu.memory_space<vmem>> -> memref<1x64x256xf32, #tpu.memory_space<vmem>>
        %gather3A_498 = tpu.memref_squeeze %gather3A_497 : memref<1x64x256xf32, #tpu.memory_space<vmem>> -> memref<64x256xf32, #tpu.memory_space<vmem>>
        %gather3A_499 = tpu.vector_load_idx %gather3A_498[%add3A_494, %broadcast_in_dim3A] : memref<64x256xf32, #tpu.memory_space<vmem>>[vector<16xi32>, vector<16xi32>], vector<16xf32>,
        %swap3A_500 = arith.index_cast %get3A_470 : i32 to index
        %swap3A_501 = arith.constant 32 : index
        %swap3A_502 = tpu.vector_load %arg10[%swap3A_500, %swap3A_501] {strides = array<i32>} : memref<16x128xf32, #tpu.memory_space<vmem>>, vector<16xf32>,
        tpu.vector_store %arg10[%swap3A_500, %swap3A_501], %gather3A_499 {strides = array<i32>} : memref<16x128xf32, #tpu.memory_space<vmem>>, vector<16xf32>,
        %add3A_503 = arith.constant 48 : i32
        %add3A_504 = vector.broadcast %add3A_503 : i32 to vector<16xi32>
        %add3A_505 = arith.addi %iota3A, %add3A_504 : vector<16xi32>
        %gather3A_506 = arith.constant 0 : i32
        %gather3A_507 = arith.constant 0 : i32
        %gather3A_508 = tpu.memref_slice %arg7[%while3A_368, %gather3A_506, %gather3A_507] : memref<5x64x256xf32, #tpu.memory_space<vmem>> -> memref<1x64x256xf32, #tpu.memory_space<vmem>>
        %gather3A_509 = tpu.memref_squeeze %gather3A_508 : memref<1x64x256xf32, #tpu.memory_space<vmem>> -> memref<64x256xf32, #tpu.memory_space<vmem>>
        %gather3A_510 = tpu.vector_load_idx %gather3A_509[%add3A_505, %broadcast_in_dim3A] : memref<64x256xf32, #tpu.memory_space<vmem>>[vector<16xi32>, vector<16xi32>], vector<16xf32>,
        %swap3A_511 = arith.index_cast %get3A_470 : i32 to index
        %swap3A_512 = arith.constant 48 : index
        %swap3A_513 = tpu.vector_load %arg10[%swap3A_511, %swap3A_512] {strides = array<i32>} : memref<16x128xf32, #tpu.memory_space<vmem>>, vector<16xf32>,
        tpu.vector_store %arg10[%swap3A_511, %swap3A_512], %gather3A_510 {strides = array<i32>} : memref<16x128xf32, #tpu.memory_space<vmem>>, vector<16xf32>,
        %get3A_514 = arith.constant 0 : index
        %get3A_515 = tpu.vector_load %arg11[%get3A_514] {strides = array<i32>} : memref<16xi32, #tpu.memory_space<vmem>>, vector<16xi32>,
        %eq3A_516 = vector.broadcast %get3A_470 : i32 to vector<16xi32>
        %eq3A_517 = arith.cmpi eq, %iota3A, %eq3A_516 : vector<16xi32>
        %broadcast_in_dim3A_518 = vector.broadcast %and3A_463 : i32 to vector<16xi32>
        %select_n3A_519 = arith.select %eq3A_517, %broadcast_in_dim3A_518, %get3A_515 : vector<16xi1>, vector<16xi32>
        %swap3A_520 = arith.constant 0 : index
        %swap3A_521 = tpu.vector_load %arg11[%swap3A_520] {strides = array<i32>} : memref<16xi32, #tpu.memory_space<vmem>>, vector<16xi32>,
        tpu.vector_store %arg11[%swap3A_520], %select_n3A_519 {strides = array<i32>} : memref<16xi32, #tpu.memory_space<vmem>>, vector<16xi32>,
        %eq3A_522 = arith.constant 15 : i32
        %eq3A_523 = arith.cmpi eq, %get3A_470, %eq3A_522 : i32
        %convert_element_type3A_524 = arith.extui %eq3A_523 : i1 to i32
        %cond3A_525 = arith.constant 0 : i32
        %cond3A_526 = arith.cmpi ne, %convert_element_type3A_524, %cond3A_525 : i32
        scf.if %cond3A_526 {
          %get3A_536 = arith.constant 0 : index
          %get3A_537 = tpu.vector_load %arg11[%get3A_536] {strides = array<i32>} : memref<16xi32, #tpu.memory_space<vmem>>, vector<16xi32>,
          "tpu.region"() ({
            %run_scoped3A = tpu.sem_alloc : memref<!tpu.dma_semaphore, #tpu.memory_space<semaphore_mem>>
            %dma_start3A = arith.constant 0 : i32
            %dma_start3A_540 = arith.constant 0 : i32
            %dma_start3A_541 = tpu.memref_slice %arg5[%dma_start3A, %dma_start3A_540] : memref<16896x128xf32, #tpu.memory_space<hbm>> -> memref<16896x128xf32, #tpu.memory_space<hbm>>
            tpu.enqueue_indirect_dma source(%arg10 : memref<16x128xf32, #tpu.memory_space<vmem>>) target(%dma_start3A_541 : memref<16896x128xf32, #tpu.memory_space<hbm>>) offsets(%get3A_537 : vector<16xi32>) semaphore(%run_scoped3A : memref<!tpu.dma_semaphore, #tpu.memory_space<semaphore_mem>>)
            %dma_wait3A_542 = arith.constant 0 : i32
            %dma_wait3A_543 = arith.constant 0 : i32
            %dma_wait3A_544 = tpu.memref_slice %arg5[%dma_wait3A_542, %dma_wait3A_543] : memref<16896x128xf32, #tpu.memory_space<hbm>> -> memref<16896x128xf32, #tpu.memory_space<hbm>>
            tpu.wait_indirect_dma semaphore(%run_scoped3A : memref<!tpu.dma_semaphore, #tpu.memory_space<semaphore_mem>>) src(%arg10 : memref<16x128xf32, #tpu.memory_space<vmem>>) dst(%dma_wait3A_544 : memref<16896x128xf32, #tpu.memory_space<hbm>>)
            tpu.yield
          }) : () -> ()
          %swap3A_538 = arith.constant 0 : index
          %swap3A_539 = tpu.vector_load %arg11[%swap3A_538] {strides = array<i32>} : memref<16xi32, #tpu.memory_space<vmem>>, vector<16xi32>,
          tpu.vector_store %arg11[%swap3A_538], %add3A_57 {strides = array<i32>} : memref<16xi32, #tpu.memory_space<vmem>>, vector<16xi32>,
        } else {
        }
        %eq3A_527 = arith.constant 15 : i32
        %eq3A_528 = arith.cmpi eq, %get3A_470, %eq3A_527 : i32
        %add3A_529 = arith.constant 1 : i32
        %add3A_530 = arith.addi %get3A_470, %add3A_529 : i32
        %jit3A_531 = arith.constant 0 : i32
        %select_n3A_532 = arith.select %eq3A_528, %jit3A_531, %add3A_530 : i32
        %swap3A_533 = arith.constant 0 : i32
        %swap3A_534 = arith.index_cast %swap3A_533 : i32 to index
        %swap3A_535 = memref.load %arg13[%swap3A_534] : memref<4xi32, #tpu.memory_space<smem>>
        memref.store %select_n3A_532, %arg13[%swap3A_534] : memref<4xi32, #tpu.memory_space<smem>>
      }
      %while3A_377 = arith.constant 1 : i32
      scf.for %while3A_456 = %while3A_375 to %while3A_371 step %while3A_377  : i32 {
        %mul3A_457 = arith.constant 64 : i32
        %mul3A_458 = arith.muli %sub3A_365, %mul3A_457 : i32
        %add3A_459 = arith.addi %mul3A_458, %while3A_456 : i32
        %get3A_460 = arith.index_cast %add3A_459 : i32 to index
        %get3A_461 = tpu.vector_load %arg9[%get3A_460] {strides = array<i32>} : memref<7952xi32, #tpu.memory_space<vmem>>, vector<16xi32>,
        %slice3A = vector.extract_strided_slice %get3A_461 {offsets = [0], sizes = [1], strides = [1]} : vector<16xi32> to vector<1xi32>
        %squeeze3A = vector.extract %slice3A[0] : i32 from vector<1xi32>
        %and3A_462 = arith.constant 16383 : i32
        %and3A_463 = arith.andi %squeeze3A, %and3A_462 : i32
        %shift_right_arithmetic3A = arith.constant 14 : i32
        %shift_right_arithmetic3A_464 = arith.shrsi %squeeze3A, %shift_right_arithmetic3A : i32
        %mul3A_465 = arith.constant 256 : i32
        %mul3A_466 = arith.muli %sub3A_365, %mul3A_465 : i32
        %sub3A_467 = arith.subi %shift_right_arithmetic3A_464, %mul3A_466 : i32
        %broadcast_in_dim3A = vector.broadcast %sub3A_467 : i32 to vector<16xi32>
        %get3A_468 = arith.constant 0 : i32
        %get3A_469 = arith.index_cast %get3A_468 : i32 to index
        %get3A_470 = memref.load %arg13[%get3A_469] : memref<4xi32, #tpu.memory_space<smem>>
        %add3A_471 = arith.constant 0 : i32
        %add3A_472 = vector.broadcast %add3A_471 : i32 to vector<16xi32>
        %add3A_473 = arith.addi %iota3A, %add3A_472 : vector<16xi32>
        %gather3A = arith.constant 0 : i32
        %gather3A_474 = arith.constant 0 : i32
        %gather3A_475 = tpu.memref_slice %arg7[%while3A_368, %gather3A, %gather3A_474] : memref<5x64x256xf32, #tpu.memory_space<vmem>> -> memref<1x64x256xf32, #tpu.memory_space<vmem>>
        %gather3A_476 = tpu.memref_squeeze %gather3A_475 : memref<1x64x256xf32, #tpu.memory_space<vmem>> -> memref<64x256xf32, #tpu.memory_space<vmem>>
        %gather3A_477 = tpu.vector_load_idx %gather3A_476[%add3A_473, %broadcast_in_dim3A] : memref<64x256xf32, #tpu.memory_space<vmem>>[vector<16xi32>, vector<16xi32>], vector<16xf32>,
        %swap3A_478 = arith.index_cast %get3A_470 : i32 to index
        %swap3A_479 = arith.constant 0 : index
        %swap3A_480 = tpu.vector_load %arg10[%swap3A_478, %swap3A_479] {strides = array<i32>} : memref<16x128xf32, #tpu.memory_space<vmem>>, vector<16xf32>,
        tpu.vector_store %arg10[%swap3A_478, %swap3A_479], %gather3A_477 {strides = array<i32>} : memref<16x128xf32, #tpu.memory_space<vmem>>, vector<16xf32>,
        %add3A_481 = arith.constant 16 : i32
        %add3A_482 = vector.broadcast %add3A_481 : i32 to vector<16xi32>
        %add3A_483 = arith.addi %iota3A, %add3A_482 : vector<16xi32>
        %gather3A_484 = arith.constant 0 : i32
        %gather3A_485 = arith.constant 0 : i32
        %gather3A_486 = tpu.memref_slice %arg7[%while3A_368, %gather3A_484, %gather3A_485] : memref<5x64x256xf32, #tpu.memory_space<vmem>> -> memref<1x64x256xf32, #tpu.memory_space<vmem>>
        %gather3A_487 = tpu.memref_squeeze %gather3A_486 : memref<1x64x256xf32, #tpu.memory_space<vmem>> -> memref<64x256xf32, #tpu.memory_space<vmem>>
        %gather3A_488 = tpu.vector_load_idx %gather3A_487[%add3A_483, %broadcast_in_dim3A] : memref<64x256xf32, #tpu.memory_space<vmem>>[vector<16xi32>, vector<16xi32>], vector<16xf32>,
        %swap3A_489 = arith.index_cast %get3A_470 : i32 to index
        %swap3A_490 = arith.constant 16 : index
        %swap3A_491 = tpu.vector_load %arg10[%swap3A_489, %swap3A_490] {strides = array<i32>} : memref<16x128xf32, #tpu.memory_space<vmem>>, vector<16xf32>,
        tpu.vector_store %arg10[%swap3A_489, %swap3A_490], %gather3A_488 {strides = array<i32>} : memref<16x128xf32, #tpu.memory_space<vmem>>, vector<16xf32>,
        %add3A_492 = arith.constant 32 : i32
        %add3A_493 = vector.broadcast %add3A_492 : i32 to vector<16xi32>
        %add3A_494 = arith.addi %iota3A, %add3A_493 : vector<16xi32>
        %gather3A_495 = arith.constant 0 : i32
        %gather3A_496 = arith.constant 0 : i32
        %gather3A_497 = tpu.memref_slice %arg7[%while3A_368, %gather3A_495, %gather3A_496] : memref<5x64x256xf32, #tpu.memory_space<vmem>> -> memref<1x64x256xf32, #tpu.memory_space<vmem>>
        %gather3A_498 = tpu.memref_squeeze %gather3A_497 : memref<1x64x256xf32, #tpu.memory_space<vmem>> -> memref<64x256xf32, #tpu.memory_space<vmem>>
        %gather3A_499 = tpu.vector_load_idx %gather3A_498[%add3A_494, %broadcast_in_dim3A] : memref<64x256xf32, #tpu.memory_space<vmem>>[vector<16xi32>, vector<16xi32>], vector<16xf32>,
        %swap3A_500 = arith.index_cast %get3A_470 : i32 to index
        %swap3A_501 = arith.constant 32 : index
        %swap3A_502 = tpu.vector_load %arg10[%swap3A_500, %swap3A_501] {strides = array<i32>} : memref<16x128xf32, #tpu.memory_space<vmem>>, vector<16xf32>,
        tpu.vector_store %arg10[%swap3A_500, %swap3A_501], %gather3A_499 {strides = array<i32>} : memref<16x128xf32, #tpu.memory_space<vmem>>, vector<16xf32>,
        %add3A_503 = arith.constant 48 : i32
        %add3A_504 = vector.broadcast %add3A_503 : i32 to vector<16xi32>
        %add3A_505 = arith.addi %iota3A, %add3A_504 : vector<16xi32>
        %gather3A_506 = arith.constant 0 : i32
        %gather3A_507 = arith.constant 0 : i32
        %gather3A_508 = tpu.memref_slice %arg7[%while3A_368, %gather3A_506, %gather3A_507] : memref<5x64x256xf32, #tpu.memory_space<vmem>> -> memref<1x64x256xf32, #tpu.memory_space<vmem>>
        %gather3A_509 = tpu.memref_squeeze %gather3A_508 : memref<1x64x256xf32, #tpu.memory_space<vmem>> -> memref<64x256xf32, #tpu.memory_space<vmem>>
        %gather3A_510 = tpu.vector_load_idx %gather3A_509[%add3A_505, %broadcast_in_dim3A] : memref<64x256xf32, #tpu.memory_space<vmem>>[vector<16xi32>, vector<16xi32>], vector<16xf32>,
        %swap3A_511 = arith.index_cast %get3A_470 : i32 to index
        %swap3A_512 = arith.constant 48 : index
        %swap3A_513 = tpu.vector_load %arg10[%swap3A_511, %swap3A_512] {strides = array<i32>} : memref<16x128xf32, #tpu.memory_space<vmem>>, vector<16xf32>,
        tpu.vector_store %arg10[%swap3A_511, %swap3A_512], %gather3A_510 {strides = array<i32>} : memref<16x128xf32, #tpu.memory_space<vmem>>, vector<16xf32>,
        %get3A_514 = arith.constant 0 : index
        %get3A_515 = tpu.vector_load %arg11[%get3A_514] {strides = array<i32>} : memref<16xi32, #tpu.memory_space<vmem>>, vector<16xi32>,
        %eq3A_516 = vector.broadcast %get3A_470 : i32 to vector<16xi32>
        %eq3A_517 = arith.cmpi eq, %iota3A, %eq3A_516 : vector<16xi32>
        %broadcast_in_dim3A_518 = vector.broadcast %and3A_463 : i32 to vector<16xi32>
        %select_n3A_519 = arith.select %eq3A_517, %broadcast_in_dim3A_518, %get3A_515 : vector<16xi1>, vector<16xi32>
        %swap3A_520 = arith.constant 0 : index
        %swap3A_521 = tpu.vector_load %arg11[%swap3A_520] {strides = array<i32>} : memref<16xi32, #tpu.memory_space<vmem>>, vector<16xi32>,
        tpu.vector_store %arg11[%swap3A_520], %select_n3A_519 {strides = array<i32>} : memref<16xi32, #tpu.memory_space<vmem>>, vector<16xi32>,
        %eq3A_522 = arith.constant 15 : i32
        %eq3A_523 = arith.cmpi eq, %get3A_470, %eq3A_522 : i32
        %convert_element_type3A_524 = arith.extui %eq3A_523 : i1 to i32
        %cond3A_525 = arith.constant 0 : i32
        %cond3A_526 = arith.cmpi ne, %convert_element_type3A_524, %cond3A_525 : i32
        scf.if %cond3A_526 {
          %get3A_536 = arith.constant 0 : index
          %get3A_537 = tpu.vector_load %arg11[%get3A_536] {strides = array<i32>} : memref<16xi32, #tpu.memory_space<vmem>>, vector<16xi32>,
          "tpu.region"() ({
            %run_scoped3A = tpu.sem_alloc : memref<!tpu.dma_semaphore, #tpu.memory_space<semaphore_mem>>
            %dma_start3A = arith.constant 0 : i32
            %dma_start3A_540 = arith.constant 0 : i32
            %dma_start3A_541 = tpu.memref_slice %arg5[%dma_start3A, %dma_start3A_540] : memref<16896x128xf32, #tpu.memory_space<hbm>> -> memref<16896x128xf32, #tpu.memory_space<hbm>>
            tpu.enqueue_indirect_dma source(%arg10 : memref<16x128xf32, #tpu.memory_space<vmem>>) target(%dma_start3A_541 : memref<16896x128xf32, #tpu.memory_space<hbm>>) offsets(%get3A_537 : vector<16xi32>) semaphore(%run_scoped3A : memref<!tpu.dma_semaphore, #tpu.memory_space<semaphore_mem>>)
            %dma_wait3A_542 = arith.constant 0 : i32
            %dma_wait3A_543 = arith.constant 0 : i32
            %dma_wait3A_544 = tpu.memref_slice %arg5[%dma_wait3A_542, %dma_wait3A_543] : memref<16896x128xf32, #tpu.memory_space<hbm>> -> memref<16896x128xf32, #tpu.memory_space<hbm>>
            tpu.wait_indirect_dma semaphore(%run_scoped3A : memref<!tpu.dma_semaphore, #tpu.memory_space<semaphore_mem>>) src(%arg10 : memref<16x128xf32, #tpu.memory_space<vmem>>) dst(%dma_wait3A_544 : memref<16896x128xf32, #tpu.memory_space<hbm>>)
            tpu.yield
          }) : () -> ()
          %swap3A_538 = arith.constant 0 : index
          %swap3A_539 = tpu.vector_load %arg11[%swap3A_538] {strides = array<i32>} : memref<16xi32, #tpu.memory_space<vmem>>, vector<16xi32>,
          tpu.vector_store %arg11[%swap3A_538], %add3A_57 {strides = array<i32>} : memref<16xi32, #tpu.memory_space<vmem>>, vector<16xi32>,
        } else {
        }
        %eq3A_527 = arith.constant 15 : i32
        %eq3A_528 = arith.cmpi eq, %get3A_470, %eq3A_527 : i32
        %add3A_529 = arith.constant 1 : i32
        %add3A_530 = arith.addi %get3A_470, %add3A_529 : i32
        %jit3A_531 = arith.constant 0 : i32
        %select_n3A_532 = arith.select %eq3A_528, %jit3A_531, %add3A_530 : i32
        %swap3A_533 = arith.constant 0 : i32
        %swap3A_534 = arith.index_cast %swap3A_533 : i32 to index
        %swap3A_535 = memref.load %arg13[%swap3A_534] : memref<4xi32, #tpu.memory_space<smem>>
        memref.store %select_n3A_532, %arg13[%swap3A_534] : memref<4xi32, #tpu.memory_space<smem>>
      }
      %add3A_378 = arith.constant 5 : i32
      %add3A_379 = arith.addi %add3A_349, %add3A_378 : i32
      %lt3A_380 = arith.cmpi slt, %add3A_379, %select_n3A_46 : i32
      %convert_element_type3A_381 = arith.extui %lt3A_380 : i1 to i32
      %cond3A_382 = arith.constant 0 : i32
      %cond3A_383 = arith.cmpi ne, %convert_element_type3A_381, %cond3A_382 : i32
      scf.if %cond3A_383 {
        %add3A_456 = arith.constant 5 : i32
        %add3A_457 = arith.addi %add3A_349, %add3A_456 : i32
        %mul3A_458 = arith.constant 256 : i32
        %mul3A_459 = arith.muli %add3A_457, %mul3A_458 : i32
        %dma_start3A = arith.constant 2 : i32
        %dma_start3A_460 = arith.constant 0 : i32
        %dma_start3A_461 = arith.constant 0 : i32
        %dma_start3A_462 = tpu.memref_slice %arg7[%dma_start3A, %dma_start3A_460, %dma_start3A_461] : memref<5x64x256xf32, #tpu.memory_space<vmem>> -> memref<1x64x256xf32, #tpu.memory_space<vmem>>
        %dma_start3A_463 = tpu.memref_squeeze %dma_start3A_462 : memref<1x64x256xf32, #tpu.memory_space<vmem>> -> memref<64x256xf32, #tpu.memory_space<vmem>>
        %dma_start3A_464 = arith.constant 0 : i32
        %dma_start3A_465 = tpu.memref_slice %arg3[%dma_start3A_464, %mul3A_459] : memref<64x1000001xf32, #tpu.memory_space<hbm>> -> memref<64x256xf32, #tpu.memory_space<hbm>>
        %dma_start3A_466 = arith.constant 0 : i32
        %dma_start3A_467 = arith.constant 0 : i32
        %dma_start3A_468 = tpu.memref_slice %arg7[%dma_start3A, %dma_start3A_466, %dma_start3A_467] : memref<5x64x256xf32, #tpu.memory_space<vmem>> -> memref<1x64x256xf32, #tpu.memory_space<vmem>>
        %dma_start3A_469 = tpu.memref_squeeze %dma_start3A_468 : memref<1x64x256xf32, #tpu.memory_space<vmem>> -> memref<64x256xf32, #tpu.memory_space<vmem>>
        %dma_start3A_470 = arith.constant 0 : i32
        %dma_start3A_471 = tpu.memref_slice %arg3[%dma_start3A_470, %mul3A_459] : memref<64x1000001xf32, #tpu.memory_space<hbm>> -> memref<64x256xf32, #tpu.memory_space<hbm>>
        tpu.enqueue_dma source(%dma_start3A_471 : memref<64x256xf32, #tpu.memory_space<hbm>>) target(%dma_start3A_469 : memref<64x256xf32, #tpu.memory_space<vmem>>) target_semaphore(%arg17 : memref<!tpu.dma_semaphore, #tpu.memory_space<semaphore_mem>>)
      } else {
      }
      %add3A_384 = arith.constant 3 : i32
      %add3A_385 = arith.addi %add3A_276, %add3A_384 : i32
      %mul3A_386 = arith.constant 256 : i32
      %mul3A_387 = arith.muli %add3A_385, %mul3A_386 : i32
      %dma_wait3A_388 = arith.constant 3 : i32
      %dma_wait3A_389 = arith.constant 0 : i32
      %dma_wait3A_390 = arith.constant 0 : i32
      %dma_wait3A_391 = tpu.memref_slice %arg7[%dma_wait3A_388, %dma_wait3A_389, %dma_wait3A_390] : memref<5x64x256xf32, #tpu.memory_space<vmem>> -> memref<1x64x256xf32, #tpu.memory_space<vmem>>
      %dma_wait3A_392 = tpu.memref_squeeze %dma_wait3A_391 : memref<1x64x256xf32, #tpu.memory_space<vmem>> -> memref<64x256xf32, #tpu.memory_space<vmem>>
      %dma_wait3A_393 = arith.constant 0 : i32
      %dma_wait3A_394 = tpu.memref_slice %arg3[%dma_wait3A_393, %mul3A_387] : memref<64x1000001xf32, #tpu.memory_space<hbm>> -> memref<64x256xf32, #tpu.memory_space<hbm>>
      %dma_wait3A_395 = arith.constant 0 : i32
      %dma_wait3A_396 = arith.constant 0 : i32
      %dma_wait3A_397 = tpu.memref_slice %arg7[%dma_wait3A_388, %dma_wait3A_395, %dma_wait3A_396] : memref<5x64x256xf32, #tpu.memory_space<vmem>> -> memref<1x64x256xf32, #tpu.memory_space<vmem>>
      %dma_wait3A_398 = tpu.memref_squeeze %dma_wait3A_397 : memref<1x64x256xf32, #tpu.memory_space<vmem>> -> memref<64x256xf32, #tpu.memory_space<vmem>>
      %dma_wait3A_399 = arith.constant 0 : i32
      %dma_wait3A_400 = tpu.memref_slice %arg3[%dma_wait3A_399, %mul3A_387] : memref<64x1000001xf32, #tpu.memory_space<hbm>> -> memref<64x256xf32, #tpu.memory_space<hbm>>
      tpu.wait_dma2 semaphore(%arg18 : memref<!tpu.dma_semaphore, #tpu.memory_space<semaphore_mem>>) src(%dma_wait3A_400 : memref<64x256xf32, #tpu.memory_space<hbm>>) dst(%dma_wait3A_398 : memref<64x256xf32, #tpu.memory_space<vmem>>)
      %sub3A_401 = arith.subi %add3A_385, %select_n3A : i32
      %get3A_402 = arith.index_cast %sub3A_401 : i32 to index
      %get3A_403 = memref.load %arg12[%get3A_402] : memref<124xi32, #tpu.memory_space<smem>>
      %while3A_404 = arith.constant 3 : i32
      %while3A_405 = arith.constant 0 : i32
      %while3A_406 = arith.subi %get3A_403, %while3A_405 : i32
      %while3A_407 = arith.addi %while3A_405, %while3A_406 : i32
      %while3A_408 = arith.constant 1 : i32
      %while3A_409 = arith.divsi %while3A_406, %while3A_408 : i32
      %while3A_410 = arith.muli %while3A_409, %while3A_408 : i32
      %while3A_411 = arith.addi %while3A_405, %while3A_410 : i32
      %while3A_412 = arith.constant 1 : i32
      scf.for %while3A_456 = %while3A_405 to %while3A_411 step %while3A_412  : i32 {
        %mul3A_457 = arith.constant 64 : i32
        %mul3A_458 = arith.muli %sub3A_401, %mul3A_457 : i32
        %add3A_459 = arith.addi %mul3A_458, %while3A_456 : i32
        %get3A_460 = arith.index_cast %add3A_459 : i32 to index
        %get3A_461 = tpu.vector_load %arg9[%get3A_460] {strides = array<i32>} : memref<7952xi32, #tpu.memory_space<vmem>>, vector<16xi32>,
        %slice3A = vector.extract_strided_slice %get3A_461 {offsets = [0], sizes = [1], strides = [1]} : vector<16xi32> to vector<1xi32>
        %squeeze3A = vector.extract %slice3A[0] : i32 from vector<1xi32>
        %and3A_462 = arith.constant 16383 : i32
        %and3A_463 = arith.andi %squeeze3A, %and3A_462 : i32
        %shift_right_arithmetic3A = arith.constant 14 : i32
        %shift_right_arithmetic3A_464 = arith.shrsi %squeeze3A, %shift_right_arithmetic3A : i32
        %mul3A_465 = arith.constant 256 : i32
        %mul3A_466 = arith.muli %sub3A_401, %mul3A_465 : i32
        %sub3A_467 = arith.subi %shift_right_arithmetic3A_464, %mul3A_466 : i32
        %broadcast_in_dim3A = vector.broadcast %sub3A_467 : i32 to vector<16xi32>
        %get3A_468 = arith.constant 0 : i32
        %get3A_469 = arith.index_cast %get3A_468 : i32 to index
        %get3A_470 = memref.load %arg13[%get3A_469] : memref<4xi32, #tpu.memory_space<smem>>
        %add3A_471 = arith.constant 0 : i32
        %add3A_472 = vector.broadcast %add3A_471 : i32 to vector<16xi32>
        %add3A_473 = arith.addi %iota3A, %add3A_472 : vector<16xi32>
        %gather3A = arith.constant 0 : i32
        %gather3A_474 = arith.constant 0 : i32
        %gather3A_475 = tpu.memref_slice %arg7[%while3A_404, %gather3A, %gather3A_474] : memref<5x64x256xf32, #tpu.memory_space<vmem>> -> memref<1x64x256xf32, #tpu.memory_space<vmem>>
        %gather3A_476 = tpu.memref_squeeze %gather3A_475 : memref<1x64x256xf32, #tpu.memory_space<vmem>> -> memref<64x256xf32, #tpu.memory_space<vmem>>
        %gather3A_477 = tpu.vector_load_idx %gather3A_476[%add3A_473, %broadcast_in_dim3A] : memref<64x256xf32, #tpu.memory_space<vmem>>[vector<16xi32>, vector<16xi32>], vector<16xf32>,
        %swap3A_478 = arith.index_cast %get3A_470 : i32 to index
        %swap3A_479 = arith.constant 0 : index
        %swap3A_480 = tpu.vector_load %arg10[%swap3A_478, %swap3A_479] {strides = array<i32>} : memref<16x128xf32, #tpu.memory_space<vmem>>, vector<16xf32>,
        tpu.vector_store %arg10[%swap3A_478, %swap3A_479], %gather3A_477 {strides = array<i32>} : memref<16x128xf32, #tpu.memory_space<vmem>>, vector<16xf32>,
        %add3A_481 = arith.constant 16 : i32
        %add3A_482 = vector.broadcast %add3A_481 : i32 to vector<16xi32>
        %add3A_483 = arith.addi %iota3A, %add3A_482 : vector<16xi32>
        %gather3A_484 = arith.constant 0 : i32
        %gather3A_485 = arith.constant 0 : i32
        %gather3A_486 = tpu.memref_slice %arg7[%while3A_404, %gather3A_484, %gather3A_485] : memref<5x64x256xf32, #tpu.memory_space<vmem>> -> memref<1x64x256xf32, #tpu.memory_space<vmem>>
        %gather3A_487 = tpu.memref_squeeze %gather3A_486 : memref<1x64x256xf32, #tpu.memory_space<vmem>> -> memref<64x256xf32, #tpu.memory_space<vmem>>
        %gather3A_488 = tpu.vector_load_idx %gather3A_487[%add3A_483, %broadcast_in_dim3A] : memref<64x256xf32, #tpu.memory_space<vmem>>[vector<16xi32>, vector<16xi32>], vector<16xf32>,
        %swap3A_489 = arith.index_cast %get3A_470 : i32 to index
        %swap3A_490 = arith.constant 16 : index
        %swap3A_491 = tpu.vector_load %arg10[%swap3A_489, %swap3A_490] {strides = array<i32>} : memref<16x128xf32, #tpu.memory_space<vmem>>, vector<16xf32>,
        tpu.vector_store %arg10[%swap3A_489, %swap3A_490], %gather3A_488 {strides = array<i32>} : memref<16x128xf32, #tpu.memory_space<vmem>>, vector<16xf32>,
        %add3A_492 = arith.constant 32 : i32
        %add3A_493 = vector.broadcast %add3A_492 : i32 to vector<16xi32>
        %add3A_494 = arith.addi %iota3A, %add3A_493 : vector<16xi32>
        %gather3A_495 = arith.constant 0 : i32
        %gather3A_496 = arith.constant 0 : i32
        %gather3A_497 = tpu.memref_slice %arg7[%while3A_404, %gather3A_495, %gather3A_496] : memref<5x64x256xf32, #tpu.memory_space<vmem>> -> memref<1x64x256xf32, #tpu.memory_space<vmem>>
        %gather3A_498 = tpu.memref_squeeze %gather3A_497 : memref<1x64x256xf32, #tpu.memory_space<vmem>> -> memref<64x256xf32, #tpu.memory_space<vmem>>
        %gather3A_499 = tpu.vector_load_idx %gather3A_498[%add3A_494, %broadcast_in_dim3A] : memref<64x256xf32, #tpu.memory_space<vmem>>[vector<16xi32>, vector<16xi32>], vector<16xf32>,
        %swap3A_500 = arith.index_cast %get3A_470 : i32 to index
        %swap3A_501 = arith.constant 32 : index
        %swap3A_502 = tpu.vector_load %arg10[%swap3A_500, %swap3A_501] {strides = array<i32>} : memref<16x128xf32, #tpu.memory_space<vmem>>, vector<16xf32>,
        tpu.vector_store %arg10[%swap3A_500, %swap3A_501], %gather3A_499 {strides = array<i32>} : memref<16x128xf32, #tpu.memory_space<vmem>>, vector<16xf32>,
        %add3A_503 = arith.constant 48 : i32
        %add3A_504 = vector.broadcast %add3A_503 : i32 to vector<16xi32>
        %add3A_505 = arith.addi %iota3A, %add3A_504 : vector<16xi32>
        %gather3A_506 = arith.constant 0 : i32
        %gather3A_507 = arith.constant 0 : i32
        %gather3A_508 = tpu.memref_slice %arg7[%while3A_404, %gather3A_506, %gather3A_507] : memref<5x64x256xf32, #tpu.memory_space<vmem>> -> memref<1x64x256xf32, #tpu.memory_space<vmem>>
        %gather3A_509 = tpu.memref_squeeze %gather3A_508 : memref<1x64x256xf32, #tpu.memory_space<vmem>> -> memref<64x256xf32, #tpu.memory_space<vmem>>
        %gather3A_510 = tpu.vector_load_idx %gather3A_509[%add3A_505, %broadcast_in_dim3A] : memref<64x256xf32, #tpu.memory_space<vmem>>[vector<16xi32>, vector<16xi32>], vector<16xf32>,
        %swap3A_511 = arith.index_cast %get3A_470 : i32 to index
        %swap3A_512 = arith.constant 48 : index
        %swap3A_513 = tpu.vector_load %arg10[%swap3A_511, %swap3A_512] {strides = array<i32>} : memref<16x128xf32, #tpu.memory_space<vmem>>, vector<16xf32>,
        tpu.vector_store %arg10[%swap3A_511, %swap3A_512], %gather3A_510 {strides = array<i32>} : memref<16x128xf32, #tpu.memory_space<vmem>>, vector<16xf32>,
        %get3A_514 = arith.constant 0 : index
        %get3A_515 = tpu.vector_load %arg11[%get3A_514] {strides = array<i32>} : memref<16xi32, #tpu.memory_space<vmem>>, vector<16xi32>,
        %eq3A_516 = vector.broadcast %get3A_470 : i32 to vector<16xi32>
        %eq3A_517 = arith.cmpi eq, %iota3A, %eq3A_516 : vector<16xi32>
        %broadcast_in_dim3A_518 = vector.broadcast %and3A_463 : i32 to vector<16xi32>
        %select_n3A_519 = arith.select %eq3A_517, %broadcast_in_dim3A_518, %get3A_515 : vector<16xi1>, vector<16xi32>
        %swap3A_520 = arith.constant 0 : index
        %swap3A_521 = tpu.vector_load %arg11[%swap3A_520] {strides = array<i32>} : memref<16xi32, #tpu.memory_space<vmem>>, vector<16xi32>,
        tpu.vector_store %arg11[%swap3A_520], %select_n3A_519 {strides = array<i32>} : memref<16xi32, #tpu.memory_space<vmem>>, vector<16xi32>,
        %eq3A_522 = arith.constant 15 : i32
        %eq3A_523 = arith.cmpi eq, %get3A_470, %eq3A_522 : i32
        %convert_element_type3A_524 = arith.extui %eq3A_523 : i1 to i32
        %cond3A_525 = arith.constant 0 : i32
        %cond3A_526 = arith.cmpi ne, %convert_element_type3A_524, %cond3A_525 : i32
        scf.if %cond3A_526 {
          %get3A_536 = arith.constant 0 : index
          %get3A_537 = tpu.vector_load %arg11[%get3A_536] {strides = array<i32>} : memref<16xi32, #tpu.memory_space<vmem>>, vector<16xi32>,
          "tpu.region"() ({
            %run_scoped3A = tpu.sem_alloc : memref<!tpu.dma_semaphore, #tpu.memory_space<semaphore_mem>>
            %dma_start3A = arith.constant 0 : i32
            %dma_start3A_540 = arith.constant 0 : i32
            %dma_start3A_541 = tpu.memref_slice %arg5[%dma_start3A, %dma_start3A_540] : memref<16896x128xf32, #tpu.memory_space<hbm>> -> memref<16896x128xf32, #tpu.memory_space<hbm>>
            tpu.enqueue_indirect_dma source(%arg10 : memref<16x128xf32, #tpu.memory_space<vmem>>) target(%dma_start3A_541 : memref<16896x128xf32, #tpu.memory_space<hbm>>) offsets(%get3A_537 : vector<16xi32>) semaphore(%run_scoped3A : memref<!tpu.dma_semaphore, #tpu.memory_space<semaphore_mem>>)
            %dma_wait3A_542 = arith.constant 0 : i32
            %dma_wait3A_543 = arith.constant 0 : i32
            %dma_wait3A_544 = tpu.memref_slice %arg5[%dma_wait3A_542, %dma_wait3A_543] : memref<16896x128xf32, #tpu.memory_space<hbm>> -> memref<16896x128xf32, #tpu.memory_space<hbm>>
            tpu.wait_indirect_dma semaphore(%run_scoped3A : memref<!tpu.dma_semaphore, #tpu.memory_space<semaphore_mem>>) src(%arg10 : memref<16x128xf32, #tpu.memory_space<vmem>>) dst(%dma_wait3A_544 : memref<16896x128xf32, #tpu.memory_space<hbm>>)
            tpu.yield
          }) : () -> ()
          %swap3A_538 = arith.constant 0 : index
          %swap3A_539 = tpu.vector_load %arg11[%swap3A_538] {strides = array<i32>} : memref<16xi32, #tpu.memory_space<vmem>>, vector<16xi32>,
          tpu.vector_store %arg11[%swap3A_538], %add3A_57 {strides = array<i32>} : memref<16xi32, #tpu.memory_space<vmem>>, vector<16xi32>,
        } else {
        }
        %eq3A_527 = arith.constant 15 : i32
        %eq3A_528 = arith.cmpi eq, %get3A_470, %eq3A_527 : i32
        %add3A_529 = arith.constant 1 : i32
        %add3A_530 = arith.addi %get3A_470, %add3A_529 : i32
        %jit3A_531 = arith.constant 0 : i32
        %select_n3A_532 = arith.select %eq3A_528, %jit3A_531, %add3A_530 : i32
        %swap3A_533 = arith.constant 0 : i32
        %swap3A_534 = arith.index_cast %swap3A_533 : i32 to index
        %swap3A_535 = memref.load %arg13[%swap3A_534] : memref<4xi32, #tpu.memory_space<smem>>
        memref.store %select_n3A_532, %arg13[%swap3A_534] : memref<4xi32, #tpu.memory_space<smem>>
      }
      %while3A_413 = arith.constant 1 : i32
      scf.for %while3A_456 = %while3A_411 to %while3A_407 step %while3A_413  : i32 {
        %mul3A_457 = arith.constant 64 : i32
        %mul3A_458 = arith.muli %sub3A_401, %mul3A_457 : i32
        %add3A_459 = arith.addi %mul3A_458, %while3A_456 : i32
        %get3A_460 = arith.index_cast %add3A_459 : i32 to index
        %get3A_461 = tpu.vector_load %arg9[%get3A_460] {strides = array<i32>} : memref<7952xi32, #tpu.memory_space<vmem>>, vector<16xi32>,
        %slice3A = vector.extract_strided_slice %get3A_461 {offsets = [0], sizes = [1], strides = [1]} : vector<16xi32> to vector<1xi32>
        %squeeze3A = vector.extract %slice3A[0] : i32 from vector<1xi32>
        %and3A_462 = arith.constant 16383 : i32
        %and3A_463 = arith.andi %squeeze3A, %and3A_462 : i32
        %shift_right_arithmetic3A = arith.constant 14 : i32
        %shift_right_arithmetic3A_464 = arith.shrsi %squeeze3A, %shift_right_arithmetic3A : i32
        %mul3A_465 = arith.constant 256 : i32
        %mul3A_466 = arith.muli %sub3A_401, %mul3A_465 : i32
        %sub3A_467 = arith.subi %shift_right_arithmetic3A_464, %mul3A_466 : i32
        %broadcast_in_dim3A = vector.broadcast %sub3A_467 : i32 to vector<16xi32>
        %get3A_468 = arith.constant 0 : i32
        %get3A_469 = arith.index_cast %get3A_468 : i32 to index
        %get3A_470 = memref.load %arg13[%get3A_469] : memref<4xi32, #tpu.memory_space<smem>>
        %add3A_471 = arith.constant 0 : i32
        %add3A_472 = vector.broadcast %add3A_471 : i32 to vector<16xi32>
        %add3A_473 = arith.addi %iota3A, %add3A_472 : vector<16xi32>
        %gather3A = arith.constant 0 : i32
        %gather3A_474 = arith.constant 0 : i32
        %gather3A_475 = tpu.memref_slice %arg7[%while3A_404, %gather3A, %gather3A_474] : memref<5x64x256xf32, #tpu.memory_space<vmem>> -> memref<1x64x256xf32, #tpu.memory_space<vmem>>
        %gather3A_476 = tpu.memref_squeeze %gather3A_475 : memref<1x64x256xf32, #tpu.memory_space<vmem>> -> memref<64x256xf32, #tpu.memory_space<vmem>>
        %gather3A_477 = tpu.vector_load_idx %gather3A_476[%add3A_473, %broadcast_in_dim3A] : memref<64x256xf32, #tpu.memory_space<vmem>>[vector<16xi32>, vector<16xi32>], vector<16xf32>,
        %swap3A_478 = arith.index_cast %get3A_470 : i32 to index
        %swap3A_479 = arith.constant 0 : index
        %swap3A_480 = tpu.vector_load %arg10[%swap3A_478, %swap3A_479] {strides = array<i32>} : memref<16x128xf32, #tpu.memory_space<vmem>>, vector<16xf32>,
        tpu.vector_store %arg10[%swap3A_478, %swap3A_479], %gather3A_477 {strides = array<i32>} : memref<16x128xf32, #tpu.memory_space<vmem>>, vector<16xf32>,
        %add3A_481 = arith.constant 16 : i32
        %add3A_482 = vector.broadcast %add3A_481 : i32 to vector<16xi32>
        %add3A_483 = arith.addi %iota3A, %add3A_482 : vector<16xi32>
        %gather3A_484 = arith.constant 0 : i32
        %gather3A_485 = arith.constant 0 : i32
        %gather3A_486 = tpu.memref_slice %arg7[%while3A_404, %gather3A_484, %gather3A_485] : memref<5x64x256xf32, #tpu.memory_space<vmem>> -> memref<1x64x256xf32, #tpu.memory_space<vmem>>
        %gather3A_487 = tpu.memref_squeeze %gather3A_486 : memref<1x64x256xf32, #tpu.memory_space<vmem>> -> memref<64x256xf32, #tpu.memory_space<vmem>>
        %gather3A_488 = tpu.vector_load_idx %gather3A_487[%add3A_483, %broadcast_in_dim3A] : memref<64x256xf32, #tpu.memory_space<vmem>>[vector<16xi32>, vector<16xi32>], vector<16xf32>,
        %swap3A_489 = arith.index_cast %get3A_470 : i32 to index
        %swap3A_490 = arith.constant 16 : index
        %swap3A_491 = tpu.vector_load %arg10[%swap3A_489, %swap3A_490] {strides = array<i32>} : memref<16x128xf32, #tpu.memory_space<vmem>>, vector<16xf32>,
        tpu.vector_store %arg10[%swap3A_489, %swap3A_490], %gather3A_488 {strides = array<i32>} : memref<16x128xf32, #tpu.memory_space<vmem>>, vector<16xf32>,
        %add3A_492 = arith.constant 32 : i32
        %add3A_493 = vector.broadcast %add3A_492 : i32 to vector<16xi32>
        %add3A_494 = arith.addi %iota3A, %add3A_493 : vector<16xi32>
        %gather3A_495 = arith.constant 0 : i32
        %gather3A_496 = arith.constant 0 : i32
        %gather3A_497 = tpu.memref_slice %arg7[%while3A_404, %gather3A_495, %gather3A_496] : memref<5x64x256xf32, #tpu.memory_space<vmem>> -> memref<1x64x256xf32, #tpu.memory_space<vmem>>
        %gather3A_498 = tpu.memref_squeeze %gather3A_497 : memref<1x64x256xf32, #tpu.memory_space<vmem>> -> memref<64x256xf32, #tpu.memory_space<vmem>>
        %gather3A_499 = tpu.vector_load_idx %gather3A_498[%add3A_494, %broadcast_in_dim3A] : memref<64x256xf32, #tpu.memory_space<vmem>>[vector<16xi32>, vector<16xi32>], vector<16xf32>,
        %swap3A_500 = arith.index_cast %get3A_470 : i32 to index
        %swap3A_501 = arith.constant 32 : index
        %swap3A_502 = tpu.vector_load %arg10[%swap3A_500, %swap3A_501] {strides = array<i32>} : memref<16x128xf32, #tpu.memory_space<vmem>>, vector<16xf32>,
        tpu.vector_store %arg10[%swap3A_500, %swap3A_501], %gather3A_499 {strides = array<i32>} : memref<16x128xf32, #tpu.memory_space<vmem>>, vector<16xf32>,
        %add3A_503 = arith.constant 48 : i32
        %add3A_504 = vector.broadcast %add3A_503 : i32 to vector<16xi32>
        %add3A_505 = arith.addi %iota3A, %add3A_504 : vector<16xi32>
        %gather3A_506 = arith.constant 0 : i32
        %gather3A_507 = arith.constant 0 : i32
        %gather3A_508 = tpu.memref_slice %arg7[%while3A_404, %gather3A_506, %gather3A_507] : memref<5x64x256xf32, #tpu.memory_space<vmem>> -> memref<1x64x256xf32, #tpu.memory_space<vmem>>
        %gather3A_509 = tpu.memref_squeeze %gather3A_508 : memref<1x64x256xf32, #tpu.memory_space<vmem>> -> memref<64x256xf32, #tpu.memory_space<vmem>>
        %gather3A_510 = tpu.vector_load_idx %gather3A_509[%add3A_505, %broadcast_in_dim3A] : memref<64x256xf32, #tpu.memory_space<vmem>>[vector<16xi32>, vector<16xi32>], vector<16xf32>,
        %swap3A_511 = arith.index_cast %get3A_470 : i32 to index
        %swap3A_512 = arith.constant 48 : index
        %swap3A_513 = tpu.vector_load %arg10[%swap3A_511, %swap3A_512] {strides = array<i32>} : memref<16x128xf32, #tpu.memory_space<vmem>>, vector<16xf32>,
        tpu.vector_store %arg10[%swap3A_511, %swap3A_512], %gather3A_510 {strides = array<i32>} : memref<16x128xf32, #tpu.memory_space<vmem>>, vector<16xf32>,
        %get3A_514 = arith.constant 0 : index
        %get3A_515 = tpu.vector_load %arg11[%get3A_514] {strides = array<i32>} : memref<16xi32, #tpu.memory_space<vmem>>, vector<16xi32>,
        %eq3A_516 = vector.broadcast %get3A_470 : i32 to vector<16xi32>
        %eq3A_517 = arith.cmpi eq, %iota3A, %eq3A_516 : vector<16xi32>
        %broadcast_in_dim3A_518 = vector.broadcast %and3A_463 : i32 to vector<16xi32>
        %select_n3A_519 = arith.select %eq3A_517, %broadcast_in_dim3A_518, %get3A_515 : vector<16xi1>, vector<16xi32>
        %swap3A_520 = arith.constant 0 : index
        %swap3A_521 = tpu.vector_load %arg11[%swap3A_520] {strides = array<i32>} : memref<16xi32, #tpu.memory_space<vmem>>, vector<16xi32>,
        tpu.vector_store %arg11[%swap3A_520], %select_n3A_519 {strides = array<i32>} : memref<16xi32, #tpu.memory_space<vmem>>, vector<16xi32>,
        %eq3A_522 = arith.constant 15 : i32
        %eq3A_523 = arith.cmpi eq, %get3A_470, %eq3A_522 : i32
        %convert_element_type3A_524 = arith.extui %eq3A_523 : i1 to i32
        %cond3A_525 = arith.constant 0 : i32
        %cond3A_526 = arith.cmpi ne, %convert_element_type3A_524, %cond3A_525 : i32
        scf.if %cond3A_526 {
          %get3A_536 = arith.constant 0 : index
          %get3A_537 = tpu.vector_load %arg11[%get3A_536] {strides = array<i32>} : memref<16xi32, #tpu.memory_space<vmem>>, vector<16xi32>,
          "tpu.region"() ({
            %run_scoped3A = tpu.sem_alloc : memref<!tpu.dma_semaphore, #tpu.memory_space<semaphore_mem>>
            %dma_start3A = arith.constant 0 : i32
            %dma_start3A_540 = arith.constant 0 : i32
            %dma_start3A_541 = tpu.memref_slice %arg5[%dma_start3A, %dma_start3A_540] : memref<16896x128xf32, #tpu.memory_space<hbm>> -> memref<16896x128xf32, #tpu.memory_space<hbm>>
            tpu.enqueue_indirect_dma source(%arg10 : memref<16x128xf32, #tpu.memory_space<vmem>>) target(%dma_start3A_541 : memref<16896x128xf32, #tpu.memory_space<hbm>>) offsets(%get3A_537 : vector<16xi32>) semaphore(%run_scoped3A : memref<!tpu.dma_semaphore, #tpu.memory_space<semaphore_mem>>)
            %dma_wait3A_542 = arith.constant 0 : i32
            %dma_wait3A_543 = arith.constant 0 : i32
            %dma_wait3A_544 = tpu.memref_slice %arg5[%dma_wait3A_542, %dma_wait3A_543] : memref<16896x128xf32, #tpu.memory_space<hbm>> -> memref<16896x128xf32, #tpu.memory_space<hbm>>
            tpu.wait_indirect_dma semaphore(%run_scoped3A : memref<!tpu.dma_semaphore, #tpu.memory_space<semaphore_mem>>) src(%arg10 : memref<16x128xf32, #tpu.memory_space<vmem>>) dst(%dma_wait3A_544 : memref<16896x128xf32, #tpu.memory_space<hbm>>)
            tpu.yield
          }) : () -> ()
          %swap3A_538 = arith.constant 0 : index
          %swap3A_539 = tpu.vector_load %arg11[%swap3A_538] {strides = array<i32>} : memref<16xi32, #tpu.memory_space<vmem>>, vector<16xi32>,
          tpu.vector_store %arg11[%swap3A_538], %add3A_57 {strides = array<i32>} : memref<16xi32, #tpu.memory_space<vmem>>, vector<16xi32>,
        } else {
        }
        %eq3A_527 = arith.constant 15 : i32
        %eq3A_528 = arith.cmpi eq, %get3A_470, %eq3A_527 : i32
        %add3A_529 = arith.constant 1 : i32
        %add3A_530 = arith.addi %get3A_470, %add3A_529 : i32
        %jit3A_531 = arith.constant 0 : i32
        %select_n3A_532 = arith.select %eq3A_528, %jit3A_531, %add3A_530 : i32
        %swap3A_533 = arith.constant 0 : i32
        %swap3A_534 = arith.index_cast %swap3A_533 : i32 to index
        %swap3A_535 = memref.load %arg13[%swap3A_534] : memref<4xi32, #tpu.memory_space<smem>>
        memref.store %select_n3A_532, %arg13[%swap3A_534] : memref<4xi32, #tpu.memory_space<smem>>
      }
      %add3A_414 = arith.constant 5 : i32
      %add3A_415 = arith.addi %add3A_385, %add3A_414 : i32
      %lt3A_416 = arith.cmpi slt, %add3A_415, %select_n3A_46 : i32
      %convert_element_type3A_417 = arith.extui %lt3A_416 : i1 to i32
      %cond3A_418 = arith.constant 0 : i32
      %cond3A_419 = arith.cmpi ne, %convert_element_type3A_417, %cond3A_418 : i32
      scf.if %cond3A_419 {
        %add3A_456 = arith.constant 5 : i32
        %add3A_457 = arith.addi %add3A_385, %add3A_456 : i32
        %mul3A_458 = arith.constant 256 : i32
        %mul3A_459 = arith.muli %add3A_457, %mul3A_458 : i32
        %dma_start3A = arith.constant 3 : i32
        %dma_start3A_460 = arith.constant 0 : i32
        %dma_start3A_461 = arith.constant 0 : i32
        %dma_start3A_462 = tpu.memref_slice %arg7[%dma_start3A, %dma_start3A_460, %dma_start3A_461] : memref<5x64x256xf32, #tpu.memory_space<vmem>> -> memref<1x64x256xf32, #tpu.memory_space<vmem>>
        %dma_start3A_463 = tpu.memref_squeeze %dma_start3A_462 : memref<1x64x256xf32, #tpu.memory_space<vmem>> -> memref<64x256xf32, #tpu.memory_space<vmem>>
        %dma_start3A_464 = arith.constant 0 : i32
        %dma_start3A_465 = tpu.memref_slice %arg3[%dma_start3A_464, %mul3A_459] : memref<64x1000001xf32, #tpu.memory_space<hbm>> -> memref<64x256xf32, #tpu.memory_space<hbm>>
        %dma_start3A_466 = arith.constant 0 : i32
        %dma_start3A_467 = arith.constant 0 : i32
        %dma_start3A_468 = tpu.memref_slice %arg7[%dma_start3A, %dma_start3A_466, %dma_start3A_467] : memref<5x64x256xf32, #tpu.memory_space<vmem>> -> memref<1x64x256xf32, #tpu.memory_space<vmem>>
        %dma_start3A_469 = tpu.memref_squeeze %dma_start3A_468 : memref<1x64x256xf32, #tpu.memory_space<vmem>> -> memref<64x256xf32, #tpu.memory_space<vmem>>
        %dma_start3A_470 = arith.constant 0 : i32
        %dma_start3A_471 = tpu.memref_slice %arg3[%dma_start3A_470, %mul3A_459] : memref<64x1000001xf32, #tpu.memory_space<hbm>> -> memref<64x256xf32, #tpu.memory_space<hbm>>
        tpu.enqueue_dma source(%dma_start3A_471 : memref<64x256xf32, #tpu.memory_space<hbm>>) target(%dma_start3A_469 : memref<64x256xf32, #tpu.memory_space<vmem>>) target_semaphore(%arg18 : memref<!tpu.dma_semaphore, #tpu.memory_space<semaphore_mem>>)
      } else {
      }
      %add3A_420 = arith.constant 4 : i32
      %add3A_421 = arith.addi %add3A_276, %add3A_420 : i32
      %mul3A_422 = arith.constant 256 : i32
      %mul3A_423 = arith.muli %add3A_421, %mul3A_422 : i32
      %dma_wait3A_424 = arith.constant 4 : i32
      %dma_wait3A_425 = arith.constant 0 : i32
      %dma_wait3A_426 = arith.constant 0 : i32
      %dma_wait3A_427 = tpu.memref_slice %arg7[%dma_wait3A_424, %dma_wait3A_425, %dma_wait3A_426] : memref<5x64x256xf32, #tpu.memory_space<vmem>> -> memref<1x64x256xf32, #tpu.memory_space<vmem>>
      %dma_wait3A_428 = tpu.memref_squeeze %dma_wait3A_427 : memref<1x64x256xf32, #tpu.memory_space<vmem>> -> memref<64x256xf32, #tpu.memory_space<vmem>>
      %dma_wait3A_429 = arith.constant 0 : i32
      %dma_wait3A_430 = tpu.memref_slice %arg3[%dma_wait3A_429, %mul3A_423] : memref<64x1000001xf32, #tpu.memory_space<hbm>> -> memref<64x256xf32, #tpu.memory_space<hbm>>
      %dma_wait3A_431 = arith.constant 0 : i32
      %dma_wait3A_432 = arith.constant 0 : i32
      %dma_wait3A_433 = tpu.memref_slice %arg7[%dma_wait3A_424, %dma_wait3A_431, %dma_wait3A_432] : memref<5x64x256xf32, #tpu.memory_space<vmem>> -> memref<1x64x256xf32, #tpu.memory_space<vmem>>
      %dma_wait3A_434 = tpu.memref_squeeze %dma_wait3A_433 : memref<1x64x256xf32, #tpu.memory_space<vmem>> -> memref<64x256xf32, #tpu.memory_space<vmem>>
      %dma_wait3A_435 = arith.constant 0 : i32
      %dma_wait3A_436 = tpu.memref_slice %arg3[%dma_wait3A_435, %mul3A_423] : memref<64x1000001xf32, #tpu.memory_space<hbm>> -> memref<64x256xf32, #tpu.memory_space<hbm>>
      tpu.wait_dma2 semaphore(%arg19 : memref<!tpu.dma_semaphore, #tpu.memory_space<semaphore_mem>>) src(%dma_wait3A_436 : memref<64x256xf32, #tpu.memory_space<hbm>>) dst(%dma_wait3A_434 : memref<64x256xf32, #tpu.memory_space<vmem>>)
      %sub3A_437 = arith.subi %add3A_421, %select_n3A : i32
      %get3A_438 = arith.index_cast %sub3A_437 : i32 to index
      %get3A_439 = memref.load %arg12[%get3A_438] : memref<124xi32, #tpu.memory_space<smem>>
      %while3A_440 = arith.constant 4 : i32
      %while3A_441 = arith.constant 0 : i32
      %while3A_442 = arith.subi %get3A_439, %while3A_441 : i32
      %while3A_443 = arith.addi %while3A_441, %while3A_442 : i32
      %while3A_444 = arith.constant 1 : i32
      %while3A_445 = arith.divsi %while3A_442, %while3A_444 : i32
      %while3A_446 = arith.muli %while3A_445, %while3A_444 : i32
      %while3A_447 = arith.addi %while3A_441, %while3A_446 : i32
      %while3A_448 = arith.constant 1 : i32
      scf.for %while3A_456 = %while3A_441 to %while3A_447 step %while3A_448  : i32 {
        %mul3A_457 = arith.constant 64 : i32
        %mul3A_458 = arith.muli %sub3A_437, %mul3A_457 : i32
        %add3A_459 = arith.addi %mul3A_458, %while3A_456 : i32
        %get3A_460 = arith.index_cast %add3A_459 : i32 to index
        %get3A_461 = tpu.vector_load %arg9[%get3A_460] {strides = array<i32>} : memref<7952xi32, #tpu.memory_space<vmem>>, vector<16xi32>,
        %slice3A = vector.extract_strided_slice %get3A_461 {offsets = [0], sizes = [1], strides = [1]} : vector<16xi32> to vector<1xi32>
        %squeeze3A = vector.extract %slice3A[0] : i32 from vector<1xi32>
        %and3A_462 = arith.constant 16383 : i32
        %and3A_463 = arith.andi %squeeze3A, %and3A_462 : i32
        %shift_right_arithmetic3A = arith.constant 14 : i32
        %shift_right_arithmetic3A_464 = arith.shrsi %squeeze3A, %shift_right_arithmetic3A : i32
        %mul3A_465 = arith.constant 256 : i32
        %mul3A_466 = arith.muli %sub3A_437, %mul3A_465 : i32
        %sub3A_467 = arith.subi %shift_right_arithmetic3A_464, %mul3A_466 : i32
        %broadcast_in_dim3A = vector.broadcast %sub3A_467 : i32 to vector<16xi32>
        %get3A_468 = arith.constant 0 : i32
        %get3A_469 = arith.index_cast %get3A_468 : i32 to index
        %get3A_470 = memref.load %arg13[%get3A_469] : memref<4xi32, #tpu.memory_space<smem>>
        %add3A_471 = arith.constant 0 : i32
        %add3A_472 = vector.broadcast %add3A_471 : i32 to vector<16xi32>
        %add3A_473 = arith.addi %iota3A, %add3A_472 : vector<16xi32>
        %gather3A = arith.constant 0 : i32
        %gather3A_474 = arith.constant 0 : i32
        %gather3A_475 = tpu.memref_slice %arg7[%while3A_440, %gather3A, %gather3A_474] : memref<5x64x256xf32, #tpu.memory_space<vmem>> -> memref<1x64x256xf32, #tpu.memory_space<vmem>>
        %gather3A_476 = tpu.memref_squeeze %gather3A_475 : memref<1x64x256xf32, #tpu.memory_space<vmem>> -> memref<64x256xf32, #tpu.memory_space<vmem>>
        %gather3A_477 = tpu.vector_load_idx %gather3A_476[%add3A_473, %broadcast_in_dim3A] : memref<64x256xf32, #tpu.memory_space<vmem>>[vector<16xi32>, vector<16xi32>], vector<16xf32>,
        %swap3A_478 = arith.index_cast %get3A_470 : i32 to index
        %swap3A_479 = arith.constant 0 : index
        %swap3A_480 = tpu.vector_load %arg10[%swap3A_478, %swap3A_479] {strides = array<i32>} : memref<16x128xf32, #tpu.memory_space<vmem>>, vector<16xf32>,
        tpu.vector_store %arg10[%swap3A_478, %swap3A_479], %gather3A_477 {strides = array<i32>} : memref<16x128xf32, #tpu.memory_space<vmem>>, vector<16xf32>,
        %add3A_481 = arith.constant 16 : i32
        %add3A_482 = vector.broadcast %add3A_481 : i32 to vector<16xi32>
        %add3A_483 = arith.addi %iota3A, %add3A_482 : vector<16xi32>
        %gather3A_484 = arith.constant 0 : i32
        %gather3A_485 = arith.constant 0 : i32
        %gather3A_486 = tpu.memref_slice %arg7[%while3A_440, %gather3A_484, %gather3A_485] : memref<5x64x256xf32, #tpu.memory_space<vmem>> -> memref<1x64x256xf32, #tpu.memory_space<vmem>>
        %gather3A_487 = tpu.memref_squeeze %gather3A_486 : memref<1x64x256xf32, #tpu.memory_space<vmem>> -> memref<64x256xf32, #tpu.memory_space<vmem>>
        %gather3A_488 = tpu.vector_load_idx %gather3A_487[%add3A_483, %broadcast_in_dim3A] : memref<64x256xf32, #tpu.memory_space<vmem>>[vector<16xi32>, vector<16xi32>], vector<16xf32>,
        %swap3A_489 = arith.index_cast %get3A_470 : i32 to index
        %swap3A_490 = arith.constant 16 : index
        %swap3A_491 = tpu.vector_load %arg10[%swap3A_489, %swap3A_490] {strides = array<i32>} : memref<16x128xf32, #tpu.memory_space<vmem>>, vector<16xf32>,
        tpu.vector_store %arg10[%swap3A_489, %swap3A_490], %gather3A_488 {strides = array<i32>} : memref<16x128xf32, #tpu.memory_space<vmem>>, vector<16xf32>,
        %add3A_492 = arith.constant 32 : i32
        %add3A_493 = vector.broadcast %add3A_492 : i32 to vector<16xi32>
        %add3A_494 = arith.addi %iota3A, %add3A_493 : vector<16xi32>
        %gather3A_495 = arith.constant 0 : i32
        %gather3A_496 = arith.constant 0 : i32
        %gather3A_497 = tpu.memref_slice %arg7[%while3A_440, %gather3A_495, %gather3A_496] : memref<5x64x256xf32, #tpu.memory_space<vmem>> -> memref<1x64x256xf32, #tpu.memory_space<vmem>>
        %gather3A_498 = tpu.memref_squeeze %gather3A_497 : memref<1x64x256xf32, #tpu.memory_space<vmem>> -> memref<64x256xf32, #tpu.memory_space<vmem>>
        %gather3A_499 = tpu.vector_load_idx %gather3A_498[%add3A_494, %broadcast_in_dim3A] : memref<64x256xf32, #tpu.memory_space<vmem>>[vector<16xi32>, vector<16xi32>], vector<16xf32>,
        %swap3A_500 = arith.index_cast %get3A_470 : i32 to index
        %swap3A_501 = arith.constant 32 : index
        %swap3A_502 = tpu.vector_load %arg10[%swap3A_500, %swap3A_501] {strides = array<i32>} : memref<16x128xf32, #tpu.memory_space<vmem>>, vector<16xf32>,
        tpu.vector_store %arg10[%swap3A_500, %swap3A_501], %gather3A_499 {strides = array<i32>} : memref<16x128xf32, #tpu.memory_space<vmem>>, vector<16xf32>,
        %add3A_503 = arith.constant 48 : i32
        %add3A_504 = vector.broadcast %add3A_503 : i32 to vector<16xi32>
        %add3A_505 = arith.addi %iota3A, %add3A_504 : vector<16xi32>
        %gather3A_506 = arith.constant 0 : i32
        %gather3A_507 = arith.constant 0 : i32
        %gather3A_508 = tpu.memref_slice %arg7[%while3A_440, %gather3A_506, %gather3A_507] : memref<5x64x256xf32, #tpu.memory_space<vmem>> -> memref<1x64x256xf32, #tpu.memory_space<vmem>>
        %gather3A_509 = tpu.memref_squeeze %gather3A_508 : memref<1x64x256xf32, #tpu.memory_space<vmem>> -> memref<64x256xf32, #tpu.memory_space<vmem>>
        %gather3A_510 = tpu.vector_load_idx %gather3A_509[%add3A_505, %broadcast_in_dim3A] : memref<64x256xf32, #tpu.memory_space<vmem>>[vector<16xi32>, vector<16xi32>], vector<16xf32>,
        %swap3A_511 = arith.index_cast %get3A_470 : i32 to index
        %swap3A_512 = arith.constant 48 : index
        %swap3A_513 = tpu.vector_load %arg10[%swap3A_511, %swap3A_512] {strides = array<i32>} : memref<16x128xf32, #tpu.memory_space<vmem>>, vector<16xf32>,
        tpu.vector_store %arg10[%swap3A_511, %swap3A_512], %gather3A_510 {strides = array<i32>} : memref<16x128xf32, #tpu.memory_space<vmem>>, vector<16xf32>,
        %get3A_514 = arith.constant 0 : index
        %get3A_515 = tpu.vector_load %arg11[%get3A_514] {strides = array<i32>} : memref<16xi32, #tpu.memory_space<vmem>>, vector<16xi32>,
        %eq3A_516 = vector.broadcast %get3A_470 : i32 to vector<16xi32>
        %eq3A_517 = arith.cmpi eq, %iota3A, %eq3A_516 : vector<16xi32>
        %broadcast_in_dim3A_518 = vector.broadcast %and3A_463 : i32 to vector<16xi32>
        %select_n3A_519 = arith.select %eq3A_517, %broadcast_in_dim3A_518, %get3A_515 : vector<16xi1>, vector<16xi32>
        %swap3A_520 = arith.constant 0 : index
        %swap3A_521 = tpu.vector_load %arg11[%swap3A_520] {strides = array<i32>} : memref<16xi32, #tpu.memory_space<vmem>>, vector<16xi32>,
        tpu.vector_store %arg11[%swap3A_520], %select_n3A_519 {strides = array<i32>} : memref<16xi32, #tpu.memory_space<vmem>>, vector<16xi32>,
        %eq3A_522 = arith.constant 15 : i32
        %eq3A_523 = arith.cmpi eq, %get3A_470, %eq3A_522 : i32
        %convert_element_type3A_524 = arith.extui %eq3A_523 : i1 to i32
        %cond3A_525 = arith.constant 0 : i32
        %cond3A_526 = arith.cmpi ne, %convert_element_type3A_524, %cond3A_525 : i32
        scf.if %cond3A_526 {
          %get3A_536 = arith.constant 0 : index
          %get3A_537 = tpu.vector_load %arg11[%get3A_536] {strides = array<i32>} : memref<16xi32, #tpu.memory_space<vmem>>, vector<16xi32>,
          "tpu.region"() ({
            %run_scoped3A = tpu.sem_alloc : memref<!tpu.dma_semaphore, #tpu.memory_space<semaphore_mem>>
            %dma_start3A = arith.constant 0 : i32
            %dma_start3A_540 = arith.constant 0 : i32
            %dma_start3A_541 = tpu.memref_slice %arg5[%dma_start3A, %dma_start3A_540] : memref<16896x128xf32, #tpu.memory_space<hbm>> -> memref<16896x128xf32, #tpu.memory_space<hbm>>
            tpu.enqueue_indirect_dma source(%arg10 : memref<16x128xf32, #tpu.memory_space<vmem>>) target(%dma_start3A_541 : memref<16896x128xf32, #tpu.memory_space<hbm>>) offsets(%get3A_537 : vector<16xi32>) semaphore(%run_scoped3A : memref<!tpu.dma_semaphore, #tpu.memory_space<semaphore_mem>>)
            %dma_wait3A_542 = arith.constant 0 : i32
            %dma_wait3A_543 = arith.constant 0 : i32
            %dma_wait3A_544 = tpu.memref_slice %arg5[%dma_wait3A_542, %dma_wait3A_543] : memref<16896x128xf32, #tpu.memory_space<hbm>> -> memref<16896x128xf32, #tpu.memory_space<hbm>>
            tpu.wait_indirect_dma semaphore(%run_scoped3A : memref<!tpu.dma_semaphore, #tpu.memory_space<semaphore_mem>>) src(%arg10 : memref<16x128xf32, #tpu.memory_space<vmem>>) dst(%dma_wait3A_544 : memref<16896x128xf32, #tpu.memory_space<hbm>>)
            tpu.yield
          }) : () -> ()
          %swap3A_538 = arith.constant 0 : index
          %swap3A_539 = tpu.vector_load %arg11[%swap3A_538] {strides = array<i32>} : memref<16xi32, #tpu.memory_space<vmem>>, vector<16xi32>,
          tpu.vector_store %arg11[%swap3A_538], %add3A_57 {strides = array<i32>} : memref<16xi32, #tpu.memory_space<vmem>>, vector<16xi32>,
        } else {
        }
        %eq3A_527 = arith.constant 15 : i32
        %eq3A_528 = arith.cmpi eq, %get3A_470, %eq3A_527 : i32
        %add3A_529 = arith.constant 1 : i32
        %add3A_530 = arith.addi %get3A_470, %add3A_529 : i32
        %jit3A_531 = arith.constant 0 : i32
        %select_n3A_532 = arith.select %eq3A_528, %jit3A_531, %add3A_530 : i32
        %swap3A_533 = arith.constant 0 : i32
        %swap3A_534 = arith.index_cast %swap3A_533 : i32 to index
        %swap3A_535 = memref.load %arg13[%swap3A_534] : memref<4xi32, #tpu.memory_space<smem>>
        memref.store %select_n3A_532, %arg13[%swap3A_534] : memref<4xi32, #tpu.memory_space<smem>>
      }
      %while3A_449 = arith.constant 1 : i32
      scf.for %while3A_456 = %while3A_447 to %while3A_443 step %while3A_449  : i32 {
        %mul3A_457 = arith.constant 64 : i32
        %mul3A_458 = arith.muli %sub3A_437, %mul3A_457 : i32
        %add3A_459 = arith.addi %mul3A_458, %while3A_456 : i32
        %get3A_460 = arith.index_cast %add3A_459 : i32 to index
        %get3A_461 = tpu.vector_load %arg9[%get3A_460] {strides = array<i32>} : memref<7952xi32, #tpu.memory_space<vmem>>, vector<16xi32>,
        %slice3A = vector.extract_strided_slice %get3A_461 {offsets = [0], sizes = [1], strides = [1]} : vector<16xi32> to vector<1xi32>
        %squeeze3A = vector.extract %slice3A[0] : i32 from vector<1xi32>
        %and3A_462 = arith.constant 16383 : i32
        %and3A_463 = arith.andi %squeeze3A, %and3A_462 : i32
        %shift_right_arithmetic3A = arith.constant 14 : i32
        %shift_right_arithmetic3A_464 = arith.shrsi %squeeze3A, %shift_right_arithmetic3A : i32
        %mul3A_465 = arith.constant 256 : i32
        %mul3A_466 = arith.muli %sub3A_437, %mul3A_465 : i32
        %sub3A_467 = arith.subi %shift_right_arithmetic3A_464, %mul3A_466 : i32
        %broadcast_in_dim3A = vector.broadcast %sub3A_467 : i32 to vector<16xi32>
        %get3A_468 = arith.constant 0 : i32
        %get3A_469 = arith.index_cast %get3A_468 : i32 to index
        %get3A_470 = memref.load %arg13[%get3A_469] : memref<4xi32, #tpu.memory_space<smem>>
        %add3A_471 = arith.constant 0 : i32
        %add3A_472 = vector.broadcast %add3A_471 : i32 to vector<16xi32>
        %add3A_473 = arith.addi %iota3A, %add3A_472 : vector<16xi32>
        %gather3A = arith.constant 0 : i32
        %gather3A_474 = arith.constant 0 : i32
        %gather3A_475 = tpu.memref_slice %arg7[%while3A_440, %gather3A, %gather3A_474] : memref<5x64x256xf32, #tpu.memory_space<vmem>> -> memref<1x64x256xf32, #tpu.memory_space<vmem>>
        %gather3A_476 = tpu.memref_squeeze %gather3A_475 : memref<1x64x256xf32, #tpu.memory_space<vmem>> -> memref<64x256xf32, #tpu.memory_space<vmem>>
        %gather3A_477 = tpu.vector_load_idx %gather3A_476[%add3A_473, %broadcast_in_dim3A] : memref<64x256xf32, #tpu.memory_space<vmem>>[vector<16xi32>, vector<16xi32>], vector<16xf32>,
        %swap3A_478 = arith.index_cast %get3A_470 : i32 to index
        %swap3A_479 = arith.constant 0 : index
        %swap3A_480 = tpu.vector_load %arg10[%swap3A_478, %swap3A_479] {strides = array<i32>} : memref<16x128xf32, #tpu.memory_space<vmem>>, vector<16xf32>,
        tpu.vector_store %arg10[%swap3A_478, %swap3A_479], %gather3A_477 {strides = array<i32>} : memref<16x128xf32, #tpu.memory_space<vmem>>, vector<16xf32>,
        %add3A_481 = arith.constant 16 : i32
        %add3A_482 = vector.broadcast %add3A_481 : i32 to vector<16xi32>
        %add3A_483 = arith.addi %iota3A, %add3A_482 : vector<16xi32>
        %gather3A_484 = arith.constant 0 : i32
        %gather3A_485 = arith.constant 0 : i32
        %gather3A_486 = tpu.memref_slice %arg7[%while3A_440, %gather3A_484, %gather3A_485] : memref<5x64x256xf32, #tpu.memory_space<vmem>> -> memref<1x64x256xf32, #tpu.memory_space<vmem>>
        %gather3A_487 = tpu.memref_squeeze %gather3A_486 : memref<1x64x256xf32, #tpu.memory_space<vmem>> -> memref<64x256xf32, #tpu.memory_space<vmem>>
        %gather3A_488 = tpu.vector_load_idx %gather3A_487[%add3A_483, %broadcast_in_dim3A] : memref<64x256xf32, #tpu.memory_space<vmem>>[vector<16xi32>, vector<16xi32>], vector<16xf32>,
        %swap3A_489 = arith.index_cast %get3A_470 : i32 to index
        %swap3A_490 = arith.constant 16 : index
        %swap3A_491 = tpu.vector_load %arg10[%swap3A_489, %swap3A_490] {strides = array<i32>} : memref<16x128xf32, #tpu.memory_space<vmem>>, vector<16xf32>,
        tpu.vector_store %arg10[%swap3A_489, %swap3A_490], %gather3A_488 {strides = array<i32>} : memref<16x128xf32, #tpu.memory_space<vmem>>, vector<16xf32>,
        %add3A_492 = arith.constant 32 : i32
        %add3A_493 = vector.broadcast %add3A_492 : i32 to vector<16xi32>
        %add3A_494 = arith.addi %iota3A, %add3A_493 : vector<16xi32>
        %gather3A_495 = arith.constant 0 : i32
        %gather3A_496 = arith.constant 0 : i32
        %gather3A_497 = tpu.memref_slice %arg7[%while3A_440, %gather3A_495, %gather3A_496] : memref<5x64x256xf32, #tpu.memory_space<vmem>> -> memref<1x64x256xf32, #tpu.memory_space<vmem>>
        %gather3A_498 = tpu.memref_squeeze %gather3A_497 : memref<1x64x256xf32, #tpu.memory_space<vmem>> -> memref<64x256xf32, #tpu.memory_space<vmem>>
        %gather3A_499 = tpu.vector_load_idx %gather3A_498[%add3A_494, %broadcast_in_dim3A] : memref<64x256xf32, #tpu.memory_space<vmem>>[vector<16xi32>, vector<16xi32>], vector<16xf32>,
        %swap3A_500 = arith.index_cast %get3A_470 : i32 to index
        %swap3A_501 = arith.constant 32 : index
        %swap3A_502 = tpu.vector_load %arg10[%swap3A_500, %swap3A_501] {strides = array<i32>} : memref<16x128xf32, #tpu.memory_space<vmem>>, vector<16xf32>,
        tpu.vector_store %arg10[%swap3A_500, %swap3A_501], %gather3A_499 {strides = array<i32>} : memref<16x128xf32, #tpu.memory_space<vmem>>, vector<16xf32>,
        %add3A_503 = arith.constant 48 : i32
        %add3A_504 = vector.broadcast %add3A_503 : i32 to vector<16xi32>
        %add3A_505 = arith.addi %iota3A, %add3A_504 : vector<16xi32>
        %gather3A_506 = arith.constant 0 : i32
        %gather3A_507 = arith.constant 0 : i32
        %gather3A_508 = tpu.memref_slice %arg7[%while3A_440, %gather3A_506, %gather3A_507] : memref<5x64x256xf32, #tpu.memory_space<vmem>> -> memref<1x64x256xf32, #tpu.memory_space<vmem>>
        %gather3A_509 = tpu.memref_squeeze %gather3A_508 : memref<1x64x256xf32, #tpu.memory_space<vmem>> -> memref<64x256xf32, #tpu.memory_space<vmem>>
        %gather3A_510 = tpu.vector_load_idx %gather3A_509[%add3A_505, %broadcast_in_dim3A] : memref<64x256xf32, #tpu.memory_space<vmem>>[vector<16xi32>, vector<16xi32>], vector<16xf32>,
        %swap3A_511 = arith.index_cast %get3A_470 : i32 to index
        %swap3A_512 = arith.constant 48 : index
        %swap3A_513 = tpu.vector_load %arg10[%swap3A_511, %swap3A_512] {strides = array<i32>} : memref<16x128xf32, #tpu.memory_space<vmem>>, vector<16xf32>,
        tpu.vector_store %arg10[%swap3A_511, %swap3A_512], %gather3A_510 {strides = array<i32>} : memref<16x128xf32, #tpu.memory_space<vmem>>, vector<16xf32>,
        %get3A_514 = arith.constant 0 : index
        %get3A_515 = tpu.vector_load %arg11[%get3A_514] {strides = array<i32>} : memref<16xi32, #tpu.memory_space<vmem>>, vector<16xi32>,
        %eq3A_516 = vector.broadcast %get3A_470 : i32 to vector<16xi32>
        %eq3A_517 = arith.cmpi eq, %iota3A, %eq3A_516 : vector<16xi32>
        %broadcast_in_dim3A_518 = vector.broadcast %and3A_463 : i32 to vector<16xi32>
        %select_n3A_519 = arith.select %eq3A_517, %broadcast_in_dim3A_518, %get3A_515 : vector<16xi1>, vector<16xi32>
        %swap3A_520 = arith.constant 0 : index
        %swap3A_521 = tpu.vector_load %arg11[%swap3A_520] {strides = array<i32>} : memref<16xi32, #tpu.memory_space<vmem>>, vector<16xi32>,
        tpu.vector_store %arg11[%swap3A_520], %select_n3A_519 {strides = array<i32>} : memref<16xi32, #tpu.memory_space<vmem>>, vector<16xi32>,
        %eq3A_522 = arith.constant 15 : i32
        %eq3A_523 = arith.cmpi eq, %get3A_470, %eq3A_522 : i32
        %convert_element_type3A_524 = arith.extui %eq3A_523 : i1 to i32
        %cond3A_525 = arith.constant 0 : i32
        %cond3A_526 = arith.cmpi ne, %convert_element_type3A_524, %cond3A_525 : i32
        scf.if %cond3A_526 {
          %get3A_536 = arith.constant 0 : index
          %get3A_537 = tpu.vector_load %arg11[%get3A_536] {strides = array<i32>} : memref<16xi32, #tpu.memory_space<vmem>>, vector<16xi32>,
          "tpu.region"() ({
            %run_scoped3A = tpu.sem_alloc : memref<!tpu.dma_semaphore, #tpu.memory_space<semaphore_mem>>
            %dma_start3A = arith.constant 0 : i32
            %dma_start3A_540 = arith.constant 0 : i32
            %dma_start3A_541 = tpu.memref_slice %arg5[%dma_start3A, %dma_start3A_540] : memref<16896x128xf32, #tpu.memory_space<hbm>> -> memref<16896x128xf32, #tpu.memory_space<hbm>>
            tpu.enqueue_indirect_dma source(%arg10 : memref<16x128xf32, #tpu.memory_space<vmem>>) target(%dma_start3A_541 : memref<16896x128xf32, #tpu.memory_space<hbm>>) offsets(%get3A_537 : vector<16xi32>) semaphore(%run_scoped3A : memref<!tpu.dma_semaphore, #tpu.memory_space<semaphore_mem>>)
            %dma_wait3A_542 = arith.constant 0 : i32
            %dma_wait3A_543 = arith.constant 0 : i32
            %dma_wait3A_544 = tpu.memref_slice %arg5[%dma_wait3A_542, %dma_wait3A_543] : memref<16896x128xf32, #tpu.memory_space<hbm>> -> memref<16896x128xf32, #tpu.memory_space<hbm>>
            tpu.wait_indirect_dma semaphore(%run_scoped3A : memref<!tpu.dma_semaphore, #tpu.memory_space<semaphore_mem>>) src(%arg10 : memref<16x128xf32, #tpu.memory_space<vmem>>) dst(%dma_wait3A_544 : memref<16896x128xf32, #tpu.memory_space<hbm>>)
            tpu.yield
          }) : () -> ()
          %swap3A_538 = arith.constant 0 : index
          %swap3A_539 = tpu.vector_load %arg11[%swap3A_538] {strides = array<i32>} : memref<16xi32, #tpu.memory_space<vmem>>, vector<16xi32>,
          tpu.vector_store %arg11[%swap3A_538], %add3A_57 {strides = array<i32>} : memref<16xi32, #tpu.memory_space<vmem>>, vector<16xi32>,
        } else {
        }
        %eq3A_527 = arith.constant 15 : i32
        %eq3A_528 = arith.cmpi eq, %get3A_470, %eq3A_527 : i32
        %add3A_529 = arith.constant 1 : i32
        %add3A_530 = arith.addi %get3A_470, %add3A_529 : i32
        %jit3A_531 = arith.constant 0 : i32
        %select_n3A_532 = arith.select %eq3A_528, %jit3A_531, %add3A_530 : i32
        %swap3A_533 = arith.constant 0 : i32
        %swap3A_534 = arith.index_cast %swap3A_533 : i32 to index
        %swap3A_535 = memref.load %arg13[%swap3A_534] : memref<4xi32, #tpu.memory_space<smem>>
        memref.store %select_n3A_532, %arg13[%swap3A_534] : memref<4xi32, #tpu.memory_space<smem>>
      }
      %add3A_450 = arith.constant 5 : i32
      %add3A_451 = arith.addi %add3A_421, %add3A_450 : i32
      %lt3A_452 = arith.cmpi slt, %add3A_451, %select_n3A_46 : i32
      %convert_element_type3A_453 = arith.extui %lt3A_452 : i1 to i32
      %cond3A_454 = arith.constant 0 : i32
      %cond3A_455 = arith.cmpi ne, %convert_element_type3A_453, %cond3A_454 : i32
      scf.if %cond3A_455 {
        %add3A_456 = arith.constant 5 : i32
        %add3A_457 = arith.addi %add3A_421, %add3A_456 : i32
        %mul3A_458 = arith.constant 256 : i32
        %mul3A_459 = arith.muli %add3A_457, %mul3A_458 : i32
        %dma_start3A = arith.constant 4 : i32
        %dma_start3A_460 = arith.constant 0 : i32
        %dma_start3A_461 = arith.constant 0 : i32
        %dma_start3A_462 = tpu.memref_slice %arg7[%dma_start3A, %dma_start3A_460, %dma_start3A_461] : memref<5x64x256xf32, #tpu.memory_space<vmem>> -> memref<1x64x256xf32, #tpu.memory_space<vmem>>
        %dma_start3A_463 = tpu.memref_squeeze %dma_start3A_462 : memref<1x64x256xf32, #tpu.memory_space<vmem>> -> memref<64x256xf32, #tpu.memory_space<vmem>>
        %dma_start3A_464 = arith.constant 0 : i32
        %dma_start3A_465 = tpu.memref_slice %arg3[%dma_start3A_464, %mul3A_459] : memref<64x1000001xf32, #tpu.memory_space<hbm>> -> memref<64x256xf32, #tpu.memory_space<hbm>>
        %dma_start3A_466 = arith.constant 0 : i32
        %dma_start3A_467 = arith.constant 0 : i32
        %dma_start3A_468 = tpu.memref_slice %arg7[%dma_start3A, %dma_start3A_466, %dma_start3A_467] : memref<5x64x256xf32, #tpu.memory_space<vmem>> -> memref<1x64x256xf32, #tpu.memory_space<vmem>>
        %dma_start3A_469 = tpu.memref_squeeze %dma_start3A_468 : memref<1x64x256xf32, #tpu.memory_space<vmem>> -> memref<64x256xf32, #tpu.memory_space<vmem>>
        %dma_start3A_470 = arith.constant 0 : i32
        %dma_start3A_471 = tpu.memref_slice %arg3[%dma_start3A_470, %mul3A_459] : memref<64x1000001xf32, #tpu.memory_space<hbm>> -> memref<64x256xf32, #tpu.memory_space<hbm>>
        tpu.enqueue_dma source(%dma_start3A_471 : memref<64x256xf32, #tpu.memory_space<hbm>>) target(%dma_start3A_469 : memref<64x256xf32, #tpu.memory_space<vmem>>) target_semaphore(%arg19 : memref<!tpu.dma_semaphore, #tpu.memory_space<semaphore_mem>>)
      } else {
      }
    }
    %while3A_139 = arith.constant 1 : i32
    scf.for %while3A_273 = %while3A_137 to %while3A_133 step %while3A_139  : i32 {
      %mul3A_274 = arith.constant 5 : i32
      %mul3A_275 = arith.muli %mul3A_274, %while3A_273 : i32
      %add3A_276 = arith.addi %select_n3A, %mul3A_275 : i32
      %add3A_277 = arith.constant 0 : i32
      %add3A_278 = arith.addi %add3A_276, %add3A_277 : i32
      %mul3A_279 = arith.constant 256 : i32
      %mul3A_280 = arith.muli %add3A_278, %mul3A_279 : i32
      %dma_wait3A = arith.constant 0 : i32
      %dma_wait3A_281 = arith.constant 0 : i32
      %dma_wait3A_282 = arith.constant 0 : i32
      %dma_wait3A_283 = tpu.memref_slice %arg7[%dma_wait3A, %dma_wait3A_281, %dma_wait3A_282] : memref<5x64x256xf32, #tpu.memory_space<vmem>> -> memref<1x64x256xf32, #tpu.memory_space<vmem>>
      %dma_wait3A_284 = tpu.memref_squeeze %dma_wait3A_283 : memref<1x64x256xf32, #tpu.memory_space<vmem>> -> memref<64x256xf32, #tpu.memory_space<vmem>>
      %dma_wait3A_285 = arith.constant 0 : i32
      %dma_wait3A_286 = tpu.memref_slice %arg3[%dma_wait3A_285, %mul3A_280] : memref<64x1000001xf32, #tpu.memory_space<hbm>> -> memref<64x256xf32, #tpu.memory_space<hbm>>
      %dma_wait3A_287 = arith.constant 0 : i32
      %dma_wait3A_288 = arith.constant 0 : i32
      %dma_wait3A_289 = tpu.memref_slice %arg7[%dma_wait3A, %dma_wait3A_287, %dma_wait3A_288] : memref<5x64x256xf32, #tpu.memory_space<vmem>> -> memref<1x64x256xf32, #tpu.memory_space<vmem>>
      %dma_wait3A_290 = tpu.memref_squeeze %dma_wait3A_289 : memref<1x64x256xf32, #tpu.memory_space<vmem>> -> memref<64x256xf32, #tpu.memory_space<vmem>>
      %dma_wait3A_291 = arith.constant 0 : i32
      %dma_wait3A_292 = tpu.memref_slice %arg3[%dma_wait3A_291, %mul3A_280] : memref<64x1000001xf32, #tpu.memory_space<hbm>> -> memref<64x256xf32, #tpu.memory_space<hbm>>
      tpu.wait_dma2 semaphore(%arg15 : memref<!tpu.dma_semaphore, #tpu.memory_space<semaphore_mem>>) src(%dma_wait3A_292 : memref<64x256xf32, #tpu.memory_space<hbm>>) dst(%dma_wait3A_290 : memref<64x256xf32, #tpu.memory_space<vmem>>)
      %sub3A_293 = arith.subi %add3A_278, %select_n3A : i32
      %get3A_294 = arith.index_cast %sub3A_293 : i32 to index
      %get3A_295 = memref.load %arg12[%get3A_294] : memref<124xi32, #tpu.memory_space<smem>>
      %while3A_296 = arith.constant 0 : i32
      %while3A_297 = arith.constant 0 : i32
      %while3A_298 = arith.subi %get3A_295, %while3A_297 : i32
      %while3A_299 = arith.addi %while3A_297, %while3A_298 : i32
      %while3A_300 = arith.constant 1 : i32
      %while3A_301 = arith.divsi %while3A_298, %while3A_300 : i32
      %while3A_302 = arith.muli %while3A_301, %while3A_300 : i32
      %while3A_303 = arith.addi %while3A_297, %while3A_302 : i32
      %while3A_304 = arith.constant 1 : i32
      scf.for %while3A_456 = %while3A_297 to %while3A_303 step %while3A_304  : i32 {
        %mul3A_457 = arith.constant 64 : i32
        %mul3A_458 = arith.muli %sub3A_293, %mul3A_457 : i32
        %add3A_459 = arith.addi %mul3A_458, %while3A_456 : i32
        %get3A_460 = arith.index_cast %add3A_459 : i32 to index
        %get3A_461 = tpu.vector_load %arg9[%get3A_460] {strides = array<i32>} : memref<7952xi32, #tpu.memory_space<vmem>>, vector<16xi32>,
        %slice3A = vector.extract_strided_slice %get3A_461 {offsets = [0], sizes = [1], strides = [1]} : vector<16xi32> to vector<1xi32>
        %squeeze3A = vector.extract %slice3A[0] : i32 from vector<1xi32>
        %and3A_462 = arith.constant 16383 : i32
        %and3A_463 = arith.andi %squeeze3A, %and3A_462 : i32
        %shift_right_arithmetic3A = arith.constant 14 : i32
        %shift_right_arithmetic3A_464 = arith.shrsi %squeeze3A, %shift_right_arithmetic3A : i32
        %mul3A_465 = arith.constant 256 : i32
        %mul3A_466 = arith.muli %sub3A_293, %mul3A_465 : i32
        %sub3A_467 = arith.subi %shift_right_arithmetic3A_464, %mul3A_466 : i32
        %broadcast_in_dim3A = vector.broadcast %sub3A_467 : i32 to vector<16xi32>
        %get3A_468 = arith.constant 0 : i32
        %get3A_469 = arith.index_cast %get3A_468 : i32 to index
        %get3A_470 = memref.load %arg13[%get3A_469] : memref<4xi32, #tpu.memory_space<smem>>
        %add3A_471 = arith.constant 0 : i32
        %add3A_472 = vector.broadcast %add3A_471 : i32 to vector<16xi32>
        %add3A_473 = arith.addi %iota3A, %add3A_472 : vector<16xi32>
        %gather3A = arith.constant 0 : i32
        %gather3A_474 = arith.constant 0 : i32
        %gather3A_475 = tpu.memref_slice %arg7[%while3A_296, %gather3A, %gather3A_474] : memref<5x64x256xf32, #tpu.memory_space<vmem>> -> memref<1x64x256xf32, #tpu.memory_space<vmem>>
        %gather3A_476 = tpu.memref_squeeze %gather3A_475 : memref<1x64x256xf32, #tpu.memory_space<vmem>> -> memref<64x256xf32, #tpu.memory_space<vmem>>
        %gather3A_477 = tpu.vector_load_idx %gather3A_476[%add3A_473, %broadcast_in_dim3A] : memref<64x256xf32, #tpu.memory_space<vmem>>[vector<16xi32>, vector<16xi32>], vector<16xf32>,
        %swap3A_478 = arith.index_cast %get3A_470 : i32 to index
        %swap3A_479 = arith.constant 0 : index
        %swap3A_480 = tpu.vector_load %arg10[%swap3A_478, %swap3A_479] {strides = array<i32>} : memref<16x128xf32, #tpu.memory_space<vmem>>, vector<16xf32>,
        tpu.vector_store %arg10[%swap3A_478, %swap3A_479], %gather3A_477 {strides = array<i32>} : memref<16x128xf32, #tpu.memory_space<vmem>>, vector<16xf32>,
        %add3A_481 = arith.constant 16 : i32
        %add3A_482 = vector.broadcast %add3A_481 : i32 to vector<16xi32>
        %add3A_483 = arith.addi %iota3A, %add3A_482 : vector<16xi32>
        %gather3A_484 = arith.constant 0 : i32
        %gather3A_485 = arith.constant 0 : i32
        %gather3A_486 = tpu.memref_slice %arg7[%while3A_296, %gather3A_484, %gather3A_485] : memref<5x64x256xf32, #tpu.memory_space<vmem>> -> memref<1x64x256xf32, #tpu.memory_space<vmem>>
        %gather3A_487 = tpu.memref_squeeze %gather3A_486 : memref<1x64x256xf32, #tpu.memory_space<vmem>> -> memref<64x256xf32, #tpu.memory_space<vmem>>
        %gather3A_488 = tpu.vector_load_idx %gather3A_487[%add3A_483, %broadcast_in_dim3A] : memref<64x256xf32, #tpu.memory_space<vmem>>[vector<16xi32>, vector<16xi32>], vector<16xf32>,
        %swap3A_489 = arith.index_cast %get3A_470 : i32 to index
        %swap3A_490 = arith.constant 16 : index
        %swap3A_491 = tpu.vector_load %arg10[%swap3A_489, %swap3A_490] {strides = array<i32>} : memref<16x128xf32, #tpu.memory_space<vmem>>, vector<16xf32>,
        tpu.vector_store %arg10[%swap3A_489, %swap3A_490], %gather3A_488 {strides = array<i32>} : memref<16x128xf32, #tpu.memory_space<vmem>>, vector<16xf32>,
        %add3A_492 = arith.constant 32 : i32
        %add3A_493 = vector.broadcast %add3A_492 : i32 to vector<16xi32>
        %add3A_494 = arith.addi %iota3A, %add3A_493 : vector<16xi32>
        %gather3A_495 = arith.constant 0 : i32
        %gather3A_496 = arith.constant 0 : i32
        %gather3A_497 = tpu.memref_slice %arg7[%while3A_296, %gather3A_495, %gather3A_496] : memref<5x64x256xf32, #tpu.memory_space<vmem>> -> memref<1x64x256xf32, #tpu.memory_space<vmem>>
        %gather3A_498 = tpu.memref_squeeze %gather3A_497 : memref<1x64x256xf32, #tpu.memory_space<vmem>> -> memref<64x256xf32, #tpu.memory_space<vmem>>
        %gather3A_499 = tpu.vector_load_idx %gather3A_498[%add3A_494, %broadcast_in_dim3A] : memref<64x256xf32, #tpu.memory_space<vmem>>[vector<16xi32>, vector<16xi32>], vector<16xf32>,
        %swap3A_500 = arith.index_cast %get3A_470 : i32 to index
        %swap3A_501 = arith.constant 32 : index
        %swap3A_502 = tpu.vector_load %arg10[%swap3A_500, %swap3A_501] {strides = array<i32>} : memref<16x128xf32, #tpu.memory_space<vmem>>, vector<16xf32>,
        tpu.vector_store %arg10[%swap3A_500, %swap3A_501], %gather3A_499 {strides = array<i32>} : memref<16x128xf32, #tpu.memory_space<vmem>>, vector<16xf32>,
        %add3A_503 = arith.constant 48 : i32
        %add3A_504 = vector.broadcast %add3A_503 : i32 to vector<16xi32>
        %add3A_505 = arith.addi %iota3A, %add3A_504 : vector<16xi32>
        %gather3A_506 = arith.constant 0 : i32
        %gather3A_507 = arith.constant 0 : i32
        %gather3A_508 = tpu.memref_slice %arg7[%while3A_296, %gather3A_506, %gather3A_507] : memref<5x64x256xf32, #tpu.memory_space<vmem>> -> memref<1x64x256xf32, #tpu.memory_space<vmem>>
        %gather3A_509 = tpu.memref_squeeze %gather3A_508 : memref<1x64x256xf32, #tpu.memory_space<vmem>> -> memref<64x256xf32, #tpu.memory_space<vmem>>
        %gather3A_510 = tpu.vector_load_idx %gather3A_509[%add3A_505, %broadcast_in_dim3A] : memref<64x256xf32, #tpu.memory_space<vmem>>[vector<16xi32>, vector<16xi32>], vector<16xf32>,
        %swap3A_511 = arith.index_cast %get3A_470 : i32 to index
        %swap3A_512 = arith.constant 48 : index
        %swap3A_513 = tpu.vector_load %arg10[%swap3A_511, %swap3A_512] {strides = array<i32>} : memref<16x128xf32, #tpu.memory_space<vmem>>, vector<16xf32>,
        tpu.vector_store %arg10[%swap3A_511, %swap3A_512], %gather3A_510 {strides = array<i32>} : memref<16x128xf32, #tpu.memory_space<vmem>>, vector<16xf32>,
        %get3A_514 = arith.constant 0 : index
        %get3A_515 = tpu.vector_load %arg11[%get3A_514] {strides = array<i32>} : memref<16xi32, #tpu.memory_space<vmem>>, vector<16xi32>,
        %eq3A_516 = vector.broadcast %get3A_470 : i32 to vector<16xi32>
        %eq3A_517 = arith.cmpi eq, %iota3A, %eq3A_516 : vector<16xi32>
        %broadcast_in_dim3A_518 = vector.broadcast %and3A_463 : i32 to vector<16xi32>
        %select_n3A_519 = arith.select %eq3A_517, %broadcast_in_dim3A_518, %get3A_515 : vector<16xi1>, vector<16xi32>
        %swap3A_520 = arith.constant 0 : index
        %swap3A_521 = tpu.vector_load %arg11[%swap3A_520] {strides = array<i32>} : memref<16xi32, #tpu.memory_space<vmem>>, vector<16xi32>,
        tpu.vector_store %arg11[%swap3A_520], %select_n3A_519 {strides = array<i32>} : memref<16xi32, #tpu.memory_space<vmem>>, vector<16xi32>,
        %eq3A_522 = arith.constant 15 : i32
        %eq3A_523 = arith.cmpi eq, %get3A_470, %eq3A_522 : i32
        %convert_element_type3A_524 = arith.extui %eq3A_523 : i1 to i32
        %cond3A_525 = arith.constant 0 : i32
        %cond3A_526 = arith.cmpi ne, %convert_element_type3A_524, %cond3A_525 : i32
        scf.if %cond3A_526 {
          %get3A_536 = arith.constant 0 : index
          %get3A_537 = tpu.vector_load %arg11[%get3A_536] {strides = array<i32>} : memref<16xi32, #tpu.memory_space<vmem>>, vector<16xi32>,
          "tpu.region"() ({
            %run_scoped3A = tpu.sem_alloc : memref<!tpu.dma_semaphore, #tpu.memory_space<semaphore_mem>>
            %dma_start3A = arith.constant 0 : i32
            %dma_start3A_540 = arith.constant 0 : i32
            %dma_start3A_541 = tpu.memref_slice %arg5[%dma_start3A, %dma_start3A_540] : memref<16896x128xf32, #tpu.memory_space<hbm>> -> memref<16896x128xf32, #tpu.memory_space<hbm>>
            tpu.enqueue_indirect_dma source(%arg10 : memref<16x128xf32, #tpu.memory_space<vmem>>) target(%dma_start3A_541 : memref<16896x128xf32, #tpu.memory_space<hbm>>) offsets(%get3A_537 : vector<16xi32>) semaphore(%run_scoped3A : memref<!tpu.dma_semaphore, #tpu.memory_space<semaphore_mem>>)
            %dma_wait3A_542 = arith.constant 0 : i32
            %dma_wait3A_543 = arith.constant 0 : i32
            %dma_wait3A_544 = tpu.memref_slice %arg5[%dma_wait3A_542, %dma_wait3A_543] : memref<16896x128xf32, #tpu.memory_space<hbm>> -> memref<16896x128xf32, #tpu.memory_space<hbm>>
            tpu.wait_indirect_dma semaphore(%run_scoped3A : memref<!tpu.dma_semaphore, #tpu.memory_space<semaphore_mem>>) src(%arg10 : memref<16x128xf32, #tpu.memory_space<vmem>>) dst(%dma_wait3A_544 : memref<16896x128xf32, #tpu.memory_space<hbm>>)
            tpu.yield
          }) : () -> ()
          %swap3A_538 = arith.constant 0 : index
          %swap3A_539 = tpu.vector_load %arg11[%swap3A_538] {strides = array<i32>} : memref<16xi32, #tpu.memory_space<vmem>>, vector<16xi32>,
          tpu.vector_store %arg11[%swap3A_538], %add3A_57 {strides = array<i32>} : memref<16xi32, #tpu.memory_space<vmem>>, vector<16xi32>,
        } else {
        }
        %eq3A_527 = arith.constant 15 : i32
        %eq3A_528 = arith.cmpi eq, %get3A_470, %eq3A_527 : i32
        %add3A_529 = arith.constant 1 : i32
        %add3A_530 = arith.addi %get3A_470, %add3A_529 : i32
        %jit3A_531 = arith.constant 0 : i32
        %select_n3A_532 = arith.select %eq3A_528, %jit3A_531, %add3A_530 : i32
        %swap3A_533 = arith.constant 0 : i32
        %swap3A_534 = arith.index_cast %swap3A_533 : i32 to index
        %swap3A_535 = memref.load %arg13[%swap3A_534] : memref<4xi32, #tpu.memory_space<smem>>
        memref.store %select_n3A_532, %arg13[%swap3A_534] : memref<4xi32, #tpu.memory_space<smem>>
      }
      %while3A_305 = arith.constant 1 : i32
      scf.for %while3A_456 = %while3A_303 to %while3A_299 step %while3A_305  : i32 {
        %mul3A_457 = arith.constant 64 : i32
        %mul3A_458 = arith.muli %sub3A_293, %mul3A_457 : i32
        %add3A_459 = arith.addi %mul3A_458, %while3A_456 : i32
        %get3A_460 = arith.index_cast %add3A_459 : i32 to index
        %get3A_461 = tpu.vector_load %arg9[%get3A_460] {strides = array<i32>} : memref<7952xi32, #tpu.memory_space<vmem>>, vector<16xi32>,
        %slice3A = vector.extract_strided_slice %get3A_461 {offsets = [0], sizes = [1], strides = [1]} : vector<16xi32> to vector<1xi32>
        %squeeze3A = vector.extract %slice3A[0] : i32 from vector<1xi32>
        %and3A_462 = arith.constant 16383 : i32
        %and3A_463 = arith.andi %squeeze3A, %and3A_462 : i32
        %shift_right_arithmetic3A = arith.constant 14 : i32
        %shift_right_arithmetic3A_464 = arith.shrsi %squeeze3A, %shift_right_arithmetic3A : i32
        %mul3A_465 = arith.constant 256 : i32
        %mul3A_466 = arith.muli %sub3A_293, %mul3A_465 : i32
        %sub3A_467 = arith.subi %shift_right_arithmetic3A_464, %mul3A_466 : i32
        %broadcast_in_dim3A = vector.broadcast %sub3A_467 : i32 to vector<16xi32>
        %get3A_468 = arith.constant 0 : i32
        %get3A_469 = arith.index_cast %get3A_468 : i32 to index
        %get3A_470 = memref.load %arg13[%get3A_469] : memref<4xi32, #tpu.memory_space<smem>>
        %add3A_471 = arith.constant 0 : i32
        %add3A_472 = vector.broadcast %add3A_471 : i32 to vector<16xi32>
        %add3A_473 = arith.addi %iota3A, %add3A_472 : vector<16xi32>
        %gather3A = arith.constant 0 : i32
        %gather3A_474 = arith.constant 0 : i32
        %gather3A_475 = tpu.memref_slice %arg7[%while3A_296, %gather3A, %gather3A_474] : memref<5x64x256xf32, #tpu.memory_space<vmem>> -> memref<1x64x256xf32, #tpu.memory_space<vmem>>
        %gather3A_476 = tpu.memref_squeeze %gather3A_475 : memref<1x64x256xf32, #tpu.memory_space<vmem>> -> memref<64x256xf32, #tpu.memory_space<vmem>>
        %gather3A_477 = tpu.vector_load_idx %gather3A_476[%add3A_473, %broadcast_in_dim3A] : memref<64x256xf32, #tpu.memory_space<vmem>>[vector<16xi32>, vector<16xi32>], vector<16xf32>,
        %swap3A_478 = arith.index_cast %get3A_470 : i32 to index
        %swap3A_479 = arith.constant 0 : index
        %swap3A_480 = tpu.vector_load %arg10[%swap3A_478, %swap3A_479] {strides = array<i32>} : memref<16x128xf32, #tpu.memory_space<vmem>>, vector<16xf32>,
        tpu.vector_store %arg10[%swap3A_478, %swap3A_479], %gather3A_477 {strides = array<i32>} : memref<16x128xf32, #tpu.memory_space<vmem>>, vector<16xf32>,
        %add3A_481 = arith.constant 16 : i32
        %add3A_482 = vector.broadcast %add3A_481 : i32 to vector<16xi32>
        %add3A_483 = arith.addi %iota3A, %add3A_482 : vector<16xi32>
        %gather3A_484 = arith.constant 0 : i32
        %gather3A_485 = arith.constant 0 : i32
        %gather3A_486 = tpu.memref_slice %arg7[%while3A_296, %gather3A_484, %gather3A_485] : memref<5x64x256xf32, #tpu.memory_space<vmem>> -> memref<1x64x256xf32, #tpu.memory_space<vmem>>
        %gather3A_487 = tpu.memref_squeeze %gather3A_486 : memref<1x64x256xf32, #tpu.memory_space<vmem>> -> memref<64x256xf32, #tpu.memory_space<vmem>>
        %gather3A_488 = tpu.vector_load_idx %gather3A_487[%add3A_483, %broadcast_in_dim3A] : memref<64x256xf32, #tpu.memory_space<vmem>>[vector<16xi32>, vector<16xi32>], vector<16xf32>,
        %swap3A_489 = arith.index_cast %get3A_470 : i32 to index
        %swap3A_490 = arith.constant 16 : index
        %swap3A_491 = tpu.vector_load %arg10[%swap3A_489, %swap3A_490] {strides = array<i32>} : memref<16x128xf32, #tpu.memory_space<vmem>>, vector<16xf32>,
        tpu.vector_store %arg10[%swap3A_489, %swap3A_490], %gather3A_488 {strides = array<i32>} : memref<16x128xf32, #tpu.memory_space<vmem>>, vector<16xf32>,
        %add3A_492 = arith.constant 32 : i32
        %add3A_493 = vector.broadcast %add3A_492 : i32 to vector<16xi32>
        %add3A_494 = arith.addi %iota3A, %add3A_493 : vector<16xi32>
        %gather3A_495 = arith.constant 0 : i32
        %gather3A_496 = arith.constant 0 : i32
        %gather3A_497 = tpu.memref_slice %arg7[%while3A_296, %gather3A_495, %gather3A_496] : memref<5x64x256xf32, #tpu.memory_space<vmem>> -> memref<1x64x256xf32, #tpu.memory_space<vmem>>
        %gather3A_498 = tpu.memref_squeeze %gather3A_497 : memref<1x64x256xf32, #tpu.memory_space<vmem>> -> memref<64x256xf32, #tpu.memory_space<vmem>>
        %gather3A_499 = tpu.vector_load_idx %gather3A_498[%add3A_494, %broadcast_in_dim3A] : memref<64x256xf32, #tpu.memory_space<vmem>>[vector<16xi32>, vector<16xi32>], vector<16xf32>,
        %swap3A_500 = arith.index_cast %get3A_470 : i32 to index
        %swap3A_501 = arith.constant 32 : index
        %swap3A_502 = tpu.vector_load %arg10[%swap3A_500, %swap3A_501] {strides = array<i32>} : memref<16x128xf32, #tpu.memory_space<vmem>>, vector<16xf32>,
        tpu.vector_store %arg10[%swap3A_500, %swap3A_501], %gather3A_499 {strides = array<i32>} : memref<16x128xf32, #tpu.memory_space<vmem>>, vector<16xf32>,
        %add3A_503 = arith.constant 48 : i32
        %add3A_504 = vector.broadcast %add3A_503 : i32 to vector<16xi32>
        %add3A_505 = arith.addi %iota3A, %add3A_504 : vector<16xi32>
        %gather3A_506 = arith.constant 0 : i32
        %gather3A_507 = arith.constant 0 : i32
        %gather3A_508 = tpu.memref_slice %arg7[%while3A_296, %gather3A_506, %gather3A_507] : memref<5x64x256xf32, #tpu.memory_space<vmem>> -> memref<1x64x256xf32, #tpu.memory_space<vmem>>
        %gather3A_509 = tpu.memref_squeeze %gather3A_508 : memref<1x64x256xf32, #tpu.memory_space<vmem>> -> memref<64x256xf32, #tpu.memory_space<vmem>>
        %gather3A_510 = tpu.vector_load_idx %gather3A_509[%add3A_505, %broadcast_in_dim3A] : memref<64x256xf32, #tpu.memory_space<vmem>>[vector<16xi32>, vector<16xi32>], vector<16xf32>,
        %swap3A_511 = arith.index_cast %get3A_470 : i32 to index
        %swap3A_512 = arith.constant 48 : index
        %swap3A_513 = tpu.vector_load %arg10[%swap3A_511, %swap3A_512] {strides = array<i32>} : memref<16x128xf32, #tpu.memory_space<vmem>>, vector<16xf32>,
        tpu.vector_store %arg10[%swap3A_511, %swap3A_512], %gather3A_510 {strides = array<i32>} : memref<16x128xf32, #tpu.memory_space<vmem>>, vector<16xf32>,
        %get3A_514 = arith.constant 0 : index
        %get3A_515 = tpu.vector_load %arg11[%get3A_514] {strides = array<i32>} : memref<16xi32, #tpu.memory_space<vmem>>, vector<16xi32>,
        %eq3A_516 = vector.broadcast %get3A_470 : i32 to vector<16xi32>
        %eq3A_517 = arith.cmpi eq, %iota3A, %eq3A_516 : vector<16xi32>
        %broadcast_in_dim3A_518 = vector.broadcast %and3A_463 : i32 to vector<16xi32>
        %select_n3A_519 = arith.select %eq3A_517, %broadcast_in_dim3A_518, %get3A_515 : vector<16xi1>, vector<16xi32>
        %swap3A_520 = arith.constant 0 : index
        %swap3A_521 = tpu.vector_load %arg11[%swap3A_520] {strides = array<i32>} : memref<16xi32, #tpu.memory_space<vmem>>, vector<16xi32>,
        tpu.vector_store %arg11[%swap3A_520], %select_n3A_519 {strides = array<i32>} : memref<16xi32, #tpu.memory_space<vmem>>, vector<16xi32>,
        %eq3A_522 = arith.constant 15 : i32
        %eq3A_523 = arith.cmpi eq, %get3A_470, %eq3A_522 : i32
        %convert_element_type3A_524 = arith.extui %eq3A_523 : i1 to i32
        %cond3A_525 = arith.constant 0 : i32
        %cond3A_526 = arith.cmpi ne, %convert_element_type3A_524, %cond3A_525 : i32
        scf.if %cond3A_526 {
          %get3A_536 = arith.constant 0 : index
          %get3A_537 = tpu.vector_load %arg11[%get3A_536] {strides = array<i32>} : memref<16xi32, #tpu.memory_space<vmem>>, vector<16xi32>,
          "tpu.region"() ({
            %run_scoped3A = tpu.sem_alloc : memref<!tpu.dma_semaphore, #tpu.memory_space<semaphore_mem>>
            %dma_start3A = arith.constant 0 : i32
            %dma_start3A_540 = arith.constant 0 : i32
            %dma_start3A_541 = tpu.memref_slice %arg5[%dma_start3A, %dma_start3A_540] : memref<16896x128xf32, #tpu.memory_space<hbm>> -> memref<16896x128xf32, #tpu.memory_space<hbm>>
            tpu.enqueue_indirect_dma source(%arg10 : memref<16x128xf32, #tpu.memory_space<vmem>>) target(%dma_start3A_541 : memref<16896x128xf32, #tpu.memory_space<hbm>>) offsets(%get3A_537 : vector<16xi32>) semaphore(%run_scoped3A : memref<!tpu.dma_semaphore, #tpu.memory_space<semaphore_mem>>)
            %dma_wait3A_542 = arith.constant 0 : i32
            %dma_wait3A_543 = arith.constant 0 : i32
            %dma_wait3A_544 = tpu.memref_slice %arg5[%dma_wait3A_542, %dma_wait3A_543] : memref<16896x128xf32, #tpu.memory_space<hbm>> -> memref<16896x128xf32, #tpu.memory_space<hbm>>
            tpu.wait_indirect_dma semaphore(%run_scoped3A : memref<!tpu.dma_semaphore, #tpu.memory_space<semaphore_mem>>) src(%arg10 : memref<16x128xf32, #tpu.memory_space<vmem>>) dst(%dma_wait3A_544 : memref<16896x128xf32, #tpu.memory_space<hbm>>)
            tpu.yield
          }) : () -> ()
          %swap3A_538 = arith.constant 0 : index
          %swap3A_539 = tpu.vector_load %arg11[%swap3A_538] {strides = array<i32>} : memref<16xi32, #tpu.memory_space<vmem>>, vector<16xi32>,
          tpu.vector_store %arg11[%swap3A_538], %add3A_57 {strides = array<i32>} : memref<16xi32, #tpu.memory_space<vmem>>, vector<16xi32>,
        } else {
        }
        %eq3A_527 = arith.constant 15 : i32
        %eq3A_528 = arith.cmpi eq, %get3A_470, %eq3A_527 : i32
        %add3A_529 = arith.constant 1 : i32
        %add3A_530 = arith.addi %get3A_470, %add3A_529 : i32
        %jit3A_531 = arith.constant 0 : i32
        %select_n3A_532 = arith.select %eq3A_528, %jit3A_531, %add3A_530 : i32
        %swap3A_533 = arith.constant 0 : i32
        %swap3A_534 = arith.index_cast %swap3A_533 : i32 to index
        %swap3A_535 = memref.load %arg13[%swap3A_534] : memref<4xi32, #tpu.memory_space<smem>>
        memref.store %select_n3A_532, %arg13[%swap3A_534] : memref<4xi32, #tpu.memory_space<smem>>
      }
      %add3A_306 = arith.constant 5 : i32
      %add3A_307 = arith.addi %add3A_278, %add3A_306 : i32
      %lt3A_308 = arith.cmpi slt, %add3A_307, %select_n3A_46 : i32
      %convert_element_type3A_309 = arith.extui %lt3A_308 : i1 to i32
      %cond3A_310 = arith.constant 0 : i32
      %cond3A_311 = arith.cmpi ne, %convert_element_type3A_309, %cond3A_310 : i32
      scf.if %cond3A_311 {
        %add3A_456 = arith.constant 5 : i32
        %add3A_457 = arith.addi %add3A_278, %add3A_456 : i32
        %mul3A_458 = arith.constant 256 : i32
        %mul3A_459 = arith.muli %add3A_457, %mul3A_458 : i32
        %dma_start3A = arith.constant 0 : i32
        %dma_start3A_460 = arith.constant 0 : i32
        %dma_start3A_461 = arith.constant 0 : i32
        %dma_start3A_462 = tpu.memref_slice %arg7[%dma_start3A, %dma_start3A_460, %dma_start3A_461] : memref<5x64x256xf32, #tpu.memory_space<vmem>> -> memref<1x64x256xf32, #tpu.memory_space<vmem>>
        %dma_start3A_463 = tpu.memref_squeeze %dma_start3A_462 : memref<1x64x256xf32, #tpu.memory_space<vmem>> -> memref<64x256xf32, #tpu.memory_space<vmem>>
        %dma_start3A_464 = arith.constant 0 : i32
        %dma_start3A_465 = tpu.memref_slice %arg3[%dma_start3A_464, %mul3A_459] : memref<64x1000001xf32, #tpu.memory_space<hbm>> -> memref<64x256xf32, #tpu.memory_space<hbm>>
        %dma_start3A_466 = arith.constant 0 : i32
        %dma_start3A_467 = arith.constant 0 : i32
        %dma_start3A_468 = tpu.memref_slice %arg7[%dma_start3A, %dma_start3A_466, %dma_start3A_467] : memref<5x64x256xf32, #tpu.memory_space<vmem>> -> memref<1x64x256xf32, #tpu.memory_space<vmem>>
        %dma_start3A_469 = tpu.memref_squeeze %dma_start3A_468 : memref<1x64x256xf32, #tpu.memory_space<vmem>> -> memref<64x256xf32, #tpu.memory_space<vmem>>
        %dma_start3A_470 = arith.constant 0 : i32
        %dma_start3A_471 = tpu.memref_slice %arg3[%dma_start3A_470, %mul3A_459] : memref<64x1000001xf32, #tpu.memory_space<hbm>> -> memref<64x256xf32, #tpu.memory_space<hbm>>
        tpu.enqueue_dma source(%dma_start3A_471 : memref<64x256xf32, #tpu.memory_space<hbm>>) target(%dma_start3A_469 : memref<64x256xf32, #tpu.memory_space<vmem>>) target_semaphore(%arg15 : memref<!tpu.dma_semaphore, #tpu.memory_space<semaphore_mem>>)
      } else {
      }
      %add3A_312 = arith.constant 1 : i32
      %add3A_313 = arith.addi %add3A_276, %add3A_312 : i32
      %mul3A_314 = arith.constant 256 : i32
      %mul3A_315 = arith.muli %add3A_313, %mul3A_314 : i32
      %dma_wait3A_316 = arith.constant 1 : i32
      %dma_wait3A_317 = arith.constant 0 : i32
      %dma_wait3A_318 = arith.constant 0 : i32
      %dma_wait3A_319 = tpu.memref_slice %arg7[%dma_wait3A_316, %dma_wait3A_317, %dma_wait3A_318] : memref<5x64x256xf32, #tpu.memory_space<vmem>> -> memref<1x64x256xf32, #tpu.memory_space<vmem>>
      %dma_wait3A_320 = tpu.memref_squeeze %dma_wait3A_319 : memref<1x64x256xf32, #tpu.memory_space<vmem>> -> memref<64x256xf32, #tpu.memory_space<vmem>>
      %dma_wait3A_321 = arith.constant 0 : i32
      %dma_wait3A_322 = tpu.memref_slice %arg3[%dma_wait3A_321, %mul3A_315] : memref<64x1000001xf32, #tpu.memory_space<hbm>> -> memref<64x256xf32, #tpu.memory_space<hbm>>
      %dma_wait3A_323 = arith.constant 0 : i32
      %dma_wait3A_324 = arith.constant 0 : i32
      %dma_wait3A_325 = tpu.memref_slice %arg7[%dma_wait3A_316, %dma_wait3A_323, %dma_wait3A_324] : memref<5x64x256xf32, #tpu.memory_space<vmem>> -> memref<1x64x256xf32, #tpu.memory_space<vmem>>
      %dma_wait3A_326 = tpu.memref_squeeze %dma_wait3A_325 : memref<1x64x256xf32, #tpu.memory_space<vmem>> -> memref<64x256xf32, #tpu.memory_space<vmem>>
      %dma_wait3A_327 = arith.constant 0 : i32
      %dma_wait3A_328 = tpu.memref_slice %arg3[%dma_wait3A_327, %mul3A_315] : memref<64x1000001xf32, #tpu.memory_space<hbm>> -> memref<64x256xf32, #tpu.memory_space<hbm>>
      tpu.wait_dma2 semaphore(%arg16 : memref<!tpu.dma_semaphore, #tpu.memory_space<semaphore_mem>>) src(%dma_wait3A_328 : memref<64x256xf32, #tpu.memory_space<hbm>>) dst(%dma_wait3A_326 : memref<64x256xf32, #tpu.memory_space<vmem>>)
      %sub3A_329 = arith.subi %add3A_313, %select_n3A : i32
      %get3A_330 = arith.index_cast %sub3A_329 : i32 to index
      %get3A_331 = memref.load %arg12[%get3A_330] : memref<124xi32, #tpu.memory_space<smem>>
      %while3A_332 = arith.constant 1 : i32
      %while3A_333 = arith.constant 0 : i32
      %while3A_334 = arith.subi %get3A_331, %while3A_333 : i32
      %while3A_335 = arith.addi %while3A_333, %while3A_334 : i32
      %while3A_336 = arith.constant 1 : i32
      %while3A_337 = arith.divsi %while3A_334, %while3A_336 : i32
      %while3A_338 = arith.muli %while3A_337, %while3A_336 : i32
      %while3A_339 = arith.addi %while3A_333, %while3A_338 : i32
      %while3A_340 = arith.constant 1 : i32
      scf.for %while3A_456 = %while3A_333 to %while3A_339 step %while3A_340  : i32 {
        %mul3A_457 = arith.constant 64 : i32
        %mul3A_458 = arith.muli %sub3A_329, %mul3A_457 : i32
        %add3A_459 = arith.addi %mul3A_458, %while3A_456 : i32
        %get3A_460 = arith.index_cast %add3A_459 : i32 to index
        %get3A_461 = tpu.vector_load %arg9[%get3A_460] {strides = array<i32>} : memref<7952xi32, #tpu.memory_space<vmem>>, vector<16xi32>,
        %slice3A = vector.extract_strided_slice %get3A_461 {offsets = [0], sizes = [1], strides = [1]} : vector<16xi32> to vector<1xi32>
        %squeeze3A = vector.extract %slice3A[0] : i32 from vector<1xi32>
        %and3A_462 = arith.constant 16383 : i32
        %and3A_463 = arith.andi %squeeze3A, %and3A_462 : i32
        %shift_right_arithmetic3A = arith.constant 14 : i32
        %shift_right_arithmetic3A_464 = arith.shrsi %squeeze3A, %shift_right_arithmetic3A : i32
        %mul3A_465 = arith.constant 256 : i32
        %mul3A_466 = arith.muli %sub3A_329, %mul3A_465 : i32
        %sub3A_467 = arith.subi %shift_right_arithmetic3A_464, %mul3A_466 : i32
        %broadcast_in_dim3A = vector.broadcast %sub3A_467 : i32 to vector<16xi32>
        %get3A_468 = arith.constant 0 : i32
        %get3A_469 = arith.index_cast %get3A_468 : i32 to index
        %get3A_470 = memref.load %arg13[%get3A_469] : memref<4xi32, #tpu.memory_space<smem>>
        %add3A_471 = arith.constant 0 : i32
        %add3A_472 = vector.broadcast %add3A_471 : i32 to vector<16xi32>
        %add3A_473 = arith.addi %iota3A, %add3A_472 : vector<16xi32>
        %gather3A = arith.constant 0 : i32
        %gather3A_474 = arith.constant 0 : i32
        %gather3A_475 = tpu.memref_slice %arg7[%while3A_332, %gather3A, %gather3A_474] : memref<5x64x256xf32, #tpu.memory_space<vmem>> -> memref<1x64x256xf32, #tpu.memory_space<vmem>>
        %gather3A_476 = tpu.memref_squeeze %gather3A_475 : memref<1x64x256xf32, #tpu.memory_space<vmem>> -> memref<64x256xf32, #tpu.memory_space<vmem>>
        %gather3A_477 = tpu.vector_load_idx %gather3A_476[%add3A_473, %broadcast_in_dim3A] : memref<64x256xf32, #tpu.memory_space<vmem>>[vector<16xi32>, vector<16xi32>], vector<16xf32>,
        %swap3A_478 = arith.index_cast %get3A_470 : i32 to index
        %swap3A_479 = arith.constant 0 : index
        %swap3A_480 = tpu.vector_load %arg10[%swap3A_478, %swap3A_479] {strides = array<i32>} : memref<16x128xf32, #tpu.memory_space<vmem>>, vector<16xf32>,
        tpu.vector_store %arg10[%swap3A_478, %swap3A_479], %gather3A_477 {strides = array<i32>} : memref<16x128xf32, #tpu.memory_space<vmem>>, vector<16xf32>,
        %add3A_481 = arith.constant 16 : i32
        %add3A_482 = vector.broadcast %add3A_481 : i32 to vector<16xi32>
        %add3A_483 = arith.addi %iota3A, %add3A_482 : vector<16xi32>
        %gather3A_484 = arith.constant 0 : i32
        %gather3A_485 = arith.constant 0 : i32
        %gather3A_486 = tpu.memref_slice %arg7[%while3A_332, %gather3A_484, %gather3A_485] : memref<5x64x256xf32, #tpu.memory_space<vmem>> -> memref<1x64x256xf32, #tpu.memory_space<vmem>>
        %gather3A_487 = tpu.memref_squeeze %gather3A_486 : memref<1x64x256xf32, #tpu.memory_space<vmem>> -> memref<64x256xf32, #tpu.memory_space<vmem>>
        %gather3A_488 = tpu.vector_load_idx %gather3A_487[%add3A_483, %broadcast_in_dim3A] : memref<64x256xf32, #tpu.memory_space<vmem>>[vector<16xi32>, vector<16xi32>], vector<16xf32>,
        %swap3A_489 = arith.index_cast %get3A_470 : i32 to index
        %swap3A_490 = arith.constant 16 : index
        %swap3A_491 = tpu.vector_load %arg10[%swap3A_489, %swap3A_490] {strides = array<i32>} : memref<16x128xf32, #tpu.memory_space<vmem>>, vector<16xf32>,
        tpu.vector_store %arg10[%swap3A_489, %swap3A_490], %gather3A_488 {strides = array<i32>} : memref<16x128xf32, #tpu.memory_space<vmem>>, vector<16xf32>,
        %add3A_492 = arith.constant 32 : i32
        %add3A_493 = vector.broadcast %add3A_492 : i32 to vector<16xi32>
        %add3A_494 = arith.addi %iota3A, %add3A_493 : vector<16xi32>
        %gather3A_495 = arith.constant 0 : i32
        %gather3A_496 = arith.constant 0 : i32
        %gather3A_497 = tpu.memref_slice %arg7[%while3A_332, %gather3A_495, %gather3A_496] : memref<5x64x256xf32, #tpu.memory_space<vmem>> -> memref<1x64x256xf32, #tpu.memory_space<vmem>>
        %gather3A_498 = tpu.memref_squeeze %gather3A_497 : memref<1x64x256xf32, #tpu.memory_space<vmem>> -> memref<64x256xf32, #tpu.memory_space<vmem>>
        %gather3A_499 = tpu.vector_load_idx %gather3A_498[%add3A_494, %broadcast_in_dim3A] : memref<64x256xf32, #tpu.memory_space<vmem>>[vector<16xi32>, vector<16xi32>], vector<16xf32>,
        %swap3A_500 = arith.index_cast %get3A_470 : i32 to index
        %swap3A_501 = arith.constant 32 : index
        %swap3A_502 = tpu.vector_load %arg10[%swap3A_500, %swap3A_501] {strides = array<i32>} : memref<16x128xf32, #tpu.memory_space<vmem>>, vector<16xf32>,
        tpu.vector_store %arg10[%swap3A_500, %swap3A_501], %gather3A_499 {strides = array<i32>} : memref<16x128xf32, #tpu.memory_space<vmem>>, vector<16xf32>,
        %add3A_503 = arith.constant 48 : i32
        %add3A_504 = vector.broadcast %add3A_503 : i32 to vector<16xi32>
        %add3A_505 = arith.addi %iota3A, %add3A_504 : vector<16xi32>
        %gather3A_506 = arith.constant 0 : i32
        %gather3A_507 = arith.constant 0 : i32
        %gather3A_508 = tpu.memref_slice %arg7[%while3A_332, %gather3A_506, %gather3A_507] : memref<5x64x256xf32, #tpu.memory_space<vmem>> -> memref<1x64x256xf32, #tpu.memory_space<vmem>>
        %gather3A_509 = tpu.memref_squeeze %gather3A_508 : memref<1x64x256xf32, #tpu.memory_space<vmem>> -> memref<64x256xf32, #tpu.memory_space<vmem>>
        %gather3A_510 = tpu.vector_load_idx %gather3A_509[%add3A_505, %broadcast_in_dim3A] : memref<64x256xf32, #tpu.memory_space<vmem>>[vector<16xi32>, vector<16xi32>], vector<16xf32>,
        %swap3A_511 = arith.index_cast %get3A_470 : i32 to index
        %swap3A_512 = arith.constant 48 : index
        %swap3A_513 = tpu.vector_load %arg10[%swap3A_511, %swap3A_512] {strides = array<i32>} : memref<16x128xf32, #tpu.memory_space<vmem>>, vector<16xf32>,
        tpu.vector_store %arg10[%swap3A_511, %swap3A_512], %gather3A_510 {strides = array<i32>} : memref<16x128xf32, #tpu.memory_space<vmem>>, vector<16xf32>,
        %get3A_514 = arith.constant 0 : index
        %get3A_515 = tpu.vector_load %arg11[%get3A_514] {strides = array<i32>} : memref<16xi32, #tpu.memory_space<vmem>>, vector<16xi32>,
        %eq3A_516 = vector.broadcast %get3A_470 : i32 to vector<16xi32>
        %eq3A_517 = arith.cmpi eq, %iota3A, %eq3A_516 : vector<16xi32>
        %broadcast_in_dim3A_518 = vector.broadcast %and3A_463 : i32 to vector<16xi32>
        %select_n3A_519 = arith.select %eq3A_517, %broadcast_in_dim3A_518, %get3A_515 : vector<16xi1>, vector<16xi32>
        %swap3A_520 = arith.constant 0 : index
        %swap3A_521 = tpu.vector_load %arg11[%swap3A_520] {strides = array<i32>} : memref<16xi32, #tpu.memory_space<vmem>>, vector<16xi32>,
        tpu.vector_store %arg11[%swap3A_520], %select_n3A_519 {strides = array<i32>} : memref<16xi32, #tpu.memory_space<vmem>>, vector<16xi32>,
        %eq3A_522 = arith.constant 15 : i32
        %eq3A_523 = arith.cmpi eq, %get3A_470, %eq3A_522 : i32
        %convert_element_type3A_524 = arith.extui %eq3A_523 : i1 to i32
        %cond3A_525 = arith.constant 0 : i32
        %cond3A_526 = arith.cmpi ne, %convert_element_type3A_524, %cond3A_525 : i32
        scf.if %cond3A_526 {
          %get3A_536 = arith.constant 0 : index
          %get3A_537 = tpu.vector_load %arg11[%get3A_536] {strides = array<i32>} : memref<16xi32, #tpu.memory_space<vmem>>, vector<16xi32>,
          "tpu.region"() ({
            %run_scoped3A = tpu.sem_alloc : memref<!tpu.dma_semaphore, #tpu.memory_space<semaphore_mem>>
            %dma_start3A = arith.constant 0 : i32
            %dma_start3A_540 = arith.constant 0 : i32
            %dma_start3A_541 = tpu.memref_slice %arg5[%dma_start3A, %dma_start3A_540] : memref<16896x128xf32, #tpu.memory_space<hbm>> -> memref<16896x128xf32, #tpu.memory_space<hbm>>
            tpu.enqueue_indirect_dma source(%arg10 : memref<16x128xf32, #tpu.memory_space<vmem>>) target(%dma_start3A_541 : memref<16896x128xf32, #tpu.memory_space<hbm>>) offsets(%get3A_537 : vector<16xi32>) semaphore(%run_scoped3A : memref<!tpu.dma_semaphore, #tpu.memory_space<semaphore_mem>>)
            %dma_wait3A_542 = arith.constant 0 : i32
            %dma_wait3A_543 = arith.constant 0 : i32
            %dma_wait3A_544 = tpu.memref_slice %arg5[%dma_wait3A_542, %dma_wait3A_543] : memref<16896x128xf32, #tpu.memory_space<hbm>> -> memref<16896x128xf32, #tpu.memory_space<hbm>>
            tpu.wait_indirect_dma semaphore(%run_scoped3A : memref<!tpu.dma_semaphore, #tpu.memory_space<semaphore_mem>>) src(%arg10 : memref<16x128xf32, #tpu.memory_space<vmem>>) dst(%dma_wait3A_544 : memref<16896x128xf32, #tpu.memory_space<hbm>>)
            tpu.yield
          }) : () -> ()
          %swap3A_538 = arith.constant 0 : index
          %swap3A_539 = tpu.vector_load %arg11[%swap3A_538] {strides = array<i32>} : memref<16xi32, #tpu.memory_space<vmem>>, vector<16xi32>,
          tpu.vector_store %arg11[%swap3A_538], %add3A_57 {strides = array<i32>} : memref<16xi32, #tpu.memory_space<vmem>>, vector<16xi32>,
        } else {
        }
        %eq3A_527 = arith.constant 15 : i32
        %eq3A_528 = arith.cmpi eq, %get3A_470, %eq3A_527 : i32
        %add3A_529 = arith.constant 1 : i32
        %add3A_530 = arith.addi %get3A_470, %add3A_529 : i32
        %jit3A_531 = arith.constant 0 : i32
        %select_n3A_532 = arith.select %eq3A_528, %jit3A_531, %add3A_530 : i32
        %swap3A_533 = arith.constant 0 : i32
        %swap3A_534 = arith.index_cast %swap3A_533 : i32 to index
        %swap3A_535 = memref.load %arg13[%swap3A_534] : memref<4xi32, #tpu.memory_space<smem>>
        memref.store %select_n3A_532, %arg13[%swap3A_534] : memref<4xi32, #tpu.memory_space<smem>>
      }
      %while3A_341 = arith.constant 1 : i32
      scf.for %while3A_456 = %while3A_339 to %while3A_335 step %while3A_341  : i32 {
        %mul3A_457 = arith.constant 64 : i32
        %mul3A_458 = arith.muli %sub3A_329, %mul3A_457 : i32
        %add3A_459 = arith.addi %mul3A_458, %while3A_456 : i32
        %get3A_460 = arith.index_cast %add3A_459 : i32 to index
        %get3A_461 = tpu.vector_load %arg9[%get3A_460] {strides = array<i32>} : memref<7952xi32, #tpu.memory_space<vmem>>, vector<16xi32>,
        %slice3A = vector.extract_strided_slice %get3A_461 {offsets = [0], sizes = [1], strides = [1]} : vector<16xi32> to vector<1xi32>
        %squeeze3A = vector.extract %slice3A[0] : i32 from vector<1xi32>
        %and3A_462 = arith.constant 16383 : i32
        %and3A_463 = arith.andi %squeeze3A, %and3A_462 : i32
        %shift_right_arithmetic3A = arith.constant 14 : i32
        %shift_right_arithmetic3A_464 = arith.shrsi %squeeze3A, %shift_right_arithmetic3A : i32
        %mul3A_465 = arith.constant 256 : i32
        %mul3A_466 = arith.muli %sub3A_329, %mul3A_465 : i32
        %sub3A_467 = arith.subi %shift_right_arithmetic3A_464, %mul3A_466 : i32
        %broadcast_in_dim3A = vector.broadcast %sub3A_467 : i32 to vector<16xi32>
        %get3A_468 = arith.constant 0 : i32
        %get3A_469 = arith.index_cast %get3A_468 : i32 to index
        %get3A_470 = memref.load %arg13[%get3A_469] : memref<4xi32, #tpu.memory_space<smem>>
        %add3A_471 = arith.constant 0 : i32
        %add3A_472 = vector.broadcast %add3A_471 : i32 to vector<16xi32>
        %add3A_473 = arith.addi %iota3A, %add3A_472 : vector<16xi32>
        %gather3A = arith.constant 0 : i32
        %gather3A_474 = arith.constant 0 : i32
        %gather3A_475 = tpu.memref_slice %arg7[%while3A_332, %gather3A, %gather3A_474] : memref<5x64x256xf32, #tpu.memory_space<vmem>> -> memref<1x64x256xf32, #tpu.memory_space<vmem>>
        %gather3A_476 = tpu.memref_squeeze %gather3A_475 : memref<1x64x256xf32, #tpu.memory_space<vmem>> -> memref<64x256xf32, #tpu.memory_space<vmem>>
        %gather3A_477 = tpu.vector_load_idx %gather3A_476[%add3A_473, %broadcast_in_dim3A] : memref<64x256xf32, #tpu.memory_space<vmem>>[vector<16xi32>, vector<16xi32>], vector<16xf32>,
        %swap3A_478 = arith.index_cast %get3A_470 : i32 to index
        %swap3A_479 = arith.constant 0 : index
        %swap3A_480 = tpu.vector_load %arg10[%swap3A_478, %swap3A_479] {strides = array<i32>} : memref<16x128xf32, #tpu.memory_space<vmem>>, vector<16xf32>,
        tpu.vector_store %arg10[%swap3A_478, %swap3A_479], %gather3A_477 {strides = array<i32>} : memref<16x128xf32, #tpu.memory_space<vmem>>, vector<16xf32>,
        %add3A_481 = arith.constant 16 : i32
        %add3A_482 = vector.broadcast %add3A_481 : i32 to vector<16xi32>
        %add3A_483 = arith.addi %iota3A, %add3A_482 : vector<16xi32>
        %gather3A_484 = arith.constant 0 : i32
        %gather3A_485 = arith.constant 0 : i32
        %gather3A_486 = tpu.memref_slice %arg7[%while3A_332, %gather3A_484, %gather3A_485] : memref<5x64x256xf32, #tpu.memory_space<vmem>> -> memref<1x64x256xf32, #tpu.memory_space<vmem>>
        %gather3A_487 = tpu.memref_squeeze %gather3A_486 : memref<1x64x256xf32, #tpu.memory_space<vmem>> -> memref<64x256xf32, #tpu.memory_space<vmem>>
        %gather3A_488 = tpu.vector_load_idx %gather3A_487[%add3A_483, %broadcast_in_dim3A] : memref<64x256xf32, #tpu.memory_space<vmem>>[vector<16xi32>, vector<16xi32>], vector<16xf32>,
        %swap3A_489 = arith.index_cast %get3A_470 : i32 to index
        %swap3A_490 = arith.constant 16 : index
        %swap3A_491 = tpu.vector_load %arg10[%swap3A_489, %swap3A_490] {strides = array<i32>} : memref<16x128xf32, #tpu.memory_space<vmem>>, vector<16xf32>,
        tpu.vector_store %arg10[%swap3A_489, %swap3A_490], %gather3A_488 {strides = array<i32>} : memref<16x128xf32, #tpu.memory_space<vmem>>, vector<16xf32>,
        %add3A_492 = arith.constant 32 : i32
        %add3A_493 = vector.broadcast %add3A_492 : i32 to vector<16xi32>
        %add3A_494 = arith.addi %iota3A, %add3A_493 : vector<16xi32>
        %gather3A_495 = arith.constant 0 : i32
        %gather3A_496 = arith.constant 0 : i32
        %gather3A_497 = tpu.memref_slice %arg7[%while3A_332, %gather3A_495, %gather3A_496] : memref<5x64x256xf32, #tpu.memory_space<vmem>> -> memref<1x64x256xf32, #tpu.memory_space<vmem>>
        %gather3A_498 = tpu.memref_squeeze %gather3A_497 : memref<1x64x256xf32, #tpu.memory_space<vmem>> -> memref<64x256xf32, #tpu.memory_space<vmem>>
        %gather3A_499 = tpu.vector_load_idx %gather3A_498[%add3A_494, %broadcast_in_dim3A] : memref<64x256xf32, #tpu.memory_space<vmem>>[vector<16xi32>, vector<16xi32>], vector<16xf32>,
        %swap3A_500 = arith.index_cast %get3A_470 : i32 to index
        %swap3A_501 = arith.constant 32 : index
        %swap3A_502 = tpu.vector_load %arg10[%swap3A_500, %swap3A_501] {strides = array<i32>} : memref<16x128xf32, #tpu.memory_space<vmem>>, vector<16xf32>,
        tpu.vector_store %arg10[%swap3A_500, %swap3A_501], %gather3A_499 {strides = array<i32>} : memref<16x128xf32, #tpu.memory_space<vmem>>, vector<16xf32>,
        %add3A_503 = arith.constant 48 : i32
        %add3A_504 = vector.broadcast %add3A_503 : i32 to vector<16xi32>
        %add3A_505 = arith.addi %iota3A, %add3A_504 : vector<16xi32>
        %gather3A_506 = arith.constant 0 : i32
        %gather3A_507 = arith.constant 0 : i32
        %gather3A_508 = tpu.memref_slice %arg7[%while3A_332, %gather3A_506, %gather3A_507] : memref<5x64x256xf32, #tpu.memory_space<vmem>> -> memref<1x64x256xf32, #tpu.memory_space<vmem>>
        %gather3A_509 = tpu.memref_squeeze %gather3A_508 : memref<1x64x256xf32, #tpu.memory_space<vmem>> -> memref<64x256xf32, #tpu.memory_space<vmem>>
        %gather3A_510 = tpu.vector_load_idx %gather3A_509[%add3A_505, %broadcast_in_dim3A] : memref<64x256xf32, #tpu.memory_space<vmem>>[vector<16xi32>, vector<16xi32>], vector<16xf32>,
        %swap3A_511 = arith.index_cast %get3A_470 : i32 to index
        %swap3A_512 = arith.constant 48 : index
        %swap3A_513 = tpu.vector_load %arg10[%swap3A_511, %swap3A_512] {strides = array<i32>} : memref<16x128xf32, #tpu.memory_space<vmem>>, vector<16xf32>,
        tpu.vector_store %arg10[%swap3A_511, %swap3A_512], %gather3A_510 {strides = array<i32>} : memref<16x128xf32, #tpu.memory_space<vmem>>, vector<16xf32>,
        %get3A_514 = arith.constant 0 : index
        %get3A_515 = tpu.vector_load %arg11[%get3A_514] {strides = array<i32>} : memref<16xi32, #tpu.memory_space<vmem>>, vector<16xi32>,
        %eq3A_516 = vector.broadcast %get3A_470 : i32 to vector<16xi32>
        %eq3A_517 = arith.cmpi eq, %iota3A, %eq3A_516 : vector<16xi32>
        %broadcast_in_dim3A_518 = vector.broadcast %and3A_463 : i32 to vector<16xi32>
        %select_n3A_519 = arith.select %eq3A_517, %broadcast_in_dim3A_518, %get3A_515 : vector<16xi1>, vector<16xi32>
        %swap3A_520 = arith.constant 0 : index
        %swap3A_521 = tpu.vector_load %arg11[%swap3A_520] {strides = array<i32>} : memref<16xi32, #tpu.memory_space<vmem>>, vector<16xi32>,
        tpu.vector_store %arg11[%swap3A_520], %select_n3A_519 {strides = array<i32>} : memref<16xi32, #tpu.memory_space<vmem>>, vector<16xi32>,
        %eq3A_522 = arith.constant 15 : i32
        %eq3A_523 = arith.cmpi eq, %get3A_470, %eq3A_522 : i32
        %convert_element_type3A_524 = arith.extui %eq3A_523 : i1 to i32
        %cond3A_525 = arith.constant 0 : i32
        %cond3A_526 = arith.cmpi ne, %convert_element_type3A_524, %cond3A_525 : i32
        scf.if %cond3A_526 {
          %get3A_536 = arith.constant 0 : index
          %get3A_537 = tpu.vector_load %arg11[%get3A_536] {strides = array<i32>} : memref<16xi32, #tpu.memory_space<vmem>>, vector<16xi32>,
          "tpu.region"() ({
            %run_scoped3A = tpu.sem_alloc : memref<!tpu.dma_semaphore, #tpu.memory_space<semaphore_mem>>
            %dma_start3A = arith.constant 0 : i32
            %dma_start3A_540 = arith.constant 0 : i32
            %dma_start3A_541 = tpu.memref_slice %arg5[%dma_start3A, %dma_start3A_540] : memref<16896x128xf32, #tpu.memory_space<hbm>> -> memref<16896x128xf32, #tpu.memory_space<hbm>>
            tpu.enqueue_indirect_dma source(%arg10 : memref<16x128xf32, #tpu.memory_space<vmem>>) target(%dma_start3A_541 : memref<16896x128xf32, #tpu.memory_space<hbm>>) offsets(%get3A_537 : vector<16xi32>) semaphore(%run_scoped3A : memref<!tpu.dma_semaphore, #tpu.memory_space<semaphore_mem>>)
            %dma_wait3A_542 = arith.constant 0 : i32
            %dma_wait3A_543 = arith.constant 0 : i32
            %dma_wait3A_544 = tpu.memref_slice %arg5[%dma_wait3A_542, %dma_wait3A_543] : memref<16896x128xf32, #tpu.memory_space<hbm>> -> memref<16896x128xf32, #tpu.memory_space<hbm>>
            tpu.wait_indirect_dma semaphore(%run_scoped3A : memref<!tpu.dma_semaphore, #tpu.memory_space<semaphore_mem>>) src(%arg10 : memref<16x128xf32, #tpu.memory_space<vmem>>) dst(%dma_wait3A_544 : memref<16896x128xf32, #tpu.memory_space<hbm>>)
            tpu.yield
          }) : () -> ()
          %swap3A_538 = arith.constant 0 : index
          %swap3A_539 = tpu.vector_load %arg11[%swap3A_538] {strides = array<i32>} : memref<16xi32, #tpu.memory_space<vmem>>, vector<16xi32>,
          tpu.vector_store %arg11[%swap3A_538], %add3A_57 {strides = array<i32>} : memref<16xi32, #tpu.memory_space<vmem>>, vector<16xi32>,
        } else {
        }
        %eq3A_527 = arith.constant 15 : i32
        %eq3A_528 = arith.cmpi eq, %get3A_470, %eq3A_527 : i32
        %add3A_529 = arith.constant 1 : i32
        %add3A_530 = arith.addi %get3A_470, %add3A_529 : i32
        %jit3A_531 = arith.constant 0 : i32
        %select_n3A_532 = arith.select %eq3A_528, %jit3A_531, %add3A_530 : i32
        %swap3A_533 = arith.constant 0 : i32
        %swap3A_534 = arith.index_cast %swap3A_533 : i32 to index
        %swap3A_535 = memref.load %arg13[%swap3A_534] : memref<4xi32, #tpu.memory_space<smem>>
        memref.store %select_n3A_532, %arg13[%swap3A_534] : memref<4xi32, #tpu.memory_space<smem>>
      }
      %add3A_342 = arith.constant 5 : i32
      %add3A_343 = arith.addi %add3A_313, %add3A_342 : i32
      %lt3A_344 = arith.cmpi slt, %add3A_343, %select_n3A_46 : i32
      %convert_element_type3A_345 = arith.extui %lt3A_344 : i1 to i32
      %cond3A_346 = arith.constant 0 : i32
      %cond3A_347 = arith.cmpi ne, %convert_element_type3A_345, %cond3A_346 : i32
      scf.if %cond3A_347 {
        %add3A_456 = arith.constant 5 : i32
        %add3A_457 = arith.addi %add3A_313, %add3A_456 : i32
        %mul3A_458 = arith.constant 256 : i32
        %mul3A_459 = arith.muli %add3A_457, %mul3A_458 : i32
        %dma_start3A = arith.constant 1 : i32
        %dma_start3A_460 = arith.constant 0 : i32
        %dma_start3A_461 = arith.constant 0 : i32
        %dma_start3A_462 = tpu.memref_slice %arg7[%dma_start3A, %dma_start3A_460, %dma_start3A_461] : memref<5x64x256xf32, #tpu.memory_space<vmem>> -> memref<1x64x256xf32, #tpu.memory_space<vmem>>
        %dma_start3A_463 = tpu.memref_squeeze %dma_start3A_462 : memref<1x64x256xf32, #tpu.memory_space<vmem>> -> memref<64x256xf32, #tpu.memory_space<vmem>>
        %dma_start3A_464 = arith.constant 0 : i32
        %dma_start3A_465 = tpu.memref_slice %arg3[%dma_start3A_464, %mul3A_459] : memref<64x1000001xf32, #tpu.memory_space<hbm>> -> memref<64x256xf32, #tpu.memory_space<hbm>>
        %dma_start3A_466 = arith.constant 0 : i32
        %dma_start3A_467 = arith.constant 0 : i32
        %dma_start3A_468 = tpu.memref_slice %arg7[%dma_start3A, %dma_start3A_466, %dma_start3A_467] : memref<5x64x256xf32, #tpu.memory_space<vmem>> -> memref<1x64x256xf32, #tpu.memory_space<vmem>>
        %dma_start3A_469 = tpu.memref_squeeze %dma_start3A_468 : memref<1x64x256xf32, #tpu.memory_space<vmem>> -> memref<64x256xf32, #tpu.memory_space<vmem>>
        %dma_start3A_470 = arith.constant 0 : i32
        %dma_start3A_471 = tpu.memref_slice %arg3[%dma_start3A_470, %mul3A_459] : memref<64x1000001xf32, #tpu.memory_space<hbm>> -> memref<64x256xf32, #tpu.memory_space<hbm>>
        tpu.enqueue_dma source(%dma_start3A_471 : memref<64x256xf32, #tpu.memory_space<hbm>>) target(%dma_start3A_469 : memref<64x256xf32, #tpu.memory_space<vmem>>) target_semaphore(%arg16 : memref<!tpu.dma_semaphore, #tpu.memory_space<semaphore_mem>>)
      } else {
      }
      %add3A_348 = arith.constant 2 : i32
      %add3A_349 = arith.addi %add3A_276, %add3A_348 : i32
      %mul3A_350 = arith.constant 256 : i32
      %mul3A_351 = arith.muli %add3A_349, %mul3A_350 : i32
      %dma_wait3A_352 = arith.constant 2 : i32
      %dma_wait3A_353 = arith.constant 0 : i32
      %dma_wait3A_354 = arith.constant 0 : i32
      %dma_wait3A_355 = tpu.memref_slice %arg7[%dma_wait3A_352, %dma_wait3A_353, %dma_wait3A_354] : memref<5x64x256xf32, #tpu.memory_space<vmem>> -> memref<1x64x256xf32, #tpu.memory_space<vmem>>
      %dma_wait3A_356 = tpu.memref_squeeze %dma_wait3A_355 : memref<1x64x256xf32, #tpu.memory_space<vmem>> -> memref<64x256xf32, #tpu.memory_space<vmem>>
      %dma_wait3A_357 = arith.constant 0 : i32
      %dma_wait3A_358 = tpu.memref_slice %arg3[%dma_wait3A_357, %mul3A_351] : memref<64x1000001xf32, #tpu.memory_space<hbm>> -> memref<64x256xf32, #tpu.memory_space<hbm>>
      %dma_wait3A_359 = arith.constant 0 : i32
      %dma_wait3A_360 = arith.constant 0 : i32
      %dma_wait3A_361 = tpu.memref_slice %arg7[%dma_wait3A_352, %dma_wait3A_359, %dma_wait3A_360] : memref<5x64x256xf32, #tpu.memory_space<vmem>> -> memref<1x64x256xf32, #tpu.memory_space<vmem>>
      %dma_wait3A_362 = tpu.memref_squeeze %dma_wait3A_361 : memref<1x64x256xf32, #tpu.memory_space<vmem>> -> memref<64x256xf32, #tpu.memory_space<vmem>>
      %dma_wait3A_363 = arith.constant 0 : i32
      %dma_wait3A_364 = tpu.memref_slice %arg3[%dma_wait3A_363, %mul3A_351] : memref<64x1000001xf32, #tpu.memory_space<hbm>> -> memref<64x256xf32, #tpu.memory_space<hbm>>
      tpu.wait_dma2 semaphore(%arg17 : memref<!tpu.dma_semaphore, #tpu.memory_space<semaphore_mem>>) src(%dma_wait3A_364 : memref<64x256xf32, #tpu.memory_space<hbm>>) dst(%dma_wait3A_362 : memref<64x256xf32, #tpu.memory_space<vmem>>)
      %sub3A_365 = arith.subi %add3A_349, %select_n3A : i32
      %get3A_366 = arith.index_cast %sub3A_365 : i32 to index
      %get3A_367 = memref.load %arg12[%get3A_366] : memref<124xi32, #tpu.memory_space<smem>>
      %while3A_368 = arith.constant 2 : i32
      %while3A_369 = arith.constant 0 : i32
      %while3A_370 = arith.subi %get3A_367, %while3A_369 : i32
      %while3A_371 = arith.addi %while3A_369, %while3A_370 : i32
      %while3A_372 = arith.constant 1 : i32
      %while3A_373 = arith.divsi %while3A_370, %while3A_372 : i32
      %while3A_374 = arith.muli %while3A_373, %while3A_372 : i32
      %while3A_375 = arith.addi %while3A_369, %while3A_374 : i32
      %while3A_376 = arith.constant 1 : i32
      scf.for %while3A_456 = %while3A_369 to %while3A_375 step %while3A_376  : i32 {
        %mul3A_457 = arith.constant 64 : i32
        %mul3A_458 = arith.muli %sub3A_365, %mul3A_457 : i32
        %add3A_459 = arith.addi %mul3A_458, %while3A_456 : i32
        %get3A_460 = arith.index_cast %add3A_459 : i32 to index
        %get3A_461 = tpu.vector_load %arg9[%get3A_460] {strides = array<i32>} : memref<7952xi32, #tpu.memory_space<vmem>>, vector<16xi32>,
        %slice3A = vector.extract_strided_slice %get3A_461 {offsets = [0], sizes = [1], strides = [1]} : vector<16xi32> to vector<1xi32>
        %squeeze3A = vector.extract %slice3A[0] : i32 from vector<1xi32>
        %and3A_462 = arith.constant 16383 : i32
        %and3A_463 = arith.andi %squeeze3A, %and3A_462 : i32
        %shift_right_arithmetic3A = arith.constant 14 : i32
        %shift_right_arithmetic3A_464 = arith.shrsi %squeeze3A, %shift_right_arithmetic3A : i32
        %mul3A_465 = arith.constant 256 : i32
        %mul3A_466 = arith.muli %sub3A_365, %mul3A_465 : i32
        %sub3A_467 = arith.subi %shift_right_arithmetic3A_464, %mul3A_466 : i32
        %broadcast_in_dim3A = vector.broadcast %sub3A_467 : i32 to vector<16xi32>
        %get3A_468 = arith.constant 0 : i32
        %get3A_469 = arith.index_cast %get3A_468 : i32 to index
        %get3A_470 = memref.load %arg13[%get3A_469] : memref<4xi32, #tpu.memory_space<smem>>
        %add3A_471 = arith.constant 0 : i32
        %add3A_472 = vector.broadcast %add3A_471 : i32 to vector<16xi32>
        %add3A_473 = arith.addi %iota3A, %add3A_472 : vector<16xi32>
        %gather3A = arith.constant 0 : i32
        %gather3A_474 = arith.constant 0 : i32
        %gather3A_475 = tpu.memref_slice %arg7[%while3A_368, %gather3A, %gather3A_474] : memref<5x64x256xf32, #tpu.memory_space<vmem>> -> memref<1x64x256xf32, #tpu.memory_space<vmem>>
        %gather3A_476 = tpu.memref_squeeze %gather3A_475 : memref<1x64x256xf32, #tpu.memory_space<vmem>> -> memref<64x256xf32, #tpu.memory_space<vmem>>
        %gather3A_477 = tpu.vector_load_idx %gather3A_476[%add3A_473, %broadcast_in_dim3A] : memref<64x256xf32, #tpu.memory_space<vmem>>[vector<16xi32>, vector<16xi32>], vector<16xf32>,
        %swap3A_478 = arith.index_cast %get3A_470 : i32 to index
        %swap3A_479 = arith.constant 0 : index
        %swap3A_480 = tpu.vector_load %arg10[%swap3A_478, %swap3A_479] {strides = array<i32>} : memref<16x128xf32, #tpu.memory_space<vmem>>, vector<16xf32>,
        tpu.vector_store %arg10[%swap3A_478, %swap3A_479], %gather3A_477 {strides = array<i32>} : memref<16x128xf32, #tpu.memory_space<vmem>>, vector<16xf32>,
        %add3A_481 = arith.constant 16 : i32
        %add3A_482 = vector.broadcast %add3A_481 : i32 to vector<16xi32>
        %add3A_483 = arith.addi %iota3A, %add3A_482 : vector<16xi32>
        %gather3A_484 = arith.constant 0 : i32
        %gather3A_485 = arith.constant 0 : i32
        %gather3A_486 = tpu.memref_slice %arg7[%while3A_368, %gather3A_484, %gather3A_485] : memref<5x64x256xf32, #tpu.memory_space<vmem>> -> memref<1x64x256xf32, #tpu.memory_space<vmem>>
        %gather3A_487 = tpu.memref_squeeze %gather3A_486 : memref<1x64x256xf32, #tpu.memory_space<vmem>> -> memref<64x256xf32, #tpu.memory_space<vmem>>
        %gather3A_488 = tpu.vector_load_idx %gather3A_487[%add3A_483, %broadcast_in_dim3A] : memref<64x256xf32, #tpu.memory_space<vmem>>[vector<16xi32>, vector<16xi32>], vector<16xf32>,
        %swap3A_489 = arith.index_cast %get3A_470 : i32 to index
        %swap3A_490 = arith.constant 16 : index
        %swap3A_491 = tpu.vector_load %arg10[%swap3A_489, %swap3A_490] {strides = array<i32>} : memref<16x128xf32, #tpu.memory_space<vmem>>, vector<16xf32>,
        tpu.vector_store %arg10[%swap3A_489, %swap3A_490], %gather3A_488 {strides = array<i32>} : memref<16x128xf32, #tpu.memory_space<vmem>>, vector<16xf32>,
        %add3A_492 = arith.constant 32 : i32
        %add3A_493 = vector.broadcast %add3A_492 : i32 to vector<16xi32>
        %add3A_494 = arith.addi %iota3A, %add3A_493 : vector<16xi32>
        %gather3A_495 = arith.constant 0 : i32
        %gather3A_496 = arith.constant 0 : i32
        %gather3A_497 = tpu.memref_slice %arg7[%while3A_368, %gather3A_495, %gather3A_496] : memref<5x64x256xf32, #tpu.memory_space<vmem>> -> memref<1x64x256xf32, #tpu.memory_space<vmem>>
        %gather3A_498 = tpu.memref_squeeze %gather3A_497 : memref<1x64x256xf32, #tpu.memory_space<vmem>> -> memref<64x256xf32, #tpu.memory_space<vmem>>
        %gather3A_499 = tpu.vector_load_idx %gather3A_498[%add3A_494, %broadcast_in_dim3A] : memref<64x256xf32, #tpu.memory_space<vmem>>[vector<16xi32>, vector<16xi32>], vector<16xf32>,
        %swap3A_500 = arith.index_cast %get3A_470 : i32 to index
        %swap3A_501 = arith.constant 32 : index
        %swap3A_502 = tpu.vector_load %arg10[%swap3A_500, %swap3A_501] {strides = array<i32>} : memref<16x128xf32, #tpu.memory_space<vmem>>, vector<16xf32>,
        tpu.vector_store %arg10[%swap3A_500, %swap3A_501], %gather3A_499 {strides = array<i32>} : memref<16x128xf32, #tpu.memory_space<vmem>>, vector<16xf32>,
        %add3A_503 = arith.constant 48 : i32
        %add3A_504 = vector.broadcast %add3A_503 : i32 to vector<16xi32>
        %add3A_505 = arith.addi %iota3A, %add3A_504 : vector<16xi32>
        %gather3A_506 = arith.constant 0 : i32
        %gather3A_507 = arith.constant 0 : i32
        %gather3A_508 = tpu.memref_slice %arg7[%while3A_368, %gather3A_506, %gather3A_507] : memref<5x64x256xf32, #tpu.memory_space<vmem>> -> memref<1x64x256xf32, #tpu.memory_space<vmem>>
        %gather3A_509 = tpu.memref_squeeze %gather3A_508 : memref<1x64x256xf32, #tpu.memory_space<vmem>> -> memref<64x256xf32, #tpu.memory_space<vmem>>
        %gather3A_510 = tpu.vector_load_idx %gather3A_509[%add3A_505, %broadcast_in_dim3A] : memref<64x256xf32, #tpu.memory_space<vmem>>[vector<16xi32>, vector<16xi32>], vector<16xf32>,
        %swap3A_511 = arith.index_cast %get3A_470 : i32 to index
        %swap3A_512 = arith.constant 48 : index
        %swap3A_513 = tpu.vector_load %arg10[%swap3A_511, %swap3A_512] {strides = array<i32>} : memref<16x128xf32, #tpu.memory_space<vmem>>, vector<16xf32>,
        tpu.vector_store %arg10[%swap3A_511, %swap3A_512], %gather3A_510 {strides = array<i32>} : memref<16x128xf32, #tpu.memory_space<vmem>>, vector<16xf32>,
        %get3A_514 = arith.constant 0 : index
        %get3A_515 = tpu.vector_load %arg11[%get3A_514] {strides = array<i32>} : memref<16xi32, #tpu.memory_space<vmem>>, vector<16xi32>,
        %eq3A_516 = vector.broadcast %get3A_470 : i32 to vector<16xi32>
        %eq3A_517 = arith.cmpi eq, %iota3A, %eq3A_516 : vector<16xi32>
        %broadcast_in_dim3A_518 = vector.broadcast %and3A_463 : i32 to vector<16xi32>
        %select_n3A_519 = arith.select %eq3A_517, %broadcast_in_dim3A_518, %get3A_515 : vector<16xi1>, vector<16xi32>
        %swap3A_520 = arith.constant 0 : index
        %swap3A_521 = tpu.vector_load %arg11[%swap3A_520] {strides = array<i32>} : memref<16xi32, #tpu.memory_space<vmem>>, vector<16xi32>,
        tpu.vector_store %arg11[%swap3A_520], %select_n3A_519 {strides = array<i32>} : memref<16xi32, #tpu.memory_space<vmem>>, vector<16xi32>,
        %eq3A_522 = arith.constant 15 : i32
        %eq3A_523 = arith.cmpi eq, %get3A_470, %eq3A_522 : i32
        %convert_element_type3A_524 = arith.extui %eq3A_523 : i1 to i32
        %cond3A_525 = arith.constant 0 : i32
        %cond3A_526 = arith.cmpi ne, %convert_element_type3A_524, %cond3A_525 : i32
        scf.if %cond3A_526 {
          %get3A_536 = arith.constant 0 : index
          %get3A_537 = tpu.vector_load %arg11[%get3A_536] {strides = array<i32>} : memref<16xi32, #tpu.memory_space<vmem>>, vector<16xi32>,
          "tpu.region"() ({
            %run_scoped3A = tpu.sem_alloc : memref<!tpu.dma_semaphore, #tpu.memory_space<semaphore_mem>>
            %dma_start3A = arith.constant 0 : i32
            %dma_start3A_540 = arith.constant 0 : i32
            %dma_start3A_541 = tpu.memref_slice %arg5[%dma_start3A, %dma_start3A_540] : memref<16896x128xf32, #tpu.memory_space<hbm>> -> memref<16896x128xf32, #tpu.memory_space<hbm>>
            tpu.enqueue_indirect_dma source(%arg10 : memref<16x128xf32, #tpu.memory_space<vmem>>) target(%dma_start3A_541 : memref<16896x128xf32, #tpu.memory_space<hbm>>) offsets(%get3A_537 : vector<16xi32>) semaphore(%run_scoped3A : memref<!tpu.dma_semaphore, #tpu.memory_space<semaphore_mem>>)
            %dma_wait3A_542 = arith.constant 0 : i32
            %dma_wait3A_543 = arith.constant 0 : i32
            %dma_wait3A_544 = tpu.memref_slice %arg5[%dma_wait3A_542, %dma_wait3A_543] : memref<16896x128xf32, #tpu.memory_space<hbm>> -> memref<16896x128xf32, #tpu.memory_space<hbm>>
            tpu.wait_indirect_dma semaphore(%run_scoped3A : memref<!tpu.dma_semaphore, #tpu.memory_space<semaphore_mem>>) src(%arg10 : memref<16x128xf32, #tpu.memory_space<vmem>>) dst(%dma_wait3A_544 : memref<16896x128xf32, #tpu.memory_space<hbm>>)
            tpu.yield
          }) : () -> ()
          %swap3A_538 = arith.constant 0 : index
          %swap3A_539 = tpu.vector_load %arg11[%swap3A_538] {strides = array<i32>} : memref<16xi32, #tpu.memory_space<vmem>>, vector<16xi32>,
          tpu.vector_store %arg11[%swap3A_538], %add3A_57 {strides = array<i32>} : memref<16xi32, #tpu.memory_space<vmem>>, vector<16xi32>,
        } else {
        }
        %eq3A_527 = arith.constant 15 : i32
        %eq3A_528 = arith.cmpi eq, %get3A_470, %eq3A_527 : i32
        %add3A_529 = arith.constant 1 : i32
        %add3A_530 = arith.addi %get3A_470, %add3A_529 : i32
        %jit3A_531 = arith.constant 0 : i32
        %select_n3A_532 = arith.select %eq3A_528, %jit3A_531, %add3A_530 : i32
        %swap3A_533 = arith.constant 0 : i32
        %swap3A_534 = arith.index_cast %swap3A_533 : i32 to index
        %swap3A_535 = memref.load %arg13[%swap3A_534] : memref<4xi32, #tpu.memory_space<smem>>
        memref.store %select_n3A_532, %arg13[%swap3A_534] : memref<4xi32, #tpu.memory_space<smem>>
      }
      %while3A_377 = arith.constant 1 : i32
      scf.for %while3A_456 = %while3A_375 to %while3A_371 step %while3A_377  : i32 {
        %mul3A_457 = arith.constant 64 : i32
        %mul3A_458 = arith.muli %sub3A_365, %mul3A_457 : i32
        %add3A_459 = arith.addi %mul3A_458, %while3A_456 : i32
        %get3A_460 = arith.index_cast %add3A_459 : i32 to index
        %get3A_461 = tpu.vector_load %arg9[%get3A_460] {strides = array<i32>} : memref<7952xi32, #tpu.memory_space<vmem>>, vector<16xi32>,
        %slice3A = vector.extract_strided_slice %get3A_461 {offsets = [0], sizes = [1], strides = [1]} : vector<16xi32> to vector<1xi32>
        %squeeze3A = vector.extract %slice3A[0] : i32 from vector<1xi32>
        %and3A_462 = arith.constant 16383 : i32
        %and3A_463 = arith.andi %squeeze3A, %and3A_462 : i32
        %shift_right_arithmetic3A = arith.constant 14 : i32
        %shift_right_arithmetic3A_464 = arith.shrsi %squeeze3A, %shift_right_arithmetic3A : i32
        %mul3A_465 = arith.constant 256 : i32
        %mul3A_466 = arith.muli %sub3A_365, %mul3A_465 : i32
        %sub3A_467 = arith.subi %shift_right_arithmetic3A_464, %mul3A_466 : i32
        %broadcast_in_dim3A = vector.broadcast %sub3A_467 : i32 to vector<16xi32>
        %get3A_468 = arith.constant 0 : i32
        %get3A_469 = arith.index_cast %get3A_468 : i32 to index
        %get3A_470 = memref.load %arg13[%get3A_469] : memref<4xi32, #tpu.memory_space<smem>>
        %add3A_471 = arith.constant 0 : i32
        %add3A_472 = vector.broadcast %add3A_471 : i32 to vector<16xi32>
        %add3A_473 = arith.addi %iota3A, %add3A_472 : vector<16xi32>
        %gather3A = arith.constant 0 : i32
        %gather3A_474 = arith.constant 0 : i32
        %gather3A_475 = tpu.memref_slice %arg7[%while3A_368, %gather3A, %gather3A_474] : memref<5x64x256xf32, #tpu.memory_space<vmem>> -> memref<1x64x256xf32, #tpu.memory_space<vmem>>
        %gather3A_476 = tpu.memref_squeeze %gather3A_475 : memref<1x64x256xf32, #tpu.memory_space<vmem>> -> memref<64x256xf32, #tpu.memory_space<vmem>>
        %gather3A_477 = tpu.vector_load_idx %gather3A_476[%add3A_473, %broadcast_in_dim3A] : memref<64x256xf32, #tpu.memory_space<vmem>>[vector<16xi32>, vector<16xi32>], vector<16xf32>,
        %swap3A_478 = arith.index_cast %get3A_470 : i32 to index
        %swap3A_479 = arith.constant 0 : index
        %swap3A_480 = tpu.vector_load %arg10[%swap3A_478, %swap3A_479] {strides = array<i32>} : memref<16x128xf32, #tpu.memory_space<vmem>>, vector<16xf32>,
        tpu.vector_store %arg10[%swap3A_478, %swap3A_479], %gather3A_477 {strides = array<i32>} : memref<16x128xf32, #tpu.memory_space<vmem>>, vector<16xf32>,
        %add3A_481 = arith.constant 16 : i32
        %add3A_482 = vector.broadcast %add3A_481 : i32 to vector<16xi32>
        %add3A_483 = arith.addi %iota3A, %add3A_482 : vector<16xi32>
        %gather3A_484 = arith.constant 0 : i32
        %gather3A_485 = arith.constant 0 : i32
        %gather3A_486 = tpu.memref_slice %arg7[%while3A_368, %gather3A_484, %gather3A_485] : memref<5x64x256xf32, #tpu.memory_space<vmem>> -> memref<1x64x256xf32, #tpu.memory_space<vmem>>
        %gather3A_487 = tpu.memref_squeeze %gather3A_486 : memref<1x64x256xf32, #tpu.memory_space<vmem>> -> memref<64x256xf32, #tpu.memory_space<vmem>>
        %gather3A_488 = tpu.vector_load_idx %gather3A_487[%add3A_483, %broadcast_in_dim3A] : memref<64x256xf32, #tpu.memory_space<vmem>>[vector<16xi32>, vector<16xi32>], vector<16xf32>,
        %swap3A_489 = arith.index_cast %get3A_470 : i32 to index
        %swap3A_490 = arith.constant 16 : index
        %swap3A_491 = tpu.vector_load %arg10[%swap3A_489, %swap3A_490] {strides = array<i32>} : memref<16x128xf32, #tpu.memory_space<vmem>>, vector<16xf32>,
        tpu.vector_store %arg10[%swap3A_489, %swap3A_490], %gather3A_488 {strides = array<i32>} : memref<16x128xf32, #tpu.memory_space<vmem>>, vector<16xf32>,
        %add3A_492 = arith.constant 32 : i32
        %add3A_493 = vector.broadcast %add3A_492 : i32 to vector<16xi32>
        %add3A_494 = arith.addi %iota3A, %add3A_493 : vector<16xi32>
        %gather3A_495 = arith.constant 0 : i32
        %gather3A_496 = arith.constant 0 : i32
        %gather3A_497 = tpu.memref_slice %arg7[%while3A_368, %gather3A_495, %gather3A_496] : memref<5x64x256xf32, #tpu.memory_space<vmem>> -> memref<1x64x256xf32, #tpu.memory_space<vmem>>
        %gather3A_498 = tpu.memref_squeeze %gather3A_497 : memref<1x64x256xf32, #tpu.memory_space<vmem>> -> memref<64x256xf32, #tpu.memory_space<vmem>>
        %gather3A_499 = tpu.vector_load_idx %gather3A_498[%add3A_494, %broadcast_in_dim3A] : memref<64x256xf32, #tpu.memory_space<vmem>>[vector<16xi32>, vector<16xi32>], vector<16xf32>,
        %swap3A_500 = arith.index_cast %get3A_470 : i32 to index
        %swap3A_501 = arith.constant 32 : index
        %swap3A_502 = tpu.vector_load %arg10[%swap3A_500, %swap3A_501] {strides = array<i32>} : memref<16x128xf32, #tpu.memory_space<vmem>>, vector<16xf32>,
        tpu.vector_store %arg10[%swap3A_500, %swap3A_501], %gather3A_499 {strides = array<i32>} : memref<16x128xf32, #tpu.memory_space<vmem>>, vector<16xf32>,
        %add3A_503 = arith.constant 48 : i32
        %add3A_504 = vector.broadcast %add3A_503 : i32 to vector<16xi32>
        %add3A_505 = arith.addi %iota3A, %add3A_504 : vector<16xi32>
        %gather3A_506 = arith.constant 0 : i32
        %gather3A_507 = arith.constant 0 : i32
        %gather3A_508 = tpu.memref_slice %arg7[%while3A_368, %gather3A_506, %gather3A_507] : memref<5x64x256xf32, #tpu.memory_space<vmem>> -> memref<1x64x256xf32, #tpu.memory_space<vmem>>
        %gather3A_509 = tpu.memref_squeeze %gather3A_508 : memref<1x64x256xf32, #tpu.memory_space<vmem>> -> memref<64x256xf32, #tpu.memory_space<vmem>>
        %gather3A_510 = tpu.vector_load_idx %gather3A_509[%add3A_505, %broadcast_in_dim3A] : memref<64x256xf32, #tpu.memory_space<vmem>>[vector<16xi32>, vector<16xi32>], vector<16xf32>,
        %swap3A_511 = arith.index_cast %get3A_470 : i32 to index
        %swap3A_512 = arith.constant 48 : index
        %swap3A_513 = tpu.vector_load %arg10[%swap3A_511, %swap3A_512] {strides = array<i32>} : memref<16x128xf32, #tpu.memory_space<vmem>>, vector<16xf32>,
        tpu.vector_store %arg10[%swap3A_511, %swap3A_512], %gather3A_510 {strides = array<i32>} : memref<16x128xf32, #tpu.memory_space<vmem>>, vector<16xf32>,
        %get3A_514 = arith.constant 0 : index
        %get3A_515 = tpu.vector_load %arg11[%get3A_514] {strides = array<i32>} : memref<16xi32, #tpu.memory_space<vmem>>, vector<16xi32>,
        %eq3A_516 = vector.broadcast %get3A_470 : i32 to vector<16xi32>
        %eq3A_517 = arith.cmpi eq, %iota3A, %eq3A_516 : vector<16xi32>
        %broadcast_in_dim3A_518 = vector.broadcast %and3A_463 : i32 to vector<16xi32>
        %select_n3A_519 = arith.select %eq3A_517, %broadcast_in_dim3A_518, %get3A_515 : vector<16xi1>, vector<16xi32>
        %swap3A_520 = arith.constant 0 : index
        %swap3A_521 = tpu.vector_load %arg11[%swap3A_520] {strides = array<i32>} : memref<16xi32, #tpu.memory_space<vmem>>, vector<16xi32>,
        tpu.vector_store %arg11[%swap3A_520], %select_n3A_519 {strides = array<i32>} : memref<16xi32, #tpu.memory_space<vmem>>, vector<16xi32>,
        %eq3A_522 = arith.constant 15 : i32
        %eq3A_523 = arith.cmpi eq, %get3A_470, %eq3A_522 : i32
        %convert_element_type3A_524 = arith.extui %eq3A_523 : i1 to i32
        %cond3A_525 = arith.constant 0 : i32
        %cond3A_526 = arith.cmpi ne, %convert_element_type3A_524, %cond3A_525 : i32
        scf.if %cond3A_526 {
          %get3A_536 = arith.constant 0 : index
          %get3A_537 = tpu.vector_load %arg11[%get3A_536] {strides = array<i32>} : memref<16xi32, #tpu.memory_space<vmem>>, vector<16xi32>,
          "tpu.region"() ({
            %run_scoped3A = tpu.sem_alloc : memref<!tpu.dma_semaphore, #tpu.memory_space<semaphore_mem>>
            %dma_start3A = arith.constant 0 : i32
            %dma_start3A_540 = arith.constant 0 : i32
            %dma_start3A_541 = tpu.memref_slice %arg5[%dma_start3A, %dma_start3A_540] : memref<16896x128xf32, #tpu.memory_space<hbm>> -> memref<16896x128xf32, #tpu.memory_space<hbm>>
            tpu.enqueue_indirect_dma source(%arg10 : memref<16x128xf32, #tpu.memory_space<vmem>>) target(%dma_start3A_541 : memref<16896x128xf32, #tpu.memory_space<hbm>>) offsets(%get3A_537 : vector<16xi32>) semaphore(%run_scoped3A : memref<!tpu.dma_semaphore, #tpu.memory_space<semaphore_mem>>)
            %dma_wait3A_542 = arith.constant 0 : i32
            %dma_wait3A_543 = arith.constant 0 : i32
            %dma_wait3A_544 = tpu.memref_slice %arg5[%dma_wait3A_542, %dma_wait3A_543] : memref<16896x128xf32, #tpu.memory_space<hbm>> -> memref<16896x128xf32, #tpu.memory_space<hbm>>
            tpu.wait_indirect_dma semaphore(%run_scoped3A : memref<!tpu.dma_semaphore, #tpu.memory_space<semaphore_mem>>) src(%arg10 : memref<16x128xf32, #tpu.memory_space<vmem>>) dst(%dma_wait3A_544 : memref<16896x128xf32, #tpu.memory_space<hbm>>)
            tpu.yield
          }) : () -> ()
          %swap3A_538 = arith.constant 0 : index
          %swap3A_539 = tpu.vector_load %arg11[%swap3A_538] {strides = array<i32>} : memref<16xi32, #tpu.memory_space<vmem>>, vector<16xi32>,
          tpu.vector_store %arg11[%swap3A_538], %add3A_57 {strides = array<i32>} : memref<16xi32, #tpu.memory_space<vmem>>, vector<16xi32>,
        } else {
        }
        %eq3A_527 = arith.constant 15 : i32
        %eq3A_528 = arith.cmpi eq, %get3A_470, %eq3A_527 : i32
        %add3A_529 = arith.constant 1 : i32
        %add3A_530 = arith.addi %get3A_470, %add3A_529 : i32
        %jit3A_531 = arith.constant 0 : i32
        %select_n3A_532 = arith.select %eq3A_528, %jit3A_531, %add3A_530 : i32
        %swap3A_533 = arith.constant 0 : i32
        %swap3A_534 = arith.index_cast %swap3A_533 : i32 to index
        %swap3A_535 = memref.load %arg13[%swap3A_534] : memref<4xi32, #tpu.memory_space<smem>>
        memref.store %select_n3A_532, %arg13[%swap3A_534] : memref<4xi32, #tpu.memory_space<smem>>
      }
      %add3A_378 = arith.constant 5 : i32
      %add3A_379 = arith.addi %add3A_349, %add3A_378 : i32
      %lt3A_380 = arith.cmpi slt, %add3A_379, %select_n3A_46 : i32
      %convert_element_type3A_381 = arith.extui %lt3A_380 : i1 to i32
      %cond3A_382 = arith.constant 0 : i32
      %cond3A_383 = arith.cmpi ne, %convert_element_type3A_381, %cond3A_382 : i32
      scf.if %cond3A_383 {
        %add3A_456 = arith.constant 5 : i32
        %add3A_457 = arith.addi %add3A_349, %add3A_456 : i32
        %mul3A_458 = arith.constant 256 : i32
        %mul3A_459 = arith.muli %add3A_457, %mul3A_458 : i32
        %dma_start3A = arith.constant 2 : i32
        %dma_start3A_460 = arith.constant 0 : i32
        %dma_start3A_461 = arith.constant 0 : i32
        %dma_start3A_462 = tpu.memref_slice %arg7[%dma_start3A, %dma_start3A_460, %dma_start3A_461] : memref<5x64x256xf32, #tpu.memory_space<vmem>> -> memref<1x64x256xf32, #tpu.memory_space<vmem>>
        %dma_start3A_463 = tpu.memref_squeeze %dma_start3A_462 : memref<1x64x256xf32, #tpu.memory_space<vmem>> -> memref<64x256xf32, #tpu.memory_space<vmem>>
        %dma_start3A_464 = arith.constant 0 : i32
        %dma_start3A_465 = tpu.memref_slice %arg3[%dma_start3A_464, %mul3A_459] : memref<64x1000001xf32, #tpu.memory_space<hbm>> -> memref<64x256xf32, #tpu.memory_space<hbm>>
        %dma_start3A_466 = arith.constant 0 : i32
        %dma_start3A_467 = arith.constant 0 : i32
        %dma_start3A_468 = tpu.memref_slice %arg7[%dma_start3A, %dma_start3A_466, %dma_start3A_467] : memref<5x64x256xf32, #tpu.memory_space<vmem>> -> memref<1x64x256xf32, #tpu.memory_space<vmem>>
        %dma_start3A_469 = tpu.memref_squeeze %dma_start3A_468 : memref<1x64x256xf32, #tpu.memory_space<vmem>> -> memref<64x256xf32, #tpu.memory_space<vmem>>
        %dma_start3A_470 = arith.constant 0 : i32
        %dma_start3A_471 = tpu.memref_slice %arg3[%dma_start3A_470, %mul3A_459] : memref<64x1000001xf32, #tpu.memory_space<hbm>> -> memref<64x256xf32, #tpu.memory_space<hbm>>
        tpu.enqueue_dma source(%dma_start3A_471 : memref<64x256xf32, #tpu.memory_space<hbm>>) target(%dma_start3A_469 : memref<64x256xf32, #tpu.memory_space<vmem>>) target_semaphore(%arg17 : memref<!tpu.dma_semaphore, #tpu.memory_space<semaphore_mem>>)
      } else {
      }
      %add3A_384 = arith.constant 3 : i32
      %add3A_385 = arith.addi %add3A_276, %add3A_384 : i32
      %mul3A_386 = arith.constant 256 : i32
      %mul3A_387 = arith.muli %add3A_385, %mul3A_386 : i32
      %dma_wait3A_388 = arith.constant 3 : i32
      %dma_wait3A_389 = arith.constant 0 : i32
      %dma_wait3A_390 = arith.constant 0 : i32
      %dma_wait3A_391 = tpu.memref_slice %arg7[%dma_wait3A_388, %dma_wait3A_389, %dma_wait3A_390] : memref<5x64x256xf32, #tpu.memory_space<vmem>> -> memref<1x64x256xf32, #tpu.memory_space<vmem>>
      %dma_wait3A_392 = tpu.memref_squeeze %dma_wait3A_391 : memref<1x64x256xf32, #tpu.memory_space<vmem>> -> memref<64x256xf32, #tpu.memory_space<vmem>>
      %dma_wait3A_393 = arith.constant 0 : i32
      %dma_wait3A_394 = tpu.memref_slice %arg3[%dma_wait3A_393, %mul3A_387] : memref<64x1000001xf32, #tpu.memory_space<hbm>> -> memref<64x256xf32, #tpu.memory_space<hbm>>
      %dma_wait3A_395 = arith.constant 0 : i32
      %dma_wait3A_396 = arith.constant 0 : i32
      %dma_wait3A_397 = tpu.memref_slice %arg7[%dma_wait3A_388, %dma_wait3A_395, %dma_wait3A_396] : memref<5x64x256xf32, #tpu.memory_space<vmem>> -> memref<1x64x256xf32, #tpu.memory_space<vmem>>
      %dma_wait3A_398 = tpu.memref_squeeze %dma_wait3A_397 : memref<1x64x256xf32, #tpu.memory_space<vmem>> -> memref<64x256xf32, #tpu.memory_space<vmem>>
      %dma_wait3A_399 = arith.constant 0 : i32
      %dma_wait3A_400 = tpu.memref_slice %arg3[%dma_wait3A_399, %mul3A_387] : memref<64x1000001xf32, #tpu.memory_space<hbm>> -> memref<64x256xf32, #tpu.memory_space<hbm>>
      tpu.wait_dma2 semaphore(%arg18 : memref<!tpu.dma_semaphore, #tpu.memory_space<semaphore_mem>>) src(%dma_wait3A_400 : memref<64x256xf32, #tpu.memory_space<hbm>>) dst(%dma_wait3A_398 : memref<64x256xf32, #tpu.memory_space<vmem>>)
      %sub3A_401 = arith.subi %add3A_385, %select_n3A : i32
      %get3A_402 = arith.index_cast %sub3A_401 : i32 to index
      %get3A_403 = memref.load %arg12[%get3A_402] : memref<124xi32, #tpu.memory_space<smem>>
      %while3A_404 = arith.constant 3 : i32
      %while3A_405 = arith.constant 0 : i32
      %while3A_406 = arith.subi %get3A_403, %while3A_405 : i32
      %while3A_407 = arith.addi %while3A_405, %while3A_406 : i32
      %while3A_408 = arith.constant 1 : i32
      %while3A_409 = arith.divsi %while3A_406, %while3A_408 : i32
      %while3A_410 = arith.muli %while3A_409, %while3A_408 : i32
      %while3A_411 = arith.addi %while3A_405, %while3A_410 : i32
      %while3A_412 = arith.constant 1 : i32
      scf.for %while3A_456 = %while3A_405 to %while3A_411 step %while3A_412  : i32 {
        %mul3A_457 = arith.constant 64 : i32
        %mul3A_458 = arith.muli %sub3A_401, %mul3A_457 : i32
        %add3A_459 = arith.addi %mul3A_458, %while3A_456 : i32
        %get3A_460 = arith.index_cast %add3A_459 : i32 to index
        %get3A_461 = tpu.vector_load %arg9[%get3A_460] {strides = array<i32>} : memref<7952xi32, #tpu.memory_space<vmem>>, vector<16xi32>,
        %slice3A = vector.extract_strided_slice %get3A_461 {offsets = [0], sizes = [1], strides = [1]} : vector<16xi32> to vector<1xi32>
        %squeeze3A = vector.extract %slice3A[0] : i32 from vector<1xi32>
        %and3A_462 = arith.constant 16383 : i32
        %and3A_463 = arith.andi %squeeze3A, %and3A_462 : i32
        %shift_right_arithmetic3A = arith.constant 14 : i32
        %shift_right_arithmetic3A_464 = arith.shrsi %squeeze3A, %shift_right_arithmetic3A : i32
        %mul3A_465 = arith.constant 256 : i32
        %mul3A_466 = arith.muli %sub3A_401, %mul3A_465 : i32
        %sub3A_467 = arith.subi %shift_right_arithmetic3A_464, %mul3A_466 : i32
        %broadcast_in_dim3A = vector.broadcast %sub3A_467 : i32 to vector<16xi32>
        %get3A_468 = arith.constant 0 : i32
        %get3A_469 = arith.index_cast %get3A_468 : i32 to index
        %get3A_470 = memref.load %arg13[%get3A_469] : memref<4xi32, #tpu.memory_space<smem>>
        %add3A_471 = arith.constant 0 : i32
        %add3A_472 = vector.broadcast %add3A_471 : i32 to vector<16xi32>
        %add3A_473 = arith.addi %iota3A, %add3A_472 : vector<16xi32>
        %gather3A = arith.constant 0 : i32
        %gather3A_474 = arith.constant 0 : i32
        %gather3A_475 = tpu.memref_slice %arg7[%while3A_404, %gather3A, %gather3A_474] : memref<5x64x256xf32, #tpu.memory_space<vmem>> -> memref<1x64x256xf32, #tpu.memory_space<vmem>>
        %gather3A_476 = tpu.memref_squeeze %gather3A_475 : memref<1x64x256xf32, #tpu.memory_space<vmem>> -> memref<64x256xf32, #tpu.memory_space<vmem>>
        %gather3A_477 = tpu.vector_load_idx %gather3A_476[%add3A_473, %broadcast_in_dim3A] : memref<64x256xf32, #tpu.memory_space<vmem>>[vector<16xi32>, vector<16xi32>], vector<16xf32>,
        %swap3A_478 = arith.index_cast %get3A_470 : i32 to index
        %swap3A_479 = arith.constant 0 : index
        %swap3A_480 = tpu.vector_load %arg10[%swap3A_478, %swap3A_479] {strides = array<i32>} : memref<16x128xf32, #tpu.memory_space<vmem>>, vector<16xf32>,
        tpu.vector_store %arg10[%swap3A_478, %swap3A_479], %gather3A_477 {strides = array<i32>} : memref<16x128xf32, #tpu.memory_space<vmem>>, vector<16xf32>,
        %add3A_481 = arith.constant 16 : i32
        %add3A_482 = vector.broadcast %add3A_481 : i32 to vector<16xi32>
        %add3A_483 = arith.addi %iota3A, %add3A_482 : vector<16xi32>
        %gather3A_484 = arith.constant 0 : i32
        %gather3A_485 = arith.constant 0 : i32
        %gather3A_486 = tpu.memref_slice %arg7[%while3A_404, %gather3A_484, %gather3A_485] : memref<5x64x256xf32, #tpu.memory_space<vmem>> -> memref<1x64x256xf32, #tpu.memory_space<vmem>>
        %gather3A_487 = tpu.memref_squeeze %gather3A_486 : memref<1x64x256xf32, #tpu.memory_space<vmem>> -> memref<64x256xf32, #tpu.memory_space<vmem>>
        %gather3A_488 = tpu.vector_load_idx %gather3A_487[%add3A_483, %broadcast_in_dim3A] : memref<64x256xf32, #tpu.memory_space<vmem>>[vector<16xi32>, vector<16xi32>], vector<16xf32>,
        %swap3A_489 = arith.index_cast %get3A_470 : i32 to index
        %swap3A_490 = arith.constant 16 : index
        %swap3A_491 = tpu.vector_load %arg10[%swap3A_489, %swap3A_490] {strides = array<i32>} : memref<16x128xf32, #tpu.memory_space<vmem>>, vector<16xf32>,
        tpu.vector_store %arg10[%swap3A_489, %swap3A_490], %gather3A_488 {strides = array<i32>} : memref<16x128xf32, #tpu.memory_space<vmem>>, vector<16xf32>,
        %add3A_492 = arith.constant 32 : i32
        %add3A_493 = vector.broadcast %add3A_492 : i32 to vector<16xi32>
        %add3A_494 = arith.addi %iota3A, %add3A_493 : vector<16xi32>
        %gather3A_495 = arith.constant 0 : i32
        %gather3A_496 = arith.constant 0 : i32
        %gather3A_497 = tpu.memref_slice %arg7[%while3A_404, %gather3A_495, %gather3A_496] : memref<5x64x256xf32, #tpu.memory_space<vmem>> -> memref<1x64x256xf32, #tpu.memory_space<vmem>>
        %gather3A_498 = tpu.memref_squeeze %gather3A_497 : memref<1x64x256xf32, #tpu.memory_space<vmem>> -> memref<64x256xf32, #tpu.memory_space<vmem>>
        %gather3A_499 = tpu.vector_load_idx %gather3A_498[%add3A_494, %broadcast_in_dim3A] : memref<64x256xf32, #tpu.memory_space<vmem>>[vector<16xi32>, vector<16xi32>], vector<16xf32>,
        %swap3A_500 = arith.index_cast %get3A_470 : i32 to index
        %swap3A_501 = arith.constant 32 : index
        %swap3A_502 = tpu.vector_load %arg10[%swap3A_500, %swap3A_501] {strides = array<i32>} : memref<16x128xf32, #tpu.memory_space<vmem>>, vector<16xf32>,
        tpu.vector_store %arg10[%swap3A_500, %swap3A_501], %gather3A_499 {strides = array<i32>} : memref<16x128xf32, #tpu.memory_space<vmem>>, vector<16xf32>,
        %add3A_503 = arith.constant 48 : i32
        %add3A_504 = vector.broadcast %add3A_503 : i32 to vector<16xi32>
        %add3A_505 = arith.addi %iota3A, %add3A_504 : vector<16xi32>
        %gather3A_506 = arith.constant 0 : i32
        %gather3A_507 = arith.constant 0 : i32
        %gather3A_508 = tpu.memref_slice %arg7[%while3A_404, %gather3A_506, %gather3A_507] : memref<5x64x256xf32, #tpu.memory_space<vmem>> -> memref<1x64x256xf32, #tpu.memory_space<vmem>>
        %gather3A_509 = tpu.memref_squeeze %gather3A_508 : memref<1x64x256xf32, #tpu.memory_space<vmem>> -> memref<64x256xf32, #tpu.memory_space<vmem>>
        %gather3A_510 = tpu.vector_load_idx %gather3A_509[%add3A_505, %broadcast_in_dim3A] : memref<64x256xf32, #tpu.memory_space<vmem>>[vector<16xi32>, vector<16xi32>], vector<16xf32>,
        %swap3A_511 = arith.index_cast %get3A_470 : i32 to index
        %swap3A_512 = arith.constant 48 : index
        %swap3A_513 = tpu.vector_load %arg10[%swap3A_511, %swap3A_512] {strides = array<i32>} : memref<16x128xf32, #tpu.memory_space<vmem>>, vector<16xf32>,
        tpu.vector_store %arg10[%swap3A_511, %swap3A_512], %gather3A_510 {strides = array<i32>} : memref<16x128xf32, #tpu.memory_space<vmem>>, vector<16xf32>,
        %get3A_514 = arith.constant 0 : index
        %get3A_515 = tpu.vector_load %arg11[%get3A_514] {strides = array<i32>} : memref<16xi32, #tpu.memory_space<vmem>>, vector<16xi32>,
        %eq3A_516 = vector.broadcast %get3A_470 : i32 to vector<16xi32>
        %eq3A_517 = arith.cmpi eq, %iota3A, %eq3A_516 : vector<16xi32>
        %broadcast_in_dim3A_518 = vector.broadcast %and3A_463 : i32 to vector<16xi32>
        %select_n3A_519 = arith.select %eq3A_517, %broadcast_in_dim3A_518, %get3A_515 : vector<16xi1>, vector<16xi32>
        %swap3A_520 = arith.constant 0 : index
        %swap3A_521 = tpu.vector_load %arg11[%swap3A_520] {strides = array<i32>} : memref<16xi32, #tpu.memory_space<vmem>>, vector<16xi32>,
        tpu.vector_store %arg11[%swap3A_520], %select_n3A_519 {strides = array<i32>} : memref<16xi32, #tpu.memory_space<vmem>>, vector<16xi32>,
        %eq3A_522 = arith.constant 15 : i32
        %eq3A_523 = arith.cmpi eq, %get3A_470, %eq3A_522 : i32
        %convert_element_type3A_524 = arith.extui %eq3A_523 : i1 to i32
        %cond3A_525 = arith.constant 0 : i32
        %cond3A_526 = arith.cmpi ne, %convert_element_type3A_524, %cond3A_525 : i32
        scf.if %cond3A_526 {
          %get3A_536 = arith.constant 0 : index
          %get3A_537 = tpu.vector_load %arg11[%get3A_536] {strides = array<i32>} : memref<16xi32, #tpu.memory_space<vmem>>, vector<16xi32>,
          "tpu.region"() ({
            %run_scoped3A = tpu.sem_alloc : memref<!tpu.dma_semaphore, #tpu.memory_space<semaphore_mem>>
            %dma_start3A = arith.constant 0 : i32
            %dma_start3A_540 = arith.constant 0 : i32
            %dma_start3A_541 = tpu.memref_slice %arg5[%dma_start3A, %dma_start3A_540] : memref<16896x128xf32, #tpu.memory_space<hbm>> -> memref<16896x128xf32, #tpu.memory_space<hbm>>
            tpu.enqueue_indirect_dma source(%arg10 : memref<16x128xf32, #tpu.memory_space<vmem>>) target(%dma_start3A_541 : memref<16896x128xf32, #tpu.memory_space<hbm>>) offsets(%get3A_537 : vector<16xi32>) semaphore(%run_scoped3A : memref<!tpu.dma_semaphore, #tpu.memory_space<semaphore_mem>>)
            %dma_wait3A_542 = arith.constant 0 : i32
            %dma_wait3A_543 = arith.constant 0 : i32
            %dma_wait3A_544 = tpu.memref_slice %arg5[%dma_wait3A_542, %dma_wait3A_543] : memref<16896x128xf32, #tpu.memory_space<hbm>> -> memref<16896x128xf32, #tpu.memory_space<hbm>>
            tpu.wait_indirect_dma semaphore(%run_scoped3A : memref<!tpu.dma_semaphore, #tpu.memory_space<semaphore_mem>>) src(%arg10 : memref<16x128xf32, #tpu.memory_space<vmem>>) dst(%dma_wait3A_544 : memref<16896x128xf32, #tpu.memory_space<hbm>>)
            tpu.yield
          }) : () -> ()
          %swap3A_538 = arith.constant 0 : index
          %swap3A_539 = tpu.vector_load %arg11[%swap3A_538] {strides = array<i32>} : memref<16xi32, #tpu.memory_space<vmem>>, vector<16xi32>,
          tpu.vector_store %arg11[%swap3A_538], %add3A_57 {strides = array<i32>} : memref<16xi32, #tpu.memory_space<vmem>>, vector<16xi32>,
        } else {
        }
        %eq3A_527 = arith.constant 15 : i32
        %eq3A_528 = arith.cmpi eq, %get3A_470, %eq3A_527 : i32
        %add3A_529 = arith.constant 1 : i32
        %add3A_530 = arith.addi %get3A_470, %add3A_529 : i32
        %jit3A_531 = arith.constant 0 : i32
        %select_n3A_532 = arith.select %eq3A_528, %jit3A_531, %add3A_530 : i32
        %swap3A_533 = arith.constant 0 : i32
        %swap3A_534 = arith.index_cast %swap3A_533 : i32 to index
        %swap3A_535 = memref.load %arg13[%swap3A_534] : memref<4xi32, #tpu.memory_space<smem>>
        memref.store %select_n3A_532, %arg13[%swap3A_534] : memref<4xi32, #tpu.memory_space<smem>>
      }
      %while3A_413 = arith.constant 1 : i32
      scf.for %while3A_456 = %while3A_411 to %while3A_407 step %while3A_413  : i32 {
        %mul3A_457 = arith.constant 64 : i32
        %mul3A_458 = arith.muli %sub3A_401, %mul3A_457 : i32
        %add3A_459 = arith.addi %mul3A_458, %while3A_456 : i32
        %get3A_460 = arith.index_cast %add3A_459 : i32 to index
        %get3A_461 = tpu.vector_load %arg9[%get3A_460] {strides = array<i32>} : memref<7952xi32, #tpu.memory_space<vmem>>, vector<16xi32>,
        %slice3A = vector.extract_strided_slice %get3A_461 {offsets = [0], sizes = [1], strides = [1]} : vector<16xi32> to vector<1xi32>
        %squeeze3A = vector.extract %slice3A[0] : i32 from vector<1xi32>
        %and3A_462 = arith.constant 16383 : i32
        %and3A_463 = arith.andi %squeeze3A, %and3A_462 : i32
        %shift_right_arithmetic3A = arith.constant 14 : i32
        %shift_right_arithmetic3A_464 = arith.shrsi %squeeze3A, %shift_right_arithmetic3A : i32
        %mul3A_465 = arith.constant 256 : i32
        %mul3A_466 = arith.muli %sub3A_401, %mul3A_465 : i32
        %sub3A_467 = arith.subi %shift_right_arithmetic3A_464, %mul3A_466 : i32
        %broadcast_in_dim3A = vector.broadcast %sub3A_467 : i32 to vector<16xi32>
        %get3A_468 = arith.constant 0 : i32
        %get3A_469 = arith.index_cast %get3A_468 : i32 to index
        %get3A_470 = memref.load %arg13[%get3A_469] : memref<4xi32, #tpu.memory_space<smem>>
        %add3A_471 = arith.constant 0 : i32
        %add3A_472 = vector.broadcast %add3A_471 : i32 to vector<16xi32>
        %add3A_473 = arith.addi %iota3A, %add3A_472 : vector<16xi32>
        %gather3A = arith.constant 0 : i32
        %gather3A_474 = arith.constant 0 : i32
        %gather3A_475 = tpu.memref_slice %arg7[%while3A_404, %gather3A, %gather3A_474] : memref<5x64x256xf32, #tpu.memory_space<vmem>> -> memref<1x64x256xf32, #tpu.memory_space<vmem>>
        %gather3A_476 = tpu.memref_squeeze %gather3A_475 : memref<1x64x256xf32, #tpu.memory_space<vmem>> -> memref<64x256xf32, #tpu.memory_space<vmem>>
        %gather3A_477 = tpu.vector_load_idx %gather3A_476[%add3A_473, %broadcast_in_dim3A] : memref<64x256xf32, #tpu.memory_space<vmem>>[vector<16xi32>, vector<16xi32>], vector<16xf32>,
        %swap3A_478 = arith.index_cast %get3A_470 : i32 to index
        %swap3A_479 = arith.constant 0 : index
        %swap3A_480 = tpu.vector_load %arg10[%swap3A_478, %swap3A_479] {strides = array<i32>} : memref<16x128xf32, #tpu.memory_space<vmem>>, vector<16xf32>,
        tpu.vector_store %arg10[%swap3A_478, %swap3A_479], %gather3A_477 {strides = array<i32>} : memref<16x128xf32, #tpu.memory_space<vmem>>, vector<16xf32>,
        %add3A_481 = arith.constant 16 : i32
        %add3A_482 = vector.broadcast %add3A_481 : i32 to vector<16xi32>
        %add3A_483 = arith.addi %iota3A, %add3A_482 : vector<16xi32>
        %gather3A_484 = arith.constant 0 : i32
        %gather3A_485 = arith.constant 0 : i32
        %gather3A_486 = tpu.memref_slice %arg7[%while3A_404, %gather3A_484, %gather3A_485] : memref<5x64x256xf32, #tpu.memory_space<vmem>> -> memref<1x64x256xf32, #tpu.memory_space<vmem>>
        %gather3A_487 = tpu.memref_squeeze %gather3A_486 : memref<1x64x256xf32, #tpu.memory_space<vmem>> -> memref<64x256xf32, #tpu.memory_space<vmem>>
        %gather3A_488 = tpu.vector_load_idx %gather3A_487[%add3A_483, %broadcast_in_dim3A] : memref<64x256xf32, #tpu.memory_space<vmem>>[vector<16xi32>, vector<16xi32>], vector<16xf32>,
        %swap3A_489 = arith.index_cast %get3A_470 : i32 to index
        %swap3A_490 = arith.constant 16 : index
        %swap3A_491 = tpu.vector_load %arg10[%swap3A_489, %swap3A_490] {strides = array<i32>} : memref<16x128xf32, #tpu.memory_space<vmem>>, vector<16xf32>,
        tpu.vector_store %arg10[%swap3A_489, %swap3A_490], %gather3A_488 {strides = array<i32>} : memref<16x128xf32, #tpu.memory_space<vmem>>, vector<16xf32>,
        %add3A_492 = arith.constant 32 : i32
        %add3A_493 = vector.broadcast %add3A_492 : i32 to vector<16xi32>
        %add3A_494 = arith.addi %iota3A, %add3A_493 : vector<16xi32>
        %gather3A_495 = arith.constant 0 : i32
        %gather3A_496 = arith.constant 0 : i32
        %gather3A_497 = tpu.memref_slice %arg7[%while3A_404, %gather3A_495, %gather3A_496] : memref<5x64x256xf32, #tpu.memory_space<vmem>> -> memref<1x64x256xf32, #tpu.memory_space<vmem>>
        %gather3A_498 = tpu.memref_squeeze %gather3A_497 : memref<1x64x256xf32, #tpu.memory_space<vmem>> -> memref<64x256xf32, #tpu.memory_space<vmem>>
        %gather3A_499 = tpu.vector_load_idx %gather3A_498[%add3A_494, %broadcast_in_dim3A] : memref<64x256xf32, #tpu.memory_space<vmem>>[vector<16xi32>, vector<16xi32>], vector<16xf32>,
        %swap3A_500 = arith.index_cast %get3A_470 : i32 to index
        %swap3A_501 = arith.constant 32 : index
        %swap3A_502 = tpu.vector_load %arg10[%swap3A_500, %swap3A_501] {strides = array<i32>} : memref<16x128xf32, #tpu.memory_space<vmem>>, vector<16xf32>,
        tpu.vector_store %arg10[%swap3A_500, %swap3A_501], %gather3A_499 {strides = array<i32>} : memref<16x128xf32, #tpu.memory_space<vmem>>, vector<16xf32>,
        %add3A_503 = arith.constant 48 : i32
        %add3A_504 = vector.broadcast %add3A_503 : i32 to vector<16xi32>
        %add3A_505 = arith.addi %iota3A, %add3A_504 : vector<16xi32>
        %gather3A_506 = arith.constant 0 : i32
        %gather3A_507 = arith.constant 0 : i32
        %gather3A_508 = tpu.memref_slice %arg7[%while3A_404, %gather3A_506, %gather3A_507] : memref<5x64x256xf32, #tpu.memory_space<vmem>> -> memref<1x64x256xf32, #tpu.memory_space<vmem>>
        %gather3A_509 = tpu.memref_squeeze %gather3A_508 : memref<1x64x256xf32, #tpu.memory_space<vmem>> -> memref<64x256xf32, #tpu.memory_space<vmem>>
        %gather3A_510 = tpu.vector_load_idx %gather3A_509[%add3A_505, %broadcast_in_dim3A] : memref<64x256xf32, #tpu.memory_space<vmem>>[vector<16xi32>, vector<16xi32>], vector<16xf32>,
        %swap3A_511 = arith.index_cast %get3A_470 : i32 to index
        %swap3A_512 = arith.constant 48 : index
        %swap3A_513 = tpu.vector_load %arg10[%swap3A_511, %swap3A_512] {strides = array<i32>} : memref<16x128xf32, #tpu.memory_space<vmem>>, vector<16xf32>,
        tpu.vector_store %arg10[%swap3A_511, %swap3A_512], %gather3A_510 {strides = array<i32>} : memref<16x128xf32, #tpu.memory_space<vmem>>, vector<16xf32>,
        %get3A_514 = arith.constant 0 : index
        %get3A_515 = tpu.vector_load %arg11[%get3A_514] {strides = array<i32>} : memref<16xi32, #tpu.memory_space<vmem>>, vector<16xi32>,
        %eq3A_516 = vector.broadcast %get3A_470 : i32 to vector<16xi32>
        %eq3A_517 = arith.cmpi eq, %iota3A, %eq3A_516 : vector<16xi32>
        %broadcast_in_dim3A_518 = vector.broadcast %and3A_463 : i32 to vector<16xi32>
        %select_n3A_519 = arith.select %eq3A_517, %broadcast_in_dim3A_518, %get3A_515 : vector<16xi1>, vector<16xi32>
        %swap3A_520 = arith.constant 0 : index
        %swap3A_521 = tpu.vector_load %arg11[%swap3A_520] {strides = array<i32>} : memref<16xi32, #tpu.memory_space<vmem>>, vector<16xi32>,
        tpu.vector_store %arg11[%swap3A_520], %select_n3A_519 {strides = array<i32>} : memref<16xi32, #tpu.memory_space<vmem>>, vector<16xi32>,
        %eq3A_522 = arith.constant 15 : i32
        %eq3A_523 = arith.cmpi eq, %get3A_470, %eq3A_522 : i32
        %convert_element_type3A_524 = arith.extui %eq3A_523 : i1 to i32
        %cond3A_525 = arith.constant 0 : i32
        %cond3A_526 = arith.cmpi ne, %convert_element_type3A_524, %cond3A_525 : i32
        scf.if %cond3A_526 {
          %get3A_536 = arith.constant 0 : index
          %get3A_537 = tpu.vector_load %arg11[%get3A_536] {strides = array<i32>} : memref<16xi32, #tpu.memory_space<vmem>>, vector<16xi32>,
          "tpu.region"() ({
            %run_scoped3A = tpu.sem_alloc : memref<!tpu.dma_semaphore, #tpu.memory_space<semaphore_mem>>
            %dma_start3A = arith.constant 0 : i32
            %dma_start3A_540 = arith.constant 0 : i32
            %dma_start3A_541 = tpu.memref_slice %arg5[%dma_start3A, %dma_start3A_540] : memref<16896x128xf32, #tpu.memory_space<hbm>> -> memref<16896x128xf32, #tpu.memory_space<hbm>>
            tpu.enqueue_indirect_dma source(%arg10 : memref<16x128xf32, #tpu.memory_space<vmem>>) target(%dma_start3A_541 : memref<16896x128xf32, #tpu.memory_space<hbm>>) offsets(%get3A_537 : vector<16xi32>) semaphore(%run_scoped3A : memref<!tpu.dma_semaphore, #tpu.memory_space<semaphore_mem>>)
            %dma_wait3A_542 = arith.constant 0 : i32
            %dma_wait3A_543 = arith.constant 0 : i32
            %dma_wait3A_544 = tpu.memref_slice %arg5[%dma_wait3A_542, %dma_wait3A_543] : memref<16896x128xf32, #tpu.memory_space<hbm>> -> memref<16896x128xf32, #tpu.memory_space<hbm>>
            tpu.wait_indirect_dma semaphore(%run_scoped3A : memref<!tpu.dma_semaphore, #tpu.memory_space<semaphore_mem>>) src(%arg10 : memref<16x128xf32, #tpu.memory_space<vmem>>) dst(%dma_wait3A_544 : memref<16896x128xf32, #tpu.memory_space<hbm>>)
            tpu.yield
          }) : () -> ()
          %swap3A_538 = arith.constant 0 : index
          %swap3A_539 = tpu.vector_load %arg11[%swap3A_538] {strides = array<i32>} : memref<16xi32, #tpu.memory_space<vmem>>, vector<16xi32>,
          tpu.vector_store %arg11[%swap3A_538], %add3A_57 {strides = array<i32>} : memref<16xi32, #tpu.memory_space<vmem>>, vector<16xi32>,
        } else {
        }
        %eq3A_527 = arith.constant 15 : i32
        %eq3A_528 = arith.cmpi eq, %get3A_470, %eq3A_527 : i32
        %add3A_529 = arith.constant 1 : i32
        %add3A_530 = arith.addi %get3A_470, %add3A_529 : i32
        %jit3A_531 = arith.constant 0 : i32
        %select_n3A_532 = arith.select %eq3A_528, %jit3A_531, %add3A_530 : i32
        %swap3A_533 = arith.constant 0 : i32
        %swap3A_534 = arith.index_cast %swap3A_533 : i32 to index
        %swap3A_535 = memref.load %arg13[%swap3A_534] : memref<4xi32, #tpu.memory_space<smem>>
        memref.store %select_n3A_532, %arg13[%swap3A_534] : memref<4xi32, #tpu.memory_space<smem>>
      }
      %add3A_414 = arith.constant 5 : i32
      %add3A_415 = arith.addi %add3A_385, %add3A_414 : i32
      %lt3A_416 = arith.cmpi slt, %add3A_415, %select_n3A_46 : i32
      %convert_element_type3A_417 = arith.extui %lt3A_416 : i1 to i32
      %cond3A_418 = arith.constant 0 : i32
      %cond3A_419 = arith.cmpi ne, %convert_element_type3A_417, %cond3A_418 : i32
      scf.if %cond3A_419 {
        %add3A_456 = arith.constant 5 : i32
        %add3A_457 = arith.addi %add3A_385, %add3A_456 : i32
        %mul3A_458 = arith.constant 256 : i32
        %mul3A_459 = arith.muli %add3A_457, %mul3A_458 : i32
        %dma_start3A = arith.constant 3 : i32
        %dma_start3A_460 = arith.constant 0 : i32
        %dma_start3A_461 = arith.constant 0 : i32
        %dma_start3A_462 = tpu.memref_slice %arg7[%dma_start3A, %dma_start3A_460, %dma_start3A_461] : memref<5x64x256xf32, #tpu.memory_space<vmem>> -> memref<1x64x256xf32, #tpu.memory_space<vmem>>
        %dma_start3A_463 = tpu.memref_squeeze %dma_start3A_462 : memref<1x64x256xf32, #tpu.memory_space<vmem>> -> memref<64x256xf32, #tpu.memory_space<vmem>>
        %dma_start3A_464 = arith.constant 0 : i32
        %dma_start3A_465 = tpu.memref_slice %arg3[%dma_start3A_464, %mul3A_459] : memref<64x1000001xf32, #tpu.memory_space<hbm>> -> memref<64x256xf32, #tpu.memory_space<hbm>>
        %dma_start3A_466 = arith.constant 0 : i32
        %dma_start3A_467 = arith.constant 0 : i32
        %dma_start3A_468 = tpu.memref_slice %arg7[%dma_start3A, %dma_start3A_466, %dma_start3A_467] : memref<5x64x256xf32, #tpu.memory_space<vmem>> -> memref<1x64x256xf32, #tpu.memory_space<vmem>>
        %dma_start3A_469 = tpu.memref_squeeze %dma_start3A_468 : memref<1x64x256xf32, #tpu.memory_space<vmem>> -> memref<64x256xf32, #tpu.memory_space<vmem>>
        %dma_start3A_470 = arith.constant 0 : i32
        %dma_start3A_471 = tpu.memref_slice %arg3[%dma_start3A_470, %mul3A_459] : memref<64x1000001xf32, #tpu.memory_space<hbm>> -> memref<64x256xf32, #tpu.memory_space<hbm>>
        tpu.enqueue_dma source(%dma_start3A_471 : memref<64x256xf32, #tpu.memory_space<hbm>>) target(%dma_start3A_469 : memref<64x256xf32, #tpu.memory_space<vmem>>) target_semaphore(%arg18 : memref<!tpu.dma_semaphore, #tpu.memory_space<semaphore_mem>>)
      } else {
      }
      %add3A_420 = arith.constant 4 : i32
      %add3A_421 = arith.addi %add3A_276, %add3A_420 : i32
      %mul3A_422 = arith.constant 256 : i32
      %mul3A_423 = arith.muli %add3A_421, %mul3A_422 : i32
      %dma_wait3A_424 = arith.constant 4 : i32
      %dma_wait3A_425 = arith.constant 0 : i32
      %dma_wait3A_426 = arith.constant 0 : i32
      %dma_wait3A_427 = tpu.memref_slice %arg7[%dma_wait3A_424, %dma_wait3A_425, %dma_wait3A_426] : memref<5x64x256xf32, #tpu.memory_space<vmem>> -> memref<1x64x256xf32, #tpu.memory_space<vmem>>
      %dma_wait3A_428 = tpu.memref_squeeze %dma_wait3A_427 : memref<1x64x256xf32, #tpu.memory_space<vmem>> -> memref<64x256xf32, #tpu.memory_space<vmem>>
      %dma_wait3A_429 = arith.constant 0 : i32
      %dma_wait3A_430 = tpu.memref_slice %arg3[%dma_wait3A_429, %mul3A_423] : memref<64x1000001xf32, #tpu.memory_space<hbm>> -> memref<64x256xf32, #tpu.memory_space<hbm>>
      %dma_wait3A_431 = arith.constant 0 : i32
      %dma_wait3A_432 = arith.constant 0 : i32
      %dma_wait3A_433 = tpu.memref_slice %arg7[%dma_wait3A_424, %dma_wait3A_431, %dma_wait3A_432] : memref<5x64x256xf32, #tpu.memory_space<vmem>> -> memref<1x64x256xf32, #tpu.memory_space<vmem>>
      %dma_wait3A_434 = tpu.memref_squeeze %dma_wait3A_433 : memref<1x64x256xf32, #tpu.memory_space<vmem>> -> memref<64x256xf32, #tpu.memory_space<vmem>>
      %dma_wait3A_435 = arith.constant 0 : i32
      %dma_wait3A_436 = tpu.memref_slice %arg3[%dma_wait3A_435, %mul3A_423] : memref<64x1000001xf32, #tpu.memory_space<hbm>> -> memref<64x256xf32, #tpu.memory_space<hbm>>
      tpu.wait_dma2 semaphore(%arg19 : memref<!tpu.dma_semaphore, #tpu.memory_space<semaphore_mem>>) src(%dma_wait3A_436 : memref<64x256xf32, #tpu.memory_space<hbm>>) dst(%dma_wait3A_434 : memref<64x256xf32, #tpu.memory_space<vmem>>)
      %sub3A_437 = arith.subi %add3A_421, %select_n3A : i32
      %get3A_438 = arith.index_cast %sub3A_437 : i32 to index
      %get3A_439 = memref.load %arg12[%get3A_438] : memref<124xi32, #tpu.memory_space<smem>>
      %while3A_440 = arith.constant 4 : i32
      %while3A_441 = arith.constant 0 : i32
      %while3A_442 = arith.subi %get3A_439, %while3A_441 : i32
      %while3A_443 = arith.addi %while3A_441, %while3A_442 : i32
      %while3A_444 = arith.constant 1 : i32
      %while3A_445 = arith.divsi %while3A_442, %while3A_444 : i32
      %while3A_446 = arith.muli %while3A_445, %while3A_444 : i32
      %while3A_447 = arith.addi %while3A_441, %while3A_446 : i32
      %while3A_448 = arith.constant 1 : i32
      scf.for %while3A_456 = %while3A_441 to %while3A_447 step %while3A_448  : i32 {
        %mul3A_457 = arith.constant 64 : i32
        %mul3A_458 = arith.muli %sub3A_437, %mul3A_457 : i32
        %add3A_459 = arith.addi %mul3A_458, %while3A_456 : i32
        %get3A_460 = arith.index_cast %add3A_459 : i32 to index
        %get3A_461 = tpu.vector_load %arg9[%get3A_460] {strides = array<i32>} : memref<7952xi32, #tpu.memory_space<vmem>>, vector<16xi32>,
        %slice3A = vector.extract_strided_slice %get3A_461 {offsets = [0], sizes = [1], strides = [1]} : vector<16xi32> to vector<1xi32>
        %squeeze3A = vector.extract %slice3A[0] : i32 from vector<1xi32>
        %and3A_462 = arith.constant 16383 : i32
        %and3A_463 = arith.andi %squeeze3A, %and3A_462 : i32
        %shift_right_arithmetic3A = arith.constant 14 : i32
        %shift_right_arithmetic3A_464 = arith.shrsi %squeeze3A, %shift_right_arithmetic3A : i32
        %mul3A_465 = arith.constant 256 : i32
        %mul3A_466 = arith.muli %sub3A_437, %mul3A_465 : i32
        %sub3A_467 = arith.subi %shift_right_arithmetic3A_464, %mul3A_466 : i32
        %broadcast_in_dim3A = vector.broadcast %sub3A_467 : i32 to vector<16xi32>
        %get3A_468 = arith.constant 0 : i32
        %get3A_469 = arith.index_cast %get3A_468 : i32 to index
        %get3A_470 = memref.load %arg13[%get3A_469] : memref<4xi32, #tpu.memory_space<smem>>
        %add3A_471 = arith.constant 0 : i32
        %add3A_472 = vector.broadcast %add3A_471 : i32 to vector<16xi32>
        %add3A_473 = arith.addi %iota3A, %add3A_472 : vector<16xi32>
        %gather3A = arith.constant 0 : i32
        %gather3A_474 = arith.constant 0 : i32
        %gather3A_475 = tpu.memref_slice %arg7[%while3A_440, %gather3A, %gather3A_474] : memref<5x64x256xf32, #tpu.memory_space<vmem>> -> memref<1x64x256xf32, #tpu.memory_space<vmem>>
        %gather3A_476 = tpu.memref_squeeze %gather3A_475 : memref<1x64x256xf32, #tpu.memory_space<vmem>> -> memref<64x256xf32, #tpu.memory_space<vmem>>
        %gather3A_477 = tpu.vector_load_idx %gather3A_476[%add3A_473, %broadcast_in_dim3A] : memref<64x256xf32, #tpu.memory_space<vmem>>[vector<16xi32>, vector<16xi32>], vector<16xf32>,
        %swap3A_478 = arith.index_cast %get3A_470 : i32 to index
        %swap3A_479 = arith.constant 0 : index
        %swap3A_480 = tpu.vector_load %arg10[%swap3A_478, %swap3A_479] {strides = array<i32>} : memref<16x128xf32, #tpu.memory_space<vmem>>, vector<16xf32>,
        tpu.vector_store %arg10[%swap3A_478, %swap3A_479], %gather3A_477 {strides = array<i32>} : memref<16x128xf32, #tpu.memory_space<vmem>>, vector<16xf32>,
        %add3A_481 = arith.constant 16 : i32
        %add3A_482 = vector.broadcast %add3A_481 : i32 to vector<16xi32>
        %add3A_483 = arith.addi %iota3A, %add3A_482 : vector<16xi32>
        %gather3A_484 = arith.constant 0 : i32
        %gather3A_485 = arith.constant 0 : i32
        %gather3A_486 = tpu.memref_slice %arg7[%while3A_440, %gather3A_484, %gather3A_485] : memref<5x64x256xf32, #tpu.memory_space<vmem>> -> memref<1x64x256xf32, #tpu.memory_space<vmem>>
        %gather3A_487 = tpu.memref_squeeze %gather3A_486 : memref<1x64x256xf32, #tpu.memory_space<vmem>> -> memref<64x256xf32, #tpu.memory_space<vmem>>
        %gather3A_488 = tpu.vector_load_idx %gather3A_487[%add3A_483, %broadcast_in_dim3A] : memref<64x256xf32, #tpu.memory_space<vmem>>[vector<16xi32>, vector<16xi32>], vector<16xf32>,
        %swap3A_489 = arith.index_cast %get3A_470 : i32 to index
        %swap3A_490 = arith.constant 16 : index
        %swap3A_491 = tpu.vector_load %arg10[%swap3A_489, %swap3A_490] {strides = array<i32>} : memref<16x128xf32, #tpu.memory_space<vmem>>, vector<16xf32>,
        tpu.vector_store %arg10[%swap3A_489, %swap3A_490], %gather3A_488 {strides = array<i32>} : memref<16x128xf32, #tpu.memory_space<vmem>>, vector<16xf32>,
        %add3A_492 = arith.constant 32 : i32
        %add3A_493 = vector.broadcast %add3A_492 : i32 to vector<16xi32>
        %add3A_494 = arith.addi %iota3A, %add3A_493 : vector<16xi32>
        %gather3A_495 = arith.constant 0 : i32
        %gather3A_496 = arith.constant 0 : i32
        %gather3A_497 = tpu.memref_slice %arg7[%while3A_440, %gather3A_495, %gather3A_496] : memref<5x64x256xf32, #tpu.memory_space<vmem>> -> memref<1x64x256xf32, #tpu.memory_space<vmem>>
        %gather3A_498 = tpu.memref_squeeze %gather3A_497 : memref<1x64x256xf32, #tpu.memory_space<vmem>> -> memref<64x256xf32, #tpu.memory_space<vmem>>
        %gather3A_499 = tpu.vector_load_idx %gather3A_498[%add3A_494, %broadcast_in_dim3A] : memref<64x256xf32, #tpu.memory_space<vmem>>[vector<16xi32>, vector<16xi32>], vector<16xf32>,
        %swap3A_500 = arith.index_cast %get3A_470 : i32 to index
        %swap3A_501 = arith.constant 32 : index
        %swap3A_502 = tpu.vector_load %arg10[%swap3A_500, %swap3A_501] {strides = array<i32>} : memref<16x128xf32, #tpu.memory_space<vmem>>, vector<16xf32>,
        tpu.vector_store %arg10[%swap3A_500, %swap3A_501], %gather3A_499 {strides = array<i32>} : memref<16x128xf32, #tpu.memory_space<vmem>>, vector<16xf32>,
        %add3A_503 = arith.constant 48 : i32
        %add3A_504 = vector.broadcast %add3A_503 : i32 to vector<16xi32>
        %add3A_505 = arith.addi %iota3A, %add3A_504 : vector<16xi32>
        %gather3A_506 = arith.constant 0 : i32
        %gather3A_507 = arith.constant 0 : i32
        %gather3A_508 = tpu.memref_slice %arg7[%while3A_440, %gather3A_506, %gather3A_507] : memref<5x64x256xf32, #tpu.memory_space<vmem>> -> memref<1x64x256xf32, #tpu.memory_space<vmem>>
        %gather3A_509 = tpu.memref_squeeze %gather3A_508 : memref<1x64x256xf32, #tpu.memory_space<vmem>> -> memref<64x256xf32, #tpu.memory_space<vmem>>
        %gather3A_510 = tpu.vector_load_idx %gather3A_509[%add3A_505, %broadcast_in_dim3A] : memref<64x256xf32, #tpu.memory_space<vmem>>[vector<16xi32>, vector<16xi32>], vector<16xf32>,
        %swap3A_511 = arith.index_cast %get3A_470 : i32 to index
        %swap3A_512 = arith.constant 48 : index
        %swap3A_513 = tpu.vector_load %arg10[%swap3A_511, %swap3A_512] {strides = array<i32>} : memref<16x128xf32, #tpu.memory_space<vmem>>, vector<16xf32>,
        tpu.vector_store %arg10[%swap3A_511, %swap3A_512], %gather3A_510 {strides = array<i32>} : memref<16x128xf32, #tpu.memory_space<vmem>>, vector<16xf32>,
        %get3A_514 = arith.constant 0 : index
        %get3A_515 = tpu.vector_load %arg11[%get3A_514] {strides = array<i32>} : memref<16xi32, #tpu.memory_space<vmem>>, vector<16xi32>,
        %eq3A_516 = vector.broadcast %get3A_470 : i32 to vector<16xi32>
        %eq3A_517 = arith.cmpi eq, %iota3A, %eq3A_516 : vector<16xi32>
        %broadcast_in_dim3A_518 = vector.broadcast %and3A_463 : i32 to vector<16xi32>
        %select_n3A_519 = arith.select %eq3A_517, %broadcast_in_dim3A_518, %get3A_515 : vector<16xi1>, vector<16xi32>
        %swap3A_520 = arith.constant 0 : index
        %swap3A_521 = tpu.vector_load %arg11[%swap3A_520] {strides = array<i32>} : memref<16xi32, #tpu.memory_space<vmem>>, vector<16xi32>,
        tpu.vector_store %arg11[%swap3A_520], %select_n3A_519 {strides = array<i32>} : memref<16xi32, #tpu.memory_space<vmem>>, vector<16xi32>,
        %eq3A_522 = arith.constant 15 : i32
        %eq3A_523 = arith.cmpi eq, %get3A_470, %eq3A_522 : i32
        %convert_element_type3A_524 = arith.extui %eq3A_523 : i1 to i32
        %cond3A_525 = arith.constant 0 : i32
        %cond3A_526 = arith.cmpi ne, %convert_element_type3A_524, %cond3A_525 : i32
        scf.if %cond3A_526 {
          %get3A_536 = arith.constant 0 : index
          %get3A_537 = tpu.vector_load %arg11[%get3A_536] {strides = array<i32>} : memref<16xi32, #tpu.memory_space<vmem>>, vector<16xi32>,
          "tpu.region"() ({
            %run_scoped3A = tpu.sem_alloc : memref<!tpu.dma_semaphore, #tpu.memory_space<semaphore_mem>>
            %dma_start3A = arith.constant 0 : i32
            %dma_start3A_540 = arith.constant 0 : i32
            %dma_start3A_541 = tpu.memref_slice %arg5[%dma_start3A, %dma_start3A_540] : memref<16896x128xf32, #tpu.memory_space<hbm>> -> memref<16896x128xf32, #tpu.memory_space<hbm>>
            tpu.enqueue_indirect_dma source(%arg10 : memref<16x128xf32, #tpu.memory_space<vmem>>) target(%dma_start3A_541 : memref<16896x128xf32, #tpu.memory_space<hbm>>) offsets(%get3A_537 : vector<16xi32>) semaphore(%run_scoped3A : memref<!tpu.dma_semaphore, #tpu.memory_space<semaphore_mem>>)
            %dma_wait3A_542 = arith.constant 0 : i32
            %dma_wait3A_543 = arith.constant 0 : i32
            %dma_wait3A_544 = tpu.memref_slice %arg5[%dma_wait3A_542, %dma_wait3A_543] : memref<16896x128xf32, #tpu.memory_space<hbm>> -> memref<16896x128xf32, #tpu.memory_space<hbm>>
            tpu.wait_indirect_dma semaphore(%run_scoped3A : memref<!tpu.dma_semaphore, #tpu.memory_space<semaphore_mem>>) src(%arg10 : memref<16x128xf32, #tpu.memory_space<vmem>>) dst(%dma_wait3A_544 : memref<16896x128xf32, #tpu.memory_space<hbm>>)
            tpu.yield
          }) : () -> ()
          %swap3A_538 = arith.constant 0 : index
          %swap3A_539 = tpu.vector_load %arg11[%swap3A_538] {strides = array<i32>} : memref<16xi32, #tpu.memory_space<vmem>>, vector<16xi32>,
          tpu.vector_store %arg11[%swap3A_538], %add3A_57 {strides = array<i32>} : memref<16xi32, #tpu.memory_space<vmem>>, vector<16xi32>,
        } else {
        }
        %eq3A_527 = arith.constant 15 : i32
        %eq3A_528 = arith.cmpi eq, %get3A_470, %eq3A_527 : i32
        %add3A_529 = arith.constant 1 : i32
        %add3A_530 = arith.addi %get3A_470, %add3A_529 : i32
        %jit3A_531 = arith.constant 0 : i32
        %select_n3A_532 = arith.select %eq3A_528, %jit3A_531, %add3A_530 : i32
        %swap3A_533 = arith.constant 0 : i32
        %swap3A_534 = arith.index_cast %swap3A_533 : i32 to index
        %swap3A_535 = memref.load %arg13[%swap3A_534] : memref<4xi32, #tpu.memory_space<smem>>
        memref.store %select_n3A_532, %arg13[%swap3A_534] : memref<4xi32, #tpu.memory_space<smem>>
      }
      %while3A_449 = arith.constant 1 : i32
      scf.for %while3A_456 = %while3A_447 to %while3A_443 step %while3A_449  : i32 {
        %mul3A_457 = arith.constant 64 : i32
        %mul3A_458 = arith.muli %sub3A_437, %mul3A_457 : i32
        %add3A_459 = arith.addi %mul3A_458, %while3A_456 : i32
        %get3A_460 = arith.index_cast %add3A_459 : i32 to index
        %get3A_461 = tpu.vector_load %arg9[%get3A_460] {strides = array<i32>} : memref<7952xi32, #tpu.memory_space<vmem>>, vector<16xi32>,
        %slice3A = vector.extract_strided_slice %get3A_461 {offsets = [0], sizes = [1], strides = [1]} : vector<16xi32> to vector<1xi32>
        %squeeze3A = vector.extract %slice3A[0] : i32 from vector<1xi32>
        %and3A_462 = arith.constant 16383 : i32
        %and3A_463 = arith.andi %squeeze3A, %and3A_462 : i32
        %shift_right_arithmetic3A = arith.constant 14 : i32
        %shift_right_arithmetic3A_464 = arith.shrsi %squeeze3A, %shift_right_arithmetic3A : i32
        %mul3A_465 = arith.constant 256 : i32
        %mul3A_466 = arith.muli %sub3A_437, %mul3A_465 : i32
        %sub3A_467 = arith.subi %shift_right_arithmetic3A_464, %mul3A_466 : i32
        %broadcast_in_dim3A = vector.broadcast %sub3A_467 : i32 to vector<16xi32>
        %get3A_468 = arith.constant 0 : i32
        %get3A_469 = arith.index_cast %get3A_468 : i32 to index
        %get3A_470 = memref.load %arg13[%get3A_469] : memref<4xi32, #tpu.memory_space<smem>>
        %add3A_471 = arith.constant 0 : i32
        %add3A_472 = vector.broadcast %add3A_471 : i32 to vector<16xi32>
        %add3A_473 = arith.addi %iota3A, %add3A_472 : vector<16xi32>
        %gather3A = arith.constant 0 : i32
        %gather3A_474 = arith.constant 0 : i32
        %gather3A_475 = tpu.memref_slice %arg7[%while3A_440, %gather3A, %gather3A_474] : memref<5x64x256xf32, #tpu.memory_space<vmem>> -> memref<1x64x256xf32, #tpu.memory_space<vmem>>
        %gather3A_476 = tpu.memref_squeeze %gather3A_475 : memref<1x64x256xf32, #tpu.memory_space<vmem>> -> memref<64x256xf32, #tpu.memory_space<vmem>>
        %gather3A_477 = tpu.vector_load_idx %gather3A_476[%add3A_473, %broadcast_in_dim3A] : memref<64x256xf32, #tpu.memory_space<vmem>>[vector<16xi32>, vector<16xi32>], vector<16xf32>,
        %swap3A_478 = arith.index_cast %get3A_470 : i32 to index
        %swap3A_479 = arith.constant 0 : index
        %swap3A_480 = tpu.vector_load %arg10[%swap3A_478, %swap3A_479] {strides = array<i32>} : memref<16x128xf32, #tpu.memory_space<vmem>>, vector<16xf32>,
        tpu.vector_store %arg10[%swap3A_478, %swap3A_479], %gather3A_477 {strides = array<i32>} : memref<16x128xf32, #tpu.memory_space<vmem>>, vector<16xf32>,
        %add3A_481 = arith.constant 16 : i32
        %add3A_482 = vector.broadcast %add3A_481 : i32 to vector<16xi32>
        %add3A_483 = arith.addi %iota3A, %add3A_482 : vector<16xi32>
        %gather3A_484 = arith.constant 0 : i32
        %gather3A_485 = arith.constant 0 : i32
        %gather3A_486 = tpu.memref_slice %arg7[%while3A_440, %gather3A_484, %gather3A_485] : memref<5x64x256xf32, #tpu.memory_space<vmem>> -> memref<1x64x256xf32, #tpu.memory_space<vmem>>
        %gather3A_487 = tpu.memref_squeeze %gather3A_486 : memref<1x64x256xf32, #tpu.memory_space<vmem>> -> memref<64x256xf32, #tpu.memory_space<vmem>>
        %gather3A_488 = tpu.vector_load_idx %gather3A_487[%add3A_483, %broadcast_in_dim3A] : memref<64x256xf32, #tpu.memory_space<vmem>>[vector<16xi32>, vector<16xi32>], vector<16xf32>,
        %swap3A_489 = arith.index_cast %get3A_470 : i32 to index
        %swap3A_490 = arith.constant 16 : index
        %swap3A_491 = tpu.vector_load %arg10[%swap3A_489, %swap3A_490] {strides = array<i32>} : memref<16x128xf32, #tpu.memory_space<vmem>>, vector<16xf32>,
        tpu.vector_store %arg10[%swap3A_489, %swap3A_490], %gather3A_488 {strides = array<i32>} : memref<16x128xf32, #tpu.memory_space<vmem>>, vector<16xf32>,
        %add3A_492 = arith.constant 32 : i32
        %add3A_493 = vector.broadcast %add3A_492 : i32 to vector<16xi32>
        %add3A_494 = arith.addi %iota3A, %add3A_493 : vector<16xi32>
        %gather3A_495 = arith.constant 0 : i32
        %gather3A_496 = arith.constant 0 : i32
        %gather3A_497 = tpu.memref_slice %arg7[%while3A_440, %gather3A_495, %gather3A_496] : memref<5x64x256xf32, #tpu.memory_space<vmem>> -> memref<1x64x256xf32, #tpu.memory_space<vmem>>
        %gather3A_498 = tpu.memref_squeeze %gather3A_497 : memref<1x64x256xf32, #tpu.memory_space<vmem>> -> memref<64x256xf32, #tpu.memory_space<vmem>>
        %gather3A_499 = tpu.vector_load_idx %gather3A_498[%add3A_494, %broadcast_in_dim3A] : memref<64x256xf32, #tpu.memory_space<vmem>>[vector<16xi32>, vector<16xi32>], vector<16xf32>,
        %swap3A_500 = arith.index_cast %get3A_470 : i32 to index
        %swap3A_501 = arith.constant 32 : index
        %swap3A_502 = tpu.vector_load %arg10[%swap3A_500, %swap3A_501] {strides = array<i32>} : memref<16x128xf32, #tpu.memory_space<vmem>>, vector<16xf32>,
        tpu.vector_store %arg10[%swap3A_500, %swap3A_501], %gather3A_499 {strides = array<i32>} : memref<16x128xf32, #tpu.memory_space<vmem>>, vector<16xf32>,
        %add3A_503 = arith.constant 48 : i32
        %add3A_504 = vector.broadcast %add3A_503 : i32 to vector<16xi32>
        %add3A_505 = arith.addi %iota3A, %add3A_504 : vector<16xi32>
        %gather3A_506 = arith.constant 0 : i32
        %gather3A_507 = arith.constant 0 : i32
        %gather3A_508 = tpu.memref_slice %arg7[%while3A_440, %gather3A_506, %gather3A_507] : memref<5x64x256xf32, #tpu.memory_space<vmem>> -> memref<1x64x256xf32, #tpu.memory_space<vmem>>
        %gather3A_509 = tpu.memref_squeeze %gather3A_508 : memref<1x64x256xf32, #tpu.memory_space<vmem>> -> memref<64x256xf32, #tpu.memory_space<vmem>>
        %gather3A_510 = tpu.vector_load_idx %gather3A_509[%add3A_505, %broadcast_in_dim3A] : memref<64x256xf32, #tpu.memory_space<vmem>>[vector<16xi32>, vector<16xi32>], vector<16xf32>,
        %swap3A_511 = arith.index_cast %get3A_470 : i32 to index
        %swap3A_512 = arith.constant 48 : index
        %swap3A_513 = tpu.vector_load %arg10[%swap3A_511, %swap3A_512] {strides = array<i32>} : memref<16x128xf32, #tpu.memory_space<vmem>>, vector<16xf32>,
        tpu.vector_store %arg10[%swap3A_511, %swap3A_512], %gather3A_510 {strides = array<i32>} : memref<16x128xf32, #tpu.memory_space<vmem>>, vector<16xf32>,
        %get3A_514 = arith.constant 0 : index
        %get3A_515 = tpu.vector_load %arg11[%get3A_514] {strides = array<i32>} : memref<16xi32, #tpu.memory_space<vmem>>, vector<16xi32>,
        %eq3A_516 = vector.broadcast %get3A_470 : i32 to vector<16xi32>
        %eq3A_517 = arith.cmpi eq, %iota3A, %eq3A_516 : vector<16xi32>
        %broadcast_in_dim3A_518 = vector.broadcast %and3A_463 : i32 to vector<16xi32>
        %select_n3A_519 = arith.select %eq3A_517, %broadcast_in_dim3A_518, %get3A_515 : vector<16xi1>, vector<16xi32>
        %swap3A_520 = arith.constant 0 : index
        %swap3A_521 = tpu.vector_load %arg11[%swap3A_520] {strides = array<i32>} : memref<16xi32, #tpu.memory_space<vmem>>, vector<16xi32>,
        tpu.vector_store %arg11[%swap3A_520], %select_n3A_519 {strides = array<i32>} : memref<16xi32, #tpu.memory_space<vmem>>, vector<16xi32>,
        %eq3A_522 = arith.constant 15 : i32
        %eq3A_523 = arith.cmpi eq, %get3A_470, %eq3A_522 : i32
        %convert_element_type3A_524 = arith.extui %eq3A_523 : i1 to i32
        %cond3A_525 = arith.constant 0 : i32
        %cond3A_526 = arith.cmpi ne, %convert_element_type3A_524, %cond3A_525 : i32
        scf.if %cond3A_526 {
          %get3A_536 = arith.constant 0 : index
          %get3A_537 = tpu.vector_load %arg11[%get3A_536] {strides = array<i32>} : memref<16xi32, #tpu.memory_space<vmem>>, vector<16xi32>,
          "tpu.region"() ({
            %run_scoped3A = tpu.sem_alloc : memref<!tpu.dma_semaphore, #tpu.memory_space<semaphore_mem>>
            %dma_start3A = arith.constant 0 : i32
            %dma_start3A_540 = arith.constant 0 : i32
            %dma_start3A_541 = tpu.memref_slice %arg5[%dma_start3A, %dma_start3A_540] : memref<16896x128xf32, #tpu.memory_space<hbm>> -> memref<16896x128xf32, #tpu.memory_space<hbm>>
            tpu.enqueue_indirect_dma source(%arg10 : memref<16x128xf32, #tpu.memory_space<vmem>>) target(%dma_start3A_541 : memref<16896x128xf32, #tpu.memory_space<hbm>>) offsets(%get3A_537 : vector<16xi32>) semaphore(%run_scoped3A : memref<!tpu.dma_semaphore, #tpu.memory_space<semaphore_mem>>)
            %dma_wait3A_542 = arith.constant 0 : i32
            %dma_wait3A_543 = arith.constant 0 : i32
            %dma_wait3A_544 = tpu.memref_slice %arg5[%dma_wait3A_542, %dma_wait3A_543] : memref<16896x128xf32, #tpu.memory_space<hbm>> -> memref<16896x128xf32, #tpu.memory_space<hbm>>
            tpu.wait_indirect_dma semaphore(%run_scoped3A : memref<!tpu.dma_semaphore, #tpu.memory_space<semaphore_mem>>) src(%arg10 : memref<16x128xf32, #tpu.memory_space<vmem>>) dst(%dma_wait3A_544 : memref<16896x128xf32, #tpu.memory_space<hbm>>)
            tpu.yield
          }) : () -> ()
          %swap3A_538 = arith.constant 0 : index
          %swap3A_539 = tpu.vector_load %arg11[%swap3A_538] {strides = array<i32>} : memref<16xi32, #tpu.memory_space<vmem>>, vector<16xi32>,
          tpu.vector_store %arg11[%swap3A_538], %add3A_57 {strides = array<i32>} : memref<16xi32, #tpu.memory_space<vmem>>, vector<16xi32>,
        } else {
        }
        %eq3A_527 = arith.constant 15 : i32
        %eq3A_528 = arith.cmpi eq, %get3A_470, %eq3A_527 : i32
        %add3A_529 = arith.constant 1 : i32
        %add3A_530 = arith.addi %get3A_470, %add3A_529 : i32
        %jit3A_531 = arith.constant 0 : i32
        %select_n3A_532 = arith.select %eq3A_528, %jit3A_531, %add3A_530 : i32
        %swap3A_533 = arith.constant 0 : i32
        %swap3A_534 = arith.index_cast %swap3A_533 : i32 to index
        %swap3A_535 = memref.load %arg13[%swap3A_534] : memref<4xi32, #tpu.memory_space<smem>>
        memref.store %select_n3A_532, %arg13[%swap3A_534] : memref<4xi32, #tpu.memory_space<smem>>
      }
      %add3A_450 = arith.constant 5 : i32
      %add3A_451 = arith.addi %add3A_421, %add3A_450 : i32
      %lt3A_452 = arith.cmpi slt, %add3A_451, %select_n3A_46 : i32
      %convert_element_type3A_453 = arith.extui %lt3A_452 : i1 to i32
      %cond3A_454 = arith.constant 0 : i32
      %cond3A_455 = arith.cmpi ne, %convert_element_type3A_453, %cond3A_454 : i32
      scf.if %cond3A_455 {
        %add3A_456 = arith.constant 5 : i32
        %add3A_457 = arith.addi %add3A_421, %add3A_456 : i32
        %mul3A_458 = arith.constant 256 : i32
        %mul3A_459 = arith.muli %add3A_457, %mul3A_458 : i32
        %dma_start3A = arith.constant 4 : i32
        %dma_start3A_460 = arith.constant 0 : i32
        %dma_start3A_461 = arith.constant 0 : i32
        %dma_start3A_462 = tpu.memref_slice %arg7[%dma_start3A, %dma_start3A_460, %dma_start3A_461] : memref<5x64x256xf32, #tpu.memory_space<vmem>> -> memref<1x64x256xf32, #tpu.memory_space<vmem>>
        %dma_start3A_463 = tpu.memref_squeeze %dma_start3A_462 : memref<1x64x256xf32, #tpu.memory_space<vmem>> -> memref<64x256xf32, #tpu.memory_space<vmem>>
        %dma_start3A_464 = arith.constant 0 : i32
        %dma_start3A_465 = tpu.memref_slice %arg3[%dma_start3A_464, %mul3A_459] : memref<64x1000001xf32, #tpu.memory_space<hbm>> -> memref<64x256xf32, #tpu.memory_space<hbm>>
        %dma_start3A_466 = arith.constant 0 : i32
        %dma_start3A_467 = arith.constant 0 : i32
        %dma_start3A_468 = tpu.memref_slice %arg7[%dma_start3A, %dma_start3A_466, %dma_start3A_467] : memref<5x64x256xf32, #tpu.memory_space<vmem>> -> memref<1x64x256xf32, #tpu.memory_space<vmem>>
        %dma_start3A_469 = tpu.memref_squeeze %dma_start3A_468 : memref<1x64x256xf32, #tpu.memory_space<vmem>> -> memref<64x256xf32, #tpu.memory_space<vmem>>
        %dma_start3A_470 = arith.constant 0 : i32
        %dma_start3A_471 = tpu.memref_slice %arg3[%dma_start3A_470, %mul3A_459] : memref<64x1000001xf32, #tpu.memory_space<hbm>> -> memref<64x256xf32, #tpu.memory_space<hbm>>
        tpu.enqueue_dma source(%dma_start3A_471 : memref<64x256xf32, #tpu.memory_space<hbm>>) target(%dma_start3A_469 : memref<64x256xf32, #tpu.memory_space<vmem>>) target_semaphore(%arg19 : memref<!tpu.dma_semaphore, #tpu.memory_space<semaphore_mem>>)
      } else {
      }
    }
    %jit3A_140 = arith.constant 5 : i32
    %div3A_141 = arith.divsi %sub3A_47, %jit3A_140 : i32
    %sign3A_142 = arith.constant 0 : i32
    %sign3A_143 = arith.cmpi sgt, %sub3A_47, %sign3A_142 : i32
    %sign3A_144 = arith.extui %sign3A_143 : i1 to i32
    %sign3A_145 = arith.constant 0 : i32
    %sign3A_146 = arith.cmpi slt, %sub3A_47, %sign3A_145 : i32
    %sign3A_147 = arith.extui %sign3A_146 : i1 to i32
    %sign3A_148 = arith.subi %sign3A_144, %sign3A_147 : i32
    %sign3A_149 = arith.constant 0 : i32
    %sign3A_150 = arith.cmpi sgt, %jit3A_140, %sign3A_149 : i32
    %sign3A_151 = arith.extui %sign3A_150 : i1 to i32
    %sign3A_152 = arith.constant 0 : i32
    %sign3A_153 = arith.cmpi slt, %jit3A_140, %sign3A_152 : i32
    %sign3A_154 = arith.extui %sign3A_153 : i1 to i32
    %sign3A_155 = arith.subi %sign3A_151, %sign3A_154 : i32
    %ne3A_156 = arith.cmpi ne, %sign3A_148, %sign3A_155 : i32
    %rem3A_157 = arith.remsi %sub3A_47, %jit3A_140 : i32
    %ne3A_158 = arith.constant 0 : i32
    %ne3A_159 = arith.cmpi ne, %rem3A_157, %ne3A_158 : i32
    %and3A_160 = arith.andi %ne3A_156, %ne3A_159 : i1
    %sub3A_161 = arith.constant 1 : i32
    %sub3A_162 = arith.subi %div3A_141, %sub3A_161 : i32
    %select_n3A_163 = arith.select %and3A_160, %sub3A_162, %div3A_141 : i32
    %mul3A_164 = arith.constant 5 : i32
    %mul3A_165 = arith.muli %select_n3A_163, %mul3A_164 : i32
    %add3A_166 = arith.constant 0 : i32
    %add3A_167 = arith.addi %mul3A_165, %add3A_166 : i32
    %lt3A = arith.cmpi slt, %add3A_167, %sub3A_47 : i32
    %convert_element_type3A_168 = arith.extui %lt3A : i1 to i32
    %cond3A_169 = arith.constant 0 : i32
    %cond3A_170 = arith.cmpi ne, %convert_element_type3A_168, %cond3A_169 : i32
    scf.if %cond3A_170 {
      %add3A_273 = arith.addi %select_n3A, %add3A_167 : i32
      %mul3A_274 = arith.constant 256 : i32
      %mul3A_275 = arith.muli %add3A_273, %mul3A_274 : i32
      %dma_wait3A = arith.constant 0 : i32
      %dma_wait3A_276 = arith.constant 0 : i32
      %dma_wait3A_277 = arith.constant 0 : i32
      %dma_wait3A_278 = tpu.memref_slice %arg7[%dma_wait3A, %dma_wait3A_276, %dma_wait3A_277] : memref<5x64x256xf32, #tpu.memory_space<vmem>> -> memref<1x64x256xf32, #tpu.memory_space<vmem>>
      %dma_wait3A_279 = tpu.memref_squeeze %dma_wait3A_278 : memref<1x64x256xf32, #tpu.memory_space<vmem>> -> memref<64x256xf32, #tpu.memory_space<vmem>>
      %dma_wait3A_280 = arith.constant 0 : i32
      %dma_wait3A_281 = tpu.memref_slice %arg3[%dma_wait3A_280, %mul3A_275] : memref<64x1000001xf32, #tpu.memory_space<hbm>> -> memref<64x256xf32, #tpu.memory_space<hbm>>
      %dma_wait3A_282 = arith.constant 0 : i32
      %dma_wait3A_283 = arith.constant 0 : i32
      %dma_wait3A_284 = tpu.memref_slice %arg7[%dma_wait3A, %dma_wait3A_282, %dma_wait3A_283] : memref<5x64x256xf32, #tpu.memory_space<vmem>> -> memref<1x64x256xf32, #tpu.memory_space<vmem>>
      %dma_wait3A_285 = tpu.memref_squeeze %dma_wait3A_284 : memref<1x64x256xf32, #tpu.memory_space<vmem>> -> memref<64x256xf32, #tpu.memory_space<vmem>>
      %dma_wait3A_286 = arith.constant 0 : i32
      %dma_wait3A_287 = tpu.memref_slice %arg3[%dma_wait3A_286, %mul3A_275] : memref<64x1000001xf32, #tpu.memory_space<hbm>> -> memref<64x256xf32, #tpu.memory_space<hbm>>
      tpu.wait_dma2 semaphore(%arg15 : memref<!tpu.dma_semaphore, #tpu.memory_space<semaphore_mem>>) src(%dma_wait3A_287 : memref<64x256xf32, #tpu.memory_space<hbm>>) dst(%dma_wait3A_285 : memref<64x256xf32, #tpu.memory_space<vmem>>)
      %get3A_288 = arith.index_cast %add3A_167 : i32 to index
      %get3A_289 = memref.load %arg12[%get3A_288] : memref<124xi32, #tpu.memory_space<smem>>
      %while3A_290 = arith.constant 0 : i32
      %while3A_291 = arith.constant 0 : i32
      %while3A_292 = arith.subi %get3A_289, %while3A_291 : i32
      %while3A_293 = arith.addi %while3A_291, %while3A_292 : i32
      %while3A_294 = arith.constant 1 : i32
      %while3A_295 = arith.divsi %while3A_292, %while3A_294 : i32
      %while3A_296 = arith.muli %while3A_295, %while3A_294 : i32
      %while3A_297 = arith.addi %while3A_291, %while3A_296 : i32
      %while3A_298 = arith.constant 1 : i32
      scf.for %while3A_300 = %while3A_291 to %while3A_297 step %while3A_298  : i32 {
        %mul3A_301 = arith.constant 64 : i32
        %mul3A_302 = arith.muli %add3A_167, %mul3A_301 : i32
        %add3A_303 = arith.addi %mul3A_302, %while3A_300 : i32
        %get3A_304 = arith.index_cast %add3A_303 : i32 to index
        %get3A_305 = tpu.vector_load %arg9[%get3A_304] {strides = array<i32>} : memref<7952xi32, #tpu.memory_space<vmem>>, vector<16xi32>,
        %slice3A = vector.extract_strided_slice %get3A_305 {offsets = [0], sizes = [1], strides = [1]} : vector<16xi32> to vector<1xi32>
        %squeeze3A = vector.extract %slice3A[0] : i32 from vector<1xi32>
        %and3A_306 = arith.constant 16383 : i32
        %and3A_307 = arith.andi %squeeze3A, %and3A_306 : i32
        %shift_right_arithmetic3A = arith.constant 14 : i32
        %shift_right_arithmetic3A_308 = arith.shrsi %squeeze3A, %shift_right_arithmetic3A : i32
        %mul3A_309 = arith.constant 256 : i32
        %mul3A_310 = arith.muli %add3A_167, %mul3A_309 : i32
        %sub3A_311 = arith.subi %shift_right_arithmetic3A_308, %mul3A_310 : i32
        %broadcast_in_dim3A = vector.broadcast %sub3A_311 : i32 to vector<16xi32>
        %get3A_312 = arith.constant 0 : i32
        %get3A_313 = arith.index_cast %get3A_312 : i32 to index
        %get3A_314 = memref.load %arg13[%get3A_313] : memref<4xi32, #tpu.memory_space<smem>>
        %add3A_315 = arith.constant 0 : i32
        %add3A_316 = vector.broadcast %add3A_315 : i32 to vector<16xi32>
        %add3A_317 = arith.addi %iota3A, %add3A_316 : vector<16xi32>
        %gather3A = arith.constant 0 : i32
        %gather3A_318 = arith.constant 0 : i32
        %gather3A_319 = tpu.memref_slice %arg7[%while3A_290, %gather3A, %gather3A_318] : memref<5x64x256xf32, #tpu.memory_space<vmem>> -> memref<1x64x256xf32, #tpu.memory_space<vmem>>
        %gather3A_320 = tpu.memref_squeeze %gather3A_319 : memref<1x64x256xf32, #tpu.memory_space<vmem>> -> memref<64x256xf32, #tpu.memory_space<vmem>>
        %gather3A_321 = tpu.vector_load_idx %gather3A_320[%add3A_317, %broadcast_in_dim3A] : memref<64x256xf32, #tpu.memory_space<vmem>>[vector<16xi32>, vector<16xi32>], vector<16xf32>,
        %swap3A_322 = arith.index_cast %get3A_314 : i32 to index
        %swap3A_323 = arith.constant 0 : index
        %swap3A_324 = tpu.vector_load %arg10[%swap3A_322, %swap3A_323] {strides = array<i32>} : memref<16x128xf32, #tpu.memory_space<vmem>>, vector<16xf32>,
        tpu.vector_store %arg10[%swap3A_322, %swap3A_323], %gather3A_321 {strides = array<i32>} : memref<16x128xf32, #tpu.memory_space<vmem>>, vector<16xf32>,
        %add3A_325 = arith.constant 16 : i32
        %add3A_326 = vector.broadcast %add3A_325 : i32 to vector<16xi32>
        %add3A_327 = arith.addi %iota3A, %add3A_326 : vector<16xi32>
        %gather3A_328 = arith.constant 0 : i32
        %gather3A_329 = arith.constant 0 : i32
        %gather3A_330 = tpu.memref_slice %arg7[%while3A_290, %gather3A_328, %gather3A_329] : memref<5x64x256xf32, #tpu.memory_space<vmem>> -> memref<1x64x256xf32, #tpu.memory_space<vmem>>
        %gather3A_331 = tpu.memref_squeeze %gather3A_330 : memref<1x64x256xf32, #tpu.memory_space<vmem>> -> memref<64x256xf32, #tpu.memory_space<vmem>>
        %gather3A_332 = tpu.vector_load_idx %gather3A_331[%add3A_327, %broadcast_in_dim3A] : memref<64x256xf32, #tpu.memory_space<vmem>>[vector<16xi32>, vector<16xi32>], vector<16xf32>,
        %swap3A_333 = arith.index_cast %get3A_314 : i32 to index
        %swap3A_334 = arith.constant 16 : index
        %swap3A_335 = tpu.vector_load %arg10[%swap3A_333, %swap3A_334] {strides = array<i32>} : memref<16x128xf32, #tpu.memory_space<vmem>>, vector<16xf32>,
        tpu.vector_store %arg10[%swap3A_333, %swap3A_334], %gather3A_332 {strides = array<i32>} : memref<16x128xf32, #tpu.memory_space<vmem>>, vector<16xf32>,
        %add3A_336 = arith.constant 32 : i32
        %add3A_337 = vector.broadcast %add3A_336 : i32 to vector<16xi32>
        %add3A_338 = arith.addi %iota3A, %add3A_337 : vector<16xi32>
        %gather3A_339 = arith.constant 0 : i32
        %gather3A_340 = arith.constant 0 : i32
        %gather3A_341 = tpu.memref_slice %arg7[%while3A_290, %gather3A_339, %gather3A_340] : memref<5x64x256xf32, #tpu.memory_space<vmem>> -> memref<1x64x256xf32, #tpu.memory_space<vmem>>
        %gather3A_342 = tpu.memref_squeeze %gather3A_341 : memref<1x64x256xf32, #tpu.memory_space<vmem>> -> memref<64x256xf32, #tpu.memory_space<vmem>>
        %gather3A_343 = tpu.vector_load_idx %gather3A_342[%add3A_338, %broadcast_in_dim3A] : memref<64x256xf32, #tpu.memory_space<vmem>>[vector<16xi32>, vector<16xi32>], vector<16xf32>,
        %swap3A_344 = arith.index_cast %get3A_314 : i32 to index
        %swap3A_345 = arith.constant 32 : index
        %swap3A_346 = tpu.vector_load %arg10[%swap3A_344, %swap3A_345] {strides = array<i32>} : memref<16x128xf32, #tpu.memory_space<vmem>>, vector<16xf32>,
        tpu.vector_store %arg10[%swap3A_344, %swap3A_345], %gather3A_343 {strides = array<i32>} : memref<16x128xf32, #tpu.memory_space<vmem>>, vector<16xf32>,
        %add3A_347 = arith.constant 48 : i32
        %add3A_348 = vector.broadcast %add3A_347 : i32 to vector<16xi32>
        %add3A_349 = arith.addi %iota3A, %add3A_348 : vector<16xi32>
        %gather3A_350 = arith.constant 0 : i32
        %gather3A_351 = arith.constant 0 : i32
        %gather3A_352 = tpu.memref_slice %arg7[%while3A_290, %gather3A_350, %gather3A_351] : memref<5x64x256xf32, #tpu.memory_space<vmem>> -> memref<1x64x256xf32, #tpu.memory_space<vmem>>
        %gather3A_353 = tpu.memref_squeeze %gather3A_352 : memref<1x64x256xf32, #tpu.memory_space<vmem>> -> memref<64x256xf32, #tpu.memory_space<vmem>>
        %gather3A_354 = tpu.vector_load_idx %gather3A_353[%add3A_349, %broadcast_in_dim3A] : memref<64x256xf32, #tpu.memory_space<vmem>>[vector<16xi32>, vector<16xi32>], vector<16xf32>,
        %swap3A_355 = arith.index_cast %get3A_314 : i32 to index
        %swap3A_356 = arith.constant 48 : index
        %swap3A_357 = tpu.vector_load %arg10[%swap3A_355, %swap3A_356] {strides = array<i32>} : memref<16x128xf32, #tpu.memory_space<vmem>>, vector<16xf32>,
        tpu.vector_store %arg10[%swap3A_355, %swap3A_356], %gather3A_354 {strides = array<i32>} : memref<16x128xf32, #tpu.memory_space<vmem>>, vector<16xf32>,
        %get3A_358 = arith.constant 0 : index
        %get3A_359 = tpu.vector_load %arg11[%get3A_358] {strides = array<i32>} : memref<16xi32, #tpu.memory_space<vmem>>, vector<16xi32>,
        %eq3A_360 = vector.broadcast %get3A_314 : i32 to vector<16xi32>
        %eq3A_361 = arith.cmpi eq, %iota3A, %eq3A_360 : vector<16xi32>
        %broadcast_in_dim3A_362 = vector.broadcast %and3A_307 : i32 to vector<16xi32>
        %select_n3A_363 = arith.select %eq3A_361, %broadcast_in_dim3A_362, %get3A_359 : vector<16xi1>, vector<16xi32>
        %swap3A_364 = arith.constant 0 : index
        %swap3A_365 = tpu.vector_load %arg11[%swap3A_364] {strides = array<i32>} : memref<16xi32, #tpu.memory_space<vmem>>, vector<16xi32>,
        tpu.vector_store %arg11[%swap3A_364], %select_n3A_363 {strides = array<i32>} : memref<16xi32, #tpu.memory_space<vmem>>, vector<16xi32>,
        %eq3A_366 = arith.constant 15 : i32
        %eq3A_367 = arith.cmpi eq, %get3A_314, %eq3A_366 : i32
        %convert_element_type3A_368 = arith.extui %eq3A_367 : i1 to i32
        %cond3A_369 = arith.constant 0 : i32
        %cond3A_370 = arith.cmpi ne, %convert_element_type3A_368, %cond3A_369 : i32
        scf.if %cond3A_370 {
          %get3A_380 = arith.constant 0 : index
          %get3A_381 = tpu.vector_load %arg11[%get3A_380] {strides = array<i32>} : memref<16xi32, #tpu.memory_space<vmem>>, vector<16xi32>,
          "tpu.region"() ({
            %run_scoped3A = tpu.sem_alloc : memref<!tpu.dma_semaphore, #tpu.memory_space<semaphore_mem>>
            %dma_start3A = arith.constant 0 : i32
            %dma_start3A_384 = arith.constant 0 : i32
            %dma_start3A_385 = tpu.memref_slice %arg5[%dma_start3A, %dma_start3A_384] : memref<16896x128xf32, #tpu.memory_space<hbm>> -> memref<16896x128xf32, #tpu.memory_space<hbm>>
            tpu.enqueue_indirect_dma source(%arg10 : memref<16x128xf32, #tpu.memory_space<vmem>>) target(%dma_start3A_385 : memref<16896x128xf32, #tpu.memory_space<hbm>>) offsets(%get3A_381 : vector<16xi32>) semaphore(%run_scoped3A : memref<!tpu.dma_semaphore, #tpu.memory_space<semaphore_mem>>)
            %dma_wait3A_386 = arith.constant 0 : i32
            %dma_wait3A_387 = arith.constant 0 : i32
            %dma_wait3A_388 = tpu.memref_slice %arg5[%dma_wait3A_386, %dma_wait3A_387] : memref<16896x128xf32, #tpu.memory_space<hbm>> -> memref<16896x128xf32, #tpu.memory_space<hbm>>
            tpu.wait_indirect_dma semaphore(%run_scoped3A : memref<!tpu.dma_semaphore, #tpu.memory_space<semaphore_mem>>) src(%arg10 : memref<16x128xf32, #tpu.memory_space<vmem>>) dst(%dma_wait3A_388 : memref<16896x128xf32, #tpu.memory_space<hbm>>)
            tpu.yield
          }) : () -> ()
          %swap3A_382 = arith.constant 0 : index
          %swap3A_383 = tpu.vector_load %arg11[%swap3A_382] {strides = array<i32>} : memref<16xi32, #tpu.memory_space<vmem>>, vector<16xi32>,
          tpu.vector_store %arg11[%swap3A_382], %add3A_57 {strides = array<i32>} : memref<16xi32, #tpu.memory_space<vmem>>, vector<16xi32>,
        } else {
        }
        %eq3A_371 = arith.constant 15 : i32
        %eq3A_372 = arith.cmpi eq, %get3A_314, %eq3A_371 : i32
        %add3A_373 = arith.constant 1 : i32
        %add3A_374 = arith.addi %get3A_314, %add3A_373 : i32
        %jit3A_375 = arith.constant 0 : i32
        %select_n3A_376 = arith.select %eq3A_372, %jit3A_375, %add3A_374 : i32
        %swap3A_377 = arith.constant 0 : i32
        %swap3A_378 = arith.index_cast %swap3A_377 : i32 to index
        %swap3A_379 = memref.load %arg13[%swap3A_378] : memref<4xi32, #tpu.memory_space<smem>>
        memref.store %select_n3A_376, %arg13[%swap3A_378] : memref<4xi32, #tpu.memory_space<smem>>
      }
      %while3A_299 = arith.constant 1 : i32
      scf.for %while3A_300 = %while3A_297 to %while3A_293 step %while3A_299  : i32 {
        %mul3A_301 = arith.constant 64 : i32
        %mul3A_302 = arith.muli %add3A_167, %mul3A_301 : i32
        %add3A_303 = arith.addi %mul3A_302, %while3A_300 : i32
        %get3A_304 = arith.index_cast %add3A_303 : i32 to index
        %get3A_305 = tpu.vector_load %arg9[%get3A_304] {strides = array<i32>} : memref<7952xi32, #tpu.memory_space<vmem>>, vector<16xi32>,
        %slice3A = vector.extract_strided_slice %get3A_305 {offsets = [0], sizes = [1], strides = [1]} : vector<16xi32> to vector<1xi32>
        %squeeze3A = vector.extract %slice3A[0] : i32 from vector<1xi32>
        %and3A_306 = arith.constant 16383 : i32
        %and3A_307 = arith.andi %squeeze3A, %and3A_306 : i32
        %shift_right_arithmetic3A = arith.constant 14 : i32
        %shift_right_arithmetic3A_308 = arith.shrsi %squeeze3A, %shift_right_arithmetic3A : i32
        %mul3A_309 = arith.constant 256 : i32
        %mul3A_310 = arith.muli %add3A_167, %mul3A_309 : i32
        %sub3A_311 = arith.subi %shift_right_arithmetic3A_308, %mul3A_310 : i32
        %broadcast_in_dim3A = vector.broadcast %sub3A_311 : i32 to vector<16xi32>
        %get3A_312 = arith.constant 0 : i32
        %get3A_313 = arith.index_cast %get3A_312 : i32 to index
        %get3A_314 = memref.load %arg13[%get3A_313] : memref<4xi32, #tpu.memory_space<smem>>
        %add3A_315 = arith.constant 0 : i32
        %add3A_316 = vector.broadcast %add3A_315 : i32 to vector<16xi32>
        %add3A_317 = arith.addi %iota3A, %add3A_316 : vector<16xi32>
        %gather3A = arith.constant 0 : i32
        %gather3A_318 = arith.constant 0 : i32
        %gather3A_319 = tpu.memref_slice %arg7[%while3A_290, %gather3A, %gather3A_318] : memref<5x64x256xf32, #tpu.memory_space<vmem>> -> memref<1x64x256xf32, #tpu.memory_space<vmem>>
        %gather3A_320 = tpu.memref_squeeze %gather3A_319 : memref<1x64x256xf32, #tpu.memory_space<vmem>> -> memref<64x256xf32, #tpu.memory_space<vmem>>
        %gather3A_321 = tpu.vector_load_idx %gather3A_320[%add3A_317, %broadcast_in_dim3A] : memref<64x256xf32, #tpu.memory_space<vmem>>[vector<16xi32>, vector<16xi32>], vector<16xf32>,
        %swap3A_322 = arith.index_cast %get3A_314 : i32 to index
        %swap3A_323 = arith.constant 0 : index
        %swap3A_324 = tpu.vector_load %arg10[%swap3A_322, %swap3A_323] {strides = array<i32>} : memref<16x128xf32, #tpu.memory_space<vmem>>, vector<16xf32>,
        tpu.vector_store %arg10[%swap3A_322, %swap3A_323], %gather3A_321 {strides = array<i32>} : memref<16x128xf32, #tpu.memory_space<vmem>>, vector<16xf32>,
        %add3A_325 = arith.constant 16 : i32
        %add3A_326 = vector.broadcast %add3A_325 : i32 to vector<16xi32>
        %add3A_327 = arith.addi %iota3A, %add3A_326 : vector<16xi32>
        %gather3A_328 = arith.constant 0 : i32
        %gather3A_329 = arith.constant 0 : i32
        %gather3A_330 = tpu.memref_slice %arg7[%while3A_290, %gather3A_328, %gather3A_329] : memref<5x64x256xf32, #tpu.memory_space<vmem>> -> memref<1x64x256xf32, #tpu.memory_space<vmem>>
        %gather3A_331 = tpu.memref_squeeze %gather3A_330 : memref<1x64x256xf32, #tpu.memory_space<vmem>> -> memref<64x256xf32, #tpu.memory_space<vmem>>
        %gather3A_332 = tpu.vector_load_idx %gather3A_331[%add3A_327, %broadcast_in_dim3A] : memref<64x256xf32, #tpu.memory_space<vmem>>[vector<16xi32>, vector<16xi32>], vector<16xf32>,
        %swap3A_333 = arith.index_cast %get3A_314 : i32 to index
        %swap3A_334 = arith.constant 16 : index
        %swap3A_335 = tpu.vector_load %arg10[%swap3A_333, %swap3A_334] {strides = array<i32>} : memref<16x128xf32, #tpu.memory_space<vmem>>, vector<16xf32>,
        tpu.vector_store %arg10[%swap3A_333, %swap3A_334], %gather3A_332 {strides = array<i32>} : memref<16x128xf32, #tpu.memory_space<vmem>>, vector<16xf32>,
        %add3A_336 = arith.constant 32 : i32
        %add3A_337 = vector.broadcast %add3A_336 : i32 to vector<16xi32>
        %add3A_338 = arith.addi %iota3A, %add3A_337 : vector<16xi32>
        %gather3A_339 = arith.constant 0 : i32
        %gather3A_340 = arith.constant 0 : i32
        %gather3A_341 = tpu.memref_slice %arg7[%while3A_290, %gather3A_339, %gather3A_340] : memref<5x64x256xf32, #tpu.memory_space<vmem>> -> memref<1x64x256xf32, #tpu.memory_space<vmem>>
        %gather3A_342 = tpu.memref_squeeze %gather3A_341 : memref<1x64x256xf32, #tpu.memory_space<vmem>> -> memref<64x256xf32, #tpu.memory_space<vmem>>
        %gather3A_343 = tpu.vector_load_idx %gather3A_342[%add3A_338, %broadcast_in_dim3A] : memref<64x256xf32, #tpu.memory_space<vmem>>[vector<16xi32>, vector<16xi32>], vector<16xf32>,
        %swap3A_344 = arith.index_cast %get3A_314 : i32 to index
        %swap3A_345 = arith.constant 32 : index
        %swap3A_346 = tpu.vector_load %arg10[%swap3A_344, %swap3A_345] {strides = array<i32>} : memref<16x128xf32, #tpu.memory_space<vmem>>, vector<16xf32>,
        tpu.vector_store %arg10[%swap3A_344, %swap3A_345], %gather3A_343 {strides = array<i32>} : memref<16x128xf32, #tpu.memory_space<vmem>>, vector<16xf32>,
        %add3A_347 = arith.constant 48 : i32
        %add3A_348 = vector.broadcast %add3A_347 : i32 to vector<16xi32>
        %add3A_349 = arith.addi %iota3A, %add3A_348 : vector<16xi32>
        %gather3A_350 = arith.constant 0 : i32
        %gather3A_351 = arith.constant 0 : i32
        %gather3A_352 = tpu.memref_slice %arg7[%while3A_290, %gather3A_350, %gather3A_351] : memref<5x64x256xf32, #tpu.memory_space<vmem>> -> memref<1x64x256xf32, #tpu.memory_space<vmem>>
        %gather3A_353 = tpu.memref_squeeze %gather3A_352 : memref<1x64x256xf32, #tpu.memory_space<vmem>> -> memref<64x256xf32, #tpu.memory_space<vmem>>
        %gather3A_354 = tpu.vector_load_idx %gather3A_353[%add3A_349, %broadcast_in_dim3A] : memref<64x256xf32, #tpu.memory_space<vmem>>[vector<16xi32>, vector<16xi32>], vector<16xf32>,
        %swap3A_355 = arith.index_cast %get3A_314 : i32 to index
        %swap3A_356 = arith.constant 48 : index
        %swap3A_357 = tpu.vector_load %arg10[%swap3A_355, %swap3A_356] {strides = array<i32>} : memref<16x128xf32, #tpu.memory_space<vmem>>, vector<16xf32>,
        tpu.vector_store %arg10[%swap3A_355, %swap3A_356], %gather3A_354 {strides = array<i32>} : memref<16x128xf32, #tpu.memory_space<vmem>>, vector<16xf32>,
        %get3A_358 = arith.constant 0 : index
        %get3A_359 = tpu.vector_load %arg11[%get3A_358] {strides = array<i32>} : memref<16xi32, #tpu.memory_space<vmem>>, vector<16xi32>,
        %eq3A_360 = vector.broadcast %get3A_314 : i32 to vector<16xi32>
        %eq3A_361 = arith.cmpi eq, %iota3A, %eq3A_360 : vector<16xi32>
        %broadcast_in_dim3A_362 = vector.broadcast %and3A_307 : i32 to vector<16xi32>
        %select_n3A_363 = arith.select %eq3A_361, %broadcast_in_dim3A_362, %get3A_359 : vector<16xi1>, vector<16xi32>
        %swap3A_364 = arith.constant 0 : index
        %swap3A_365 = tpu.vector_load %arg11[%swap3A_364] {strides = array<i32>} : memref<16xi32, #tpu.memory_space<vmem>>, vector<16xi32>,
        tpu.vector_store %arg11[%swap3A_364], %select_n3A_363 {strides = array<i32>} : memref<16xi32, #tpu.memory_space<vmem>>, vector<16xi32>,
        %eq3A_366 = arith.constant 15 : i32
        %eq3A_367 = arith.cmpi eq, %get3A_314, %eq3A_366 : i32
        %convert_element_type3A_368 = arith.extui %eq3A_367 : i1 to i32
        %cond3A_369 = arith.constant 0 : i32
        %cond3A_370 = arith.cmpi ne, %convert_element_type3A_368, %cond3A_369 : i32
        scf.if %cond3A_370 {
          %get3A_380 = arith.constant 0 : index
          %get3A_381 = tpu.vector_load %arg11[%get3A_380] {strides = array<i32>} : memref<16xi32, #tpu.memory_space<vmem>>, vector<16xi32>,
          "tpu.region"() ({
            %run_scoped3A = tpu.sem_alloc : memref<!tpu.dma_semaphore, #tpu.memory_space<semaphore_mem>>
            %dma_start3A = arith.constant 0 : i32
            %dma_start3A_384 = arith.constant 0 : i32
            %dma_start3A_385 = tpu.memref_slice %arg5[%dma_start3A, %dma_start3A_384] : memref<16896x128xf32, #tpu.memory_space<hbm>> -> memref<16896x128xf32, #tpu.memory_space<hbm>>
            tpu.enqueue_indirect_dma source(%arg10 : memref<16x128xf32, #tpu.memory_space<vmem>>) target(%dma_start3A_385 : memref<16896x128xf32, #tpu.memory_space<hbm>>) offsets(%get3A_381 : vector<16xi32>) semaphore(%run_scoped3A : memref<!tpu.dma_semaphore, #tpu.memory_space<semaphore_mem>>)
            %dma_wait3A_386 = arith.constant 0 : i32
            %dma_wait3A_387 = arith.constant 0 : i32
            %dma_wait3A_388 = tpu.memref_slice %arg5[%dma_wait3A_386, %dma_wait3A_387] : memref<16896x128xf32, #tpu.memory_space<hbm>> -> memref<16896x128xf32, #tpu.memory_space<hbm>>
            tpu.wait_indirect_dma semaphore(%run_scoped3A : memref<!tpu.dma_semaphore, #tpu.memory_space<semaphore_mem>>) src(%arg10 : memref<16x128xf32, #tpu.memory_space<vmem>>) dst(%dma_wait3A_388 : memref<16896x128xf32, #tpu.memory_space<hbm>>)
            tpu.yield
          }) : () -> ()
          %swap3A_382 = arith.constant 0 : index
          %swap3A_383 = tpu.vector_load %arg11[%swap3A_382] {strides = array<i32>} : memref<16xi32, #tpu.memory_space<vmem>>, vector<16xi32>,
          tpu.vector_store %arg11[%swap3A_382], %add3A_57 {strides = array<i32>} : memref<16xi32, #tpu.memory_space<vmem>>, vector<16xi32>,
        } else {
        }
        %eq3A_371 = arith.constant 15 : i32
        %eq3A_372 = arith.cmpi eq, %get3A_314, %eq3A_371 : i32
        %add3A_373 = arith.constant 1 : i32
        %add3A_374 = arith.addi %get3A_314, %add3A_373 : i32
        %jit3A_375 = arith.constant 0 : i32
        %select_n3A_376 = arith.select %eq3A_372, %jit3A_375, %add3A_374 : i32
        %swap3A_377 = arith.constant 0 : i32
        %swap3A_378 = arith.index_cast %swap3A_377 : i32 to index
        %swap3A_379 = memref.load %arg13[%swap3A_378] : memref<4xi32, #tpu.memory_space<smem>>
        memref.store %select_n3A_376, %arg13[%swap3A_378] : memref<4xi32, #tpu.memory_space<smem>>
      }
    } else {
    }
    %jit3A_171 = arith.constant 5 : i32
    %div3A_172 = arith.divsi %sub3A_47, %jit3A_171 : i32
    %sign3A_173 = arith.constant 0 : i32
    %sign3A_174 = arith.cmpi sgt, %sub3A_47, %sign3A_173 : i32
    %sign3A_175 = arith.extui %sign3A_174 : i1 to i32
    %sign3A_176 = arith.constant 0 : i32
    %sign3A_177 = arith.cmpi slt, %sub3A_47, %sign3A_176 : i32
    %sign3A_178 = arith.extui %sign3A_177 : i1 to i32
    %sign3A_179 = arith.subi %sign3A_175, %sign3A_178 : i32
    %sign3A_180 = arith.constant 0 : i32
    %sign3A_181 = arith.cmpi sgt, %jit3A_171, %sign3A_180 : i32
    %sign3A_182 = arith.extui %sign3A_181 : i1 to i32
    %sign3A_183 = arith.constant 0 : i32
    %sign3A_184 = arith.cmpi slt, %jit3A_171, %sign3A_183 : i32
    %sign3A_185 = arith.extui %sign3A_184 : i1 to i32
    %sign3A_186 = arith.subi %sign3A_182, %sign3A_185 : i32
    %ne3A_187 = arith.cmpi ne, %sign3A_179, %sign3A_186 : i32
    %rem3A_188 = arith.remsi %sub3A_47, %jit3A_171 : i32
    %ne3A_189 = arith.constant 0 : i32
    %ne3A_190 = arith.cmpi ne, %rem3A_188, %ne3A_189 : i32
    %and3A_191 = arith.andi %ne3A_187, %ne3A_190 : i1
    %sub3A_192 = arith.constant 1 : i32
    %sub3A_193 = arith.subi %div3A_172, %sub3A_192 : i32
    %select_n3A_194 = arith.select %and3A_191, %sub3A_193, %div3A_172 : i32
    %mul3A_195 = arith.constant 5 : i32
    %mul3A_196 = arith.muli %select_n3A_194, %mul3A_195 : i32
    %add3A_197 = arith.constant 1 : i32
    %add3A_198 = arith.addi %mul3A_196, %add3A_197 : i32
    %lt3A_199 = arith.cmpi slt, %add3A_198, %sub3A_47 : i32
    %convert_element_type3A_200 = arith.extui %lt3A_199 : i1 to i32
    %cond3A_201 = arith.constant 0 : i32
    %cond3A_202 = arith.cmpi ne, %convert_element_type3A_200, %cond3A_201 : i32
    scf.if %cond3A_202 {
      %add3A_273 = arith.addi %select_n3A, %add3A_198 : i32
      %mul3A_274 = arith.constant 256 : i32
      %mul3A_275 = arith.muli %add3A_273, %mul3A_274 : i32
      %dma_wait3A = arith.constant 1 : i32
      %dma_wait3A_276 = arith.constant 0 : i32
      %dma_wait3A_277 = arith.constant 0 : i32
      %dma_wait3A_278 = tpu.memref_slice %arg7[%dma_wait3A, %dma_wait3A_276, %dma_wait3A_277] : memref<5x64x256xf32, #tpu.memory_space<vmem>> -> memref<1x64x256xf32, #tpu.memory_space<vmem>>
      %dma_wait3A_279 = tpu.memref_squeeze %dma_wait3A_278 : memref<1x64x256xf32, #tpu.memory_space<vmem>> -> memref<64x256xf32, #tpu.memory_space<vmem>>
      %dma_wait3A_280 = arith.constant 0 : i32
      %dma_wait3A_281 = tpu.memref_slice %arg3[%dma_wait3A_280, %mul3A_275] : memref<64x1000001xf32, #tpu.memory_space<hbm>> -> memref<64x256xf32, #tpu.memory_space<hbm>>
      %dma_wait3A_282 = arith.constant 0 : i32
      %dma_wait3A_283 = arith.constant 0 : i32
      %dma_wait3A_284 = tpu.memref_slice %arg7[%dma_wait3A, %dma_wait3A_282, %dma_wait3A_283] : memref<5x64x256xf32, #tpu.memory_space<vmem>> -> memref<1x64x256xf32, #tpu.memory_space<vmem>>
      %dma_wait3A_285 = tpu.memref_squeeze %dma_wait3A_284 : memref<1x64x256xf32, #tpu.memory_space<vmem>> -> memref<64x256xf32, #tpu.memory_space<vmem>>
      %dma_wait3A_286 = arith.constant 0 : i32
      %dma_wait3A_287 = tpu.memref_slice %arg3[%dma_wait3A_286, %mul3A_275] : memref<64x1000001xf32, #tpu.memory_space<hbm>> -> memref<64x256xf32, #tpu.memory_space<hbm>>
      tpu.wait_dma2 semaphore(%arg16 : memref<!tpu.dma_semaphore, #tpu.memory_space<semaphore_mem>>) src(%dma_wait3A_287 : memref<64x256xf32, #tpu.memory_space<hbm>>) dst(%dma_wait3A_285 : memref<64x256xf32, #tpu.memory_space<vmem>>)
      %get3A_288 = arith.index_cast %add3A_198 : i32 to index
      %get3A_289 = memref.load %arg12[%get3A_288] : memref<124xi32, #tpu.memory_space<smem>>
      %while3A_290 = arith.constant 1 : i32
      %while3A_291 = arith.constant 0 : i32
      %while3A_292 = arith.subi %get3A_289, %while3A_291 : i32
      %while3A_293 = arith.addi %while3A_291, %while3A_292 : i32
      %while3A_294 = arith.constant 1 : i32
      %while3A_295 = arith.divsi %while3A_292, %while3A_294 : i32
      %while3A_296 = arith.muli %while3A_295, %while3A_294 : i32
      %while3A_297 = arith.addi %while3A_291, %while3A_296 : i32
      %while3A_298 = arith.constant 1 : i32
      scf.for %while3A_300 = %while3A_291 to %while3A_297 step %while3A_298  : i32 {
        %mul3A_301 = arith.constant 64 : i32
        %mul3A_302 = arith.muli %add3A_198, %mul3A_301 : i32
        %add3A_303 = arith.addi %mul3A_302, %while3A_300 : i32
        %get3A_304 = arith.index_cast %add3A_303 : i32 to index
        %get3A_305 = tpu.vector_load %arg9[%get3A_304] {strides = array<i32>} : memref<7952xi32, #tpu.memory_space<vmem>>, vector<16xi32>,
        %slice3A = vector.extract_strided_slice %get3A_305 {offsets = [0], sizes = [1], strides = [1]} : vector<16xi32> to vector<1xi32>
        %squeeze3A = vector.extract %slice3A[0] : i32 from vector<1xi32>
        %and3A_306 = arith.constant 16383 : i32
        %and3A_307 = arith.andi %squeeze3A, %and3A_306 : i32
        %shift_right_arithmetic3A = arith.constant 14 : i32
        %shift_right_arithmetic3A_308 = arith.shrsi %squeeze3A, %shift_right_arithmetic3A : i32
        %mul3A_309 = arith.constant 256 : i32
        %mul3A_310 = arith.muli %add3A_198, %mul3A_309 : i32
        %sub3A_311 = arith.subi %shift_right_arithmetic3A_308, %mul3A_310 : i32
        %broadcast_in_dim3A = vector.broadcast %sub3A_311 : i32 to vector<16xi32>
        %get3A_312 = arith.constant 0 : i32
        %get3A_313 = arith.index_cast %get3A_312 : i32 to index
        %get3A_314 = memref.load %arg13[%get3A_313] : memref<4xi32, #tpu.memory_space<smem>>
        %add3A_315 = arith.constant 0 : i32
        %add3A_316 = vector.broadcast %add3A_315 : i32 to vector<16xi32>
        %add3A_317 = arith.addi %iota3A, %add3A_316 : vector<16xi32>
        %gather3A = arith.constant 0 : i32
        %gather3A_318 = arith.constant 0 : i32
        %gather3A_319 = tpu.memref_slice %arg7[%while3A_290, %gather3A, %gather3A_318] : memref<5x64x256xf32, #tpu.memory_space<vmem>> -> memref<1x64x256xf32, #tpu.memory_space<vmem>>
        %gather3A_320 = tpu.memref_squeeze %gather3A_319 : memref<1x64x256xf32, #tpu.memory_space<vmem>> -> memref<64x256xf32, #tpu.memory_space<vmem>>
        %gather3A_321 = tpu.vector_load_idx %gather3A_320[%add3A_317, %broadcast_in_dim3A] : memref<64x256xf32, #tpu.memory_space<vmem>>[vector<16xi32>, vector<16xi32>], vector<16xf32>,
        %swap3A_322 = arith.index_cast %get3A_314 : i32 to index
        %swap3A_323 = arith.constant 0 : index
        %swap3A_324 = tpu.vector_load %arg10[%swap3A_322, %swap3A_323] {strides = array<i32>} : memref<16x128xf32, #tpu.memory_space<vmem>>, vector<16xf32>,
        tpu.vector_store %arg10[%swap3A_322, %swap3A_323], %gather3A_321 {strides = array<i32>} : memref<16x128xf32, #tpu.memory_space<vmem>>, vector<16xf32>,
        %add3A_325 = arith.constant 16 : i32
        %add3A_326 = vector.broadcast %add3A_325 : i32 to vector<16xi32>
        %add3A_327 = arith.addi %iota3A, %add3A_326 : vector<16xi32>
        %gather3A_328 = arith.constant 0 : i32
        %gather3A_329 = arith.constant 0 : i32
        %gather3A_330 = tpu.memref_slice %arg7[%while3A_290, %gather3A_328, %gather3A_329] : memref<5x64x256xf32, #tpu.memory_space<vmem>> -> memref<1x64x256xf32, #tpu.memory_space<vmem>>
        %gather3A_331 = tpu.memref_squeeze %gather3A_330 : memref<1x64x256xf32, #tpu.memory_space<vmem>> -> memref<64x256xf32, #tpu.memory_space<vmem>>
        %gather3A_332 = tpu.vector_load_idx %gather3A_331[%add3A_327, %broadcast_in_dim3A] : memref<64x256xf32, #tpu.memory_space<vmem>>[vector<16xi32>, vector<16xi32>], vector<16xf32>,
        %swap3A_333 = arith.index_cast %get3A_314 : i32 to index
        %swap3A_334 = arith.constant 16 : index
        %swap3A_335 = tpu.vector_load %arg10[%swap3A_333, %swap3A_334] {strides = array<i32>} : memref<16x128xf32, #tpu.memory_space<vmem>>, vector<16xf32>,
        tpu.vector_store %arg10[%swap3A_333, %swap3A_334], %gather3A_332 {strides = array<i32>} : memref<16x128xf32, #tpu.memory_space<vmem>>, vector<16xf32>,
        %add3A_336 = arith.constant 32 : i32
        %add3A_337 = vector.broadcast %add3A_336 : i32 to vector<16xi32>
        %add3A_338 = arith.addi %iota3A, %add3A_337 : vector<16xi32>
        %gather3A_339 = arith.constant 0 : i32
        %gather3A_340 = arith.constant 0 : i32
        %gather3A_341 = tpu.memref_slice %arg7[%while3A_290, %gather3A_339, %gather3A_340] : memref<5x64x256xf32, #tpu.memory_space<vmem>> -> memref<1x64x256xf32, #tpu.memory_space<vmem>>
        %gather3A_342 = tpu.memref_squeeze %gather3A_341 : memref<1x64x256xf32, #tpu.memory_space<vmem>> -> memref<64x256xf32, #tpu.memory_space<vmem>>
        %gather3A_343 = tpu.vector_load_idx %gather3A_342[%add3A_338, %broadcast_in_dim3A] : memref<64x256xf32, #tpu.memory_space<vmem>>[vector<16xi32>, vector<16xi32>], vector<16xf32>,
        %swap3A_344 = arith.index_cast %get3A_314 : i32 to index
        %swap3A_345 = arith.constant 32 : index
        %swap3A_346 = tpu.vector_load %arg10[%swap3A_344, %swap3A_345] {strides = array<i32>} : memref<16x128xf32, #tpu.memory_space<vmem>>, vector<16xf32>,
        tpu.vector_store %arg10[%swap3A_344, %swap3A_345], %gather3A_343 {strides = array<i32>} : memref<16x128xf32, #tpu.memory_space<vmem>>, vector<16xf32>,
        %add3A_347 = arith.constant 48 : i32
        %add3A_348 = vector.broadcast %add3A_347 : i32 to vector<16xi32>
        %add3A_349 = arith.addi %iota3A, %add3A_348 : vector<16xi32>
        %gather3A_350 = arith.constant 0 : i32
        %gather3A_351 = arith.constant 0 : i32
        %gather3A_352 = tpu.memref_slice %arg7[%while3A_290, %gather3A_350, %gather3A_351] : memref<5x64x256xf32, #tpu.memory_space<vmem>> -> memref<1x64x256xf32, #tpu.memory_space<vmem>>
        %gather3A_353 = tpu.memref_squeeze %gather3A_352 : memref<1x64x256xf32, #tpu.memory_space<vmem>> -> memref<64x256xf32, #tpu.memory_space<vmem>>
        %gather3A_354 = tpu.vector_load_idx %gather3A_353[%add3A_349, %broadcast_in_dim3A] : memref<64x256xf32, #tpu.memory_space<vmem>>[vector<16xi32>, vector<16xi32>], vector<16xf32>,
        %swap3A_355 = arith.index_cast %get3A_314 : i32 to index
        %swap3A_356 = arith.constant 48 : index
        %swap3A_357 = tpu.vector_load %arg10[%swap3A_355, %swap3A_356] {strides = array<i32>} : memref<16x128xf32, #tpu.memory_space<vmem>>, vector<16xf32>,
        tpu.vector_store %arg10[%swap3A_355, %swap3A_356], %gather3A_354 {strides = array<i32>} : memref<16x128xf32, #tpu.memory_space<vmem>>, vector<16xf32>,
        %get3A_358 = arith.constant 0 : index
        %get3A_359 = tpu.vector_load %arg11[%get3A_358] {strides = array<i32>} : memref<16xi32, #tpu.memory_space<vmem>>, vector<16xi32>,
        %eq3A_360 = vector.broadcast %get3A_314 : i32 to vector<16xi32>
        %eq3A_361 = arith.cmpi eq, %iota3A, %eq3A_360 : vector<16xi32>
        %broadcast_in_dim3A_362 = vector.broadcast %and3A_307 : i32 to vector<16xi32>
        %select_n3A_363 = arith.select %eq3A_361, %broadcast_in_dim3A_362, %get3A_359 : vector<16xi1>, vector<16xi32>
        %swap3A_364 = arith.constant 0 : index
        %swap3A_365 = tpu.vector_load %arg11[%swap3A_364] {strides = array<i32>} : memref<16xi32, #tpu.memory_space<vmem>>, vector<16xi32>,
        tpu.vector_store %arg11[%swap3A_364], %select_n3A_363 {strides = array<i32>} : memref<16xi32, #tpu.memory_space<vmem>>, vector<16xi32>,
        %eq3A_366 = arith.constant 15 : i32
        %eq3A_367 = arith.cmpi eq, %get3A_314, %eq3A_366 : i32
        %convert_element_type3A_368 = arith.extui %eq3A_367 : i1 to i32
        %cond3A_369 = arith.constant 0 : i32
        %cond3A_370 = arith.cmpi ne, %convert_element_type3A_368, %cond3A_369 : i32
        scf.if %cond3A_370 {
          %get3A_380 = arith.constant 0 : index
          %get3A_381 = tpu.vector_load %arg11[%get3A_380] {strides = array<i32>} : memref<16xi32, #tpu.memory_space<vmem>>, vector<16xi32>,
          "tpu.region"() ({
            %run_scoped3A = tpu.sem_alloc : memref<!tpu.dma_semaphore, #tpu.memory_space<semaphore_mem>>
            %dma_start3A = arith.constant 0 : i32
            %dma_start3A_384 = arith.constant 0 : i32
            %dma_start3A_385 = tpu.memref_slice %arg5[%dma_start3A, %dma_start3A_384] : memref<16896x128xf32, #tpu.memory_space<hbm>> -> memref<16896x128xf32, #tpu.memory_space<hbm>>
            tpu.enqueue_indirect_dma source(%arg10 : memref<16x128xf32, #tpu.memory_space<vmem>>) target(%dma_start3A_385 : memref<16896x128xf32, #tpu.memory_space<hbm>>) offsets(%get3A_381 : vector<16xi32>) semaphore(%run_scoped3A : memref<!tpu.dma_semaphore, #tpu.memory_space<semaphore_mem>>)
            %dma_wait3A_386 = arith.constant 0 : i32
            %dma_wait3A_387 = arith.constant 0 : i32
            %dma_wait3A_388 = tpu.memref_slice %arg5[%dma_wait3A_386, %dma_wait3A_387] : memref<16896x128xf32, #tpu.memory_space<hbm>> -> memref<16896x128xf32, #tpu.memory_space<hbm>>
            tpu.wait_indirect_dma semaphore(%run_scoped3A : memref<!tpu.dma_semaphore, #tpu.memory_space<semaphore_mem>>) src(%arg10 : memref<16x128xf32, #tpu.memory_space<vmem>>) dst(%dma_wait3A_388 : memref<16896x128xf32, #tpu.memory_space<hbm>>)
            tpu.yield
          }) : () -> ()
          %swap3A_382 = arith.constant 0 : index
          %swap3A_383 = tpu.vector_load %arg11[%swap3A_382] {strides = array<i32>} : memref<16xi32, #tpu.memory_space<vmem>>, vector<16xi32>,
          tpu.vector_store %arg11[%swap3A_382], %add3A_57 {strides = array<i32>} : memref<16xi32, #tpu.memory_space<vmem>>, vector<16xi32>,
        } else {
        }
        %eq3A_371 = arith.constant 15 : i32
        %eq3A_372 = arith.cmpi eq, %get3A_314, %eq3A_371 : i32
        %add3A_373 = arith.constant 1 : i32
        %add3A_374 = arith.addi %get3A_314, %add3A_373 : i32
        %jit3A_375 = arith.constant 0 : i32
        %select_n3A_376 = arith.select %eq3A_372, %jit3A_375, %add3A_374 : i32
        %swap3A_377 = arith.constant 0 : i32
        %swap3A_378 = arith.index_cast %swap3A_377 : i32 to index
        %swap3A_379 = memref.load %arg13[%swap3A_378] : memref<4xi32, #tpu.memory_space<smem>>
        memref.store %select_n3A_376, %arg13[%swap3A_378] : memref<4xi32, #tpu.memory_space<smem>>
      }
      %while3A_299 = arith.constant 1 : i32
      scf.for %while3A_300 = %while3A_297 to %while3A_293 step %while3A_299  : i32 {
        %mul3A_301 = arith.constant 64 : i32
        %mul3A_302 = arith.muli %add3A_198, %mul3A_301 : i32
        %add3A_303 = arith.addi %mul3A_302, %while3A_300 : i32
        %get3A_304 = arith.index_cast %add3A_303 : i32 to index
        %get3A_305 = tpu.vector_load %arg9[%get3A_304] {strides = array<i32>} : memref<7952xi32, #tpu.memory_space<vmem>>, vector<16xi32>,
        %slice3A = vector.extract_strided_slice %get3A_305 {offsets = [0], sizes = [1], strides = [1]} : vector<16xi32> to vector<1xi32>
        %squeeze3A = vector.extract %slice3A[0] : i32 from vector<1xi32>
        %and3A_306 = arith.constant 16383 : i32
        %and3A_307 = arith.andi %squeeze3A, %and3A_306 : i32
        %shift_right_arithmetic3A = arith.constant 14 : i32
        %shift_right_arithmetic3A_308 = arith.shrsi %squeeze3A, %shift_right_arithmetic3A : i32
        %mul3A_309 = arith.constant 256 : i32
        %mul3A_310 = arith.muli %add3A_198, %mul3A_309 : i32
        %sub3A_311 = arith.subi %shift_right_arithmetic3A_308, %mul3A_310 : i32
        %broadcast_in_dim3A = vector.broadcast %sub3A_311 : i32 to vector<16xi32>
        %get3A_312 = arith.constant 0 : i32
        %get3A_313 = arith.index_cast %get3A_312 : i32 to index
        %get3A_314 = memref.load %arg13[%get3A_313] : memref<4xi32, #tpu.memory_space<smem>>
        %add3A_315 = arith.constant 0 : i32
        %add3A_316 = vector.broadcast %add3A_315 : i32 to vector<16xi32>
        %add3A_317 = arith.addi %iota3A, %add3A_316 : vector<16xi32>
        %gather3A = arith.constant 0 : i32
        %gather3A_318 = arith.constant 0 : i32
        %gather3A_319 = tpu.memref_slice %arg7[%while3A_290, %gather3A, %gather3A_318] : memref<5x64x256xf32, #tpu.memory_space<vmem>> -> memref<1x64x256xf32, #tpu.memory_space<vmem>>
        %gather3A_320 = tpu.memref_squeeze %gather3A_319 : memref<1x64x256xf32, #tpu.memory_space<vmem>> -> memref<64x256xf32, #tpu.memory_space<vmem>>
        %gather3A_321 = tpu.vector_load_idx %gather3A_320[%add3A_317, %broadcast_in_dim3A] : memref<64x256xf32, #tpu.memory_space<vmem>>[vector<16xi32>, vector<16xi32>], vector<16xf32>,
        %swap3A_322 = arith.index_cast %get3A_314 : i32 to index
        %swap3A_323 = arith.constant 0 : index
        %swap3A_324 = tpu.vector_load %arg10[%swap3A_322, %swap3A_323] {strides = array<i32>} : memref<16x128xf32, #tpu.memory_space<vmem>>, vector<16xf32>,
        tpu.vector_store %arg10[%swap3A_322, %swap3A_323], %gather3A_321 {strides = array<i32>} : memref<16x128xf32, #tpu.memory_space<vmem>>, vector<16xf32>,
        %add3A_325 = arith.constant 16 : i32
        %add3A_326 = vector.broadcast %add3A_325 : i32 to vector<16xi32>
        %add3A_327 = arith.addi %iota3A, %add3A_326 : vector<16xi32>
        %gather3A_328 = arith.constant 0 : i32
        %gather3A_329 = arith.constant 0 : i32
        %gather3A_330 = tpu.memref_slice %arg7[%while3A_290, %gather3A_328, %gather3A_329] : memref<5x64x256xf32, #tpu.memory_space<vmem>> -> memref<1x64x256xf32, #tpu.memory_space<vmem>>
        %gather3A_331 = tpu.memref_squeeze %gather3A_330 : memref<1x64x256xf32, #tpu.memory_space<vmem>> -> memref<64x256xf32, #tpu.memory_space<vmem>>
        %gather3A_332 = tpu.vector_load_idx %gather3A_331[%add3A_327, %broadcast_in_dim3A] : memref<64x256xf32, #tpu.memory_space<vmem>>[vector<16xi32>, vector<16xi32>], vector<16xf32>,
        %swap3A_333 = arith.index_cast %get3A_314 : i32 to index
        %swap3A_334 = arith.constant 16 : index
        %swap3A_335 = tpu.vector_load %arg10[%swap3A_333, %swap3A_334] {strides = array<i32>} : memref<16x128xf32, #tpu.memory_space<vmem>>, vector<16xf32>,
        tpu.vector_store %arg10[%swap3A_333, %swap3A_334], %gather3A_332 {strides = array<i32>} : memref<16x128xf32, #tpu.memory_space<vmem>>, vector<16xf32>,
        %add3A_336 = arith.constant 32 : i32
        %add3A_337 = vector.broadcast %add3A_336 : i32 to vector<16xi32>
        %add3A_338 = arith.addi %iota3A, %add3A_337 : vector<16xi32>
        %gather3A_339 = arith.constant 0 : i32
        %gather3A_340 = arith.constant 0 : i32
        %gather3A_341 = tpu.memref_slice %arg7[%while3A_290, %gather3A_339, %gather3A_340] : memref<5x64x256xf32, #tpu.memory_space<vmem>> -> memref<1x64x256xf32, #tpu.memory_space<vmem>>
        %gather3A_342 = tpu.memref_squeeze %gather3A_341 : memref<1x64x256xf32, #tpu.memory_space<vmem>> -> memref<64x256xf32, #tpu.memory_space<vmem>>
        %gather3A_343 = tpu.vector_load_idx %gather3A_342[%add3A_338, %broadcast_in_dim3A] : memref<64x256xf32, #tpu.memory_space<vmem>>[vector<16xi32>, vector<16xi32>], vector<16xf32>,
        %swap3A_344 = arith.index_cast %get3A_314 : i32 to index
        %swap3A_345 = arith.constant 32 : index
        %swap3A_346 = tpu.vector_load %arg10[%swap3A_344, %swap3A_345] {strides = array<i32>} : memref<16x128xf32, #tpu.memory_space<vmem>>, vector<16xf32>,
        tpu.vector_store %arg10[%swap3A_344, %swap3A_345], %gather3A_343 {strides = array<i32>} : memref<16x128xf32, #tpu.memory_space<vmem>>, vector<16xf32>,
        %add3A_347 = arith.constant 48 : i32
        %add3A_348 = vector.broadcast %add3A_347 : i32 to vector<16xi32>
        %add3A_349 = arith.addi %iota3A, %add3A_348 : vector<16xi32>
        %gather3A_350 = arith.constant 0 : i32
        %gather3A_351 = arith.constant 0 : i32
        %gather3A_352 = tpu.memref_slice %arg7[%while3A_290, %gather3A_350, %gather3A_351] : memref<5x64x256xf32, #tpu.memory_space<vmem>> -> memref<1x64x256xf32, #tpu.memory_space<vmem>>
        %gather3A_353 = tpu.memref_squeeze %gather3A_352 : memref<1x64x256xf32, #tpu.memory_space<vmem>> -> memref<64x256xf32, #tpu.memory_space<vmem>>
        %gather3A_354 = tpu.vector_load_idx %gather3A_353[%add3A_349, %broadcast_in_dim3A] : memref<64x256xf32, #tpu.memory_space<vmem>>[vector<16xi32>, vector<16xi32>], vector<16xf32>,
        %swap3A_355 = arith.index_cast %get3A_314 : i32 to index
        %swap3A_356 = arith.constant 48 : index
        %swap3A_357 = tpu.vector_load %arg10[%swap3A_355, %swap3A_356] {strides = array<i32>} : memref<16x128xf32, #tpu.memory_space<vmem>>, vector<16xf32>,
        tpu.vector_store %arg10[%swap3A_355, %swap3A_356], %gather3A_354 {strides = array<i32>} : memref<16x128xf32, #tpu.memory_space<vmem>>, vector<16xf32>,
        %get3A_358 = arith.constant 0 : index
        %get3A_359 = tpu.vector_load %arg11[%get3A_358] {strides = array<i32>} : memref<16xi32, #tpu.memory_space<vmem>>, vector<16xi32>,
        %eq3A_360 = vector.broadcast %get3A_314 : i32 to vector<16xi32>
        %eq3A_361 = arith.cmpi eq, %iota3A, %eq3A_360 : vector<16xi32>
        %broadcast_in_dim3A_362 = vector.broadcast %and3A_307 : i32 to vector<16xi32>
        %select_n3A_363 = arith.select %eq3A_361, %broadcast_in_dim3A_362, %get3A_359 : vector<16xi1>, vector<16xi32>
        %swap3A_364 = arith.constant 0 : index
        %swap3A_365 = tpu.vector_load %arg11[%swap3A_364] {strides = array<i32>} : memref<16xi32, #tpu.memory_space<vmem>>, vector<16xi32>,
        tpu.vector_store %arg11[%swap3A_364], %select_n3A_363 {strides = array<i32>} : memref<16xi32, #tpu.memory_space<vmem>>, vector<16xi32>,
        %eq3A_366 = arith.constant 15 : i32
        %eq3A_367 = arith.cmpi eq, %get3A_314, %eq3A_366 : i32
        %convert_element_type3A_368 = arith.extui %eq3A_367 : i1 to i32
        %cond3A_369 = arith.constant 0 : i32
        %cond3A_370 = arith.cmpi ne, %convert_element_type3A_368, %cond3A_369 : i32
        scf.if %cond3A_370 {
          %get3A_380 = arith.constant 0 : index
          %get3A_381 = tpu.vector_load %arg11[%get3A_380] {strides = array<i32>} : memref<16xi32, #tpu.memory_space<vmem>>, vector<16xi32>,
          "tpu.region"() ({
            %run_scoped3A = tpu.sem_alloc : memref<!tpu.dma_semaphore, #tpu.memory_space<semaphore_mem>>
            %dma_start3A = arith.constant 0 : i32
            %dma_start3A_384 = arith.constant 0 : i32
            %dma_start3A_385 = tpu.memref_slice %arg5[%dma_start3A, %dma_start3A_384] : memref<16896x128xf32, #tpu.memory_space<hbm>> -> memref<16896x128xf32, #tpu.memory_space<hbm>>
            tpu.enqueue_indirect_dma source(%arg10 : memref<16x128xf32, #tpu.memory_space<vmem>>) target(%dma_start3A_385 : memref<16896x128xf32, #tpu.memory_space<hbm>>) offsets(%get3A_381 : vector<16xi32>) semaphore(%run_scoped3A : memref<!tpu.dma_semaphore, #tpu.memory_space<semaphore_mem>>)
            %dma_wait3A_386 = arith.constant 0 : i32
            %dma_wait3A_387 = arith.constant 0 : i32
            %dma_wait3A_388 = tpu.memref_slice %arg5[%dma_wait3A_386, %dma_wait3A_387] : memref<16896x128xf32, #tpu.memory_space<hbm>> -> memref<16896x128xf32, #tpu.memory_space<hbm>>
            tpu.wait_indirect_dma semaphore(%run_scoped3A : memref<!tpu.dma_semaphore, #tpu.memory_space<semaphore_mem>>) src(%arg10 : memref<16x128xf32, #tpu.memory_space<vmem>>) dst(%dma_wait3A_388 : memref<16896x128xf32, #tpu.memory_space<hbm>>)
            tpu.yield
          }) : () -> ()
          %swap3A_382 = arith.constant 0 : index
          %swap3A_383 = tpu.vector_load %arg11[%swap3A_382] {strides = array<i32>} : memref<16xi32, #tpu.memory_space<vmem>>, vector<16xi32>,
          tpu.vector_store %arg11[%swap3A_382], %add3A_57 {strides = array<i32>} : memref<16xi32, #tpu.memory_space<vmem>>, vector<16xi32>,
        } else {
        }
        %eq3A_371 = arith.constant 15 : i32
        %eq3A_372 = arith.cmpi eq, %get3A_314, %eq3A_371 : i32
        %add3A_373 = arith.constant 1 : i32
        %add3A_374 = arith.addi %get3A_314, %add3A_373 : i32
        %jit3A_375 = arith.constant 0 : i32
        %select_n3A_376 = arith.select %eq3A_372, %jit3A_375, %add3A_374 : i32
        %swap3A_377 = arith.constant 0 : i32
        %swap3A_378 = arith.index_cast %swap3A_377 : i32 to index
        %swap3A_379 = memref.load %arg13[%swap3A_378] : memref<4xi32, #tpu.memory_space<smem>>
        memref.store %select_n3A_376, %arg13[%swap3A_378] : memref<4xi32, #tpu.memory_space<smem>>
      }
    } else {
    }
    %jit3A_203 = arith.constant 5 : i32
    %div3A_204 = arith.divsi %sub3A_47, %jit3A_203 : i32
    %sign3A_205 = arith.constant 0 : i32
    %sign3A_206 = arith.cmpi sgt, %sub3A_47, %sign3A_205 : i32
    %sign3A_207 = arith.extui %sign3A_206 : i1 to i32
    %sign3A_208 = arith.constant 0 : i32
    %sign3A_209 = arith.cmpi slt, %sub3A_47, %sign3A_208 : i32
    %sign3A_210 = arith.extui %sign3A_209 : i1 to i32
    %sign3A_211 = arith.subi %sign3A_207, %sign3A_210 : i32
    %sign3A_212 = arith.constant 0 : i32
    %sign3A_213 = arith.cmpi sgt, %jit3A_203, %sign3A_212 : i32
    %sign3A_214 = arith.extui %sign3A_213 : i1 to i32
    %sign3A_215 = arith.constant 0 : i32
    %sign3A_216 = arith.cmpi slt, %jit3A_203, %sign3A_215 : i32
    %sign3A_217 = arith.extui %sign3A_216 : i1 to i32
    %sign3A_218 = arith.subi %sign3A_214, %sign3A_217 : i32
    %ne3A_219 = arith.cmpi ne, %sign3A_211, %sign3A_218 : i32
    %rem3A_220 = arith.remsi %sub3A_47, %jit3A_203 : i32
    %ne3A_221 = arith.constant 0 : i32
    %ne3A_222 = arith.cmpi ne, %rem3A_220, %ne3A_221 : i32
    %and3A_223 = arith.andi %ne3A_219, %ne3A_222 : i1
    %sub3A_224 = arith.constant 1 : i32
    %sub3A_225 = arith.subi %div3A_204, %sub3A_224 : i32
    %select_n3A_226 = arith.select %and3A_223, %sub3A_225, %div3A_204 : i32
    %mul3A_227 = arith.constant 5 : i32
    %mul3A_228 = arith.muli %select_n3A_226, %mul3A_227 : i32
    %add3A_229 = arith.constant 2 : i32
    %add3A_230 = arith.addi %mul3A_228, %add3A_229 : i32
    %lt3A_231 = arith.cmpi slt, %add3A_230, %sub3A_47 : i32
    %convert_element_type3A_232 = arith.extui %lt3A_231 : i1 to i32
    %cond3A_233 = arith.constant 0 : i32
    %cond3A_234 = arith.cmpi ne, %convert_element_type3A_232, %cond3A_233 : i32
    scf.if %cond3A_234 {
      %add3A_273 = arith.addi %select_n3A, %add3A_230 : i32
      %mul3A_274 = arith.constant 256 : i32
      %mul3A_275 = arith.muli %add3A_273, %mul3A_274 : i32
      %dma_wait3A = arith.constant 2 : i32
      %dma_wait3A_276 = arith.constant 0 : i32
      %dma_wait3A_277 = arith.constant 0 : i32
      %dma_wait3A_278 = tpu.memref_slice %arg7[%dma_wait3A, %dma_wait3A_276, %dma_wait3A_277] : memref<5x64x256xf32, #tpu.memory_space<vmem>> -> memref<1x64x256xf32, #tpu.memory_space<vmem>>
      %dma_wait3A_279 = tpu.memref_squeeze %dma_wait3A_278 : memref<1x64x256xf32, #tpu.memory_space<vmem>> -> memref<64x256xf32, #tpu.memory_space<vmem>>
      %dma_wait3A_280 = arith.constant 0 : i32
      %dma_wait3A_281 = tpu.memref_slice %arg3[%dma_wait3A_280, %mul3A_275] : memref<64x1000001xf32, #tpu.memory_space<hbm>> -> memref<64x256xf32, #tpu.memory_space<hbm>>
      %dma_wait3A_282 = arith.constant 0 : i32
      %dma_wait3A_283 = arith.constant 0 : i32
      %dma_wait3A_284 = tpu.memref_slice %arg7[%dma_wait3A, %dma_wait3A_282, %dma_wait3A_283] : memref<5x64x256xf32, #tpu.memory_space<vmem>> -> memref<1x64x256xf32, #tpu.memory_space<vmem>>
      %dma_wait3A_285 = tpu.memref_squeeze %dma_wait3A_284 : memref<1x64x256xf32, #tpu.memory_space<vmem>> -> memref<64x256xf32, #tpu.memory_space<vmem>>
      %dma_wait3A_286 = arith.constant 0 : i32
      %dma_wait3A_287 = tpu.memref_slice %arg3[%dma_wait3A_286, %mul3A_275] : memref<64x1000001xf32, #tpu.memory_space<hbm>> -> memref<64x256xf32, #tpu.memory_space<hbm>>
      tpu.wait_dma2 semaphore(%arg17 : memref<!tpu.dma_semaphore, #tpu.memory_space<semaphore_mem>>) src(%dma_wait3A_287 : memref<64x256xf32, #tpu.memory_space<hbm>>) dst(%dma_wait3A_285 : memref<64x256xf32, #tpu.memory_space<vmem>>)
      %get3A_288 = arith.index_cast %add3A_230 : i32 to index
      %get3A_289 = memref.load %arg12[%get3A_288] : memref<124xi32, #tpu.memory_space<smem>>
      %while3A_290 = arith.constant 2 : i32
      %while3A_291 = arith.constant 0 : i32
      %while3A_292 = arith.subi %get3A_289, %while3A_291 : i32
      %while3A_293 = arith.addi %while3A_291, %while3A_292 : i32
      %while3A_294 = arith.constant 1 : i32
      %while3A_295 = arith.divsi %while3A_292, %while3A_294 : i32
      %while3A_296 = arith.muli %while3A_295, %while3A_294 : i32
      %while3A_297 = arith.addi %while3A_291, %while3A_296 : i32
      %while3A_298 = arith.constant 1 : i32
      scf.for %while3A_300 = %while3A_291 to %while3A_297 step %while3A_298  : i32 {
        %mul3A_301 = arith.constant 64 : i32
        %mul3A_302 = arith.muli %add3A_230, %mul3A_301 : i32
        %add3A_303 = arith.addi %mul3A_302, %while3A_300 : i32
        %get3A_304 = arith.index_cast %add3A_303 : i32 to index
        %get3A_305 = tpu.vector_load %arg9[%get3A_304] {strides = array<i32>} : memref<7952xi32, #tpu.memory_space<vmem>>, vector<16xi32>,
        %slice3A = vector.extract_strided_slice %get3A_305 {offsets = [0], sizes = [1], strides = [1]} : vector<16xi32> to vector<1xi32>
        %squeeze3A = vector.extract %slice3A[0] : i32 from vector<1xi32>
        %and3A_306 = arith.constant 16383 : i32
        %and3A_307 = arith.andi %squeeze3A, %and3A_306 : i32
        %shift_right_arithmetic3A = arith.constant 14 : i32
        %shift_right_arithmetic3A_308 = arith.shrsi %squeeze3A, %shift_right_arithmetic3A : i32
        %mul3A_309 = arith.constant 256 : i32
        %mul3A_310 = arith.muli %add3A_230, %mul3A_309 : i32
        %sub3A_311 = arith.subi %shift_right_arithmetic3A_308, %mul3A_310 : i32
        %broadcast_in_dim3A = vector.broadcast %sub3A_311 : i32 to vector<16xi32>
        %get3A_312 = arith.constant 0 : i32
        %get3A_313 = arith.index_cast %get3A_312 : i32 to index
        %get3A_314 = memref.load %arg13[%get3A_313] : memref<4xi32, #tpu.memory_space<smem>>
        %add3A_315 = arith.constant 0 : i32
        %add3A_316 = vector.broadcast %add3A_315 : i32 to vector<16xi32>
        %add3A_317 = arith.addi %iota3A, %add3A_316 : vector<16xi32>
        %gather3A = arith.constant 0 : i32
        %gather3A_318 = arith.constant 0 : i32
        %gather3A_319 = tpu.memref_slice %arg7[%while3A_290, %gather3A, %gather3A_318] : memref<5x64x256xf32, #tpu.memory_space<vmem>> -> memref<1x64x256xf32, #tpu.memory_space<vmem>>
        %gather3A_320 = tpu.memref_squeeze %gather3A_319 : memref<1x64x256xf32, #tpu.memory_space<vmem>> -> memref<64x256xf32, #tpu.memory_space<vmem>>
        %gather3A_321 = tpu.vector_load_idx %gather3A_320[%add3A_317, %broadcast_in_dim3A] : memref<64x256xf32, #tpu.memory_space<vmem>>[vector<16xi32>, vector<16xi32>], vector<16xf32>,
        %swap3A_322 = arith.index_cast %get3A_314 : i32 to index
        %swap3A_323 = arith.constant 0 : index
        %swap3A_324 = tpu.vector_load %arg10[%swap3A_322, %swap3A_323] {strides = array<i32>} : memref<16x128xf32, #tpu.memory_space<vmem>>, vector<16xf32>,
        tpu.vector_store %arg10[%swap3A_322, %swap3A_323], %gather3A_321 {strides = array<i32>} : memref<16x128xf32, #tpu.memory_space<vmem>>, vector<16xf32>,
        %add3A_325 = arith.constant 16 : i32
        %add3A_326 = vector.broadcast %add3A_325 : i32 to vector<16xi32>
        %add3A_327 = arith.addi %iota3A, %add3A_326 : vector<16xi32>
        %gather3A_328 = arith.constant 0 : i32
        %gather3A_329 = arith.constant 0 : i32
        %gather3A_330 = tpu.memref_slice %arg7[%while3A_290, %gather3A_328, %gather3A_329] : memref<5x64x256xf32, #tpu.memory_space<vmem>> -> memref<1x64x256xf32, #tpu.memory_space<vmem>>
        %gather3A_331 = tpu.memref_squeeze %gather3A_330 : memref<1x64x256xf32, #tpu.memory_space<vmem>> -> memref<64x256xf32, #tpu.memory_space<vmem>>
        %gather3A_332 = tpu.vector_load_idx %gather3A_331[%add3A_327, %broadcast_in_dim3A] : memref<64x256xf32, #tpu.memory_space<vmem>>[vector<16xi32>, vector<16xi32>], vector<16xf32>,
        %swap3A_333 = arith.index_cast %get3A_314 : i32 to index
        %swap3A_334 = arith.constant 16 : index
        %swap3A_335 = tpu.vector_load %arg10[%swap3A_333, %swap3A_334] {strides = array<i32>} : memref<16x128xf32, #tpu.memory_space<vmem>>, vector<16xf32>,
        tpu.vector_store %arg10[%swap3A_333, %swap3A_334], %gather3A_332 {strides = array<i32>} : memref<16x128xf32, #tpu.memory_space<vmem>>, vector<16xf32>,
        %add3A_336 = arith.constant 32 : i32
        %add3A_337 = vector.broadcast %add3A_336 : i32 to vector<16xi32>
        %add3A_338 = arith.addi %iota3A, %add3A_337 : vector<16xi32>
        %gather3A_339 = arith.constant 0 : i32
        %gather3A_340 = arith.constant 0 : i32
        %gather3A_341 = tpu.memref_slice %arg7[%while3A_290, %gather3A_339, %gather3A_340] : memref<5x64x256xf32, #tpu.memory_space<vmem>> -> memref<1x64x256xf32, #tpu.memory_space<vmem>>
        %gather3A_342 = tpu.memref_squeeze %gather3A_341 : memref<1x64x256xf32, #tpu.memory_space<vmem>> -> memref<64x256xf32, #tpu.memory_space<vmem>>
        %gather3A_343 = tpu.vector_load_idx %gather3A_342[%add3A_338, %broadcast_in_dim3A] : memref<64x256xf32, #tpu.memory_space<vmem>>[vector<16xi32>, vector<16xi32>], vector<16xf32>,
        %swap3A_344 = arith.index_cast %get3A_314 : i32 to index
        %swap3A_345 = arith.constant 32 : index
        %swap3A_346 = tpu.vector_load %arg10[%swap3A_344, %swap3A_345] {strides = array<i32>} : memref<16x128xf32, #tpu.memory_space<vmem>>, vector<16xf32>,
        tpu.vector_store %arg10[%swap3A_344, %swap3A_345], %gather3A_343 {strides = array<i32>} : memref<16x128xf32, #tpu.memory_space<vmem>>, vector<16xf32>,
        %add3A_347 = arith.constant 48 : i32
        %add3A_348 = vector.broadcast %add3A_347 : i32 to vector<16xi32>
        %add3A_349 = arith.addi %iota3A, %add3A_348 : vector<16xi32>
        %gather3A_350 = arith.constant 0 : i32
        %gather3A_351 = arith.constant 0 : i32
        %gather3A_352 = tpu.memref_slice %arg7[%while3A_290, %gather3A_350, %gather3A_351] : memref<5x64x256xf32, #tpu.memory_space<vmem>> -> memref<1x64x256xf32, #tpu.memory_space<vmem>>
        %gather3A_353 = tpu.memref_squeeze %gather3A_352 : memref<1x64x256xf32, #tpu.memory_space<vmem>> -> memref<64x256xf32, #tpu.memory_space<vmem>>
        %gather3A_354 = tpu.vector_load_idx %gather3A_353[%add3A_349, %broadcast_in_dim3A] : memref<64x256xf32, #tpu.memory_space<vmem>>[vector<16xi32>, vector<16xi32>], vector<16xf32>,
        %swap3A_355 = arith.index_cast %get3A_314 : i32 to index
        %swap3A_356 = arith.constant 48 : index
        %swap3A_357 = tpu.vector_load %arg10[%swap3A_355, %swap3A_356] {strides = array<i32>} : memref<16x128xf32, #tpu.memory_space<vmem>>, vector<16xf32>,
        tpu.vector_store %arg10[%swap3A_355, %swap3A_356], %gather3A_354 {strides = array<i32>} : memref<16x128xf32, #tpu.memory_space<vmem>>, vector<16xf32>,
        %get3A_358 = arith.constant 0 : index
        %get3A_359 = tpu.vector_load %arg11[%get3A_358] {strides = array<i32>} : memref<16xi32, #tpu.memory_space<vmem>>, vector<16xi32>,
        %eq3A_360 = vector.broadcast %get3A_314 : i32 to vector<16xi32>
        %eq3A_361 = arith.cmpi eq, %iota3A, %eq3A_360 : vector<16xi32>
        %broadcast_in_dim3A_362 = vector.broadcast %and3A_307 : i32 to vector<16xi32>
        %select_n3A_363 = arith.select %eq3A_361, %broadcast_in_dim3A_362, %get3A_359 : vector<16xi1>, vector<16xi32>
        %swap3A_364 = arith.constant 0 : index
        %swap3A_365 = tpu.vector_load %arg11[%swap3A_364] {strides = array<i32>} : memref<16xi32, #tpu.memory_space<vmem>>, vector<16xi32>,
        tpu.vector_store %arg11[%swap3A_364], %select_n3A_363 {strides = array<i32>} : memref<16xi32, #tpu.memory_space<vmem>>, vector<16xi32>,
        %eq3A_366 = arith.constant 15 : i32
        %eq3A_367 = arith.cmpi eq, %get3A_314, %eq3A_366 : i32
        %convert_element_type3A_368 = arith.extui %eq3A_367 : i1 to i32
        %cond3A_369 = arith.constant 0 : i32
        %cond3A_370 = arith.cmpi ne, %convert_element_type3A_368, %cond3A_369 : i32
        scf.if %cond3A_370 {
          %get3A_380 = arith.constant 0 : index
          %get3A_381 = tpu.vector_load %arg11[%get3A_380] {strides = array<i32>} : memref<16xi32, #tpu.memory_space<vmem>>, vector<16xi32>,
          "tpu.region"() ({
            %run_scoped3A = tpu.sem_alloc : memref<!tpu.dma_semaphore, #tpu.memory_space<semaphore_mem>>
            %dma_start3A = arith.constant 0 : i32
            %dma_start3A_384 = arith.constant 0 : i32
            %dma_start3A_385 = tpu.memref_slice %arg5[%dma_start3A, %dma_start3A_384] : memref<16896x128xf32, #tpu.memory_space<hbm>> -> memref<16896x128xf32, #tpu.memory_space<hbm>>
            tpu.enqueue_indirect_dma source(%arg10 : memref<16x128xf32, #tpu.memory_space<vmem>>) target(%dma_start3A_385 : memref<16896x128xf32, #tpu.memory_space<hbm>>) offsets(%get3A_381 : vector<16xi32>) semaphore(%run_scoped3A : memref<!tpu.dma_semaphore, #tpu.memory_space<semaphore_mem>>)
            %dma_wait3A_386 = arith.constant 0 : i32
            %dma_wait3A_387 = arith.constant 0 : i32
            %dma_wait3A_388 = tpu.memref_slice %arg5[%dma_wait3A_386, %dma_wait3A_387] : memref<16896x128xf32, #tpu.memory_space<hbm>> -> memref<16896x128xf32, #tpu.memory_space<hbm>>
            tpu.wait_indirect_dma semaphore(%run_scoped3A : memref<!tpu.dma_semaphore, #tpu.memory_space<semaphore_mem>>) src(%arg10 : memref<16x128xf32, #tpu.memory_space<vmem>>) dst(%dma_wait3A_388 : memref<16896x128xf32, #tpu.memory_space<hbm>>)
            tpu.yield
          }) : () -> ()
          %swap3A_382 = arith.constant 0 : index
          %swap3A_383 = tpu.vector_load %arg11[%swap3A_382] {strides = array<i32>} : memref<16xi32, #tpu.memory_space<vmem>>, vector<16xi32>,
          tpu.vector_store %arg11[%swap3A_382], %add3A_57 {strides = array<i32>} : memref<16xi32, #tpu.memory_space<vmem>>, vector<16xi32>,
        } else {
        }
        %eq3A_371 = arith.constant 15 : i32
        %eq3A_372 = arith.cmpi eq, %get3A_314, %eq3A_371 : i32
        %add3A_373 = arith.constant 1 : i32
        %add3A_374 = arith.addi %get3A_314, %add3A_373 : i32
        %jit3A_375 = arith.constant 0 : i32
        %select_n3A_376 = arith.select %eq3A_372, %jit3A_375, %add3A_374 : i32
        %swap3A_377 = arith.constant 0 : i32
        %swap3A_378 = arith.index_cast %swap3A_377 : i32 to index
        %swap3A_379 = memref.load %arg13[%swap3A_378] : memref<4xi32, #tpu.memory_space<smem>>
        memref.store %select_n3A_376, %arg13[%swap3A_378] : memref<4xi32, #tpu.memory_space<smem>>
      }
      %while3A_299 = arith.constant 1 : i32
      scf.for %while3A_300 = %while3A_297 to %while3A_293 step %while3A_299  : i32 {
        %mul3A_301 = arith.constant 64 : i32
        %mul3A_302 = arith.muli %add3A_230, %mul3A_301 : i32
        %add3A_303 = arith.addi %mul3A_302, %while3A_300 : i32
        %get3A_304 = arith.index_cast %add3A_303 : i32 to index
        %get3A_305 = tpu.vector_load %arg9[%get3A_304] {strides = array<i32>} : memref<7952xi32, #tpu.memory_space<vmem>>, vector<16xi32>,
        %slice3A = vector.extract_strided_slice %get3A_305 {offsets = [0], sizes = [1], strides = [1]} : vector<16xi32> to vector<1xi32>
        %squeeze3A = vector.extract %slice3A[0] : i32 from vector<1xi32>
        %and3A_306 = arith.constant 16383 : i32
        %and3A_307 = arith.andi %squeeze3A, %and3A_306 : i32
        %shift_right_arithmetic3A = arith.constant 14 : i32
        %shift_right_arithmetic3A_308 = arith.shrsi %squeeze3A, %shift_right_arithmetic3A : i32
        %mul3A_309 = arith.constant 256 : i32
        %mul3A_310 = arith.muli %add3A_230, %mul3A_309 : i32
        %sub3A_311 = arith.subi %shift_right_arithmetic3A_308, %mul3A_310 : i32
        %broadcast_in_dim3A = vector.broadcast %sub3A_311 : i32 to vector<16xi32>
        %get3A_312 = arith.constant 0 : i32
        %get3A_313 = arith.index_cast %get3A_312 : i32 to index
        %get3A_314 = memref.load %arg13[%get3A_313] : memref<4xi32, #tpu.memory_space<smem>>
        %add3A_315 = arith.constant 0 : i32
        %add3A_316 = vector.broadcast %add3A_315 : i32 to vector<16xi32>
        %add3A_317 = arith.addi %iota3A, %add3A_316 : vector<16xi32>
        %gather3A = arith.constant 0 : i32
        %gather3A_318 = arith.constant 0 : i32
        %gather3A_319 = tpu.memref_slice %arg7[%while3A_290, %gather3A, %gather3A_318] : memref<5x64x256xf32, #tpu.memory_space<vmem>> -> memref<1x64x256xf32, #tpu.memory_space<vmem>>
        %gather3A_320 = tpu.memref_squeeze %gather3A_319 : memref<1x64x256xf32, #tpu.memory_space<vmem>> -> memref<64x256xf32, #tpu.memory_space<vmem>>
        %gather3A_321 = tpu.vector_load_idx %gather3A_320[%add3A_317, %broadcast_in_dim3A] : memref<64x256xf32, #tpu.memory_space<vmem>>[vector<16xi32>, vector<16xi32>], vector<16xf32>,
        %swap3A_322 = arith.index_cast %get3A_314 : i32 to index
        %swap3A_323 = arith.constant 0 : index
        %swap3A_324 = tpu.vector_load %arg10[%swap3A_322, %swap3A_323] {strides = array<i32>} : memref<16x128xf32, #tpu.memory_space<vmem>>, vector<16xf32>,
        tpu.vector_store %arg10[%swap3A_322, %swap3A_323], %gather3A_321 {strides = array<i32>} : memref<16x128xf32, #tpu.memory_space<vmem>>, vector<16xf32>,
        %add3A_325 = arith.constant 16 : i32
        %add3A_326 = vector.broadcast %add3A_325 : i32 to vector<16xi32>
        %add3A_327 = arith.addi %iota3A, %add3A_326 : vector<16xi32>
        %gather3A_328 = arith.constant 0 : i32
        %gather3A_329 = arith.constant 0 : i32
        %gather3A_330 = tpu.memref_slice %arg7[%while3A_290, %gather3A_328, %gather3A_329] : memref<5x64x256xf32, #tpu.memory_space<vmem>> -> memref<1x64x256xf32, #tpu.memory_space<vmem>>
        %gather3A_331 = tpu.memref_squeeze %gather3A_330 : memref<1x64x256xf32, #tpu.memory_space<vmem>> -> memref<64x256xf32, #tpu.memory_space<vmem>>
        %gather3A_332 = tpu.vector_load_idx %gather3A_331[%add3A_327, %broadcast_in_dim3A] : memref<64x256xf32, #tpu.memory_space<vmem>>[vector<16xi32>, vector<16xi32>], vector<16xf32>,
        %swap3A_333 = arith.index_cast %get3A_314 : i32 to index
        %swap3A_334 = arith.constant 16 : index
        %swap3A_335 = tpu.vector_load %arg10[%swap3A_333, %swap3A_334] {strides = array<i32>} : memref<16x128xf32, #tpu.memory_space<vmem>>, vector<16xf32>,
        tpu.vector_store %arg10[%swap3A_333, %swap3A_334], %gather3A_332 {strides = array<i32>} : memref<16x128xf32, #tpu.memory_space<vmem>>, vector<16xf32>,
        %add3A_336 = arith.constant 32 : i32
        %add3A_337 = vector.broadcast %add3A_336 : i32 to vector<16xi32>
        %add3A_338 = arith.addi %iota3A, %add3A_337 : vector<16xi32>
        %gather3A_339 = arith.constant 0 : i32
        %gather3A_340 = arith.constant 0 : i32
        %gather3A_341 = tpu.memref_slice %arg7[%while3A_290, %gather3A_339, %gather3A_340] : memref<5x64x256xf32, #tpu.memory_space<vmem>> -> memref<1x64x256xf32, #tpu.memory_space<vmem>>
        %gather3A_342 = tpu.memref_squeeze %gather3A_341 : memref<1x64x256xf32, #tpu.memory_space<vmem>> -> memref<64x256xf32, #tpu.memory_space<vmem>>
        %gather3A_343 = tpu.vector_load_idx %gather3A_342[%add3A_338, %broadcast_in_dim3A] : memref<64x256xf32, #tpu.memory_space<vmem>>[vector<16xi32>, vector<16xi32>], vector<16xf32>,
        %swap3A_344 = arith.index_cast %get3A_314 : i32 to index
        %swap3A_345 = arith.constant 32 : index
        %swap3A_346 = tpu.vector_load %arg10[%swap3A_344, %swap3A_345] {strides = array<i32>} : memref<16x128xf32, #tpu.memory_space<vmem>>, vector<16xf32>,
        tpu.vector_store %arg10[%swap3A_344, %swap3A_345], %gather3A_343 {strides = array<i32>} : memref<16x128xf32, #tpu.memory_space<vmem>>, vector<16xf32>,
        %add3A_347 = arith.constant 48 : i32
        %add3A_348 = vector.broadcast %add3A_347 : i32 to vector<16xi32>
        %add3A_349 = arith.addi %iota3A, %add3A_348 : vector<16xi32>
        %gather3A_350 = arith.constant 0 : i32
        %gather3A_351 = arith.constant 0 : i32
        %gather3A_352 = tpu.memref_slice %arg7[%while3A_290, %gather3A_350, %gather3A_351] : memref<5x64x256xf32, #tpu.memory_space<vmem>> -> memref<1x64x256xf32, #tpu.memory_space<vmem>>
        %gather3A_353 = tpu.memref_squeeze %gather3A_352 : memref<1x64x256xf32, #tpu.memory_space<vmem>> -> memref<64x256xf32, #tpu.memory_space<vmem>>
        %gather3A_354 = tpu.vector_load_idx %gather3A_353[%add3A_349, %broadcast_in_dim3A] : memref<64x256xf32, #tpu.memory_space<vmem>>[vector<16xi32>, vector<16xi32>], vector<16xf32>,
        %swap3A_355 = arith.index_cast %get3A_314 : i32 to index
        %swap3A_356 = arith.constant 48 : index
        %swap3A_357 = tpu.vector_load %arg10[%swap3A_355, %swap3A_356] {strides = array<i32>} : memref<16x128xf32, #tpu.memory_space<vmem>>, vector<16xf32>,
        tpu.vector_store %arg10[%swap3A_355, %swap3A_356], %gather3A_354 {strides = array<i32>} : memref<16x128xf32, #tpu.memory_space<vmem>>, vector<16xf32>,
        %get3A_358 = arith.constant 0 : index
        %get3A_359 = tpu.vector_load %arg11[%get3A_358] {strides = array<i32>} : memref<16xi32, #tpu.memory_space<vmem>>, vector<16xi32>,
        %eq3A_360 = vector.broadcast %get3A_314 : i32 to vector<16xi32>
        %eq3A_361 = arith.cmpi eq, %iota3A, %eq3A_360 : vector<16xi32>
        %broadcast_in_dim3A_362 = vector.broadcast %and3A_307 : i32 to vector<16xi32>
        %select_n3A_363 = arith.select %eq3A_361, %broadcast_in_dim3A_362, %get3A_359 : vector<16xi1>, vector<16xi32>
        %swap3A_364 = arith.constant 0 : index
        %swap3A_365 = tpu.vector_load %arg11[%swap3A_364] {strides = array<i32>} : memref<16xi32, #tpu.memory_space<vmem>>, vector<16xi32>,
        tpu.vector_store %arg11[%swap3A_364], %select_n3A_363 {strides = array<i32>} : memref<16xi32, #tpu.memory_space<vmem>>, vector<16xi32>,
        %eq3A_366 = arith.constant 15 : i32
        %eq3A_367 = arith.cmpi eq, %get3A_314, %eq3A_366 : i32
        %convert_element_type3A_368 = arith.extui %eq3A_367 : i1 to i32
        %cond3A_369 = arith.constant 0 : i32
        %cond3A_370 = arith.cmpi ne, %convert_element_type3A_368, %cond3A_369 : i32
        scf.if %cond3A_370 {
          %get3A_380 = arith.constant 0 : index
          %get3A_381 = tpu.vector_load %arg11[%get3A_380] {strides = array<i32>} : memref<16xi32, #tpu.memory_space<vmem>>, vector<16xi32>,
          "tpu.region"() ({
            %run_scoped3A = tpu.sem_alloc : memref<!tpu.dma_semaphore, #tpu.memory_space<semaphore_mem>>
            %dma_start3A = arith.constant 0 : i32
            %dma_start3A_384 = arith.constant 0 : i32
            %dma_start3A_385 = tpu.memref_slice %arg5[%dma_start3A, %dma_start3A_384] : memref<16896x128xf32, #tpu.memory_space<hbm>> -> memref<16896x128xf32, #tpu.memory_space<hbm>>
            tpu.enqueue_indirect_dma source(%arg10 : memref<16x128xf32, #tpu.memory_space<vmem>>) target(%dma_start3A_385 : memref<16896x128xf32, #tpu.memory_space<hbm>>) offsets(%get3A_381 : vector<16xi32>) semaphore(%run_scoped3A : memref<!tpu.dma_semaphore, #tpu.memory_space<semaphore_mem>>)
            %dma_wait3A_386 = arith.constant 0 : i32
            %dma_wait3A_387 = arith.constant 0 : i32
            %dma_wait3A_388 = tpu.memref_slice %arg5[%dma_wait3A_386, %dma_wait3A_387] : memref<16896x128xf32, #tpu.memory_space<hbm>> -> memref<16896x128xf32, #tpu.memory_space<hbm>>
            tpu.wait_indirect_dma semaphore(%run_scoped3A : memref<!tpu.dma_semaphore, #tpu.memory_space<semaphore_mem>>) src(%arg10 : memref<16x128xf32, #tpu.memory_space<vmem>>) dst(%dma_wait3A_388 : memref<16896x128xf32, #tpu.memory_space<hbm>>)
            tpu.yield
          }) : () -> ()
          %swap3A_382 = arith.constant 0 : index
          %swap3A_383 = tpu.vector_load %arg11[%swap3A_382] {strides = array<i32>} : memref<16xi32, #tpu.memory_space<vmem>>, vector<16xi32>,
          tpu.vector_store %arg11[%swap3A_382], %add3A_57 {strides = array<i32>} : memref<16xi32, #tpu.memory_space<vmem>>, vector<16xi32>,
        } else {
        }
        %eq3A_371 = arith.constant 15 : i32
        %eq3A_372 = arith.cmpi eq, %get3A_314, %eq3A_371 : i32
        %add3A_373 = arith.constant 1 : i32
        %add3A_374 = arith.addi %get3A_314, %add3A_373 : i32
        %jit3A_375 = arith.constant 0 : i32
        %select_n3A_376 = arith.select %eq3A_372, %jit3A_375, %add3A_374 : i32
        %swap3A_377 = arith.constant 0 : i32
        %swap3A_378 = arith.index_cast %swap3A_377 : i32 to index
        %swap3A_379 = memref.load %arg13[%swap3A_378] : memref<4xi32, #tpu.memory_space<smem>>
        memref.store %select_n3A_376, %arg13[%swap3A_378] : memref<4xi32, #tpu.memory_space<smem>>
      }
    } else {
    }
    %jit3A_235 = arith.constant 5 : i32
    %div3A_236 = arith.divsi %sub3A_47, %jit3A_235 : i32
    %sign3A_237 = arith.constant 0 : i32
    %sign3A_238 = arith.cmpi sgt, %sub3A_47, %sign3A_237 : i32
    %sign3A_239 = arith.extui %sign3A_238 : i1 to i32
    %sign3A_240 = arith.constant 0 : i32
    %sign3A_241 = arith.cmpi slt, %sub3A_47, %sign3A_240 : i32
    %sign3A_242 = arith.extui %sign3A_241 : i1 to i32
    %sign3A_243 = arith.subi %sign3A_239, %sign3A_242 : i32
    %sign3A_244 = arith.constant 0 : i32
    %sign3A_245 = arith.cmpi sgt, %jit3A_235, %sign3A_244 : i32
    %sign3A_246 = arith.extui %sign3A_245 : i1 to i32
    %sign3A_247 = arith.constant 0 : i32
    %sign3A_248 = arith.cmpi slt, %jit3A_235, %sign3A_247 : i32
    %sign3A_249 = arith.extui %sign3A_248 : i1 to i32
    %sign3A_250 = arith.subi %sign3A_246, %sign3A_249 : i32
    %ne3A_251 = arith.cmpi ne, %sign3A_243, %sign3A_250 : i32
    %rem3A_252 = arith.remsi %sub3A_47, %jit3A_235 : i32
    %ne3A_253 = arith.constant 0 : i32
    %ne3A_254 = arith.cmpi ne, %rem3A_252, %ne3A_253 : i32
    %and3A_255 = arith.andi %ne3A_251, %ne3A_254 : i1
    %sub3A_256 = arith.constant 1 : i32
    %sub3A_257 = arith.subi %div3A_236, %sub3A_256 : i32
    %select_n3A_258 = arith.select %and3A_255, %sub3A_257, %div3A_236 : i32
    %mul3A_259 = arith.constant 5 : i32
    %mul3A_260 = arith.muli %select_n3A_258, %mul3A_259 : i32
    %add3A_261 = arith.constant 3 : i32
    %add3A_262 = arith.addi %mul3A_260, %add3A_261 : i32
    %lt3A_263 = arith.cmpi slt, %add3A_262, %sub3A_47 : i32
    %convert_element_type3A_264 = arith.extui %lt3A_263 : i1 to i32
    %cond3A_265 = arith.constant 0 : i32
    %cond3A_266 = arith.cmpi ne, %convert_element_type3A_264, %cond3A_265 : i32
    scf.if %cond3A_266 {
      %add3A_273 = arith.addi %select_n3A, %add3A_262 : i32
      %mul3A_274 = arith.constant 256 : i32
      %mul3A_275 = arith.muli %add3A_273, %mul3A_274 : i32
      %dma_wait3A = arith.constant 3 : i32
      %dma_wait3A_276 = arith.constant 0 : i32
      %dma_wait3A_277 = arith.constant 0 : i32
      %dma_wait3A_278 = tpu.memref_slice %arg7[%dma_wait3A, %dma_wait3A_276, %dma_wait3A_277] : memref<5x64x256xf32, #tpu.memory_space<vmem>> -> memref<1x64x256xf32, #tpu.memory_space<vmem>>
      %dma_wait3A_279 = tpu.memref_squeeze %dma_wait3A_278 : memref<1x64x256xf32, #tpu.memory_space<vmem>> -> memref<64x256xf32, #tpu.memory_space<vmem>>
      %dma_wait3A_280 = arith.constant 0 : i32
      %dma_wait3A_281 = tpu.memref_slice %arg3[%dma_wait3A_280, %mul3A_275] : memref<64x1000001xf32, #tpu.memory_space<hbm>> -> memref<64x256xf32, #tpu.memory_space<hbm>>
      %dma_wait3A_282 = arith.constant 0 : i32
      %dma_wait3A_283 = arith.constant 0 : i32
      %dma_wait3A_284 = tpu.memref_slice %arg7[%dma_wait3A, %dma_wait3A_282, %dma_wait3A_283] : memref<5x64x256xf32, #tpu.memory_space<vmem>> -> memref<1x64x256xf32, #tpu.memory_space<vmem>>
      %dma_wait3A_285 = tpu.memref_squeeze %dma_wait3A_284 : memref<1x64x256xf32, #tpu.memory_space<vmem>> -> memref<64x256xf32, #tpu.memory_space<vmem>>
      %dma_wait3A_286 = arith.constant 0 : i32
      %dma_wait3A_287 = tpu.memref_slice %arg3[%dma_wait3A_286, %mul3A_275] : memref<64x1000001xf32, #tpu.memory_space<hbm>> -> memref<64x256xf32, #tpu.memory_space<hbm>>
      tpu.wait_dma2 semaphore(%arg18 : memref<!tpu.dma_semaphore, #tpu.memory_space<semaphore_mem>>) src(%dma_wait3A_287 : memref<64x256xf32, #tpu.memory_space<hbm>>) dst(%dma_wait3A_285 : memref<64x256xf32, #tpu.memory_space<vmem>>)
      %get3A_288 = arith.index_cast %add3A_262 : i32 to index
      %get3A_289 = memref.load %arg12[%get3A_288] : memref<124xi32, #tpu.memory_space<smem>>
      %while3A_290 = arith.constant 3 : i32
      %while3A_291 = arith.constant 0 : i32
      %while3A_292 = arith.subi %get3A_289, %while3A_291 : i32
      %while3A_293 = arith.addi %while3A_291, %while3A_292 : i32
      %while3A_294 = arith.constant 1 : i32
      %while3A_295 = arith.divsi %while3A_292, %while3A_294 : i32
      %while3A_296 = arith.muli %while3A_295, %while3A_294 : i32
      %while3A_297 = arith.addi %while3A_291, %while3A_296 : i32
      %while3A_298 = arith.constant 1 : i32
      scf.for %while3A_300 = %while3A_291 to %while3A_297 step %while3A_298  : i32 {
        %mul3A_301 = arith.constant 64 : i32
        %mul3A_302 = arith.muli %add3A_262, %mul3A_301 : i32
        %add3A_303 = arith.addi %mul3A_302, %while3A_300 : i32
        %get3A_304 = arith.index_cast %add3A_303 : i32 to index
        %get3A_305 = tpu.vector_load %arg9[%get3A_304] {strides = array<i32>} : memref<7952xi32, #tpu.memory_space<vmem>>, vector<16xi32>,
        %slice3A = vector.extract_strided_slice %get3A_305 {offsets = [0], sizes = [1], strides = [1]} : vector<16xi32> to vector<1xi32>
        %squeeze3A = vector.extract %slice3A[0] : i32 from vector<1xi32>
        %and3A_306 = arith.constant 16383 : i32
        %and3A_307 = arith.andi %squeeze3A, %and3A_306 : i32
        %shift_right_arithmetic3A = arith.constant 14 : i32
        %shift_right_arithmetic3A_308 = arith.shrsi %squeeze3A, %shift_right_arithmetic3A : i32
        %mul3A_309 = arith.constant 256 : i32
        %mul3A_310 = arith.muli %add3A_262, %mul3A_309 : i32
        %sub3A_311 = arith.subi %shift_right_arithmetic3A_308, %mul3A_310 : i32
        %broadcast_in_dim3A = vector.broadcast %sub3A_311 : i32 to vector<16xi32>
        %get3A_312 = arith.constant 0 : i32
        %get3A_313 = arith.index_cast %get3A_312 : i32 to index
        %get3A_314 = memref.load %arg13[%get3A_313] : memref<4xi32, #tpu.memory_space<smem>>
        %add3A_315 = arith.constant 0 : i32
        %add3A_316 = vector.broadcast %add3A_315 : i32 to vector<16xi32>
        %add3A_317 = arith.addi %iota3A, %add3A_316 : vector<16xi32>
        %gather3A = arith.constant 0 : i32
        %gather3A_318 = arith.constant 0 : i32
        %gather3A_319 = tpu.memref_slice %arg7[%while3A_290, %gather3A, %gather3A_318] : memref<5x64x256xf32, #tpu.memory_space<vmem>> -> memref<1x64x256xf32, #tpu.memory_space<vmem>>
        %gather3A_320 = tpu.memref_squeeze %gather3A_319 : memref<1x64x256xf32, #tpu.memory_space<vmem>> -> memref<64x256xf32, #tpu.memory_space<vmem>>
        %gather3A_321 = tpu.vector_load_idx %gather3A_320[%add3A_317, %broadcast_in_dim3A] : memref<64x256xf32, #tpu.memory_space<vmem>>[vector<16xi32>, vector<16xi32>], vector<16xf32>,
        %swap3A_322 = arith.index_cast %get3A_314 : i32 to index
        %swap3A_323 = arith.constant 0 : index
        %swap3A_324 = tpu.vector_load %arg10[%swap3A_322, %swap3A_323] {strides = array<i32>} : memref<16x128xf32, #tpu.memory_space<vmem>>, vector<16xf32>,
        tpu.vector_store %arg10[%swap3A_322, %swap3A_323], %gather3A_321 {strides = array<i32>} : memref<16x128xf32, #tpu.memory_space<vmem>>, vector<16xf32>,
        %add3A_325 = arith.constant 16 : i32
        %add3A_326 = vector.broadcast %add3A_325 : i32 to vector<16xi32>
        %add3A_327 = arith.addi %iota3A, %add3A_326 : vector<16xi32>
        %gather3A_328 = arith.constant 0 : i32
        %gather3A_329 = arith.constant 0 : i32
        %gather3A_330 = tpu.memref_slice %arg7[%while3A_290, %gather3A_328, %gather3A_329] : memref<5x64x256xf32, #tpu.memory_space<vmem>> -> memref<1x64x256xf32, #tpu.memory_space<vmem>>
        %gather3A_331 = tpu.memref_squeeze %gather3A_330 : memref<1x64x256xf32, #tpu.memory_space<vmem>> -> memref<64x256xf32, #tpu.memory_space<vmem>>
        %gather3A_332 = tpu.vector_load_idx %gather3A_331[%add3A_327, %broadcast_in_dim3A] : memref<64x256xf32, #tpu.memory_space<vmem>>[vector<16xi32>, vector<16xi32>], vector<16xf32>,
        %swap3A_333 = arith.index_cast %get3A_314 : i32 to index
        %swap3A_334 = arith.constant 16 : index
        %swap3A_335 = tpu.vector_load %arg10[%swap3A_333, %swap3A_334] {strides = array<i32>} : memref<16x128xf32, #tpu.memory_space<vmem>>, vector<16xf32>,
        tpu.vector_store %arg10[%swap3A_333, %swap3A_334], %gather3A_332 {strides = array<i32>} : memref<16x128xf32, #tpu.memory_space<vmem>>, vector<16xf32>,
        %add3A_336 = arith.constant 32 : i32
        %add3A_337 = vector.broadcast %add3A_336 : i32 to vector<16xi32>
        %add3A_338 = arith.addi %iota3A, %add3A_337 : vector<16xi32>
        %gather3A_339 = arith.constant 0 : i32
        %gather3A_340 = arith.constant 0 : i32
        %gather3A_341 = tpu.memref_slice %arg7[%while3A_290, %gather3A_339, %gather3A_340] : memref<5x64x256xf32, #tpu.memory_space<vmem>> -> memref<1x64x256xf32, #tpu.memory_space<vmem>>
        %gather3A_342 = tpu.memref_squeeze %gather3A_341 : memref<1x64x256xf32, #tpu.memory_space<vmem>> -> memref<64x256xf32, #tpu.memory_space<vmem>>
        %gather3A_343 = tpu.vector_load_idx %gather3A_342[%add3A_338, %broadcast_in_dim3A] : memref<64x256xf32, #tpu.memory_space<vmem>>[vector<16xi32>, vector<16xi32>], vector<16xf32>,
        %swap3A_344 = arith.index_cast %get3A_314 : i32 to index
        %swap3A_345 = arith.constant 32 : index
        %swap3A_346 = tpu.vector_load %arg10[%swap3A_344, %swap3A_345] {strides = array<i32>} : memref<16x128xf32, #tpu.memory_space<vmem>>, vector<16xf32>,
        tpu.vector_store %arg10[%swap3A_344, %swap3A_345], %gather3A_343 {strides = array<i32>} : memref<16x128xf32, #tpu.memory_space<vmem>>, vector<16xf32>,
        %add3A_347 = arith.constant 48 : i32
        %add3A_348 = vector.broadcast %add3A_347 : i32 to vector<16xi32>
        %add3A_349 = arith.addi %iota3A, %add3A_348 : vector<16xi32>
        %gather3A_350 = arith.constant 0 : i32
        %gather3A_351 = arith.constant 0 : i32
        %gather3A_352 = tpu.memref_slice %arg7[%while3A_290, %gather3A_350, %gather3A_351] : memref<5x64x256xf32, #tpu.memory_space<vmem>> -> memref<1x64x256xf32, #tpu.memory_space<vmem>>
        %gather3A_353 = tpu.memref_squeeze %gather3A_352 : memref<1x64x256xf32, #tpu.memory_space<vmem>> -> memref<64x256xf32, #tpu.memory_space<vmem>>
        %gather3A_354 = tpu.vector_load_idx %gather3A_353[%add3A_349, %broadcast_in_dim3A] : memref<64x256xf32, #tpu.memory_space<vmem>>[vector<16xi32>, vector<16xi32>], vector<16xf32>,
        %swap3A_355 = arith.index_cast %get3A_314 : i32 to index
        %swap3A_356 = arith.constant 48 : index
        %swap3A_357 = tpu.vector_load %arg10[%swap3A_355, %swap3A_356] {strides = array<i32>} : memref<16x128xf32, #tpu.memory_space<vmem>>, vector<16xf32>,
        tpu.vector_store %arg10[%swap3A_355, %swap3A_356], %gather3A_354 {strides = array<i32>} : memref<16x128xf32, #tpu.memory_space<vmem>>, vector<16xf32>,
        %get3A_358 = arith.constant 0 : index
        %get3A_359 = tpu.vector_load %arg11[%get3A_358] {strides = array<i32>} : memref<16xi32, #tpu.memory_space<vmem>>, vector<16xi32>,
        %eq3A_360 = vector.broadcast %get3A_314 : i32 to vector<16xi32>
        %eq3A_361 = arith.cmpi eq, %iota3A, %eq3A_360 : vector<16xi32>
        %broadcast_in_dim3A_362 = vector.broadcast %and3A_307 : i32 to vector<16xi32>
        %select_n3A_363 = arith.select %eq3A_361, %broadcast_in_dim3A_362, %get3A_359 : vector<16xi1>, vector<16xi32>
        %swap3A_364 = arith.constant 0 : index
        %swap3A_365 = tpu.vector_load %arg11[%swap3A_364] {strides = array<i32>} : memref<16xi32, #tpu.memory_space<vmem>>, vector<16xi32>,
        tpu.vector_store %arg11[%swap3A_364], %select_n3A_363 {strides = array<i32>} : memref<16xi32, #tpu.memory_space<vmem>>, vector<16xi32>,
        %eq3A_366 = arith.constant 15 : i32
        %eq3A_367 = arith.cmpi eq, %get3A_314, %eq3A_366 : i32
        %convert_element_type3A_368 = arith.extui %eq3A_367 : i1 to i32
        %cond3A_369 = arith.constant 0 : i32
        %cond3A_370 = arith.cmpi ne, %convert_element_type3A_368, %cond3A_369 : i32
        scf.if %cond3A_370 {
          %get3A_380 = arith.constant 0 : index
          %get3A_381 = tpu.vector_load %arg11[%get3A_380] {strides = array<i32>} : memref<16xi32, #tpu.memory_space<vmem>>, vector<16xi32>,
          "tpu.region"() ({
            %run_scoped3A = tpu.sem_alloc : memref<!tpu.dma_semaphore, #tpu.memory_space<semaphore_mem>>
            %dma_start3A = arith.constant 0 : i32
            %dma_start3A_384 = arith.constant 0 : i32
            %dma_start3A_385 = tpu.memref_slice %arg5[%dma_start3A, %dma_start3A_384] : memref<16896x128xf32, #tpu.memory_space<hbm>> -> memref<16896x128xf32, #tpu.memory_space<hbm>>
            tpu.enqueue_indirect_dma source(%arg10 : memref<16x128xf32, #tpu.memory_space<vmem>>) target(%dma_start3A_385 : memref<16896x128xf32, #tpu.memory_space<hbm>>) offsets(%get3A_381 : vector<16xi32>) semaphore(%run_scoped3A : memref<!tpu.dma_semaphore, #tpu.memory_space<semaphore_mem>>)
            %dma_wait3A_386 = arith.constant 0 : i32
            %dma_wait3A_387 = arith.constant 0 : i32
            %dma_wait3A_388 = tpu.memref_slice %arg5[%dma_wait3A_386, %dma_wait3A_387] : memref<16896x128xf32, #tpu.memory_space<hbm>> -> memref<16896x128xf32, #tpu.memory_space<hbm>>
            tpu.wait_indirect_dma semaphore(%run_scoped3A : memref<!tpu.dma_semaphore, #tpu.memory_space<semaphore_mem>>) src(%arg10 : memref<16x128xf32, #tpu.memory_space<vmem>>) dst(%dma_wait3A_388 : memref<16896x128xf32, #tpu.memory_space<hbm>>)
            tpu.yield
          }) : () -> ()
          %swap3A_382 = arith.constant 0 : index
          %swap3A_383 = tpu.vector_load %arg11[%swap3A_382] {strides = array<i32>} : memref<16xi32, #tpu.memory_space<vmem>>, vector<16xi32>,
          tpu.vector_store %arg11[%swap3A_382], %add3A_57 {strides = array<i32>} : memref<16xi32, #tpu.memory_space<vmem>>, vector<16xi32>,
        } else {
        }
        %eq3A_371 = arith.constant 15 : i32
        %eq3A_372 = arith.cmpi eq, %get3A_314, %eq3A_371 : i32
        %add3A_373 = arith.constant 1 : i32
        %add3A_374 = arith.addi %get3A_314, %add3A_373 : i32
        %jit3A_375 = arith.constant 0 : i32
        %select_n3A_376 = arith.select %eq3A_372, %jit3A_375, %add3A_374 : i32
        %swap3A_377 = arith.constant 0 : i32
        %swap3A_378 = arith.index_cast %swap3A_377 : i32 to index
        %swap3A_379 = memref.load %arg13[%swap3A_378] : memref<4xi32, #tpu.memory_space<smem>>
        memref.store %select_n3A_376, %arg13[%swap3A_378] : memref<4xi32, #tpu.memory_space<smem>>
      }
      %while3A_299 = arith.constant 1 : i32
      scf.for %while3A_300 = %while3A_297 to %while3A_293 step %while3A_299  : i32 {
        %mul3A_301 = arith.constant 64 : i32
        %mul3A_302 = arith.muli %add3A_262, %mul3A_301 : i32
        %add3A_303 = arith.addi %mul3A_302, %while3A_300 : i32
        %get3A_304 = arith.index_cast %add3A_303 : i32 to index
        %get3A_305 = tpu.vector_load %arg9[%get3A_304] {strides = array<i32>} : memref<7952xi32, #tpu.memory_space<vmem>>, vector<16xi32>,
        %slice3A = vector.extract_strided_slice %get3A_305 {offsets = [0], sizes = [1], strides = [1]} : vector<16xi32> to vector<1xi32>
        %squeeze3A = vector.extract %slice3A[0] : i32 from vector<1xi32>
        %and3A_306 = arith.constant 16383 : i32
        %and3A_307 = arith.andi %squeeze3A, %and3A_306 : i32
        %shift_right_arithmetic3A = arith.constant 14 : i32
        %shift_right_arithmetic3A_308 = arith.shrsi %squeeze3A, %shift_right_arithmetic3A : i32
        %mul3A_309 = arith.constant 256 : i32
        %mul3A_310 = arith.muli %add3A_262, %mul3A_309 : i32
        %sub3A_311 = arith.subi %shift_right_arithmetic3A_308, %mul3A_310 : i32
        %broadcast_in_dim3A = vector.broadcast %sub3A_311 : i32 to vector<16xi32>
        %get3A_312 = arith.constant 0 : i32
        %get3A_313 = arith.index_cast %get3A_312 : i32 to index
        %get3A_314 = memref.load %arg13[%get3A_313] : memref<4xi32, #tpu.memory_space<smem>>
        %add3A_315 = arith.constant 0 : i32
        %add3A_316 = vector.broadcast %add3A_315 : i32 to vector<16xi32>
        %add3A_317 = arith.addi %iota3A, %add3A_316 : vector<16xi32>
        %gather3A = arith.constant 0 : i32
        %gather3A_318 = arith.constant 0 : i32
        %gather3A_319 = tpu.memref_slice %arg7[%while3A_290, %gather3A, %gather3A_318] : memref<5x64x256xf32, #tpu.memory_space<vmem>> -> memref<1x64x256xf32, #tpu.memory_space<vmem>>
        %gather3A_320 = tpu.memref_squeeze %gather3A_319 : memref<1x64x256xf32, #tpu.memory_space<vmem>> -> memref<64x256xf32, #tpu.memory_space<vmem>>
        %gather3A_321 = tpu.vector_load_idx %gather3A_320[%add3A_317, %broadcast_in_dim3A] : memref<64x256xf32, #tpu.memory_space<vmem>>[vector<16xi32>, vector<16xi32>], vector<16xf32>,
        %swap3A_322 = arith.index_cast %get3A_314 : i32 to index
        %swap3A_323 = arith.constant 0 : index
        %swap3A_324 = tpu.vector_load %arg10[%swap3A_322, %swap3A_323] {strides = array<i32>} : memref<16x128xf32, #tpu.memory_space<vmem>>, vector<16xf32>,
        tpu.vector_store %arg10[%swap3A_322, %swap3A_323], %gather3A_321 {strides = array<i32>} : memref<16x128xf32, #tpu.memory_space<vmem>>, vector<16xf32>,
        %add3A_325 = arith.constant 16 : i32
        %add3A_326 = vector.broadcast %add3A_325 : i32 to vector<16xi32>
        %add3A_327 = arith.addi %iota3A, %add3A_326 : vector<16xi32>
        %gather3A_328 = arith.constant 0 : i32
        %gather3A_329 = arith.constant 0 : i32
        %gather3A_330 = tpu.memref_slice %arg7[%while3A_290, %gather3A_328, %gather3A_329] : memref<5x64x256xf32, #tpu.memory_space<vmem>> -> memref<1x64x256xf32, #tpu.memory_space<vmem>>
        %gather3A_331 = tpu.memref_squeeze %gather3A_330 : memref<1x64x256xf32, #tpu.memory_space<vmem>> -> memref<64x256xf32, #tpu.memory_space<vmem>>
        %gather3A_332 = tpu.vector_load_idx %gather3A_331[%add3A_327, %broadcast_in_dim3A] : memref<64x256xf32, #tpu.memory_space<vmem>>[vector<16xi32>, vector<16xi32>], vector<16xf32>,
        %swap3A_333 = arith.index_cast %get3A_314 : i32 to index
        %swap3A_334 = arith.constant 16 : index
        %swap3A_335 = tpu.vector_load %arg10[%swap3A_333, %swap3A_334] {strides = array<i32>} : memref<16x128xf32, #tpu.memory_space<vmem>>, vector<16xf32>,
        tpu.vector_store %arg10[%swap3A_333, %swap3A_334], %gather3A_332 {strides = array<i32>} : memref<16x128xf32, #tpu.memory_space<vmem>>, vector<16xf32>,
        %add3A_336 = arith.constant 32 : i32
        %add3A_337 = vector.broadcast %add3A_336 : i32 to vector<16xi32>
        %add3A_338 = arith.addi %iota3A, %add3A_337 : vector<16xi32>
        %gather3A_339 = arith.constant 0 : i32
        %gather3A_340 = arith.constant 0 : i32
        %gather3A_341 = tpu.memref_slice %arg7[%while3A_290, %gather3A_339, %gather3A_340] : memref<5x64x256xf32, #tpu.memory_space<vmem>> -> memref<1x64x256xf32, #tpu.memory_space<vmem>>
        %gather3A_342 = tpu.memref_squeeze %gather3A_341 : memref<1x64x256xf32, #tpu.memory_space<vmem>> -> memref<64x256xf32, #tpu.memory_space<vmem>>
        %gather3A_343 = tpu.vector_load_idx %gather3A_342[%add3A_338, %broadcast_in_dim3A] : memref<64x256xf32, #tpu.memory_space<vmem>>[vector<16xi32>, vector<16xi32>], vector<16xf32>,
        %swap3A_344 = arith.index_cast %get3A_314 : i32 to index
        %swap3A_345 = arith.constant 32 : index
        %swap3A_346 = tpu.vector_load %arg10[%swap3A_344, %swap3A_345] {strides = array<i32>} : memref<16x128xf32, #tpu.memory_space<vmem>>, vector<16xf32>,
        tpu.vector_store %arg10[%swap3A_344, %swap3A_345], %gather3A_343 {strides = array<i32>} : memref<16x128xf32, #tpu.memory_space<vmem>>, vector<16xf32>,
        %add3A_347 = arith.constant 48 : i32
        %add3A_348 = vector.broadcast %add3A_347 : i32 to vector<16xi32>
        %add3A_349 = arith.addi %iota3A, %add3A_348 : vector<16xi32>
        %gather3A_350 = arith.constant 0 : i32
        %gather3A_351 = arith.constant 0 : i32
        %gather3A_352 = tpu.memref_slice %arg7[%while3A_290, %gather3A_350, %gather3A_351] : memref<5x64x256xf32, #tpu.memory_space<vmem>> -> memref<1x64x256xf32, #tpu.memory_space<vmem>>
        %gather3A_353 = tpu.memref_squeeze %gather3A_352 : memref<1x64x256xf32, #tpu.memory_space<vmem>> -> memref<64x256xf32, #tpu.memory_space<vmem>>
        %gather3A_354 = tpu.vector_load_idx %gather3A_353[%add3A_349, %broadcast_in_dim3A] : memref<64x256xf32, #tpu.memory_space<vmem>>[vector<16xi32>, vector<16xi32>], vector<16xf32>,
        %swap3A_355 = arith.index_cast %get3A_314 : i32 to index
        %swap3A_356 = arith.constant 48 : index
        %swap3A_357 = tpu.vector_load %arg10[%swap3A_355, %swap3A_356] {strides = array<i32>} : memref<16x128xf32, #tpu.memory_space<vmem>>, vector<16xf32>,
        tpu.vector_store %arg10[%swap3A_355, %swap3A_356], %gather3A_354 {strides = array<i32>} : memref<16x128xf32, #tpu.memory_space<vmem>>, vector<16xf32>,
        %get3A_358 = arith.constant 0 : index
        %get3A_359 = tpu.vector_load %arg11[%get3A_358] {strides = array<i32>} : memref<16xi32, #tpu.memory_space<vmem>>, vector<16xi32>,
        %eq3A_360 = vector.broadcast %get3A_314 : i32 to vector<16xi32>
        %eq3A_361 = arith.cmpi eq, %iota3A, %eq3A_360 : vector<16xi32>
        %broadcast_in_dim3A_362 = vector.broadcast %and3A_307 : i32 to vector<16xi32>
        %select_n3A_363 = arith.select %eq3A_361, %broadcast_in_dim3A_362, %get3A_359 : vector<16xi1>, vector<16xi32>
        %swap3A_364 = arith.constant 0 : index
        %swap3A_365 = tpu.vector_load %arg11[%swap3A_364] {strides = array<i32>} : memref<16xi32, #tpu.memory_space<vmem>>, vector<16xi32>,
        tpu.vector_store %arg11[%swap3A_364], %select_n3A_363 {strides = array<i32>} : memref<16xi32, #tpu.memory_space<vmem>>, vector<16xi32>,
        %eq3A_366 = arith.constant 15 : i32
        %eq3A_367 = arith.cmpi eq, %get3A_314, %eq3A_366 : i32
        %convert_element_type3A_368 = arith.extui %eq3A_367 : i1 to i32
        %cond3A_369 = arith.constant 0 : i32
        %cond3A_370 = arith.cmpi ne, %convert_element_type3A_368, %cond3A_369 : i32
        scf.if %cond3A_370 {
          %get3A_380 = arith.constant 0 : index
          %get3A_381 = tpu.vector_load %arg11[%get3A_380] {strides = array<i32>} : memref<16xi32, #tpu.memory_space<vmem>>, vector<16xi32>,
          "tpu.region"() ({
            %run_scoped3A = tpu.sem_alloc : memref<!tpu.dma_semaphore, #tpu.memory_space<semaphore_mem>>
            %dma_start3A = arith.constant 0 : i32
            %dma_start3A_384 = arith.constant 0 : i32
            %dma_start3A_385 = tpu.memref_slice %arg5[%dma_start3A, %dma_start3A_384] : memref<16896x128xf32, #tpu.memory_space<hbm>> -> memref<16896x128xf32, #tpu.memory_space<hbm>>
            tpu.enqueue_indirect_dma source(%arg10 : memref<16x128xf32, #tpu.memory_space<vmem>>) target(%dma_start3A_385 : memref<16896x128xf32, #tpu.memory_space<hbm>>) offsets(%get3A_381 : vector<16xi32>) semaphore(%run_scoped3A : memref<!tpu.dma_semaphore, #tpu.memory_space<semaphore_mem>>)
            %dma_wait3A_386 = arith.constant 0 : i32
            %dma_wait3A_387 = arith.constant 0 : i32
            %dma_wait3A_388 = tpu.memref_slice %arg5[%dma_wait3A_386, %dma_wait3A_387] : memref<16896x128xf32, #tpu.memory_space<hbm>> -> memref<16896x128xf32, #tpu.memory_space<hbm>>
            tpu.wait_indirect_dma semaphore(%run_scoped3A : memref<!tpu.dma_semaphore, #tpu.memory_space<semaphore_mem>>) src(%arg10 : memref<16x128xf32, #tpu.memory_space<vmem>>) dst(%dma_wait3A_388 : memref<16896x128xf32, #tpu.memory_space<hbm>>)
            tpu.yield
          }) : () -> ()
          %swap3A_382 = arith.constant 0 : index
          %swap3A_383 = tpu.vector_load %arg11[%swap3A_382] {strides = array<i32>} : memref<16xi32, #tpu.memory_space<vmem>>, vector<16xi32>,
          tpu.vector_store %arg11[%swap3A_382], %add3A_57 {strides = array<i32>} : memref<16xi32, #tpu.memory_space<vmem>>, vector<16xi32>,
        } else {
        }
        %eq3A_371 = arith.constant 15 : i32
        %eq3A_372 = arith.cmpi eq, %get3A_314, %eq3A_371 : i32
        %add3A_373 = arith.constant 1 : i32
        %add3A_374 = arith.addi %get3A_314, %add3A_373 : i32
        %jit3A_375 = arith.constant 0 : i32
        %select_n3A_376 = arith.select %eq3A_372, %jit3A_375, %add3A_374 : i32
        %swap3A_377 = arith.constant 0 : i32
        %swap3A_378 = arith.index_cast %swap3A_377 : i32 to index
        %swap3A_379 = memref.load %arg13[%swap3A_378] : memref<4xi32, #tpu.memory_space<smem>>
        memref.store %select_n3A_376, %arg13[%swap3A_378] : memref<4xi32, #tpu.memory_space<smem>>
      }
    } else {
    }
    %eq3A_267 = arith.constant 31 : i32
    %eq3A_268 = arith.cmpi eq, %add3A, %eq3A_267 : i32
    %convert_element_type3A_269 = arith.extui %eq3A_268 : i1 to i32
    %cond3A_270 = arith.constant 0 : i32
    %cond3A_271 = arith.cmpi ne, %convert_element_type3A_269, %cond3A_270 : i32
    scf.if %cond3A_271 {
      %run_scoped3A = arith.constant 0 : i32
      "tpu.region"() ({
        %run_scoped3A_285 = tpu.sem_alloc : memref<!tpu.dma_semaphore, #tpu.memory_space<semaphore_mem>>
        %dma_start3A = arith.constant 0 : i32
        %dma_start3A_286 = arith.constant 0 : i32
        %dma_start3A_287 = tpu.memref_slice %arg7[%run_scoped3A, %dma_start3A, %dma_start3A_286] : memref<5x64x256xf32, #tpu.memory_space<vmem>> -> memref<1x64x128xf32, #tpu.memory_space<vmem>>
        %dma_start3A_288 = tpu.memref_squeeze %dma_start3A_287 : memref<1x64x128xf32, #tpu.memory_space<vmem>> -> memref<64x128xf32, #tpu.memory_space<vmem>>
        %dma_start3A_289 = arith.constant 0 : i32
        %dma_start3A_290 = arith.constant 0 : i32
        %dma_start3A_291 = tpu.memref_slice %arg7[%run_scoped3A, %dma_start3A_289, %dma_start3A_290] : memref<5x64x256xf32, #tpu.memory_space<vmem>> -> memref<1x64x128xf32, #tpu.memory_space<vmem>>
        %dma_start3A_292 = tpu.memref_squeeze %dma_start3A_291 : memref<1x64x128xf32, #tpu.memory_space<vmem>> -> memref<64x128xf32, #tpu.memory_space<vmem>>
        tpu.enqueue_dma source(%arg4 : memref<64x128xf32, #tpu.memory_space<hbm>>) target(%dma_start3A_292 : memref<64x128xf32, #tpu.memory_space<vmem>>) target_semaphore(%run_scoped3A_285 : memref<!tpu.dma_semaphore, #tpu.memory_space<semaphore_mem>>)
        %dma_wait3A = arith.constant 0 : i32
        %dma_wait3A_293 = arith.constant 0 : i32
        %dma_wait3A_294 = tpu.memref_slice %arg7[%run_scoped3A, %dma_wait3A, %dma_wait3A_293] : memref<5x64x256xf32, #tpu.memory_space<vmem>> -> memref<1x64x128xf32, #tpu.memory_space<vmem>>
        %dma_wait3A_295 = tpu.memref_squeeze %dma_wait3A_294 : memref<1x64x128xf32, #tpu.memory_space<vmem>> -> memref<64x128xf32, #tpu.memory_space<vmem>>
        %dma_wait3A_296 = arith.constant 0 : i32
        %dma_wait3A_297 = arith.constant 0 : i32
        %dma_wait3A_298 = tpu.memref_slice %arg7[%run_scoped3A, %dma_wait3A_296, %dma_wait3A_297] : memref<5x64x256xf32, #tpu.memory_space<vmem>> -> memref<1x64x128xf32, #tpu.memory_space<vmem>>
        %dma_wait3A_299 = tpu.memref_squeeze %dma_wait3A_298 : memref<1x64x128xf32, #tpu.memory_space<vmem>> -> memref<64x128xf32, #tpu.memory_space<vmem>>
        tpu.wait_dma2 semaphore(%run_scoped3A_285 : memref<!tpu.dma_semaphore, #tpu.memory_space<semaphore_mem>>) src(%arg4 : memref<64x128xf32, #tpu.memory_space<hbm>>) dst(%dma_wait3A_299 : memref<64x128xf32, #tpu.memory_space<vmem>>)
        tpu.yield
      }) : () -> ()
      %get3A_273 = arith.index_cast %sub3A_47 : i32 to index
      %get3A_274 = memref.load %arg12[%get3A_273] : memref<124xi32, #tpu.memory_space<smem>>
      %while3A_275 = arith.constant 0 : i32
      %while3A_276 = arith.constant 0 : i32
      %while3A_277 = arith.subi %get3A_274, %while3A_276 : i32
      %while3A_278 = arith.addi %while3A_276, %while3A_277 : i32
      %while3A_279 = arith.constant 1 : i32
      %while3A_280 = arith.divsi %while3A_277, %while3A_279 : i32
      %while3A_281 = arith.muli %while3A_280, %while3A_279 : i32
      %while3A_282 = arith.addi %while3A_276, %while3A_281 : i32
      %while3A_283 = arith.constant 1 : i32
      scf.for %while3A_285 = %while3A_276 to %while3A_282 step %while3A_283  : i32 {
        %mul3A_286 = arith.constant 64 : i32
        %mul3A_287 = arith.muli %sub3A_47, %mul3A_286 : i32
        %add3A_288 = arith.addi %mul3A_287, %while3A_285 : i32
        %get3A_289 = arith.index_cast %add3A_288 : i32 to index
        %get3A_290 = tpu.vector_load %arg9[%get3A_289] {strides = array<i32>} : memref<7952xi32, #tpu.memory_space<vmem>>, vector<16xi32>,
        %slice3A = vector.extract_strided_slice %get3A_290 {offsets = [0], sizes = [1], strides = [1]} : vector<16xi32> to vector<1xi32>
        %squeeze3A = vector.extract %slice3A[0] : i32 from vector<1xi32>
        %and3A_291 = arith.constant 16383 : i32
        %and3A_292 = arith.andi %squeeze3A, %and3A_291 : i32
        %shift_right_arithmetic3A = arith.constant 14 : i32
        %shift_right_arithmetic3A_293 = arith.shrsi %squeeze3A, %shift_right_arithmetic3A : i32
        %mul3A_294 = arith.constant 256 : i32
        %mul3A_295 = arith.muli %sub3A_47, %mul3A_294 : i32
        %sub3A_296 = arith.subi %shift_right_arithmetic3A_293, %mul3A_295 : i32
        %broadcast_in_dim3A = vector.broadcast %sub3A_296 : i32 to vector<16xi32>
        %get3A_297 = arith.constant 0 : i32
        %get3A_298 = arith.index_cast %get3A_297 : i32 to index
        %get3A_299 = memref.load %arg13[%get3A_298] : memref<4xi32, #tpu.memory_space<smem>>
        %add3A_300 = arith.constant 0 : i32
        %add3A_301 = vector.broadcast %add3A_300 : i32 to vector<16xi32>
        %add3A_302 = arith.addi %iota3A, %add3A_301 : vector<16xi32>
        %gather3A = arith.constant 0 : i32
        %gather3A_303 = arith.constant 0 : i32
        %gather3A_304 = tpu.memref_slice %arg7[%while3A_275, %gather3A, %gather3A_303] : memref<5x64x256xf32, #tpu.memory_space<vmem>> -> memref<1x64x256xf32, #tpu.memory_space<vmem>>
        %gather3A_305 = tpu.memref_squeeze %gather3A_304 : memref<1x64x256xf32, #tpu.memory_space<vmem>> -> memref<64x256xf32, #tpu.memory_space<vmem>>
        %gather3A_306 = tpu.vector_load_idx %gather3A_305[%add3A_302, %broadcast_in_dim3A] : memref<64x256xf32, #tpu.memory_space<vmem>>[vector<16xi32>, vector<16xi32>], vector<16xf32>,
        %swap3A_307 = arith.index_cast %get3A_299 : i32 to index
        %swap3A_308 = arith.constant 0 : index
        %swap3A_309 = tpu.vector_load %arg10[%swap3A_307, %swap3A_308] {strides = array<i32>} : memref<16x128xf32, #tpu.memory_space<vmem>>, vector<16xf32>,
        tpu.vector_store %arg10[%swap3A_307, %swap3A_308], %gather3A_306 {strides = array<i32>} : memref<16x128xf32, #tpu.memory_space<vmem>>, vector<16xf32>,
        %add3A_310 = arith.constant 16 : i32
        %add3A_311 = vector.broadcast %add3A_310 : i32 to vector<16xi32>
        %add3A_312 = arith.addi %iota3A, %add3A_311 : vector<16xi32>
        %gather3A_313 = arith.constant 0 : i32
        %gather3A_314 = arith.constant 0 : i32
        %gather3A_315 = tpu.memref_slice %arg7[%while3A_275, %gather3A_313, %gather3A_314] : memref<5x64x256xf32, #tpu.memory_space<vmem>> -> memref<1x64x256xf32, #tpu.memory_space<vmem>>
        %gather3A_316 = tpu.memref_squeeze %gather3A_315 : memref<1x64x256xf32, #tpu.memory_space<vmem>> -> memref<64x256xf32, #tpu.memory_space<vmem>>
        %gather3A_317 = tpu.vector_load_idx %gather3A_316[%add3A_312, %broadcast_in_dim3A] : memref<64x256xf32, #tpu.memory_space<vmem>>[vector<16xi32>, vector<16xi32>], vector<16xf32>,
        %swap3A_318 = arith.index_cast %get3A_299 : i32 to index
        %swap3A_319 = arith.constant 16 : index
        %swap3A_320 = tpu.vector_load %arg10[%swap3A_318, %swap3A_319] {strides = array<i32>} : memref<16x128xf32, #tpu.memory_space<vmem>>, vector<16xf32>,
        tpu.vector_store %arg10[%swap3A_318, %swap3A_319], %gather3A_317 {strides = array<i32>} : memref<16x128xf32, #tpu.memory_space<vmem>>, vector<16xf32>,
        %add3A_321 = arith.constant 32 : i32
        %add3A_322 = vector.broadcast %add3A_321 : i32 to vector<16xi32>
        %add3A_323 = arith.addi %iota3A, %add3A_322 : vector<16xi32>
        %gather3A_324 = arith.constant 0 : i32
        %gather3A_325 = arith.constant 0 : i32
        %gather3A_326 = tpu.memref_slice %arg7[%while3A_275, %gather3A_324, %gather3A_325] : memref<5x64x256xf32, #tpu.memory_space<vmem>> -> memref<1x64x256xf32, #tpu.memory_space<vmem>>
        %gather3A_327 = tpu.memref_squeeze %gather3A_326 : memref<1x64x256xf32, #tpu.memory_space<vmem>> -> memref<64x256xf32, #tpu.memory_space<vmem>>
        %gather3A_328 = tpu.vector_load_idx %gather3A_327[%add3A_323, %broadcast_in_dim3A] : memref<64x256xf32, #tpu.memory_space<vmem>>[vector<16xi32>, vector<16xi32>], vector<16xf32>,
        %swap3A_329 = arith.index_cast %get3A_299 : i32 to index
        %swap3A_330 = arith.constant 32 : index
        %swap3A_331 = tpu.vector_load %arg10[%swap3A_329, %swap3A_330] {strides = array<i32>} : memref<16x128xf32, #tpu.memory_space<vmem>>, vector<16xf32>,
        tpu.vector_store %arg10[%swap3A_329, %swap3A_330], %gather3A_328 {strides = array<i32>} : memref<16x128xf32, #tpu.memory_space<vmem>>, vector<16xf32>,
        %add3A_332 = arith.constant 48 : i32
        %add3A_333 = vector.broadcast %add3A_332 : i32 to vector<16xi32>
        %add3A_334 = arith.addi %iota3A, %add3A_333 : vector<16xi32>
        %gather3A_335 = arith.constant 0 : i32
        %gather3A_336 = arith.constant 0 : i32
        %gather3A_337 = tpu.memref_slice %arg7[%while3A_275, %gather3A_335, %gather3A_336] : memref<5x64x256xf32, #tpu.memory_space<vmem>> -> memref<1x64x256xf32, #tpu.memory_space<vmem>>
        %gather3A_338 = tpu.memref_squeeze %gather3A_337 : memref<1x64x256xf32, #tpu.memory_space<vmem>> -> memref<64x256xf32, #tpu.memory_space<vmem>>
        %gather3A_339 = tpu.vector_load_idx %gather3A_338[%add3A_334, %broadcast_in_dim3A] : memref<64x256xf32, #tpu.memory_space<vmem>>[vector<16xi32>, vector<16xi32>], vector<16xf32>,
        %swap3A_340 = arith.index_cast %get3A_299 : i32 to index
        %swap3A_341 = arith.constant 48 : index
        %swap3A_342 = tpu.vector_load %arg10[%swap3A_340, %swap3A_341] {strides = array<i32>} : memref<16x128xf32, #tpu.memory_space<vmem>>, vector<16xf32>,
        tpu.vector_store %arg10[%swap3A_340, %swap3A_341], %gather3A_339 {strides = array<i32>} : memref<16x128xf32, #tpu.memory_space<vmem>>, vector<16xf32>,
        %get3A_343 = arith.constant 0 : index
        %get3A_344 = tpu.vector_load %arg11[%get3A_343] {strides = array<i32>} : memref<16xi32, #tpu.memory_space<vmem>>, vector<16xi32>,
        %eq3A_345 = vector.broadcast %get3A_299 : i32 to vector<16xi32>
        %eq3A_346 = arith.cmpi eq, %iota3A, %eq3A_345 : vector<16xi32>
        %broadcast_in_dim3A_347 = vector.broadcast %and3A_292 : i32 to vector<16xi32>
        %select_n3A_348 = arith.select %eq3A_346, %broadcast_in_dim3A_347, %get3A_344 : vector<16xi1>, vector<16xi32>
        %swap3A_349 = arith.constant 0 : index
        %swap3A_350 = tpu.vector_load %arg11[%swap3A_349] {strides = array<i32>} : memref<16xi32, #tpu.memory_space<vmem>>, vector<16xi32>,
        tpu.vector_store %arg11[%swap3A_349], %select_n3A_348 {strides = array<i32>} : memref<16xi32, #tpu.memory_space<vmem>>, vector<16xi32>,
        %eq3A_351 = arith.constant 15 : i32
        %eq3A_352 = arith.cmpi eq, %get3A_299, %eq3A_351 : i32
        %convert_element_type3A_353 = arith.extui %eq3A_352 : i1 to i32
        %cond3A_354 = arith.constant 0 : i32
        %cond3A_355 = arith.cmpi ne, %convert_element_type3A_353, %cond3A_354 : i32
        scf.if %cond3A_355 {
          %get3A_365 = arith.constant 0 : index
          %get3A_366 = tpu.vector_load %arg11[%get3A_365] {strides = array<i32>} : memref<16xi32, #tpu.memory_space<vmem>>, vector<16xi32>,
          "tpu.region"() ({
            %run_scoped3A_369 = tpu.sem_alloc : memref<!tpu.dma_semaphore, #tpu.memory_space<semaphore_mem>>
            %dma_start3A = arith.constant 0 : i32
            %dma_start3A_370 = arith.constant 0 : i32
            %dma_start3A_371 = tpu.memref_slice %arg5[%dma_start3A, %dma_start3A_370] : memref<16896x128xf32, #tpu.memory_space<hbm>> -> memref<16896x128xf32, #tpu.memory_space<hbm>>
            tpu.enqueue_indirect_dma source(%arg10 : memref<16x128xf32, #tpu.memory_space<vmem>>) target(%dma_start3A_371 : memref<16896x128xf32, #tpu.memory_space<hbm>>) offsets(%get3A_366 : vector<16xi32>) semaphore(%run_scoped3A_369 : memref<!tpu.dma_semaphore, #tpu.memory_space<semaphore_mem>>)
            %dma_wait3A = arith.constant 0 : i32
            %dma_wait3A_372 = arith.constant 0 : i32
            %dma_wait3A_373 = tpu.memref_slice %arg5[%dma_wait3A, %dma_wait3A_372] : memref<16896x128xf32, #tpu.memory_space<hbm>> -> memref<16896x128xf32, #tpu.memory_space<hbm>>
            tpu.wait_indirect_dma semaphore(%run_scoped3A_369 : memref<!tpu.dma_semaphore, #tpu.memory_space<semaphore_mem>>) src(%arg10 : memref<16x128xf32, #tpu.memory_space<vmem>>) dst(%dma_wait3A_373 : memref<16896x128xf32, #tpu.memory_space<hbm>>)
            tpu.yield
          }) : () -> ()
          %swap3A_367 = arith.constant 0 : index
          %swap3A_368 = tpu.vector_load %arg11[%swap3A_367] {strides = array<i32>} : memref<16xi32, #tpu.memory_space<vmem>>, vector<16xi32>,
          tpu.vector_store %arg11[%swap3A_367], %add3A_57 {strides = array<i32>} : memref<16xi32, #tpu.memory_space<vmem>>, vector<16xi32>,
        } else {
        }
        %eq3A_356 = arith.constant 15 : i32
        %eq3A_357 = arith.cmpi eq, %get3A_299, %eq3A_356 : i32
        %add3A_358 = arith.constant 1 : i32
        %add3A_359 = arith.addi %get3A_299, %add3A_358 : i32
        %jit3A_360 = arith.constant 0 : i32
        %select_n3A_361 = arith.select %eq3A_357, %jit3A_360, %add3A_359 : i32
        %swap3A_362 = arith.constant 0 : i32
        %swap3A_363 = arith.index_cast %swap3A_362 : i32 to index
        %swap3A_364 = memref.load %arg13[%swap3A_363] : memref<4xi32, #tpu.memory_space<smem>>
        memref.store %select_n3A_361, %arg13[%swap3A_363] : memref<4xi32, #tpu.memory_space<smem>>
      }
      %while3A_284 = arith.constant 1 : i32
      scf.for %while3A_285 = %while3A_282 to %while3A_278 step %while3A_284  : i32 {
        %mul3A_286 = arith.constant 64 : i32
        %mul3A_287 = arith.muli %sub3A_47, %mul3A_286 : i32
        %add3A_288 = arith.addi %mul3A_287, %while3A_285 : i32
        %get3A_289 = arith.index_cast %add3A_288 : i32 to index
        %get3A_290 = tpu.vector_load %arg9[%get3A_289] {strides = array<i32>} : memref<7952xi32, #tpu.memory_space<vmem>>, vector<16xi32>,
        %slice3A = vector.extract_strided_slice %get3A_290 {offsets = [0], sizes = [1], strides = [1]} : vector<16xi32> to vector<1xi32>
        %squeeze3A = vector.extract %slice3A[0] : i32 from vector<1xi32>
        %and3A_291 = arith.constant 16383 : i32
        %and3A_292 = arith.andi %squeeze3A, %and3A_291 : i32
        %shift_right_arithmetic3A = arith.constant 14 : i32
        %shift_right_arithmetic3A_293 = arith.shrsi %squeeze3A, %shift_right_arithmetic3A : i32
        %mul3A_294 = arith.constant 256 : i32
        %mul3A_295 = arith.muli %sub3A_47, %mul3A_294 : i32
        %sub3A_296 = arith.subi %shift_right_arithmetic3A_293, %mul3A_295 : i32
        %broadcast_in_dim3A = vector.broadcast %sub3A_296 : i32 to vector<16xi32>
        %get3A_297 = arith.constant 0 : i32
        %get3A_298 = arith.index_cast %get3A_297 : i32 to index
        %get3A_299 = memref.load %arg13[%get3A_298] : memref<4xi32, #tpu.memory_space<smem>>
        %add3A_300 = arith.constant 0 : i32
        %add3A_301 = vector.broadcast %add3A_300 : i32 to vector<16xi32>
        %add3A_302 = arith.addi %iota3A, %add3A_301 : vector<16xi32>
        %gather3A = arith.constant 0 : i32
        %gather3A_303 = arith.constant 0 : i32
        %gather3A_304 = tpu.memref_slice %arg7[%while3A_275, %gather3A, %gather3A_303] : memref<5x64x256xf32, #tpu.memory_space<vmem>> -> memref<1x64x256xf32, #tpu.memory_space<vmem>>
        %gather3A_305 = tpu.memref_squeeze %gather3A_304 : memref<1x64x256xf32, #tpu.memory_space<vmem>> -> memref<64x256xf32, #tpu.memory_space<vmem>>
        %gather3A_306 = tpu.vector_load_idx %gather3A_305[%add3A_302, %broadcast_in_dim3A] : memref<64x256xf32, #tpu.memory_space<vmem>>[vector<16xi32>, vector<16xi32>], vector<16xf32>,
        %swap3A_307 = arith.index_cast %get3A_299 : i32 to index
        %swap3A_308 = arith.constant 0 : index
        %swap3A_309 = tpu.vector_load %arg10[%swap3A_307, %swap3A_308] {strides = array<i32>} : memref<16x128xf32, #tpu.memory_space<vmem>>, vector<16xf32>,
        tpu.vector_store %arg10[%swap3A_307, %swap3A_308], %gather3A_306 {strides = array<i32>} : memref<16x128xf32, #tpu.memory_space<vmem>>, vector<16xf32>,
        %add3A_310 = arith.constant 16 : i32
        %add3A_311 = vector.broadcast %add3A_310 : i32 to vector<16xi32>
        %add3A_312 = arith.addi %iota3A, %add3A_311 : vector<16xi32>
        %gather3A_313 = arith.constant 0 : i32
        %gather3A_314 = arith.constant 0 : i32
        %gather3A_315 = tpu.memref_slice %arg7[%while3A_275, %gather3A_313, %gather3A_314] : memref<5x64x256xf32, #tpu.memory_space<vmem>> -> memref<1x64x256xf32, #tpu.memory_space<vmem>>
        %gather3A_316 = tpu.memref_squeeze %gather3A_315 : memref<1x64x256xf32, #tpu.memory_space<vmem>> -> memref<64x256xf32, #tpu.memory_space<vmem>>
        %gather3A_317 = tpu.vector_load_idx %gather3A_316[%add3A_312, %broadcast_in_dim3A] : memref<64x256xf32, #tpu.memory_space<vmem>>[vector<16xi32>, vector<16xi32>], vector<16xf32>,
        %swap3A_318 = arith.index_cast %get3A_299 : i32 to index
        %swap3A_319 = arith.constant 16 : index
        %swap3A_320 = tpu.vector_load %arg10[%swap3A_318, %swap3A_319] {strides = array<i32>} : memref<16x128xf32, #tpu.memory_space<vmem>>, vector<16xf32>,
        tpu.vector_store %arg10[%swap3A_318, %swap3A_319], %gather3A_317 {strides = array<i32>} : memref<16x128xf32, #tpu.memory_space<vmem>>, vector<16xf32>,
        %add3A_321 = arith.constant 32 : i32
        %add3A_322 = vector.broadcast %add3A_321 : i32 to vector<16xi32>
        %add3A_323 = arith.addi %iota3A, %add3A_322 : vector<16xi32>
        %gather3A_324 = arith.constant 0 : i32
        %gather3A_325 = arith.constant 0 : i32
        %gather3A_326 = tpu.memref_slice %arg7[%while3A_275, %gather3A_324, %gather3A_325] : memref<5x64x256xf32, #tpu.memory_space<vmem>> -> memref<1x64x256xf32, #tpu.memory_space<vmem>>
        %gather3A_327 = tpu.memref_squeeze %gather3A_326 : memref<1x64x256xf32, #tpu.memory_space<vmem>> -> memref<64x256xf32, #tpu.memory_space<vmem>>
        %gather3A_328 = tpu.vector_load_idx %gather3A_327[%add3A_323, %broadcast_in_dim3A] : memref<64x256xf32, #tpu.memory_space<vmem>>[vector<16xi32>, vector<16xi32>], vector<16xf32>,
        %swap3A_329 = arith.index_cast %get3A_299 : i32 to index
        %swap3A_330 = arith.constant 32 : index
        %swap3A_331 = tpu.vector_load %arg10[%swap3A_329, %swap3A_330] {strides = array<i32>} : memref<16x128xf32, #tpu.memory_space<vmem>>, vector<16xf32>,
        tpu.vector_store %arg10[%swap3A_329, %swap3A_330], %gather3A_328 {strides = array<i32>} : memref<16x128xf32, #tpu.memory_space<vmem>>, vector<16xf32>,
        %add3A_332 = arith.constant 48 : i32
        %add3A_333 = vector.broadcast %add3A_332 : i32 to vector<16xi32>
        %add3A_334 = arith.addi %iota3A, %add3A_333 : vector<16xi32>
        %gather3A_335 = arith.constant 0 : i32
        %gather3A_336 = arith.constant 0 : i32
        %gather3A_337 = tpu.memref_slice %arg7[%while3A_275, %gather3A_335, %gather3A_336] : memref<5x64x256xf32, #tpu.memory_space<vmem>> -> memref<1x64x256xf32, #tpu.memory_space<vmem>>
        %gather3A_338 = tpu.memref_squeeze %gather3A_337 : memref<1x64x256xf32, #tpu.memory_space<vmem>> -> memref<64x256xf32, #tpu.memory_space<vmem>>
        %gather3A_339 = tpu.vector_load_idx %gather3A_338[%add3A_334, %broadcast_in_dim3A] : memref<64x256xf32, #tpu.memory_space<vmem>>[vector<16xi32>, vector<16xi32>], vector<16xf32>,
        %swap3A_340 = arith.index_cast %get3A_299 : i32 to index
        %swap3A_341 = arith.constant 48 : index
        %swap3A_342 = tpu.vector_load %arg10[%swap3A_340, %swap3A_341] {strides = array<i32>} : memref<16x128xf32, #tpu.memory_space<vmem>>, vector<16xf32>,
        tpu.vector_store %arg10[%swap3A_340, %swap3A_341], %gather3A_339 {strides = array<i32>} : memref<16x128xf32, #tpu.memory_space<vmem>>, vector<16xf32>,
        %get3A_343 = arith.constant 0 : index
        %get3A_344 = tpu.vector_load %arg11[%get3A_343] {strides = array<i32>} : memref<16xi32, #tpu.memory_space<vmem>>, vector<16xi32>,
        %eq3A_345 = vector.broadcast %get3A_299 : i32 to vector<16xi32>
        %eq3A_346 = arith.cmpi eq, %iota3A, %eq3A_345 : vector<16xi32>
        %broadcast_in_dim3A_347 = vector.broadcast %and3A_292 : i32 to vector<16xi32>
        %select_n3A_348 = arith.select %eq3A_346, %broadcast_in_dim3A_347, %get3A_344 : vector<16xi1>, vector<16xi32>
        %swap3A_349 = arith.constant 0 : index
        %swap3A_350 = tpu.vector_load %arg11[%swap3A_349] {strides = array<i32>} : memref<16xi32, #tpu.memory_space<vmem>>, vector<16xi32>,
        tpu.vector_store %arg11[%swap3A_349], %select_n3A_348 {strides = array<i32>} : memref<16xi32, #tpu.memory_space<vmem>>, vector<16xi32>,
        %eq3A_351 = arith.constant 15 : i32
        %eq3A_352 = arith.cmpi eq, %get3A_299, %eq3A_351 : i32
        %convert_element_type3A_353 = arith.extui %eq3A_352 : i1 to i32
        %cond3A_354 = arith.constant 0 : i32
        %cond3A_355 = arith.cmpi ne, %convert_element_type3A_353, %cond3A_354 : i32
        scf.if %cond3A_355 {
          %get3A_365 = arith.constant 0 : index
          %get3A_366 = tpu.vector_load %arg11[%get3A_365] {strides = array<i32>} : memref<16xi32, #tpu.memory_space<vmem>>, vector<16xi32>,
          "tpu.region"() ({
            %run_scoped3A_369 = tpu.sem_alloc : memref<!tpu.dma_semaphore, #tpu.memory_space<semaphore_mem>>
            %dma_start3A = arith.constant 0 : i32
            %dma_start3A_370 = arith.constant 0 : i32
            %dma_start3A_371 = tpu.memref_slice %arg5[%dma_start3A, %dma_start3A_370] : memref<16896x128xf32, #tpu.memory_space<hbm>> -> memref<16896x128xf32, #tpu.memory_space<hbm>>
            tpu.enqueue_indirect_dma source(%arg10 : memref<16x128xf32, #tpu.memory_space<vmem>>) target(%dma_start3A_371 : memref<16896x128xf32, #tpu.memory_space<hbm>>) offsets(%get3A_366 : vector<16xi32>) semaphore(%run_scoped3A_369 : memref<!tpu.dma_semaphore, #tpu.memory_space<semaphore_mem>>)
            %dma_wait3A = arith.constant 0 : i32
            %dma_wait3A_372 = arith.constant 0 : i32
            %dma_wait3A_373 = tpu.memref_slice %arg5[%dma_wait3A, %dma_wait3A_372] : memref<16896x128xf32, #tpu.memory_space<hbm>> -> memref<16896x128xf32, #tpu.memory_space<hbm>>
            tpu.wait_indirect_dma semaphore(%run_scoped3A_369 : memref<!tpu.dma_semaphore, #tpu.memory_space<semaphore_mem>>) src(%arg10 : memref<16x128xf32, #tpu.memory_space<vmem>>) dst(%dma_wait3A_373 : memref<16896x128xf32, #tpu.memory_space<hbm>>)
            tpu.yield
          }) : () -> ()
          %swap3A_367 = arith.constant 0 : index
          %swap3A_368 = tpu.vector_load %arg11[%swap3A_367] {strides = array<i32>} : memref<16xi32, #tpu.memory_space<vmem>>, vector<16xi32>,
          tpu.vector_store %arg11[%swap3A_367], %add3A_57 {strides = array<i32>} : memref<16xi32, #tpu.memory_space<vmem>>, vector<16xi32>,
        } else {
        }
        %eq3A_356 = arith.constant 15 : i32
        %eq3A_357 = arith.cmpi eq, %get3A_299, %eq3A_356 : i32
        %add3A_358 = arith.constant 1 : i32
        %add3A_359 = arith.addi %get3A_299, %add3A_358 : i32
        %jit3A_360 = arith.constant 0 : i32
        %select_n3A_361 = arith.select %eq3A_357, %jit3A_360, %add3A_359 : i32
        %swap3A_362 = arith.constant 0 : i32
        %swap3A_363 = arith.index_cast %swap3A_362 : i32 to index
        %swap3A_364 = memref.load %arg13[%swap3A_363] : memref<4xi32, #tpu.memory_space<smem>>
        memref.store %select_n3A_361, %arg13[%swap3A_363] : memref<4xi32, #tpu.memory_space<smem>>
      }
    } else {
    }
    %get3A = arith.constant 0 : index
    %get3A_272 = tpu.vector_load %arg11[%get3A] {strides = array<i32>} : memref<16xi32, #tpu.memory_space<vmem>>, vector<16xi32>,
    "tpu.region"() ({
      %run_scoped3A = tpu.sem_alloc : memref<!tpu.dma_semaphore, #tpu.memory_space<semaphore_mem>>
      %dma_start3A = arith.constant 0 : i32
      %dma_start3A_273 = arith.constant 0 : i32
      %dma_start3A_274 = tpu.memref_slice %arg5[%dma_start3A, %dma_start3A_273] : memref<16896x128xf32, #tpu.memory_space<hbm>> -> memref<16896x128xf32, #tpu.memory_space<hbm>>
      tpu.enqueue_indirect_dma source(%arg10 : memref<16x128xf32, #tpu.memory_space<vmem>>) target(%dma_start3A_274 : memref<16896x128xf32, #tpu.memory_space<hbm>>) offsets(%get3A_272 : vector<16xi32>) semaphore(%run_scoped3A : memref<!tpu.dma_semaphore, #tpu.memory_space<semaphore_mem>>)
      %dma_wait3A = arith.constant 0 : i32
      %dma_wait3A_275 = arith.constant 0 : i32
      %dma_wait3A_276 = tpu.memref_slice %arg5[%dma_wait3A, %dma_wait3A_275] : memref<16896x128xf32, #tpu.memory_space<hbm>> -> memref<16896x128xf32, #tpu.memory_space<hbm>>
      tpu.wait_indirect_dma semaphore(%run_scoped3A : memref<!tpu.dma_semaphore, #tpu.memory_space<semaphore_mem>>) src(%arg10 : memref<16x128xf32, #tpu.memory_space<vmem>>) dst(%dma_wait3A_276 : memref<16896x128xf32, #tpu.memory_space<hbm>>)
      tpu.yield
    }) : () -> ()
    return
  }
}

</mosaic_0001>

<sc_bundles>
// kernel: kernel.3.cloned.1.call-start
scs
__scs_entry_jumppad:
0x0: {  	(pc) =	sbr.rel $0x88, $3  }
0x1: {  	(tag) =	ssettag $0x0;
	lr =	simm.s32 $0x1  }
0x2: {  	[smem:$0x3F9F] =	sst lr;
	_ =	strace $0xD0000000  }
0x3: {  	_ = 	snop  }
0x4: {  	_ = 	snop  }
0x5: {  	_ = 	snop  }
0x6: {  	_ = 	snop  }
0x7: {  	_ = 	snop  }
__scs_overlays_trampoline_lowered:
0x8: {  	[smem:$0x3FAE] =	sst s0  }
0x9: {  	[smem:$0x3FAF] =	sst s1  }
0xa: {  	[smem:$0x3FB0] =	sst s2  }
0xb: {  	[smem:$0x3FB1] =	sst s3  }
0xc: {  	[smem:$0x3FB2] =	sst s4  }
0xd: {  	[smem:$0x3FB3] =	sst s5  }
0xe: {  	[smem:$0x3FB4] =	sst s6  }
0xf: {  	[smem:$0x3FB5] =	sst s7  }
0x10: {  	[smem:$0x3FB6] =	sst s8  }
0x11: {  	[smem:$0x3FB7] =	sst s9;
	s0 =	simm.s32 @!p0 $0x0  }
0x12: {  	s1 =	sld [smem:$0x3F9D];
	s0 =	simm.s32 @p0 $0x1  }
0x13: {  	[smem:$0x3FB8] =	sst s0;
	s0 =	simm.s32 @!p1 $0x0  }
0x14: {  	s2 =	sld [smem:$0x3F9C];
	s0 =	simm.s32 @p1 $0x1  }
0x15: {  	[smem:$0x3FB9] =	sst s0;
	s0 =	simm.s32 @!p2 $0x0  }
0x16: {  	s3 =	sld [smem:$0x3FDB];
	s0 =	simm.s32 @p2 $0x1  }
0x17: {  	s4 =	simm.s32 $0x1BF5;
	[smem:$0x3FBB] =	sst s0  }
0x18: {  	s0 =	sld [smem:$0x3F9E];
	_ =	swait.ge [sflag:s4], $0x0  }
0x19: {  	s7 =	sld [smem:$0x3F9F]  }
0x1a: {  	s8 =	sadd.s32 $0xFFFFE003, lr  }
0x1b: {  	s9 =	sadd.s32 $0xFFFFFEF7, lr;
	s5 =	simm.s32 $0xFFFFFFFF;
	p2 =	slt.u32 s8, $0xFFFFF086  }
0x1c: {  	p1 =	slt.u32 s9, $0xF7A;
	s5 =	simm.s32 @!p2 $0x0  }
0x1d: {  	s5 =	simm.s32 @p1 $0x1;
	p0 =	seq.s32 s7, s2  }
0x1e: {  	s7 =	smul.u32 @!p0 $0xF7A, s2;
	p2 =	seq.s32 @!p0 s5, $0x0  }
0x1f: {  	s9 =	smul.u32 $0xF7A, s1;
	s8 =	simm.s32 @!p0 $0x1BF5;
	p2 =	por !p2, p0  }
0x20: {  	[sflag:s8] =	ssyncset.s32 @!p0 $0xFFFFF086;
	s6 =	sadd.s32 @!p0 s3, s7;
	s7 =	simm.s32 @!p0 $0x108  }
0x21: {  	s3 =	sadd.s32 s3, s9;
	s6 =	sadd.s32 @!p0 $0x88, s6;
	s7 =	simm.s32 @p2 $0x1082  }
0x22: {  	[simem:s7], [sflag:s8] =	dma.local @!p0 [hbm:s6], $0xF7A  }
0x23: {  	s9 =	sor.u32 $0xD0000000, s2;
	s6 =	simm.s32 $0x108;
	_ =	swait.ge @!p0 [sflag:s8], $0x0  }
0x24: {  	s3 =	sadd.s32 $0x88, s3;
	s6 =	simm.s32 @!p1 $0x1082;
	[sflag:s4] =	ssyncset.s32 $0xFFFFF086  }
0x25: {  	[simem:s6], [sflag:s4] =	dma.local [hbm:s3], $0xF7A  }
0x26: {  	[smem:$0x3F9F] =	sst s1;
	(tag) =	ssettag s2;
	_ =	strace s9  }
0x27: {  	s1 =	sld [smem:$0x3FAF]  }
0x28: {  	s2 =	sld [smem:$0x3FB0]  }
0x29: {  	s4 =	sld [smem:$0x3FB2]  }
0x2a: {  	p0 =	seq.s32 s5, $0x0;
	s5 =	sld [smem:$0x3FB3]  }
0x2b: {  	s6 =	sld [smem:$0x3FB4]  }
0x2c: {  	s7 =	sld [smem:$0x3FB5]  }
0x2d: {  	s3 =	simm.s32 $0x108;
	s8 =	sld [smem:$0x3FB6]  }
0x2e: {  	s3 =	simm.s32 @!p0 $0x1082;
	s9 =	sld [smem:$0x3FB7]  }
0x2f: {  	lr =	sadd.s32 s0, s3;
	s0 =	sld [smem:$0x3FAE]  }
0x30: {  	s3 =	sld [smem:$0x3FB1]  }
0x31: {  	[smem:$0x3FBA] =	sst s10  }
0x32: {  	s10 =	sld [smem:$0x3FB8];
	_ =	sdelay $0x3  }
0x33: {  	p0 =	seq.s32 s10, $0x1;
	s10 =	sld [smem:$0x3FBA];
	_ =	sdelay $0x3  }
0x34: {  	[smem:$0x3FBA] =	sst s10  }
0x35: {  	s10 =	sld [smem:$0x3FB9];
	_ =	sdelay $0x3  }
0x36: {  	p1 =	seq.s32 s10, $0x1;
	s10 =	sld [smem:$0x3FBA];
	_ =	sdelay $0x3  }
0x37: {  	[smem:$0x3FBA] =	sst s10  }
0x38: {  	s10 =	sld [smem:$0x3FBB]  }
0x39: {  	_ = 	snop;
	(pc) =	sbr.ind lr, $3  }
0x3a: {  	_ = 	snop  }
0x3b: {  	_ = 	snop  }
0x3c: {  	p2 =	seq.s32 s10, $0x1;
	s10 =	sld [smem:$0x3FBA]  }
0x3d: {  	_ =	shalt  }
0x3e: {  	_ =	shalt  }
0x3f: {  	_ =	shalt  }
0x40: {  	_ =	shalt  }
0x41: {  	_ =	shalt  }
0x42: {  	_ =	shalt  }
0x43: {  	_ =	shalt  }
0x44: {  	_ =	shalt  }
0x45: {  	_ =	shalt  }
0x46: {  	_ =	shalt  }
0x47: {  	_ =	shalt  }
0x48: {  	_ =	shalt  }
0x49: {  	_ =	shalt  }
0x4a: {  	_ =	shalt  }
0x4b: {  	_ =	shalt  }
0x4c: {  	_ =	shalt  }
0x4d: {  	_ =	shalt  }
0x4e: {  	_ =	shalt  }
0x4f: {  	_ =	shalt  }
0x50: {  	_ =	shalt  }
0x51: {  	_ =	shalt  }
0x52: {  	_ =	shalt  }
0x53: {  	_ =	shalt  }
0x54: {  	_ =	shalt  }
0x55: {  	_ =	shalt  }
0x56: {  	_ =	shalt  }
0x57: {  	_ =	shalt  }
0x58: {  	_ =	shalt  }
0x59: {  	_ =	shalt  }
0x5a: {  	_ =	shalt  }
0x5b: {  	_ =	shalt  }
0x5c: {  	_ =	shalt  }
0x5d: {  	_ =	shalt  }
0x5e: {  	_ =	shalt  }
0x5f: {  	_ =	shalt  }
0x60: {  	_ =	shalt  }
0x61: {  	_ =	shalt  }
0x62: {  	_ =	shalt  }
0x63: {  	_ =	shalt  }
0x64: {  	_ =	shalt  }
0x65: {  	_ =	shalt  }
0x66: {  	_ =	shalt  }
0x67: {  	_ =	shalt  }
0x68: {  	_ =	shalt  }
0x69: {  	_ =	shalt  }
0x6a: {  	_ =	shalt  }
0x6b: {  	_ =	shalt  }
0x6c: {  	_ =	shalt  }
0x6d: {  	_ =	shalt  }
0x6e: {  	_ =	shalt  }
0x6f: {  	_ =	shalt  }
0x70: {  	_ =	shalt  }
0x71: {  	_ =	shalt  }
0x72: {  	_ =	shalt  }
0x73: {  	_ =	shalt  }
0x74: {  	_ =	shalt  }
0x75: {  	_ =	shalt  }
0x76: {  	_ =	shalt  }
0x77: {  	_ =	shalt  }
0x78: {  	_ =	shalt  }
0x79: {  	_ =	shalt  }
0x7a: {  	_ =	shalt  }
0x7b: {  	_ =	shalt  }
0x7c: {  	_ =	shalt  }
0x7d: {  	_ =	shalt  }
0x7e: {  	_ =	shalt  }
0x7f: {  	_ =	shalt  }
0x80: {  	_ =	shalt  }
0x81: {  	_ =	shalt  }
0x82: {  	_ =	shalt  }
0x83: {  	_ =	shalt  }
0x84: {  	_ =	shalt  }
0x85: {  	_ =	shalt  }
0x86: {  	_ =	shalt  }
0x87: {  	_ =	shalt  }
.Lfunc_end0:
.L_simem_size_0:
called_computation_lowered:
.L_overlay_start_0:
0x88: {  	s2 =	sld [smem:$0x3FD9]  }
0x89: {  	s3 =	sld [smem:$0x3FFE];
	_ =	sdelay $0x1  }
0x8a: {  	s1 =	srdreg.scid  }
0x8b: {  	s0 =	sand.u32 $0x1, s1  }
0x8c: {  	s17 =	sshll.u32 s0, $0xA;
	s2 =	sadd.s32 s3, s2  }
0x8d: {  	s2 =	sadd.s32 s2, s17  }
0x8e: {  	[smem:$0x3FC6] =	sst s2  }
0x8f: {  	_ = 	snop  }
0x90: {  	s2 =	sld [smem:$0x3FC9]  }
0x91: {  	s18 =	sld [smem:$0x3FC8]  }
0x92: {  	s4 =	sld [smem:$0x3FD0];
	(tm) =	ssettm $0x1  }
0x93: {  	s5 =	sld [smem:$0x3FFB];
	_ =	sdelay $0x3  }
0x94: {  	_ =	strace s5  }
0x95: {  	s5 =	sld [smem:$0x3FFC];
	_ =	sdelay $0x3  }
0x96: {  	_ =	strace s5  }
0x97: {  	s5 =	sld [smem:$0x3FFD];
	_ =	sdelay $0x3  }
0x98: {  	_ =	strace s5  }
0x99: {  	_ =	strace $0x8FFFFFFF  }
0x9a: {  	s19 =	sld [smem:$0x3FDB];
	_ =	sdelay $0x1  }
0x9b: {  	s6 =	simm.s32 $_scs_section_size  }
0x9c: {  	s7 =	simm.s32 $_size__tile_overlayer_lowered;
	s8 =	simm.s32 $_tile_overlayer_lowered  }
0x9d: {  	s22 =	simm.s32 $0x1BFF;
	s21 =	sshll.u32 s8, $0x1;
	s5 =	sadd.s32 s6, s19  }
0x9e: {  	s9 =	simm.s32 $0x0;
	s20 =	sshll.u32 s7, $0x1;
	s7 =	sadd.s32 s21, s5  }
0x9f: {  	[timem:s9], [sflag:s22] =	dma.local [hbm:s7], s20  }
0xa0: {  	_ =	swait.ge [sflag:s22], s20  }
0xa1: {  	s6 =	ssub.s32 $0x0, s20;
	[sflag:s22] =	ssyncset.done $0x0  }
0xa2: {  	[sflag:s22] =	ssyncadd.s32 s6;
	_ =	sdelay $0x1  }
0xa3: {  	s23 =	simm.s32 $0x1B8B  }
0xa4: {  	_ =	swait.ge [sflag:s23], $0x1  }
0xa5: {  	[sflag:s23] =	ssyncset.done $0x0  }
0xa6: {  	s25 =	simm.s32 $0x1B8E;
	s24 =	sld [smem:$0x3FFE];
	[sflag:s23] =	ssyncadd.s32 $0xFFFFFFFF  }
0xa7: {  	s26 =	simm.s32 $execute0_lowered;
	[smem:$0x3FD2] =	sst s25  }
0xa8: {  	s7 =	sshll.u32 s26, $0x1;
	_ =	strace $0x80000046;
	[dreg:$0x1] =	wrdreg $0xFFFFFFFF  }
0xa9: {  	s28 =	simm.s32 $_size_execute0_lowered;
	s5 =	sadd.s32 s5, s7;
	[dreg:$0x0] =	wrdreg $0x0  }
0xaa: {  	s7 =	sshll.u32 s28, $0x1;
	[dreg:$0x2] =	wrdreg s5  }
0xab: {  	[dreg:$0x3] =	wrdreg s7  }
0xac: {  	[dreg:$0x4] =	wrdreg $0xC0  }
0xad: {  	_ =	task [dreg:s9], $0x5FFFF  }
0xae: {  	[dreg:$0x1] =	wrdreg $0xFFFFFFFF  }
0xaf: {  	[dreg:$0x0] =	wrdreg $0x60  }
0xb0: {  	[dreg:$0x2] =	wrdreg s2  }
0xb1: {  	[dreg:$0x3] =	wrdreg s18  }
0xb2: {  	[dreg:$0x4] =	wrdreg s4  }
0xb3: {  	[dreg:$0x5] =	wrdreg s24  }
0xb4: {  	[dreg:$0x6] =	wrdreg $0x9  }
0xb5: {  	_ =	task.clear_ibuf [dreg:s9], $0x7FFFF;
	_ =	strace $0x90000046  }
0xb6: {  	s29 =	simm.s32 $0x9;
	_ =	strace $0x80000048  }
0xb7: {  	_ =	swait.ge [sflag:s29], $0x1  }
0xb8: {  	[sflag:s29] =	ssyncadd.s32 $0xFFFFFFFF  }
0xb9: {  	_ =	strace $0x90000048  }
0xba: {  	_ =	sfence  }
0xbb: {  	s30 =	sld [smem:$0x0];
	_ =	sdelay $0x2  }
0xbc: {  	s31 =	sshll.u32 s1, $0xD;
	s1 =	sshrl.u32 s1, $0x2  }
0xbd: {  	s3 =	sand.u32 $0x4000, s31;
	s1 =	sadd.s32 s1, s30  }
0xbe: {  	s0 =	sor.u32 s3, s0;
	s1 =	sshll.u32 s1, $0x11  }
0xbf: {  	s0 =	sor.u32 s1, s0  }
0xc0: {  	s0 =	sadd.s32 $0x8F2B, s0  }
0xc1: {  	[sflag:s0] =	ssyncadd.remote.s32 $0x1  }
0xc2: {  	_ =	sfence.sel $0xFFFF  }
0xc3: {  	[dreg:$0x0] =	wrdreg $0xFFFFFFFF;
	(pc) =	sbr.abs _section_cstart, $3  }
0xc4: {  	[dreg:$0x1] =	wrdreg $0xFFFFFFFF  }
0xc5: {  	_ =	task.clear_ibuf [dreg:s9], $0x2FFFF;
	_ =	strace $0x9FFFFFFF  }
0xc6: {  	(tm) =	ssettm $0x7FFFFFFF  }
0xc7: {  	_ =	shalt  }
tec
execute0_lowered:
.L_overlay_start_1:
0x0: {  	(tag) =	ssettag $0x1  }
0x1: {  	s0 =	srdreg.scid;
	s1 =	stileid.u32  }
0x2: {  	s3 =	sand.u32 $0x1, s0;
	s12 =	sshll.u32 s1, $0x1  }
0x3: {  	s0 =	sor.u32 s3, s12  }
0x4: {  	s13 =	smul.u32 $0xF42, s0;
	_ =	sdelay $0x1  }
0x5: {  	s2 =	sadd.s32 $0xF42, s13  }
0x6: {  	s11 =	sshrl.u32 s13, $0x5;
	s2 =	sshrl.u32 s2, $0x5  }
0x7: {  	s16 =	rddreg [dreg:$0x3];
	s1 =	simm.s32 $0x1;
	s12 =	ssub.s32 s2, s11  }
0x8: {  	p2 =	seq.s32 s0, $0x1F;
	s4 =	sshll.u32 s2, $0x8;
	p1 =	sgt.s32 s12, $0x0  }
0x9: {  	s5 =	smul.u32 $0xFFFFCCCD, s12;
	p6 =	slt.s32 s12, $0x1;
	s6 =	sshra.s32 s12, $0x1F  }
0xa: {  	s4 =	simm.s32 @p2 $0x40000000;
	s1 =	simm.s32 @!p1 $0x0;
	p1 =	seq.s32 @!p6 s12, $0x1  }
0xb: {  	s15 =	sshll.u32 s12, $0x10;
	s5 =	sadd.s32 $0x1999, s5;
	p3 =	por p1, p6  }
0xc: {  	s1 =	sadd.s32 s1, s6;
	s6 =	sshra.s32 s15, $0x10;
	s7 =	simm.s32 @!p3 $0x0  }
0xd: {  	s5 =	sand.u32 $0xFFFF, s5;
	p0 =	slt.u32 @!p3 s12, $0x3;
	s7 =	simm.s32 @p3 $0x1  }
0xe: {  	s6 =	smul.u32 $0x6667, s6;
	p3 =	sne.s32 s1, $0x1;
	[smem:$0x7F7] =	sst s7  }
0xf: {  	p4 =	sgt.u32 s5, $0x3332;
	s1 =	simm.s32 @!p0 $0x0;
	s14 =	sld [smem:$0x7F7]  }
0x10: {  	p5 =	por @!p6 p0, p1;
	s1 =	simm.s32 @p0 $0x1;
	p3 =	por !p4, !p3  }
0x11: {  	v0 =	vimm.s32 $0xB80;
	vm14 =	vcmask $0x300;
	p4 =	por p5, p6;
	[smem:$0x7FA] =	sst s1;
	p3 =	por !p3, !p3  }
0x12: {  	vm13 =	vcmask $0x704;
	v0 =	vsel vm14, $0x0, v0;
	s1 =	simm.s32 $0x1;
	p2 =	seq.s32 @!p4 s12, $0x3;
	p5 =	seq.s32 s14, $0x1  }
0x13: {  	vm10 =	vcmask $0xB08;
	v0 =	vsel vm13, $0x80, v0;
	s17 =	ssub.s32 $0x2, s3;
	s1 =	simm.s32 @!p3 $0x0;
	p3 =	por @!p5 p2, p0  }
0x14: {  	vm11 =	vcmask $0xF0C;
	v0 =	vsel vm10, $0x100, v0;
	s10 =	sshrl.u32 s6, $0x1F;
	s6 =	sshra.s32 s6, $0x11;
	p3 =	por @!p6 p3, p1  }
0x15: {  	vm7 =	vcmask $0x1310;
	s3 =	sshrl.u32 s17, $0x1;
	v0 =	vsel vm11, $0x180, v0;
	s6 =	sadd.s32 s10, s6;
	p3 =	por p3, p6  }
0x16: {  	vm8 =	vcmask $0x1714;
	v0 =	vsel vm7, $0x200, v0;
	s13 =	rddreg [dreg:$0x2];
	s6 =	ssub.s32 s6, s1;
	s8 =	simm.s32 @!p3 $0x0  }
0x17: {  	vm12 =	vcmask $0x1B18;
	v0 =	vsel vm8, $0x280, v0;
	s5 =	rddreg [dreg:$0x1];
	s18 =	smul.u32 $0x500, s6;
	s8 =	simm.s32 @p3 $0x1  }
0x18: {  	vm9 =	vcmask $0x1F1C;
	v0 =	vsel vm12, $0x300, v0;
	s7 =	smul.u32 $0x5, s6;
	[smem:$0x7F8] =	sst s8;
	s8 =	simm.s32 @!p4 $0x0  }
0x19: {  	vm4 =	vcmask $0x2320;
	v0 =	vsel vm9, $0x380, v0;
	s1 =	ssub.s32 s17, s3;
	s21 =	sshra.s32 s18, $0x2;
	s8 =	simm.s32 @p4 $0x1  }
0x1a: {  	vm5 =	vcmask $0x2724;
	v0 =	vsel vm4, $0x800, v0;
	s14 =	sadd.s32 $0x2, s7;
	[smem:$0x7F9] =	sst s8;
	s8 =	simm.s32 $0x0  }
0x1b: {  	vm0 =	vcmask $0x2B28;
	v1 =	vsel vm5, $0x880, v0;
	s3 =	sadd.s32 $0x1C080, s21;
	s17 =	sshll.u32 s14, $0x8;
	[smem:$0x7FF] =	sst s8  }
0x1c: {  	vm1 =	vcmask $0x2F2C;
	v2 =	vsel vm0, $0x900, v1;
	s25 =	sshra.s32 s17, $0x2;
	_ =	strace $0x80000047;
	[dreg:$0x5] =	wrdreg s11  }
0x1d: {  	vm2 =	vcmask $0x3330;
	v3 =	vsel vm1, $0x980, v2;
	s26 =	sadd.s32 $0x1C080, s25;
	[dreg:$0xd] =	wrdreg s3  }
0x1e: {  	v4 =	vsel vm2, $0xA00, v3;
	v3 =	vmov s4;
	s4 =	smax.u32 s1, $0x1;
	[dreg:$0x12] =	wrdreg s26  }
0x1f: {  	[dreg:$0x14] =	wrdreg s4  }
0x20: {  	s22 =	sadd.s32 $0x1, s7;
	[dreg:$0x7] =	wrdreg s7  }
0x21: {  	[dreg:$0xb] =	wrdreg s22  }
0x22: {  	s28 =	simm.s32 $0x5;
	s31 =	simm.s32 $0x10000;
	[dreg:$0xc] =	wrdreg s14  }
0x23: {  	s9 =	sshll.u32 s0, $0x4;
	s15 =	sadd.s32 $0x3, s7;
	[dreg:$0x6] =	wrdreg s12  }
0x24: {  	s9 =	sor.u32 $0x4000, s9;
	s21 =	sadd.s32 $0x100, s13;
	[dreg:$0x10] =	wrdreg s15  }
0x25: {  	s10 =	sadd.s32 $0x400, s16;
	s25 =	sadd.s32 $0x280, s13;
	[dreg:$0x18] =	wrdreg s21  }
0x26: {  	s30 =	smul.u32 $0xFFFFFB00, s6;
	s16 =	sshll.u32 s22, $0x8;
	[dreg:$0x1b] =	wrdreg s25  }
0x27: {  	s23 =	sshll.u32 s15, $0x8;
	s24 =	sshra.s32 s16, $0x2;
	[dreg:$0xe] =	wrdreg s16  }
0x28: {  	p3 =	slt.u32 @!p3 s12, $0x5;
	s3 =	sadd.s32 $0x1C080, s24;
	[dreg:$0xf] =	wrdreg s17  }
0x29: {  	vm3 =	vcmask $0x3734;
	vm6 =	vcmask $0x3B38;
	v6 =	vimm.s32 $0x1B80;
	p0 =	por @!p4 p3, p2;
	p2 =	sge.s32 s14, s12;
	[dreg:$0x11] =	wrdreg s3  }
0x2a: {  	v7 =	vimm.s32 $0x2B80;
	v8 =	vimm.s32 $0x3B80;
	v6 =	vsel vm14, $0x1000, v6;
	p4 =	sne.s32 s0, $0x1F;
	s24 =	sadd.s32 $0x200, s13;
	s29 =	sld [smem:$0x7FA]  }
0x2b: {  	v7 =	vsel vm14, $0x2000, v7;
	v8 =	vsel vm14, $0x3000, v8;
	v0 =	vlaneseq.u32;
	s11 =	sshll.u32 s11, $0x8;
	s26 =	sadd.s32 $0x300, s13;
	[dreg:$0x1a] =	wrdreg s24  }
0x2c: {  	v6 =	vsel vm13, $0x1080, v6;
	v7 =	vsel vm13, $0x2080, v7;
	v1 =	vor.u32 s9, v0;
	s14 =	simm.s32 $0x8000;
	s9 =	sadd.s32 s5, s11;
	[dreg:$0x1c] =	wrdreg s26  }
0x2d: {  	v8 =	vsel vm13, $0x3080, v8;
	v6 =	vsel vm10, $0x1100, v6;
	v7 =	vsel vm10, $0x2100, v7;
	s25 =	simm.s32 $0x4;
	s19 =	sadd.s32 $0x100, s9;
	[dreg:$0x8] =	wrdreg s9  }
0x2e: {  	v8 =	vsel vm10, $0x3100, v8;
	v6 =	vsel vm11, $0x1180, v6;
	v7 =	vsel vm11, $0x2180, v7;
	s3 =	sshra.s32 s23, $0x2;
	s20 =	sadd.s32 $0x200, s9;
	[dreg:$0x9] =	wrdreg s19  }
0x2f: {  	v8 =	vsel vm11, $0x3180, v8;
	v6 =	vsel vm7, $0x1200, v6;
	v7 =	vsel vm7, $0x2200, v7;
	s4 =	simm.s32 $0x0;
	s0 =	sadd.s32 $0x1C080, s3;
	[dreg:$0xa] =	wrdreg s20  }
0x30: {  	v8 =	vsel vm7, $0x3200, v8;
	v6 =	vsel vm8, $0x1280, v6;
	v7 =	vsel vm8, $0x2280, v7;
	s24 =	simm.s32 $0x4000;
	s18 =	sadd.s32 $0x300, s9;
	[dreg:$0x13] =	wrdreg s0  }
0x31: {  	v8 =	vsel vm8, $0x3280, v8;
	v6 =	vsel vm12, $0x1300, v6;
	v7 =	vsel vm12, $0x2300, v7;
	s26 =	simm.s32 $0xC000;
	s0 =	simm.s32 @!p6 $0x0;
	[dreg:$0x15] =	wrdreg s18  }
0x32: {  	v8 =	vsel vm12, $0x3300, v8;
	v6 =	vsel vm9, $0x1380, v6;
	v7 =	vsel vm9, $0x2380, v7;
	s19 =	sadd.s32 $0x400, s9;
	s20 =	sadd.s32 $0x80, s13;
	p3 =	seq.s32 s29, $0x1  }
0x33: {  	v8 =	vsel vm9, $0x3380, v8;
	v6 =	vsel vm4, $0x1800, v6;
	v7 =	vsel vm4, $0x2800, v7;
	s0 =	simm.s32 @p6 $0x1;
	[dreg:$0x16] =	wrdreg s19;
	s19 =	smov.u32 s6  }
0x34: {  	v8 =	vsel vm4, $0x3800, v8;
	v6 =	vsel vm5, $0x1880, v6;
	v7 =	vsel vm5, $0x2880, v7;
	[dreg:$0x17] =	wrdreg s20;
	s29 =	sadd.s32 $0x380, s13;
	p0 =	por @!p5 p0, p3  }
0x35: {  	v8 =	vsel vm5, $0x3880, v8;
	v6 =	vsel vm0, $0x1900, v6;
	v7 =	vsel vm0, $0x2900, v7;
	[smem:$0x7FB] =	sst s0;
	p3 =	sge.s32 s15, s12;
	p0 =	por @!p6 p0, p1  }
0x36: {  	v8 =	vsel vm0, $0x3900, v8;
	vm0 =	vmmov $0xffff;
	v6 =	vsel vm1, $0x1980, v6;
	[dreg:$0x1d] =	wrdreg s29;
	p1 =	sge.s32 s22, s12;
	p0 =	por p0, p6  }
.Ltmp0:
0x37: {  	v7 =	vsel vm1, $0x2980, v7;
	v8 =	vsel vm1, $0x3980, v8;
	v6 =	vsel vm2, $0x1A00, v6;
	s22 =	sadd.s32 $0x180, s13;
	s0 =	simm.s32 @!p0 $0x0;
	(pc) =	sbr.rel .LBB2_1-.Ltmp0, $4  }
0x38: {  	v7 =	vsel vm2, $0x2A00, v7;
	v8 =	vsel vm2, $0x3A00, v8;
	v5 =	vsel vm3, $0xA80, v4;
	s13 =	simm.s32 $0x3;
	s0 =	simm.s32 @p0 $0x1;
	p0 =	slt.s32 s6, $0x1  }
0x39: {  	v4 =	vimm.s32 $0x0;
	v6 =	vsel vm3, $0x1A80, v6;
	v7 =	vsel vm3, $0x2A80, v7;
	p6 =	sge.s32 s7, s12;
	[smem:$0x7FC] =	sst s0;
	s0 =	simm.s32 @!p0 $0x0  }
0x3a: {  	v8 =	vsel vm3, $0x3A80, v8;
	v5 =	vsel vm6, $0xB00, v5;
	v6 =	vsel vm6, $0x1B00, v6;
	[dreg:$0x19] =	wrdreg s22;
	s22 =	simm.s32 $0x2;
	s0 =	simm.s32 @p0 $0x1  }
0x3b: {  	v7 =	vsel vm6, $0x2B00, v7;
	v8 =	vsel vm6, $0x3B00, v8;
	v2 =	vmov s11;
	s7 =	simm.s32 $0x6;
	[smem:$0x7FD] =	sst s0;
	s0 =	simm.s32 $0x14000  }
.LBB2_44:
0x3c: {  	v9 =	vld [tilespmem:$0x1E800];
	_ =	sdelay $0x6  }
0x3d: {  	s1 =	simm.s32 $0x1E000;
	s3 =	simm.s32 $0x7  }
0x3e: {  	[hbm4b:s10+s8] =	stream.indirect_vreg.scatter [tilespmem:s1], [sflag:$0x7], $0x80, v9, vm0, $0xb8;
	[tilespmem:$0x1E880] =	vst v63  }
0x3f: {  	_ =	swait.ge [sflag:s3], $0x800  }
0x40: {  	s4 =	rddreg [dreg:$0x1e]  }
0x41: {  	s29 =	rddreg [dreg:$0x14];
	s4 =	sadd.s32 $0x1, s4  }
0x42: {  	p0 =	sne.s32 s4, s29  }
.Ltmp1:
0x43: {  	_ = 	snop;
	(pc) =	sbr.rel @!p0 .LBB2_45-.Ltmp1, $3  }
0x44: {  	_ =	sdelay $0x1  }
0x45: {  	[sflag:s3] =	ssyncset.done $0x0  }
0x46: {  	[sflag:s3] =	ssyncadd.s32 $0xFFFFF800  }
.LBB2_1:
0x47: {  	[dreg:$0x1e] =	wrdreg s4  }
0x48: {  	s1 =	rddreg [dreg:$0x0]  }
0x49: {  	s16 =	sld [smem:$0x7FB]  }
0x4a: {  	s6 =	rddreg [dreg:$0x8]  }
0x4b: {  	s17 =	sld [smem:$0x7F7]  }
0x4c: {  	s18 =	sld [smem:$0x7F9]  }
0x4d: {  	s20 =	sld [smem:$0x7F8]  }
0x4e: {  	[tilespmem:s8], [sflag:$0x1] =	stream.linear.gather [hbm4b:s1+s8], $0x4000, $0x38;
	[tilespmem:$0x1E880] =	vst v63  }
0x4f: {  	s21 =	sld [smem:$0x7FC];
	p0 =	seq.s32 s16, $0x1  }
0x50: {  	s1 =	simm.s32 @!p0 $0x800;
	s3 =	simm.s32 @!p0 $0x7A1400;
	s4 =	simm.s32 @!p0 $0x4000  }
0x51: {  	[tilespmem:s4], [sflag:$0x2] =	stream.strided.gather @!p0 [hbm4b:s6+s1], $0x4000, s3, s1, $0x38;
	[tilespmem:$0x1E880] =	vst v63  }
0x52: {  	p0 =	seq.s32 s17, $0x1;
	s6 =	rddreg [dreg:$0x9]  }
0x53: {  	s1 =	simm.s32 @!p0 $0x800;
	s3 =	simm.s32 @!p0 $0x7A1400;
	s4 =	simm.s32 @!p0 $0x8000  }
0x54: {  	[tilespmem:s4], [sflag:$0x3] =	stream.strided.gather @!p0 [hbm4b:s6+s1], $0x4000, s3, s1, $0x38;
	[tilespmem:$0x1E880] =	vst v63  }
0x55: {  	p0 =	seq.s32 s18, $0x1;
	s6 =	rddreg [dreg:$0xa]  }
0x56: {  	s1 =	simm.s32 @!p0 $0x800;
	s3 =	simm.s32 @!p0 $0x7A1400;
	s4 =	simm.s32 @!p0 $0xC000  }
0x57: {  	[tilespmem:s4], [sflag:$0x4] =	stream.strided.gather @!p0 [hbm4b:s6+s1], $0x4000, s3, s1, $0x38;
	[tilespmem:$0x1E880] =	vst v63  }
0x58: {  	p0 =	seq.s32 s20, $0x1;
	s6 =	rddreg [dreg:$0x15]  }
0x59: {  	s1 =	simm.s32 @!p0 $0x800;
	s3 =	simm.s32 @!p0 $0x7A1400;
	s4 =	simm.s32 @!p0 $0x10000  }
0x5a: {  	[tilespmem:s4], [sflag:$0x5] =	stream.strided.gather @!p0 [hbm4b:s6+s1], $0x4000, s3, s1, $0x38;
	[tilespmem:$0x1E880] =	vst v63  }
0x5b: {  	s29 =	simm.s32 $0x1;
	p0 =	seq.s32 s21, $0x1  }
0x5c: {  	p5 =	por $0x0, $0x0;
	s6 =	rddreg [dreg:$0x16];
	s1 =	simm.s32 @!p0 $0x800  }
.Ltmp2:
0x5d: {  	s3 =	simm.s32 @!p0 $0x7A1400;
	s4 =	simm.s32 @!p0 $0x14000;
	(pc) =	sbr.rel @p5 .LBB2_6-.Ltmp2, $4  }
0x5e: {  	[tilespmem:s4], [sflag:$0x6] =	stream.strided.gather @!p0 [hbm4b:s6+s1], $0x4000, s3, s1, $0x38;
	[tilespmem:$0x1E880] =	vst v63  }
0x5f: {  	s11 =	simm.s32 $0x0;
	_ =	swait.ge [sflag:s29], $0x4000  }
0x60: {  	s6 =	simm.s32 $0x10;
	p0 =	por $0x0, $0x0;
	[sflag:s29] =	ssyncset.done $0x0  }
0x61: {  	s3 =	simm.s32 $0x0;
	s1 =	simm.s32 $0x0;
	[sflag:s29] =	ssyncadd.s32 $0xFFFFC000  }
0x62: {  	v9 =	vld [tilespmem:s8+$0x0];
	_ =	sdelay $0x4  }
0x63: {  	vm1 =	vlt.s32 v9, v2;
	vm2 =	vge.s32 v9, v3  }
0x64: {  	vm1 =	vmor vm1, vm2  }
0x65: {  	v9 =	vsub.s32 v9, v2;
	vm2 =	vmneg vm1  }
0x66: {  	v9 =	vshll.u32 v9, $0xE;
	v10 =	vsel vm2, $0x1, v4  }
0x67: {  	v9 =	vadd.s32 s8, v9;
	(xrf0) =	vadd.scan.msk.s32 $0xffff, v10;
	v10 =	vsel vm1, $0x1, v4  }
0x68: {  	v9 =	vadd.s32 v0, v9;
	v10 =	vor.u32 $0x80000000, v10  }
0x69: {  	(xrf1) =	vsort.ascd.msk.u32 $0xffff, v10, v9;
	_ =	sdelay $0x2  }
0x6a: {  	p5 =	por $0x0, $0x0  }
.Ltmp3:
0x6b: {  	_ = 	snop;
	(pc) =	sbr.rel @p5 .LBB2_3-.Ltmp3, $3  }
0x6c: {  	_ =	sdelay $0x1  }
0x6d: {  	s12 =	simm.s32 $0x20;
	v11, _, _ =	vpop (xrf0)  }
0x6e: {  	p0 =	por $0x1, $0x1;
	s3 =	simm.s32 $0x0;
	s11 =	simm.s32 $0x0;
	(v2sf) =	vpush v11, $0xF  }
.LBB2_4:
0x6f: {  	p5 =	seq.s32 s12, $0x3FF0;
	_ =	sdelay $0x4  }
0x70: {  	_, v9, _ =	vpop (xrf1)  }
0x71: {  	s11 =	sadd.s32 $0x10, s11;
	[tilespmem:s3+$0x18000] =	vst v9  }
0x72: {  	v9 =	vld [tilespmem:s11+$0x0];
	_ =	sdelay $0x4  }
0x73: {  	vm1 =	vlt.s32 v9, v2;
	vm2 =	vge.s32 v9, v3;
	v9 =	vsub.s32 v9, v2  }
0x74: {  	vm1 =	vmor vm1, vm2;
	v9 =	vshll.u32 v9, $0xE  }
0x75: {  	v9 =	vadd.s32 s6, v9;
	v10 =	vsel vm1, $0x1, v4;
	vm1 =	vmneg vm1;
	s1 =	spop (v2sf);
	s6 =	smov.u32 s12  }
0x76: {  	v9 =	vadd.s32 v0, v9;
	v10 =	vor.u32 $0x80000000, v10;
	v11 =	vsel vm1, $0x1, v4;
	s3 =	sadd.s32 s3, s1  }
0x77: {  	(xrf1) =	vsort.ascd.msk.u32 $0xffff, v10, v9  }
0x78: {  	(xrf0) =	vadd.scan.msk.s32 $0xffff, v11;
	_ =	sdelay $0x2  }
.Ltmp4:
0x79: {  	(pc) =	sbr.rel @!p5 .LBB2_4-.Ltmp4, $3  }
0x7a: {  	_ =	sdelay $0x1  }
0x7b: {  	v9, _, _ =	vpop (xrf0)  }
0x7c: {  	s12 =	sadd.s32 $0x10, s12;
	(v2sf) =	vpush v9, $0xF  }
0x7d: {  	s1 =	smov.u32 s6  }
.LBB2_6:
0x7e: {  	_ =	sdelay $0x3  }
0x7f: {  	s4 =	sadd.s32 @p0 $0x10, s11;
	s6 =	simm.s32 $0x0;
	_, v9, _ =	vpop @p0 (xrf1)  }
0x80: {  	s6 =	smov.u32 @p0 s4;
	[tilespmem:s3+$0x18000] =	vst @p0 v9  }
0x81: {  	v9 =	vld [tilespmem:s6+$0x0];
	_ =	sdelay $0x4  }
0x82: {  	vm1 =	vlt.s32 v9, v2;
	vm2 =	vge.s32 v9, v3  }
0x83: {  	vm1 =	vmor vm1, vm2  }
0x84: {  	vm2 =	vmneg vm1  }
0x85: {  	v10 =	vsel vm2, $0x1, v4  }
0x86: {  	(xrf0) =	vadd.scan.msk.s32 $0xffff, v10;
	_ =	sdelay $0x3  }
0x87: {  	v9 =	vsub.s32 v9, v2  }
0x88: {  	v9 =	vshll.u32 v9, $0xE  }
0x89: {  	v9 =	vadd.s32 s1, v9;
	v10 =	vsel vm1, $0x1, v4;
	v11, _, _ =	vpop (xrf0)  }
0x8a: {  	v9 =	vadd.s32 v0, v9;
	v10 =	vor.u32 $0x80000000, v10;
	(v2sf) =	vpush v11, $0xF  }
0x8b: {  	(xrf1) =	vsort.ascd.msk.u32 $0xffff, v10, v9;
	_ =	sdelay $0xb  }
0x8c: {  	s1 =	spop @p0 (v2sf)  }
0x8d: {  	s11 =	simm.s32 $0x0;
	s4 =	simm.s32 $0x0;
	s3 =	sadd.s32 @p0 s3, s1  }
0x8e: {  	s1 =	smov.u32 s3;
	s4 =	smov.u32 @p0 s3;
	_, v9, _ =	vpop (xrf1);
	s3 =	spop (v2sf)  }
0x8f: {  	s6 =	simm.s32 $0x4;
	s1 =	smov.u32 @p0 s1;
	[tilespmem:s4+$0x18000] =	vst v9;
	s4 =	sadd.s32 s4, s3  }
.LBB2_7:
0x90: {  	p0 =	seq.s32 s6, $0x1EC  }
0x91: {  	[smem:s11] =	sst s8;
	s11 =	smov.u32 s6;
	s6 =	sadd.s32 $0x4, s6  }
.Ltmp5:
0x92: {  	(pc) =	sbr.rel @!p0 .LBB2_7-.Ltmp5, $2  }
0x93: {  	_ =	sdelay $0x2  }
0x94: {  	s11 =	sshra.s32 s11, $0x2  }
0x95: {  	p0 =	slt.s32 s4, $0x1  }
.Ltmp6:
0x96: {  	_ = 	snop;
	(pc) =	sbr.rel @p0 .LBB2_12-.Ltmp6, $2  }
0x97: {  	_ =	sdelay $0x2  }
0x98: {  	[smem:s11] =	sst s8  }
0x99: {  	s4 =	sadd.s32 s1, s3;
	s3 =	simm.s32 $0x18000  }
0x9a: {  	v9 =	vld [tilespmem:s3+$0x0];
	_ =	sdelay $0x4  }
0x9b: {  	(v2sf) =	vpush v9, $0x0;
	_ =	sdelay $0xe  }
0x9c: {  	s29 =	spop (v2sf)  }
0x9d: {  	s11 =	sshra.s32 s29, $0x16  }
0x9e: {  	s12 =	sld [smem:s11+$0x0];
	_ =	sdelay $0x2  }
0x9f: {  	p5 =	sgt.s32 s12, $0x3F  }
0xa0: {  	s1 =	sshll.u32 @!p5 s11, $0x6  }
0xa1: {  	s1 =	sadd.s32 @!p5 s12, s1  }
0xa2: {  	s6 =	sadd.s32 $0xFFFFFFFF, s4;
	s1 =	sand.u32 @!p5 $0xFFFFFFF0, s1  }
0xa3: {  	p0 =	sne.s32 s6, $0x0;
	v10 =	vld @!p5 [tilespmem:s1+$0x1C080]  }
.Ltmp7:
0xa4: {  	_ = 	snop;
	(pc) =	sbr.rel @!p0 .LBB2_11-.Ltmp7, $4  }
0xa5: {  	s15 =	sand.u32 @!p5 $0xF, s12  }
0xa6: {  	v9 =	vbroadcast @!p5 v9, $0x0;
	v12 =	vlaneseq.u32 @!p5;
	v11 =	vmov @!p5 s15  }
0xa7: {  	s4 =	sadd.s32 @!p5 $0x1, s12;
	vm1 =	veq.s32 @!p5 v11, v12  }
0xa8: {  	[smem:s11] =	sst @!p5 s4;
	v9 =	vsel @!p5 vm1, v9, v10  }
.LBB2_10:
0xa9: {  	s6 =	sadd.s32 $0xFFFFFFFF, s6;
	[tilespmem:s1+$0x1C080] =	vst @!p5 v9;
	s3 =	sadd.s32 $0x1, s3  }
0xaa: {  	v9 =	vld [tilespmem:s3+$0x0];
	p0 =	sne.s32 s6, $0x0;
	_ =	sdelay $0x4  }
0xab: {  	(v2sf) =	vpush v9, $0x0;
	_ =	sdelay $0xe  }
0xac: {  	s1 =	spop (v2sf)  }
0xad: {  	s1 =	sshra.s32 s1, $0x16  }
0xae: {  	s4 =	sld [smem:s1+$0x0];
	_ =	sdelay $0x2  }
0xaf: {  	p5 =	sgt.s32 s4, $0x3F  }
0xb0: {  	s11 =	sshll.u32 @!p5 s1, $0x6;
	s12 =	sand.u32 @!p5 $0xF, s4;
	v9 =	vbroadcast @!p5 v9, $0x0;
	s15 =	sadd.s32 @!p5 $0x1, s4  }
0xb1: {  	v11 =	vlaneseq.u32 @!p5;
	s4 =	sadd.s32 @!p5 s4, s11;
	v10 =	vmov @!p5 s12;
	[smem:s1] =	sst @!p5 s15  }
0xb2: {  	s1 =	sand.u32 @!p5 $0xFFFFFFF0, s4;
	vm1 =	veq.s32 @!p5 v10, v11  }
0xb3: {  	v10 =	vld @!p5 [tilespmem:s1+$0x1C080]  }
.Ltmp8:
0xb4: {  	(pc) =	sbr.rel @p0 .LBB2_10-.Ltmp8, $2  }
0xb5: {  	_ =	sdelay $0x2  }
0xb6: {  	v9 =	vsel @!p5 vm1, v9, v10  }
.LBB2_11:
0xb7: {  	[tilespmem:s1+$0x1C080] =	vst @!p5 v9  }
.LBB2_12:
0xb8: {  	s1 =	sld [smem:$0x7FD];
	_ =	sdelay $0x2  }
0xb9: {  	p0 =	seq.s32 s1, $0x1  }
.Ltmp9:
0xba: {  	_ = 	snop;
	(pc) =	sbr.rel @p0 .LBB2_30-.Ltmp9, $3  }
0xbb: {  	_ =	sdelay $0x1  }
0xbc: {  	s6 =	simm.s32 $0x0  }
0xbd: {  	[tilespmem:$0x1E800] =	vst v1;
	[smem:$0x80] =	sst s6  }
.Ltmp10:
0xbe: {  	(pc) =	sbr.rel .LBB2_14-.Ltmp10, $3  }
0xbf: {  	_ =	sdelay $0x1  }
0xc0: {  	s16 =	simm.s32 $0x1C080;
	s1 =	simm.s32 $0x1C0C0;
	s21 =	simm.s32 $0x1C100  }
0xc1: {  	s20 =	simm.s32 $0x1C140;
	s11 =	simm.s32 $0x1C180;
	s12 =	simm.s32 $0x0  }
.LBB2_29:
0xc2: {  	s3 =	sadd.s32 $0x9, s29  }
0xc3: {  	p0 =	sge.u32 s3, s2  }
0xc4: {  	s3 =	sshll.u32 @!p0 s3, $0x8  }
0xc5: {  	s12 =	sadd.s32 $0x1, s12;
	s4 =	simm.s32 @!p0 $0x800;
	s3 =	sand.u32 @!p0 $0x1FFFFF00, s3  }
0xc6: {  	s9 =	simm.s32 @!p0 $0x7A1400;
	s15 =	simm.s32 @!p0 $0x14000;
	s3 =	sadd.s32 @!p0 s5, s3  }
0xc7: {  	[tilespmem:s15], [sflag:$0x6] =	stream.strided.gather @!p0 [hbm4b:s3+s4], $0x4000, s9, s4, $0x38;
	[tilespmem:$0x1E880] =	vst v63  }
0xc8: {  	p0 =	sne.s32 s12, s19  }
.Ltmp11:
0xc9: {  	_ = 	snop;
	(pc) =	sbr.rel @!p0 .LBB2_30-.Ltmp11, $3  }
0xca: {  	_ =	sdelay $0x1  }
0xcb: {  	s16 =	sadd.s32 $0x140, s16;
	s1 =	sadd.s32 $0x140, s1  }
0xcc: {  	s21 =	sadd.s32 $0x140, s21;
	s20 =	sadd.s32 $0x140, s20;
	s11 =	sadd.s32 $0x140, s11  }
.LBB2_14:
0xcd: {  	_ =	swait.ge [sflag:s22], $0x4000  }
0xce: {  	s3 =	smul.u32 $0x5, s12;
	[sflag:s22] =	ssyncset.done $0x0  }
0xcf: {  	[sflag:s22] =	ssyncadd.s32 $0xFFFFC000  }
0xd0: {  	s4 =	sld [smem:s3+$0x0];
	_ =	sdelay $0x2  }
0xd1: {  	p0 =	slt.s32 s4, $0x1  }
.Ltmp12:
0xd2: {  	_ = 	snop;
	(pc) =	sbr.rel @p0 .LBB2_17-.Ltmp12, $1  }
0xd3: {  	_ =	sdelay $0x3  }
0xd4: {  	s29 =	smul.u32 $0xFFFFFB00, s12;
	s15 =	smov.u32 s16  }
.LBB2_16:
0xd5: {  	v9 =	vld [tilespmem:s15+$0x0];
	_ =	sdelay $0x4  }
0xd6: {  	(v2sf) =	vpush v9, $0x0;
	_ =	sdelay $0xe  }
0xd7: {  	s17 =	spop (v2sf)  }
0xd8: {  	s9 =	sshra.s32 s17, $0xE  }
0xd9: {  	s9 =	sadd.s32 s29, s9  }
0xda: {  	v9 =	vmov s9  }
0xdb: {  	v10 =	vshll.u32 v9, $0x3  }
0xdc: {  	v9 =	vand.u32 $0x7F, v9;
	v10 =	vand.u32 $0xFFFFFC00, v10  }
0xdd: {  	v9 =	vor.u32 v9, v10  }
0xde: {  	v10 =	vadd.s32 v5, v9;
	_ =	sdelay $0x4  }
0xdf: {  	v10 =	vld.idx.msk [tilespmem:v10+s24+$0x0], $0xffff  }
0xe0: {  	v11 =	vadd.s32 v6, v9;
	_ =	sdelay $0x1  }
0xe1: {  	s18 =	sshll.u32 s6, $0x9  }
0xe2: {  	s9 =	sshra.s32 s18, $0x2  }
0xe3: {  	[tilespmem:s9+$0x1E000] =	vst v10  }
0xe4: {  	v10 =	vld.idx.msk [tilespmem:v11+s24+$0x0], $0xffff  }
0xe5: {  	v11 =	vadd.s32 v7, v9;
	_ =	sdelay $0x3  }
0xe6: {  	[tilespmem:s9+$0x1E010] =	vst v10  }
0xe7: {  	v10 =	vld.idx.msk [tilespmem:v11+s24+$0x0], $0xffff  }
0xe8: {  	v9 =	vadd.s32 v8, v9;
	_ =	sdelay $0x3  }
0xe9: {  	[tilespmem:s9+$0x1E020] =	vst v10  }
0xea: {  	v9 =	vld.idx.msk [tilespmem:v9+s24+$0x0], $0xffff;
	_ =	sdelay $0x4  }
0xeb: {  	[tilespmem:s9+$0x1E030] =	vst v9  }
0xec: {  	v9 =	vld [tilespmem:$0x1E800];
	_ =	sdelay $0x2  }
0xed: {  	v10 =	vmov s6  }
0xee: {  	s18 =	sand.u32 $0x3FFF, s17;
	vm1 =	veq.s32 v10, v0  }
0xef: {  	v9 =	vsel vm1, s18, v9;
	_ =	sdelay $0x1  }
0xf0: {  	p0 =	sne.s32 s6, $0xF;
	p5 =	seq.s32 s6, $0xF  }
0xf1: {  	s4 =	sadd.s32 $0xFFFFFFFF, s4;
	s17 =	simm.s32 @!p0 $0x1E000;
	s6 =	sadd.s32 $0x1, s6  }
0xf2: {  	s6 =	simm.s32 @p5 $0x0;
	p5 =	sne.s32 s4, $0x0;
	s9 =	simm.s32 @!p0 $0x0;
	vm1 =	vmmov @!p0 $0xffff;
	[tilespmem:$0x1E800] =	vst v9  }
0xf3: {  	[hbm4b:s10+s9] =	stream.indirect_vreg.scatter @!p0 [tilespmem:s17], [sflag:$0x7], $0x80, v9, vm1, $0xb8;
	[tilespmem:$0x1E880] =	vst v63  }
.Ltmp13:
0xf4: {  	s9 =	simm.s32 @!p0 $0x7;
	(pc) =	sbr.rel @p5 .LBB2_16-.Ltmp13, $4  }
0xf5: {  	_ =	swait.ge @!p0 [sflag:s9], $0x800  }
0xf6: {  	[sflag:s9] =	ssyncset.done @!p0 $0x0  }
0xf7: {  	[sflag:s9] =	ssyncadd.s32 @!p0 $0xFFFFF800  }
0xf8: {  	s15 =	sadd.s32 $0x1, s15;
	[tilespmem:$0x1E800] =	vst @!p0 v1;
	[smem:$0x80] =	sst s6  }
.LBB2_17:
0xf9: {  	s4 =	rddreg [dreg:$0x5]  }
0xfa: {  	s29 =	sadd.s32 s4, s3  }
0xfb: {  	s4 =	sadd.s32 $0x5, s29  }
0xfc: {  	p0 =	sge.u32 s4, s2  }
0xfd: {  	s4 =	sshll.u32 @!p0 s4, $0x8  }
0xfe: {  	s9 =	simm.s32 @!p0 $0x800;
	s4 =	sand.u32 @!p0 $0x1FFFFF00, s4  }
0xff: {  	s15 =	simm.s32 @!p0 $0x7A1400;
	s17 =	simm.s32 @!p0 $0x4000;
	s4 =	sadd.s32 @!p0 s5, s4  }
0x100: {  	[tilespmem:s17], [sflag:$0x2] =	stream.strided.gather @!p0 [hbm4b:s4+s9], $0x4000, s15, s9, $0x38;
	[tilespmem:$0x1E880] =	vst v63  }
0x101: {  	_ =	swait.ge [sflag:s13], $0x4000  }
0x102: {  	[sflag:s13] =	ssyncset.done $0x0  }
0x103: {  	[sflag:s13] =	ssyncadd.s32 $0xFFFFC000  }
0x104: {  	s4 =	sld [smem:s3+$0x1];
	_ =	sdelay $0x2  }
0x105: {  	p0 =	slt.s32 s4, $0x1  }
.Ltmp14:
0x106: {  	_ = 	snop;
	(pc) =	sbr.rel @p0 .LBB2_20-.Ltmp14, $1  }
0x107: {  	_ =	sdelay $0x3  }
0x108: {  	s9 =	sadd.s32 $0x1, s3  }
0x109: {  	s17 =	smov.u32 s1;
	s15 =	sshll.u32 s9, $0x8  }
.LBB2_19:
0x10a: {  	v9 =	vld [tilespmem:s17+$0x0];
	_ =	sdelay $0x4  }
0x10b: {  	(v2sf) =	vpush v9, $0x0;
	_ =	sdelay $0xe  }
0x10c: {  	s9 =	spop (v2sf)  }
0x10d: {  	s18 =	sshra.s32 s9, $0xE  }
0x10e: {  	s18 =	ssub.s32 s18, s15  }
0x10f: {  	v9 =	vmov s18  }
0x110: {  	v10 =	vshll.u32 v9, $0x3  }
0x111: {  	v9 =	vand.u32 $0x7F, v9;
	v10 =	vand.u32 $0xFFFFFC00, v10  }
0x112: {  	v9 =	vor.u32 v9, v10  }
0x113: {  	v10 =	vadd.s32 v5, v9;
	_ =	sdelay $0x4  }
0x114: {  	v10 =	vld.idx.msk [tilespmem:v10+s14+$0x0], $0xffff  }
0x115: {  	v11 =	vadd.s32 v6, v9;
	_ =	sdelay $0x1  }
0x116: {  	s18 =	sshll.u32 s6, $0x9  }
0x117: {  	s18 =	sshra.s32 s18, $0x2  }
0x118: {  	[tilespmem:s18+$0x1E000] =	vst v10  }
0x119: {  	v10 =	vld.idx.msk [tilespmem:v11+s14+$0x0], $0xffff  }
0x11a: {  	v11 =	vadd.s32 v7, v9;
	_ =	sdelay $0x3  }
0x11b: {  	[tilespmem:s18+$0x1E010] =	vst v10  }
0x11c: {  	v10 =	vld.idx.msk [tilespmem:v11+s14+$0x0], $0xffff  }
0x11d: {  	v9 =	vadd.s32 v8, v9;
	_ =	sdelay $0x3  }
0x11e: {  	[tilespmem:s18+$0x1E020] =	vst v10  }
0x11f: {  	v9 =	vld.idx.msk [tilespmem:v9+s14+$0x0], $0xffff;
	_ =	sdelay $0x4  }
0x120: {  	[tilespmem:s18+$0x1E030] =	vst v9  }
0x121: {  	v9 =	vld [tilespmem:$0x1E800];
	_ =	sdelay $0x2  }
0x122: {  	v10 =	vmov s6  }
0x123: {  	s9 =	sand.u32 $0x3FFF, s9;
	vm1 =	veq.s32 v10, v0  }
0x124: {  	v9 =	vsel vm1, s9, v9;
	_ =	sdelay $0x1  }
0x125: {  	p0 =	sne.s32 s6, $0xF;
	p5 =	seq.s32 s6, $0xF;
	s6 =	sadd.s32 $0x1, s6  }
0x126: {  	s4 =	sadd.s32 $0xFFFFFFFF, s4;
	s6 =	simm.s32 @p5 $0x0  }
0x127: {  	p5 =	sne.s32 s4, $0x0;
	s18 =	simm.s32 @!p0 $0x1E000;
	vm1 =	vmmov @!p0 $0xffff;
	s9 =	simm.s32 @!p0 $0x0;
	[tilespmem:$0x1E800] =	vst v9  }
0x128: {  	[hbm4b:s10+s9] =	stream.indirect_vreg.scatter @!p0 [tilespmem:s18], [sflag:$0x7], $0x80, v9, vm1, $0xb8;
	[tilespmem:$0x1E880] =	vst v63  }
.Ltmp15:
0x129: {  	s9 =	simm.s32 @!p0 $0x7;
	(pc) =	sbr.rel @p5 .LBB2_19-.Ltmp15, $4  }
0x12a: {  	_ =	swait.ge @!p0 [sflag:s9], $0x800  }
0x12b: {  	[sflag:s9] =	ssyncset.done @!p0 $0x0  }
0x12c: {  	[sflag:s9] =	ssyncadd.s32 @!p0 $0xFFFFF800  }
0x12d: {  	s17 =	sadd.s32 $0x1, s17;
	[tilespmem:$0x1E800] =	vst @!p0 v1;
	[smem:$0x80] =	sst s6  }
.LBB2_20:
0x12e: {  	s4 =	sadd.s32 $0x6, s29  }
0x12f: {  	p0 =	sge.u32 s4, s2  }
0x130: {  	s4 =	sshll.u32 @!p0 s4, $0x8  }
0x131: {  	s9 =	simm.s32 @!p0 $0x800;
	s4 =	sand.u32 @!p0 $0x1FFFFF00, s4  }
0x132: {  	s15 =	simm.s32 @!p0 $0x7A1400;
	s17 =	simm.s32 @!p0 $0x8000;
	s4 =	sadd.s32 @!p0 s5, s4  }
0x133: {  	[tilespmem:s17], [sflag:$0x3] =	stream.strided.gather @!p0 [hbm4b:s4+s9], $0x4000, s15, s9, $0x38;
	[tilespmem:$0x1E880] =	vst v63  }
0x134: {  	_ =	swait.ge [sflag:s25], $0x4000  }
0x135: {  	[sflag:s25] =	ssyncset.done $0x0  }
0x136: {  	[sflag:s25] =	ssyncadd.s32 $0xFFFFC000  }
0x137: {  	s4 =	sld [smem:s3+$0x2];
	_ =	sdelay $0x2  }
0x138: {  	p0 =	slt.s32 s4, $0x1  }
.Ltmp16:
0x139: {  	_ = 	snop;
	(pc) =	sbr.rel @p0 .LBB2_23-.Ltmp16, $1  }
0x13a: {  	_ =	sdelay $0x3  }
0x13b: {  	s9 =	sadd.s32 $0x2, s3  }
0x13c: {  	s17 =	smov.u32 s21;
	s15 =	sshll.u32 s9, $0x8  }
.LBB2_22:
0x13d: {  	v9 =	vld [tilespmem:s17+$0x0];
	_ =	sdelay $0x4  }
0x13e: {  	(v2sf) =	vpush v9, $0x0;
	_ =	sdelay $0xe  }
0x13f: {  	s9 =	spop (v2sf)  }
0x140: {  	s18 =	sshra.s32 s9, $0xE  }
0x141: {  	s18 =	ssub.s32 s18, s15  }
0x142: {  	v9 =	vmov s18  }
0x143: {  	v10 =	vshll.u32 v9, $0x3  }
0x144: {  	v9 =	vand.u32 $0x7F, v9;
	v10 =	vand.u32 $0xFFFFFC00, v10  }
0x145: {  	v9 =	vor.u32 v9, v10  }
0x146: {  	v10 =	vadd.s32 v5, v9;
	_ =	sdelay $0x4  }
0x147: {  	v10 =	vld.idx.msk [tilespmem:v10+s26+$0x0], $0xffff  }
0x148: {  	v11 =	vadd.s32 v6, v9;
	_ =	sdelay $0x1  }
0x149: {  	s18 =	sshll.u32 s6, $0x9  }
0x14a: {  	s18 =	sshra.s32 s18, $0x2  }
0x14b: {  	[tilespmem:s18+$0x1E000] =	vst v10  }
0x14c: {  	v10 =	vld.idx.msk [tilespmem:v11+s26+$0x0], $0xffff  }
0x14d: {  	v11 =	vadd.s32 v7, v9;
	_ =	sdelay $0x3  }
0x14e: {  	[tilespmem:s18+$0x1E010] =	vst v10  }
0x14f: {  	v10 =	vld.idx.msk [tilespmem:v11+s26+$0x0], $0xffff  }
0x150: {  	v9 =	vadd.s32 v8, v9;
	_ =	sdelay $0x3  }
0x151: {  	[tilespmem:s18+$0x1E020] =	vst v10  }
0x152: {  	v9 =	vld.idx.msk [tilespmem:v9+s26+$0x0], $0xffff;
	_ =	sdelay $0x4  }
0x153: {  	[tilespmem:s18+$0x1E030] =	vst v9  }
0x154: {  	v9 =	vld [tilespmem:$0x1E800];
	_ =	sdelay $0x2  }
0x155: {  	v10 =	vmov s6  }
0x156: {  	s9 =	sand.u32 $0x3FFF, s9;
	vm1 =	veq.s32 v10, v0  }
0x157: {  	v9 =	vsel vm1, s9, v9;
	_ =	sdelay $0x1  }
0x158: {  	p0 =	sne.s32 s6, $0xF;
	p5 =	seq.s32 s6, $0xF;
	s6 =	sadd.s32 $0x1, s6  }
0x159: {  	s4 =	sadd.s32 $0xFFFFFFFF, s4;
	s6 =	simm.s32 @p5 $0x0  }
0x15a: {  	p5 =	sne.s32 s4, $0x0;
	s18 =	simm.s32 @!p0 $0x1E000;
	vm1 =	vmmov @!p0 $0xffff;
	s9 =	simm.s32 @!p0 $0x0;
	[tilespmem:$0x1E800] =	vst v9  }
0x15b: {  	[hbm4b:s10+s9] =	stream.indirect_vreg.scatter @!p0 [tilespmem:s18], [sflag:$0x7], $0x80, v9, vm1, $0xb8;
	[tilespmem:$0x1E880] =	vst v63  }
.Ltmp17:
0x15c: {  	s9 =	simm.s32 @!p0 $0x7;
	(pc) =	sbr.rel @p5 .LBB2_22-.Ltmp17, $4  }
0x15d: {  	_ =	swait.ge @!p0 [sflag:s9], $0x800  }
0x15e: {  	[sflag:s9] =	ssyncset.done @!p0 $0x0  }
0x15f: {  	[sflag:s9] =	ssyncadd.s32 @!p0 $0xFFFFF800  }
0x160: {  	s17 =	sadd.s32 $0x1, s17;
	[tilespmem:$0x1E800] =	vst @!p0 v1;
	[smem:$0x80] =	sst s6  }
.LBB2_23:
0x161: {  	s4 =	sadd.s32 $0x7, s29  }
0x162: {  	p0 =	sge.u32 s4, s2  }
0x163: {  	s4 =	sshll.u32 @!p0 s4, $0x8  }
0x164: {  	s9 =	simm.s32 @!p0 $0x800;
	s4 =	sand.u32 @!p0 $0x1FFFFF00, s4  }
0x165: {  	s15 =	simm.s32 @!p0 $0x7A1400;
	s17 =	simm.s32 @!p0 $0xC000;
	s4 =	sadd.s32 @!p0 s5, s4  }
0x166: {  	[tilespmem:s17], [sflag:$0x4] =	stream.strided.gather @!p0 [hbm4b:s4+s9], $0x4000, s15, s9, $0x38;
	[tilespmem:$0x1E880] =	vst v63  }
0x167: {  	_ =	swait.ge [sflag:s28], $0x4000  }
0x168: {  	[sflag:s28] =	ssyncset.done $0x0  }
0x169: {  	[sflag:s28] =	ssyncadd.s32 $0xFFFFC000  }
0x16a: {  	s4 =	sld [smem:s3+$0x3];
	_ =	sdelay $0x2  }
0x16b: {  	p0 =	slt.s32 s4, $0x1  }
.Ltmp18:
0x16c: {  	_ = 	snop;
	(pc) =	sbr.rel @p0 .LBB2_26-.Ltmp18, $1  }
0x16d: {  	_ =	sdelay $0x3  }
0x16e: {  	s9 =	sadd.s32 $0x3, s3  }
0x16f: {  	s17 =	smov.u32 s20;
	s15 =	sshll.u32 s9, $0x8  }
.LBB2_25:
0x170: {  	v9 =	vld [tilespmem:s17+$0x0];
	_ =	sdelay $0x4  }
0x171: {  	(v2sf) =	vpush v9, $0x0;
	_ =	sdelay $0xe  }
0x172: {  	s9 =	spop (v2sf)  }
0x173: {  	s18 =	sshra.s32 s9, $0xE  }
0x174: {  	s18 =	ssub.s32 s18, s15  }
0x175: {  	v9 =	vmov s18  }
0x176: {  	v10 =	vshll.u32 v9, $0x3  }
0x177: {  	v9 =	vand.u32 $0x7F, v9;
	v10 =	vand.u32 $0xFFFFFC00, v10  }
0x178: {  	v9 =	vor.u32 v9, v10  }
0x179: {  	v10 =	vadd.s32 v5, v9;
	_ =	sdelay $0x4  }
0x17a: {  	v10 =	vld.idx.msk [tilespmem:v10+s31+$0x0], $0xffff  }
0x17b: {  	v11 =	vadd.s32 v6, v9;
	_ =	sdelay $0x1  }
0x17c: {  	s18 =	sshll.u32 s6, $0x9  }
0x17d: {  	s18 =	sshra.s32 s18, $0x2  }
0x17e: {  	[tilespmem:s18+$0x1E000] =	vst v10  }
0x17f: {  	v10 =	vld.idx.msk [tilespmem:v11+s31+$0x0], $0xffff  }
0x180: {  	v11 =	vadd.s32 v7, v9;
	_ =	sdelay $0x3  }
0x181: {  	[tilespmem:s18+$0x1E010] =	vst v10  }
0x182: {  	v10 =	vld.idx.msk [tilespmem:v11+s31+$0x0], $0xffff  }
0x183: {  	v9 =	vadd.s32 v8, v9;
	_ =	sdelay $0x3  }
0x184: {  	[tilespmem:s18+$0x1E020] =	vst v10  }
0x185: {  	v9 =	vld.idx.msk [tilespmem:v9+s31+$0x0], $0xffff;
	_ =	sdelay $0x4  }
0x186: {  	[tilespmem:s18+$0x1E030] =	vst v9  }
0x187: {  	v9 =	vld [tilespmem:$0x1E800];
	_ =	sdelay $0x2  }
0x188: {  	v10 =	vmov s6  }
0x189: {  	s9 =	sand.u32 $0x3FFF, s9;
	vm1 =	veq.s32 v10, v0  }
0x18a: {  	v9 =	vsel vm1, s9, v9;
	_ =	sdelay $0x1  }
0x18b: {  	p0 =	sne.s32 s6, $0xF;
	p5 =	seq.s32 s6, $0xF;
	s6 =	sadd.s32 $0x1, s6  }
0x18c: {  	s4 =	sadd.s32 $0xFFFFFFFF, s4;
	s6 =	simm.s32 @p5 $0x0  }
0x18d: {  	p5 =	sne.s32 s4, $0x0;
	s18 =	simm.s32 @!p0 $0x1E000;
	vm1 =	vmmov @!p0 $0xffff;
	s9 =	simm.s32 @!p0 $0x0;
	[tilespmem:$0x1E800] =	vst v9  }
0x18e: {  	[hbm4b:s10+s9] =	stream.indirect_vreg.scatter @!p0 [tilespmem:s18], [sflag:$0x7], $0x80, v9, vm1, $0xb8;
	[tilespmem:$0x1E880] =	vst v63  }
.Ltmp19:
0x18f: {  	s9 =	simm.s32 @!p0 $0x7;
	(pc) =	sbr.rel @p5 .LBB2_25-.Ltmp19, $4  }
0x190: {  	_ =	swait.ge @!p0 [sflag:s9], $0x800  }
0x191: {  	[sflag:s9] =	ssyncset.done @!p0 $0x0  }
0x192: {  	[sflag:s9] =	ssyncadd.s32 @!p0 $0xFFFFF800  }
0x193: {  	s17 =	sadd.s32 $0x1, s17;
	[tilespmem:$0x1E800] =	vst @!p0 v1;
	[smem:$0x80] =	sst s6  }
.LBB2_26:
0x194: {  	s4 =	sadd.s32 $0x8, s29  }
0x195: {  	p0 =	sge.u32 s4, s2  }
0x196: {  	s4 =	sshll.u32 @!p0 s4, $0x8  }
0x197: {  	s9 =	simm.s32 @!p0 $0x800;
	s4 =	sand.u32 @!p0 $0x1FFFFF00, s4  }
0x198: {  	s15 =	simm.s32 @!p0 $0x7A1400;
	s17 =	simm.s32 @!p0 $0x10000;
	s4 =	sadd.s32 @!p0 s5, s4  }
0x199: {  	[tilespmem:s17], [sflag:$0x5] =	stream.strided.gather @!p0 [hbm4b:s4+s9], $0x4000, s15, s9, $0x38;
	[tilespmem:$0x1E880] =	vst v63  }
0x19a: {  	_ =	swait.ge [sflag:s7], $0x4000  }
0x19b: {  	[sflag:s7] =	ssyncset.done $0x0  }
0x19c: {  	[sflag:s7] =	ssyncadd.s32 $0xFFFFC000  }
0x19d: {  	s4 =	sld [smem:s3+$0x4];
	_ =	sdelay $0x2  }
0x19e: {  	p0 =	slt.s32 s4, $0x1  }
.Ltmp20:
0x19f: {  	_ = 	snop;
	(pc) =	sbr.rel @p0 .LBB2_29-.Ltmp20, $1  }
0x1a0: {  	_ =	sdelay $0x3  }
0x1a1: {  	s3 =	sadd.s32 $0x4, s3  }
0x1a2: {  	s15 =	smov.u32 s11;
	s3 =	sshll.u32 s3, $0x8  }
.LBB2_28:
0x1a3: {  	v9 =	vld [tilespmem:s15+$0x0];
	_ =	sdelay $0x4  }
0x1a4: {  	(v2sf) =	vpush v9, $0x0;
	_ =	sdelay $0xe  }
0x1a5: {  	s9 =	spop (v2sf)  }
0x1a6: {  	s17 =	sshra.s32 s9, $0xE  }
0x1a7: {  	s17 =	ssub.s32 s17, s3  }
0x1a8: {  	v9 =	vmov s17  }
0x1a9: {  	v10 =	vshll.u32 v9, $0x3  }
0x1aa: {  	v9 =	vand.u32 $0x7F, v9;
	v10 =	vand.u32 $0xFFFFFC00, v10  }
0x1ab: {  	v9 =	vor.u32 v9, v10  }
0x1ac: {  	v10 =	vadd.s32 v5, v9;
	_ =	sdelay $0x4  }
0x1ad: {  	v10 =	vld.idx.msk [tilespmem:v10+s0+$0x0], $0xffff  }
0x1ae: {  	v11 =	vadd.s32 v6, v9;
	_ =	sdelay $0x1  }
0x1af: {  	s18 =	sshll.u32 s6, $0x9  }
0x1b0: {  	s17 =	sshra.s32 s18, $0x2  }
0x1b1: {  	[tilespmem:s17+$0x1E000] =	vst v10  }
0x1b2: {  	v10 =	vld.idx.msk [tilespmem:v11+s0+$0x0], $0xffff  }
0x1b3: {  	v11 =	vadd.s32 v7, v9;
	_ =	sdelay $0x3  }
0x1b4: {  	[tilespmem:s17+$0x1E010] =	vst v10  }
0x1b5: {  	v10 =	vld.idx.msk [tilespmem:v11+s0+$0x0], $0xffff  }
0x1b6: {  	v9 =	vadd.s32 v8, v9;
	_ =	sdelay $0x3  }
0x1b7: {  	[tilespmem:s17+$0x1E020] =	vst v10  }
0x1b8: {  	v9 =	vld.idx.msk [tilespmem:v9+s0+$0x0], $0xffff;
	_ =	sdelay $0x4  }
0x1b9: {  	[tilespmem:s17+$0x1E030] =	vst v9  }
0x1ba: {  	v9 =	vld [tilespmem:$0x1E800];
	_ =	sdelay $0x2  }
0x1bb: {  	v10 =	vmov s6  }
0x1bc: {  	s9 =	sand.u32 $0x3FFF, s9;
	vm1 =	veq.s32 v10, v0  }
0x1bd: {  	v9 =	vsel vm1, s9, v9;
	_ =	sdelay $0x1  }
0x1be: {  	p0 =	sne.s32 s6, $0xF;
	p5 =	seq.s32 s6, $0xF;
	s6 =	sadd.s32 $0x1, s6  }
0x1bf: {  	s4 =	sadd.s32 $0xFFFFFFFF, s4;
	s6 =	simm.s32 @p5 $0x0  }
0x1c0: {  	p5 =	sne.s32 s4, $0x0;
	s17 =	simm.s32 @!p0 $0x1E000;
	vm1 =	vmmov @!p0 $0xffff;
	s9 =	simm.s32 @!p0 $0x0;
	[tilespmem:$0x1E800] =	vst v9  }
0x1c1: {  	[hbm4b:s10+s9] =	stream.indirect_vreg.scatter @!p0 [tilespmem:s17], [sflag:$0x7], $0x80, v9, vm1, $0xb8;
	[tilespmem:$0x1E880] =	vst v63  }
.Ltmp21:
0x1c2: {  	s9 =	simm.s32 @!p0 $0x7;
	(pc) =	sbr.rel @p5 .LBB2_28-.Ltmp21, $4  }
0x1c3: {  	_ =	swait.ge @!p0 [sflag:s9], $0x800  }
0x1c4: {  	[sflag:s9] =	ssyncset.done @!p0 $0x0  }
0x1c5: {  	[sflag:s9] =	ssyncadd.s32 @!p0 $0xFFFFF800  }
0x1c6: {  	s15 =	sadd.s32 $0x1, s15;
	[tilespmem:$0x1E800] =	vst @!p0 v1;
	[smem:$0x80] =	sst s6  }
.Ltmp22:
0x1c7: {  	_ = 	snop;
	(pc) =	sbr.rel .LBB2_29-.Ltmp22, $1  }
0x1c8: {  	_ =	sdelay $0x3  }
.LBB2_30:
0x1c9: {  	s1 =	simm.s32 @!p6 $0x2  }
0x1ca: {  	_ =	swait.ge @!p6 [sflag:s1], $0x4000  }
0x1cb: {  	[sflag:s1] =	ssyncset.done @!p6 $0x0  }
0x1cc: {  	[sflag:s1] =	ssyncadd.s32 @!p6 $0xFFFFC000;
	s1 =	rddreg [dreg:$0x7]  }
0x1cd: {  	s3 =	sld @!p6 [smem:s1+$0x0];
	_ =	sdelay $0x2  }
0x1ce: {  	p0 =	slt.s32 @!p6 s3, $0x1  }
0x1cf: {  	p0 =	por p6, p0  }
.Ltmp23:
0x1d0: {  	_ = 	snop;
	(pc) =	sbr.rel @p0 .LBB2_46-.Ltmp23, $1  }
0x1d1: {  	_ =	sdelay $0x3  }
0x1d2: {  	s4 =	rddreg [dreg:$0xd]  }
0x1d3: {  	s16 =	rddreg [dreg:$0xe]  }
0x1d4: {  	s17 =	rddreg [dreg:$0xf]  }
.LBB2_32:
0x1d5: {  	v9 =	vld [tilespmem:s4+$0x0];
	_ =	sdelay $0x4  }
0x1d6: {  	(v2sf) =	vpush v9, $0x0;
	_ =	sdelay $0xe  }
0x1d7: {  	s1 =	spop (v2sf)  }
0x1d8: {  	s9 =	sshra.s32 s1, $0xE  }
0x1d9: {  	s9 =	sadd.s32 s30, s9  }
0x1da: {  	v9 =	vmov s9  }
0x1db: {  	v10 =	vshll.u32 v9, $0x3  }
0x1dc: {  	v9 =	vand.u32 $0x7F, v9;
	v10 =	vand.u32 $0xFFFFFC00, v10  }
0x1dd: {  	v9 =	vor.u32 v9, v10  }
0x1de: {  	v10 =	vadd.s32 v5, v9;
	_ =	sdelay $0x4  }
0x1df: {  	v10 =	vld.idx.msk [tilespmem:v10+s24+$0x0], $0xffff  }
0x1e0: {  	v11 =	vadd.s32 v6, v9;
	_ =	sdelay $0x1  }
0x1e1: {  	s29 =	sshll.u32 s6, $0x9  }
0x1e2: {  	s9 =	sshra.s32 s29, $0x2  }
0x1e3: {  	[tilespmem:s9+$0x1E000] =	vst v10  }
0x1e4: {  	v10 =	vld.idx.msk [tilespmem:v11+s24+$0x0], $0xffff  }
0x1e5: {  	v11 =	vadd.s32 v7, v9;
	_ =	sdelay $0x3  }
0x1e6: {  	[tilespmem:s9+$0x1E010] =	vst v10  }
0x1e7: {  	v10 =	vld.idx.msk [tilespmem:v11+s24+$0x0], $0xffff  }
0x1e8: {  	v9 =	vadd.s32 v8, v9;
	_ =	sdelay $0x3  }
0x1e9: {  	[tilespmem:s9+$0x1E020] =	vst v10  }
0x1ea: {  	v9 =	vld.idx.msk [tilespmem:v9+s24+$0x0], $0xffff;
	_ =	sdelay $0x4  }
0x1eb: {  	[tilespmem:s9+$0x1E030] =	vst v9  }
0x1ec: {  	v9 =	vld [tilespmem:$0x1E800];
	_ =	sdelay $0x2  }
0x1ed: {  	v10 =	vmov s6  }
0x1ee: {  	s1 =	sand.u32 $0x3FFF, s1;
	vm1 =	veq.s32 v10, v0  }
0x1ef: {  	v9 =	vsel vm1, s1, v9;
	_ =	sdelay $0x1  }
0x1f0: {  	p0 =	sne.s32 s6, $0xF;
	p5 =	seq.s32 s6, $0xF;
	s6 =	sadd.s32 $0x1, s6  }
0x1f1: {  	s3 =	sadd.s32 $0xFFFFFFFF, s3;
	s6 =	simm.s32 @p5 $0x0  }
0x1f2: {  	p5 =	sne.s32 s3, $0x0;
	s9 =	simm.s32 @!p0 $0x1E000;
	vm1 =	vmmov @!p0 $0xffff;
	s1 =	simm.s32 @!p0 $0x0;
	[tilespmem:$0x1E800] =	vst v9  }
0x1f3: {  	[hbm4b:s10+s1] =	stream.indirect_vreg.scatter @!p0 [tilespmem:s9], [sflag:$0x7], $0x80, v9, vm1, $0xb8;
	[tilespmem:$0x1E880] =	vst v63  }
.Ltmp24:
0x1f4: {  	s1 =	simm.s32 @!p0 $0x7;
	(pc) =	sbr.rel @p5 .LBB2_32-.Ltmp24, $4  }
0x1f5: {  	_ =	swait.ge @!p0 [sflag:s1], $0x800  }
0x1f6: {  	[sflag:s1] =	ssyncset.done @!p0 $0x0  }
0x1f7: {  	[sflag:s1] =	ssyncadd.s32 @!p0 $0xFFFFF800  }
0x1f8: {  	s4 =	sadd.s32 $0x1, s4;
	[tilespmem:$0x1E800] =	vst @!p0 v1;
	[smem:$0x80] =	sst s6  }
.Ltmp25:
0x1f9: {  	_ = 	snop;
	(pc) =	sbr.rel .LBB2_33-.Ltmp25, $1  }
0x1fa: {  	_ =	sdelay $0x3  }
.LBB2_46:
0x1fb: {  	s16 =	rddreg [dreg:$0xe]  }
0x1fc: {  	s6 =	smov.u32 @p6 s6;
	s17 =	rddreg [dreg:$0xf]  }
.LBB2_33:
0x1fd: {  	s1 =	simm.s32 @!p1 $0x3  }
0x1fe: {  	_ =	swait.ge @!p1 [sflag:s1], $0x4000  }
0x1ff: {  	[sflag:s1] =	ssyncset.done @!p1 $0x0  }
0x200: {  	[sflag:s1] =	ssyncadd.s32 @!p1 $0xFFFFC000;
	s1 =	rddreg [dreg:$0xb]  }
0x201: {  	s3 =	sld @!p1 [smem:s1+$0x0];
	_ =	sdelay $0x2  }
0x202: {  	p0 =	slt.s32 @!p1 s3, $0x1  }
0x203: {  	p0 =	por p1, p0  }
.Ltmp26:
0x204: {  	_ = 	snop;
	(pc) =	sbr.rel @p0 .LBB2_47-.Ltmp26, $1  }
0x205: {  	_ =	sdelay $0x3  }
0x206: {  	s4 =	rddreg [dreg:$0x11]  }
.LBB2_35:
0x207: {  	v9 =	vld [tilespmem:s4+$0x0];
	_ =	sdelay $0x4  }
0x208: {  	(v2sf) =	vpush v9, $0x0;
	_ =	sdelay $0xe  }
0x209: {  	s1 =	spop (v2sf)  }
0x20a: {  	s9 =	sshra.s32 s1, $0xE  }
0x20b: {  	s9 =	ssub.s32 s9, s16  }
0x20c: {  	v9 =	vmov s9  }
0x20d: {  	v10 =	vshll.u32 v9, $0x3  }
0x20e: {  	v9 =	vand.u32 $0x7F, v9;
	v10 =	vand.u32 $0xFFFFFC00, v10  }
0x20f: {  	v9 =	vor.u32 v9, v10  }
0x210: {  	v10 =	vadd.s32 v5, v9;
	_ =	sdelay $0x4  }
0x211: {  	v10 =	vld.idx.msk [tilespmem:v10+s14+$0x0], $0xffff  }
0x212: {  	v11 =	vadd.s32 v6, v9;
	_ =	sdelay $0x1  }
0x213: {  	s29 =	sshll.u32 s6, $0x9  }
0x214: {  	s9 =	sshra.s32 s29, $0x2  }
0x215: {  	[tilespmem:s9+$0x1E000] =	vst v10  }
0x216: {  	v10 =	vld.idx.msk [tilespmem:v11+s14+$0x0], $0xffff  }
0x217: {  	v11 =	vadd.s32 v7, v9;
	_ =	sdelay $0x3  }
0x218: {  	[tilespmem:s9+$0x1E010] =	vst v10  }
0x219: {  	v10 =	vld.idx.msk [tilespmem:v11+s14+$0x0], $0xffff  }
0x21a: {  	v9 =	vadd.s32 v8, v9;
	_ =	sdelay $0x3  }
0x21b: {  	[tilespmem:s9+$0x1E020] =	vst v10  }
0x21c: {  	v9 =	vld.idx.msk [tilespmem:v9+s14+$0x0], $0xffff;
	_ =	sdelay $0x4  }
0x21d: {  	[tilespmem:s9+$0x1E030] =	vst v9  }
0x21e: {  	v9 =	vld [tilespmem:$0x1E800];
	_ =	sdelay $0x2  }
0x21f: {  	v10 =	vmov s6  }
0x220: {  	s1 =	sand.u32 $0x3FFF, s1;
	vm1 =	veq.s32 v10, v0  }
0x221: {  	v9 =	vsel vm1, s1, v9;
	_ =	sdelay $0x1  }
0x222: {  	p0 =	sne.s32 s6, $0xF;
	p5 =	seq.s32 s6, $0xF;
	s6 =	sadd.s32 $0x1, s6  }
0x223: {  	s3 =	sadd.s32 $0xFFFFFFFF, s3;
	s6 =	simm.s32 @p5 $0x0  }
0x224: {  	p5 =	sne.s32 s3, $0x0;
	s9 =	simm.s32 @!p0 $0x1E000;
	vm1 =	vmmov @!p0 $0xffff;
	s1 =	simm.s32 @!p0 $0x0;
	[tilespmem:$0x1E800] =	vst v9  }
0x225: {  	[hbm4b:s10+s1] =	stream.indirect_vreg.scatter @!p0 [tilespmem:s9], [sflag:$0x7], $0x80, v9, vm1, $0xb8;
	[tilespmem:$0x1E880] =	vst v63  }
.Ltmp27:
0x226: {  	s1 =	simm.s32 @!p0 $0x7;
	(pc) =	sbr.rel @p5 .LBB2_35-.Ltmp27, $4  }
0x227: {  	_ =	swait.ge @!p0 [sflag:s1], $0x800  }
0x228: {  	[sflag:s1] =	ssyncset.done @!p0 $0x0  }
0x229: {  	[sflag:s1] =	ssyncadd.s32 @!p0 $0xFFFFF800  }
0x22a: {  	s4 =	sadd.s32 $0x1, s4;
	[tilespmem:$0x1E800] =	vst @!p0 v1;
	[smem:$0x80] =	sst s6  }
.Ltmp28:
0x22b: {  	_ = 	snop;
	(pc) =	sbr.rel .LBB2_36-.Ltmp28, $1  }
0x22c: {  	_ =	sdelay $0x3  }
.LBB2_47:
0x22d: {  	s6 =	smov.u32 @p1 s6  }
.LBB2_36:
0x22e: {  	s1 =	simm.s32 @!p2 $0x4  }
0x22f: {  	_ =	swait.ge @!p2 [sflag:s1], $0x4000  }
0x230: {  	[sflag:s1] =	ssyncset.done @!p2 $0x0  }
0x231: {  	[sflag:s1] =	ssyncadd.s32 @!p2 $0xFFFFC000;
	s1 =	rddreg [dreg:$0xc]  }
0x232: {  	s3 =	sld @!p2 [smem:s1+$0x0];
	_ =	sdelay $0x2  }
0x233: {  	p0 =	slt.s32 @!p2 s3, $0x1  }
0x234: {  	p0 =	por p2, p0  }
.Ltmp29:
0x235: {  	_ = 	snop;
	(pc) =	sbr.rel @p0 .LBB2_48-.Ltmp29, $1  }
0x236: {  	_ =	sdelay $0x3  }
0x237: {  	s4 =	rddreg [dreg:$0x12]  }
.LBB2_38:
0x238: {  	v9 =	vld [tilespmem:s4+$0x0];
	_ =	sdelay $0x4  }
0x239: {  	(v2sf) =	vpush v9, $0x0;
	_ =	sdelay $0xe  }
0x23a: {  	s1 =	spop (v2sf)  }
0x23b: {  	s9 =	sshra.s32 s1, $0xE  }
0x23c: {  	s9 =	ssub.s32 s9, s17  }
0x23d: {  	v9 =	vmov s9  }
0x23e: {  	v10 =	vshll.u32 v9, $0x3  }
0x23f: {  	v9 =	vand.u32 $0x7F, v9;
	v10 =	vand.u32 $0xFFFFFC00, v10  }
0x240: {  	v9 =	vor.u32 v9, v10  }
0x241: {  	v10 =	vadd.s32 v5, v9;
	_ =	sdelay $0x4  }
0x242: {  	v10 =	vld.idx.msk [tilespmem:v10+s26+$0x0], $0xffff  }
0x243: {  	v11 =	vadd.s32 v6, v9;
	_ =	sdelay $0x1  }
0x244: {  	s29 =	sshll.u32 s6, $0x9  }
0x245: {  	s9 =	sshra.s32 s29, $0x2  }
0x246: {  	[tilespmem:s9+$0x1E000] =	vst v10  }
0x247: {  	v10 =	vld.idx.msk [tilespmem:v11+s26+$0x0], $0xffff  }
0x248: {  	v11 =	vadd.s32 v7, v9;
	_ =	sdelay $0x3  }
0x249: {  	[tilespmem:s9+$0x1E010] =	vst v10  }
0x24a: {  	v10 =	vld.idx.msk [tilespmem:v11+s26+$0x0], $0xffff  }
0x24b: {  	v9 =	vadd.s32 v8, v9;
	_ =	sdelay $0x3  }
0x24c: {  	[tilespmem:s9+$0x1E020] =	vst v10  }
0x24d: {  	v9 =	vld.idx.msk [tilespmem:v9+s26+$0x0], $0xffff;
	_ =	sdelay $0x4  }
0x24e: {  	[tilespmem:s9+$0x1E030] =	vst v9  }
0x24f: {  	v9 =	vld [tilespmem:$0x1E800];
	_ =	sdelay $0x2  }
0x250: {  	v10 =	vmov s6  }
0x251: {  	s1 =	sand.u32 $0x3FFF, s1;
	vm1 =	veq.s32 v10, v0  }
0x252: {  	v9 =	vsel vm1, s1, v9;
	_ =	sdelay $0x1  }
0x253: {  	p0 =	sne.s32 s6, $0xF;
	p5 =	seq.s32 s6, $0xF;
	s6 =	sadd.s32 $0x1, s6  }
0x254: {  	s3 =	sadd.s32 $0xFFFFFFFF, s3;
	s6 =	simm.s32 @p5 $0x0  }
0x255: {  	p5 =	sne.s32 s3, $0x0;
	s9 =	simm.s32 @!p0 $0x1E000;
	vm1 =	vmmov @!p0 $0xffff;
	s1 =	simm.s32 @!p0 $0x0;
	[tilespmem:$0x1E800] =	vst v9  }
0x256: {  	[hbm4b:s10+s1] =	stream.indirect_vreg.scatter @!p0 [tilespmem:s9], [sflag:$0x7], $0x80, v9, vm1, $0xb8;
	[tilespmem:$0x1E880] =	vst v63  }
.Ltmp30:
0x257: {  	s1 =	simm.s32 @!p0 $0x7;
	(pc) =	sbr.rel @p5 .LBB2_38-.Ltmp30, $4  }
0x258: {  	_ =	swait.ge @!p0 [sflag:s1], $0x800  }
0x259: {  	[sflag:s1] =	ssyncset.done @!p0 $0x0  }
0x25a: {  	[sflag:s1] =	ssyncadd.s32 @!p0 $0xFFFFF800  }
0x25b: {  	s4 =	sadd.s32 $0x1, s4;
	[tilespmem:$0x1E800] =	vst @!p0 v1;
	[smem:$0x80] =	sst s6  }
.Ltmp31:
0x25c: {  	_ = 	snop;
	(pc) =	sbr.rel .LBB2_39-.Ltmp31, $1  }
0x25d: {  	_ =	sdelay $0x3  }
.LBB2_48:
0x25e: {  	s6 =	smov.u32 @p2 s6  }
.LBB2_39:
0x25f: {  	s1 =	simm.s32 @!p3 $0x5  }
0x260: {  	_ =	swait.ge @!p3 [sflag:s1], $0x4000  }
0x261: {  	[sflag:s1] =	ssyncset.done @!p3 $0x0  }
0x262: {  	[sflag:s1] =	ssyncadd.s32 @!p3 $0xFFFFC000;
	s1 =	rddreg [dreg:$0x10]  }
0x263: {  	s3 =	sld @!p3 [smem:s1+$0x0];
	_ =	sdelay $0x2  }
0x264: {  	p0 =	slt.s32 @!p3 s3, $0x1  }
0x265: {  	p0 =	por p3, p0  }
.Ltmp32:
0x266: {  	_ = 	snop;
	(pc) =	sbr.rel @p0 .LBB2_49-.Ltmp32, $1  }
0x267: {  	_ =	sdelay $0x3  }
0x268: {  	s4 =	rddreg [dreg:$0x13]  }
.LBB2_41:
0x269: {  	v9 =	vld [tilespmem:s4+$0x0];
	_ =	sdelay $0x4  }
0x26a: {  	(v2sf) =	vpush v9, $0x0;
	_ =	sdelay $0xe  }
0x26b: {  	s1 =	spop (v2sf)  }
0x26c: {  	s9 =	sshra.s32 s1, $0xE  }
0x26d: {  	s9 =	ssub.s32 s9, s23  }
0x26e: {  	v9 =	vmov s9  }
0x26f: {  	v10 =	vshll.u32 v9, $0x3  }
0x270: {  	v9 =	vand.u32 $0x7F, v9;
	v10 =	vand.u32 $0xFFFFFC00, v10  }
0x271: {  	v9 =	vor.u32 v9, v10  }
0x272: {  	v10 =	vadd.s32 v5, v9;
	_ =	sdelay $0x4  }
0x273: {  	v10 =	vld.idx.msk [tilespmem:v10+s31+$0x0], $0xffff  }
0x274: {  	v11 =	vadd.s32 v6, v9;
	_ =	sdelay $0x1  }
0x275: {  	s29 =	sshll.u32 s6, $0x9  }
0x276: {  	s9 =	sshra.s32 s29, $0x2  }
0x277: {  	[tilespmem:s9+$0x1E000] =	vst v10  }
0x278: {  	v10 =	vld.idx.msk [tilespmem:v11+s31+$0x0], $0xffff  }
0x279: {  	v11 =	vadd.s32 v7, v9;
	_ =	sdelay $0x3  }
0x27a: {  	[tilespmem:s9+$0x1E010] =	vst v10  }
0x27b: {  	v10 =	vld.idx.msk [tilespmem:v11+s31+$0x0], $0xffff  }
0x27c: {  	v9 =	vadd.s32 v8, v9;
	_ =	sdelay $0x3  }
0x27d: {  	[tilespmem:s9+$0x1E020] =	vst v10  }
0x27e: {  	v9 =	vld.idx.msk [tilespmem:v9+s31+$0x0], $0xffff;
	_ =	sdelay $0x4  }
0x27f: {  	[tilespmem:s9+$0x1E030] =	vst v9  }
0x280: {  	v9 =	vld [tilespmem:$0x1E800];
	_ =	sdelay $0x2  }
0x281: {  	v10 =	vmov s6  }
0x282: {  	s1 =	sand.u32 $0x3FFF, s1;
	vm1 =	veq.s32 v10, v0  }
0x283: {  	v9 =	vsel vm1, s1, v9;
	_ =	sdelay $0x1  }
0x284: {  	p0 =	sne.s32 s6, $0xF;
	p5 =	seq.s32 s6, $0xF;
	s6 =	sadd.s32 $0x1, s6  }
0x285: {  	s3 =	sadd.s32 $0xFFFFFFFF, s3;
	s6 =	simm.s32 @p5 $0x0  }
0x286: {  	p5 =	sne.s32 s3, $0x0;
	s9 =	simm.s32 @!p0 $0x1E000;
	vm1 =	vmmov @!p0 $0xffff;
	s1 =	simm.s32 @!p0 $0x0;
	[tilespmem:$0x1E800] =	vst v9  }
0x287: {  	[hbm4b:s10+s1] =	stream.indirect_vreg.scatter @!p0 [tilespmem:s9], [sflag:$0x7], $0x80, v9, vm1, $0xb8;
	[tilespmem:$0x1E880] =	vst v63  }
.Ltmp33:
0x288: {  	s1 =	simm.s32 @!p0 $0x7;
	(pc) =	sbr.rel @p5 .LBB2_41-.Ltmp33, $4  }
0x289: {  	_ =	swait.ge @!p0 [sflag:s1], $0x800  }
0x28a: {  	[sflag:s1] =	ssyncset.done @!p0 $0x0  }
0x28b: {  	[sflag:s1] =	ssyncadd.s32 @!p0 $0xFFFFF800  }
0x28c: {  	s4 =	sadd.s32 $0x1, s4;
	[tilespmem:$0x1E800] =	vst @!p0 v1;
	[smem:$0x80] =	sst s6  }
.Ltmp34:
0x28d: {  	_ = 	snop;
	(pc) =	sbr.rel .LBB2_42-.Ltmp34, $1  }
0x28e: {  	_ =	sdelay $0x3  }
.LBB2_49:
0x28f: {  	s6 =	smov.u32 @p3 s6  }
.LBB2_42:
0x290: {  	s1 =	simm.s32 @!p4 $0x0;
	s3 =	simm.s32 @!p4 $0x4000;
	s4 =	rddreg [dreg:$0x2]  }
0x291: {  	[tilespmem:s3], [sflag:$0x7] =	stream.linear.gather @!p4 [hbm4b:s4+s1], $0x400, $0x38;
	[tilespmem:$0x1E880] =	vst v63  }
0x292: {  	s3 =	simm.s32 @!p4 $0x4800;
	s4 =	rddreg [dreg:$0x17]  }
0x293: {  	[tilespmem:s3], [sflag:$0x7] =	stream.linear.gather @!p4 [hbm4b:s4+s1], $0x400, $0x38;
	[tilespmem:$0x1E880] =	vst v63  }
0x294: {  	s3 =	simm.s32 @!p4 $0x5000;
	s4 =	rddreg [dreg:$0x18]  }
0x295: {  	[tilespmem:s3], [sflag:$0x7] =	stream.linear.gather @!p4 [hbm4b:s4+s1], $0x400, $0x38;
	[tilespmem:$0x1E880] =	vst v63  }
0x296: {  	s3 =	simm.s32 @!p4 $0x5800;
	s4 =	rddreg [dreg:$0x19]  }
0x297: {  	[tilespmem:s3], [sflag:$0x7] =	stream.linear.gather @!p4 [hbm4b:s4+s1], $0x400, $0x38;
	[tilespmem:$0x1E880] =	vst v63  }
0x298: {  	s3 =	simm.s32 @!p4 $0x6000;
	s4 =	rddreg [dreg:$0x1a]  }
0x299: {  	[tilespmem:s3], [sflag:$0x7] =	stream.linear.gather @!p4 [hbm4b:s4+s1], $0x400, $0x38;
	[tilespmem:$0x1E880] =	vst v63  }
0x29a: {  	s3 =	simm.s32 @!p4 $0x6800;
	s4 =	rddreg [dreg:$0x1b]  }
0x29b: {  	[tilespmem:s3], [sflag:$0x7] =	stream.linear.gather @!p4 [hbm4b:s4+s1], $0x400, $0x38;
	[tilespmem:$0x1E880] =	vst v63  }
0x29c: {  	s3 =	simm.s32 @!p4 $0x7000;
	s4 =	rddreg [dreg:$0x1c]  }
0x29d: {  	[tilespmem:s3], [sflag:$0x7] =	stream.linear.gather @!p4 [hbm4b:s4+s1], $0x400, $0x38;
	[tilespmem:$0x1E880] =	vst v63  }
0x29e: {  	s3 =	simm.s32 @!p4 $0x7800;
	s4 =	rddreg [dreg:$0x1d]  }
0x29f: {  	[tilespmem:s3], [sflag:$0x7] =	stream.linear.gather @!p4 [hbm4b:s4+s1], $0x400, $0x38;
	[tilespmem:$0x1E880] =	vst v63  }
0x2a0: {  	s1 =	simm.s32 @!p4 $0x7  }
0x2a1: {  	_ =	swait.ge @!p4 [sflag:s1], $0x2000  }
0x2a2: {  	[sflag:s1] =	ssyncset.done @!p4 $0x0  }
0x2a3: {  	[sflag:s1] =	ssyncadd.s32 @!p4 $0xFFFFE000;
	s1 =	rddreg [dreg:$0x6]  }
0x2a4: {  	s3 =	sld @!p4 [smem:s1+$0x0];
	_ =	sdelay $0x2  }
0x2a5: {  	p0 =	slt.s32 @!p4 s3, $0x1  }
0x2a6: {  	p0 =	por p4, p0  }
.Ltmp35:
0x2a7: {  	_ = 	snop;
	(pc) =	sbr.rel @p0 .LBB2_44-.Ltmp35, $2  }
0x2a8: {  	_ =	sdelay $0x2  }
0x2a9: {  	s4 =	simm.s32 @!p4 $0x1DF40  }
.LBB2_43:
0x2aa: {  	v9 =	vld [tilespmem:s4+$0x0];
	_ =	sdelay $0x4  }
0x2ab: {  	(v2sf) =	vpush v9, $0x0;
	_ =	sdelay $0xe  }
0x2ac: {  	s1 =	spop (v2sf)  }
0x2ad: {  	s9 =	sshra.s32 s1, $0xE  }
0x2ae: {  	s9 =	sadd.s32 $0xFFFF8500, s9  }
0x2af: {  	v9 =	vmov s9  }
0x2b0: {  	v10 =	vshll.u32 v9, $0x3  }
0x2b1: {  	v9 =	vand.u32 $0x7F, v9;
	v10 =	vand.u32 $0xFFFFFC00, v10  }
0x2b2: {  	v9 =	vor.u32 v9, v10  }
0x2b3: {  	v10 =	vadd.s32 v5, v9;
	_ =	sdelay $0x4  }
0x2b4: {  	v10 =	vld.idx.msk [tilespmem:v10+s24+$0x0], $0xffff  }
0x2b5: {  	v11 =	vadd.s32 v6, v9;
	_ =	sdelay $0x1  }
0x2b6: {  	s29 =	sshll.u32 s6, $0x9  }
0x2b7: {  	s9 =	sshra.s32 s29, $0x2  }
0x2b8: {  	[tilespmem:s9+$0x1E000] =	vst v10  }
0x2b9: {  	v10 =	vld.idx.msk [tilespmem:v11+s24+$0x0], $0xffff  }
0x2ba: {  	v11 =	vadd.s32 v7, v9;
	_ =	sdelay $0x3  }
0x2bb: {  	[tilespmem:s9+$0x1E010] =	vst v10  }
0x2bc: {  	v10 =	vld.idx.msk [tilespmem:v11+s24+$0x0], $0xffff  }
0x2bd: {  	v9 =	vadd.s32 v8, v9;
	_ =	sdelay $0x3  }
0x2be: {  	[tilespmem:s9+$0x1E020] =	vst v10  }
0x2bf: {  	v9 =	vld.idx.msk [tilespmem:v9+s24+$0x0], $0xffff;
	_ =	sdelay $0x4  }
0x2c0: {  	[tilespmem:s9+$0x1E030] =	vst v9  }
0x2c1: {  	v9 =	vld [tilespmem:$0x1E800];
	_ =	sdelay $0x2  }
0x2c2: {  	v10 =	vmov s6  }
0x2c3: {  	s1 =	sand.u32 $0x3FFF, s1;
	vm1 =	veq.s32 v10, v0  }
0x2c4: {  	v9 =	vsel vm1, s1, v9;
	_ =	sdelay $0x1  }
0x2c5: {  	p0 =	sne.s32 s6, $0xF;
	p5 =	seq.s32 s6, $0xF;
	s6 =	sadd.s32 $0x1, s6  }
0x2c6: {  	s3 =	sadd.s32 $0xFFFFFFFF, s3;
	s6 =	simm.s32 @p5 $0x0  }
0x2c7: {  	p5 =	sne.s32 s3, $0x0;
	s9 =	simm.s32 @!p0 $0x1E000;
	vm1 =	vmmov @!p0 $0xffff;
	s1 =	simm.s32 @!p0 $0x0;
	[tilespmem:$0x1E800] =	vst v9  }
0x2c8: {  	[hbm4b:s10+s1] =	stream.indirect_vreg.scatter @!p0 [tilespmem:s9], [sflag:$0x7], $0x80, v9, vm1, $0xb8;
	[tilespmem:$0x1E880] =	vst v63  }
.Ltmp36:
0x2c9: {  	s1 =	simm.s32 @!p0 $0x7;
	(pc) =	sbr.rel @p5 .LBB2_43-.Ltmp36, $4  }
0x2ca: {  	_ =	swait.ge @!p0 [sflag:s1], $0x800  }
0x2cb: {  	[sflag:s1] =	ssyncset.done @!p0 $0x0  }
0x2cc: {  	[sflag:s1] =	ssyncadd.s32 @!p0 $0xFFFFF800  }
0x2cd: {  	s4 =	sadd.s32 $0x1, s4;
	[tilespmem:$0x1E800] =	vst @!p0 v1;
	[smem:$0x80] =	sst s6  }
.Ltmp37:
0x2ce: {  	_ = 	snop;
	(pc) =	sbr.rel .LBB2_44-.Ltmp37, $1  }
0x2cf: {  	_ =	sdelay $0x3  }
.LBB2_3:
.Ltmp38:
0x2d0: {  	(pc) =	sbr.rel .LBB2_6-.Ltmp38, $2  }
0x2d1: {  	_ =	sdelay $0x2  }
0x2d2: {  	s3 =	simm.s32 $0x0;
	s11 =	simm.s32 $0x0;
	s1 =	simm.s32 $0x10  }
.LBB2_45:
0x2d3: {  	_ =	sfence.sel $0x180000  }
0x2d4: {  	[bflag:$0x0] =	sbarrier.arrive $0xFFFF  }
0x2d5: {  	_ =	strace $0x90000047  }
0x2d6: {  	s0 =	stileid.u32;
	[bflag:$0x2] =	sbarrier.arrive $0xFFFF  }
0x2d7: {  	p0 =	sne.s32 s0, $0x0;
	s0 =	rddreg [dreg:$0x4]  }
0x2d8: {  	s0 =	sadd.s32 @!p0 $0x100000, s0  }
0x2d9: {  	[sflag:s0] =	ssyncadd.tile.s32 @!p0 $0x1;
	_ =	shalt  }
.Lfunc_end2:
_tile_overlayer_lowered:
.L_overlay_start_2:
0x2da: {  	(tag) =	ssettag $0x2  }
0x2db: {  	s0 =	rddreg [dreg:$0x0];
	s2 =	stileid.u32  }
0x2dc: {  	s1 =	rddreg [dreg:$0x1];
	p0 =	sne.s32 s2, $0x0  }
0x2dd: {  	s3 =	rddreg [dreg:$0x2];
	[bflag:$0x3] =	sbarrier.arrive $0xFFFF;
	s2 =	simm.s32 @!p0 $0x1C07  }
0x2de: {  	[timem:s3], [sflag:s2] =	dma.local @!p0 [hbm:s0], s1  }
0x2df: {  	s0 =	simm.s32 @!p0 $0x7  }
0x2e0: {  	_ =	swait.ge @!p0 [sflag:s0], s1  }
0x2e1: {  	s1 =	ssub.s32 @!p0 $0x0, s1;
	[sflag:s0] =	ssyncset.done @!p0 $0x0  }
0x2e2: {  	[sflag:s0] =	ssyncadd.s32 @!p0 s1  }
0x2e3: {  	[bflag:$0x3] =	sbarrier.arrive $0xFFFF  }
0x2e4: {  	_ =	shalt  }

</sc_bundles>
